<compile_context>
chip_gen: v7x
topology: tpu7x:2x2x1
jax: 0.10.2.dev20260603
libtpu: 0.0.44.dev20260713+nightly
codegen_flags: <defaults>
</compile_context>

<pallas_src>
import functools

import jax
import jax.numpy as jnp
import numpy as np
from jax import lax
from jax.experimental import pallas as pl
from jax.experimental.pallas import tpu as pltpu
from jax.experimental.pallas import tpu_sc as plsc

N = 10000
E = 320000
D = 128
DE = 16
NG = 64
NC = 10

AR = 10240
RPT = AR // 16
EPW = E // 32
CH = 40
NCHUNK = EPW // CH
NPAIR = NCHUNK // 2
NQUAD = (NPAIR - 1) // 2

_BN = 2000
_BE = 8000

def _leaky(v):
    return jnp.where(v >= 0, v, 0.01 * v)


def _edge_agg_body(h_hbm, ea_hbm, src_hbm, dst_hbm, out_hbm,
                   isrc0, isrc1, idst0, idst1, rows0, rows1, msg0, msg1,
                   stage_v, acc_sh, sg0, sg1, se0, se1, si0, si1):
    c = lax.axis_index("c")
    s = lax.axis_index("s")
    w = c * 16 + s
    base = s * RPT
    zero16 = jnp.zeros((16,), jnp.float32)

    def zrow(r, carry):
        for k in range(D // 16):
            stage_v[r, pl.ds(k * 16, 16)] = zero16
        return carry

    lax.fori_loop(0, 16, zrow, 0)

    def zacc(q, carry):
        pltpu.sync_copy(stage_v, acc_sh.at[pl.ds(base + q * 16, 16)])
        return carry

    lax.fori_loop(0, RPT // 16, zacc, 0)
    plsc.subcore_barrier()

    ibufs = ((isrc0, idst0, si0), (isrc1, idst1, si1))
    bufs = ((rows0, msg0, sg0, se0), (rows1, msg1, sg1, se1))

    def istart(p, ib):
        isrc, idst, si = ibufs[ib]
        pltpu.async_copy(src_hbm.at[w, p], isrc, si)
        pltpu.async_copy(dst_hbm.at[w, p], idst, si)

    def iwait(p, ib):
        isrc, idst, si = ibufs[ib]
        pltpu.make_async_copy(src_hbm.at[w, p], isrc, si).wait()
        pltpu.make_async_copy(dst_hbm.at[w, p], idst, si).wait()

    def eoff(j):
        return w * EPW + j * CH

    def start(j, b, ib, half):
        rows, msg, sg, se = bufs[b]
        isrc = ibufs[ib][0]
        pltpu.async_copy(h_hbm.at[isrc.at[half]], rows, sg)
        pltpu.async_copy(ea_hbm.at[pl.ds(eoff(j), CH)], msg, se)

    def finish(j, b, ib, half):
        rows, msg, sg, se = bufs[b]
        isrc, idst, si = ibufs[ib]
        pltpu.make_async_copy(h_hbm.at[isrc.at[half]], rows, sg).wait()
        pltpu.make_async_copy(ea_hbm.at[pl.ds(eoff(j), CH)], msg, se).wait()

        def row(r, rc):
            for k in range(D // 16):
                sl = pl.ds(k * 16, 16)
                msg[r, sl] = jnp.maximum(rows[r, sl] + msg[r, sl], 0.0)
            return rc

        lax.fori_loop(0, CH, row, 0)
        pltpu.sync_copy(msg, acc_sh.at[idst.at[half]], add=True)

    istart(0, 0)
    iwait(0, 0)
    start(0, 0, 0, 0)

    def quad(t, carry):
        j = 4 * t
        istart(2 * t + 1, 1)
        start(j + 1, 1, 0, 1)
        finish(j, 0, 0, 0)
        iwait(2 * t + 1, 1)
        start(j + 2, 0, 1, 0)
        finish(j + 1, 1, 0, 1)
        istart(2 * t + 2, 0)
        start(j + 3, 1, 1, 1)
        finish(j + 2, 0, 1, 0)
        iwait(2 * t + 2, 0)
        start(j + 4, 0, 0, 0)
        finish(j + 3, 1, 1, 1)
        return carry

    lax.fori_loop(0, NQUAD, quad, 0)

    start(NCHUNK - 1, 1, 0, 1)
    finish(NCHUNK - 2, 0, 0, 0)
    finish(NCHUNK - 1, 1, 0, 1)

    plsc.subcore_barrier()

    ob = c * AR + base

    def outq(q, carry):
        pltpu.sync_copy(acc_sh.at[pl.ds(base + q * 16, 16)], stage_v)
        pltpu.sync_copy(stage_v, out_hbm.at[pl.ds(ob + q * 16, 16)])
        return carry

    lax.fori_loop(0, RPT // 16, outq, 0)


@functools.cache
def _edge_agg_kernel():
    mesh = plsc.VectorSubcoreMesh(core_axis_name="c", subcore_axis_name="s",
                                  num_cores=2, num_subcores=16)
    return pl.kernel(
        _edge_agg_body,
        out_type=jax.ShapeDtypeStruct((2 * AR, D), jnp.float32),
        mesh=mesh,
        scratch_types=[
            pltpu.VMEM((2, CH), jnp.int32),
            pltpu.VMEM((2, CH), jnp.int32),
            pltpu.VMEM((2, CH), jnp.int32),
            pltpu.VMEM((2, CH), jnp.int32),
            pltpu.VMEM((CH, D), jnp.float32),
            pltpu.VMEM((CH, D), jnp.float32),
            pltpu.VMEM((CH, D), jnp.float32),
            pltpu.VMEM((CH, D), jnp.float32),
            pltpu.VMEM((16, D), jnp.float32),
            pltpu.VMEM_SHARED((AR, D), jnp.float32),
            pltpu.SemaphoreType.DMA,
            pltpu.SemaphoreType.DMA,
            pltpu.SemaphoreType.DMA,
            pltpu.SemaphoreType.DMA,
            pltpu.SemaphoreType.DMA,
            pltpu.SemaphoreType.DMA,
        ],
    )


def _edge_agg(h, ea, src4, dst4):
    return _edge_agg_kernel()(h, ea, src4, dst4)


def _mm_bias_body(a_ref, w_ref, b_ref, o_ref):
    o_ref[...] = (jnp.dot(a_ref[...], w_ref[...],
                          preferred_element_type=jnp.float32) + b_ref[...])


def _ea_call(ea, wet, be):
    return pl.pallas_call(
        _mm_bias_body,
        grid=(E // _BE,),
        in_specs=[pl.BlockSpec((_BE, DE), lambda i: (i, 0)),
                  pl.BlockSpec((DE, D), lambda i: (0, 0)),
                  pl.BlockSpec((1, D), lambda i: (0, 0))],
        out_specs=pl.BlockSpec((_BE, D), lambda i: (i, 0)),
        out_shape=jax.ShapeDtypeStruct((E, D), jnp.float32),
    )(ea, wet, be)


def _d1_body(h_ref, a0_ref, a1_ref, eps_ref, w_ref, b_ref,
             y_ref, s_ref, q_ref, accs, accq):
    i = pl.program_id(0)
    z = h_ref[...] * eps_ref[...] + a0_ref[...] + a1_ref[...]
    y = jnp.dot(z, w_ref[...], preferred_element_type=jnp.float32) + b_ref[...]
    y_ref[...] = y

    @pl.when(i == 0)
    def _():
        accs[...] = jnp.zeros_like(accs)
        accq[...] = jnp.zeros_like(accq)

    accs[...] += jnp.sum(y, axis=0, keepdims=True)
    accq[...] += jnp.sum(y * y, axis=0, keepdims=True)
    s_ref[...] = accs[...]
    q_ref[...] = accq[...]


def _d1_call(h, a0, a1, epsv, w1t, b1):
    return pl.pallas_call(
        _d1_body,
        grid=(N // _BN,),
        in_specs=[pl.BlockSpec((_BN, D), lambda i: (i, 0)),
                  pl.BlockSpec((_BN, D), lambda i: (i, 0)),
                  pl.BlockSpec((_BN, D), lambda i: (i, 0)),
                  pl.BlockSpec((1, D), lambda i: (0, 0)),
                  pl.BlockSpec((D, D), lambda i: (0, 0)),
                  pl.BlockSpec((1, D), lambda i: (0, 0))],
        out_specs=[pl.BlockSpec((_BN, D), lambda i: (i, 0)),
                   pl.BlockSpec((1, D), lambda i: (0, 0)),
                   pl.BlockSpec((1, D), lambda i: (0, 0))],
        out_shape=[jax.ShapeDtypeStruct((N, D), jnp.float32),
                   jax.ShapeDtypeStruct((1, D), jnp.float32),
                   jax.ShapeDtypeStruct((1, D), jnp.float32)],
        scratch_shapes=[pltpu.VMEM((1, D), jnp.float32),
                        pltpu.VMEM((1, D), jnp.float32)],
    )(h, a0, a1, epsv, w1t, b1)


def _d2_body(y1_ref, a_ref, c_ref, w_ref, b_ref, y_ref, s_ref, q_ref,
             accs, accq):
    i = pl.program_id(0)
    t = _leaky(y1_ref[...] * a_ref[...] + c_ref[...])
    y = jnp.dot(t, w_ref[...], preferred_element_type=jnp.float32) + b_ref[...]
    y_ref[...] = y

    @pl.when(i == 0)
    def _():
        accs[...] = jnp.zeros_like(accs)
        accq[...] = jnp.zeros_like(accq)

    accs[...] += jnp.sum(y, axis=0, keepdims=True)
    accq[...] += jnp.sum(y * y, axis=0, keepdims=True)
    s_ref[...] = accs[...]
    q_ref[...] = accq[...]


def _d2_call(y1, av, cv, w2t, b2):
    return pl.pallas_call(
        _d2_body,
        grid=(N // _BN,),
        in_specs=[pl.BlockSpec((_BN, D), lambda i: (i, 0)),
                  pl.BlockSpec((1, D), lambda i: (0, 0)),
                  pl.BlockSpec((1, D), lambda i: (0, 0)),
                  pl.BlockSpec((D, D), lambda i: (0, 0)),
                  pl.BlockSpec((1, D), lambda i: (0, 0))],
        out_specs=[pl.BlockSpec((_BN, D), lambda i: (i, 0)),
                   pl.BlockSpec((1, D), lambda i: (0, 0)),
                   pl.BlockSpec((1, D), lambda i: (0, 0))],
        out_shape=[jax.ShapeDtypeStruct((N, D), jnp.float32),
                   jax.ShapeDtypeStruct((1, D), jnp.float32),
                   jax.ShapeDtypeStruct((1, D), jnp.float32)],
        scratch_shapes=[pltpu.VMEM((1, D), jnp.float32),
                        pltpu.VMEM((1, D), jnp.float32)],
    )(y1, av, cv, w2t, b2)


def _d3_body(y_ref, a_ref, c_ref, o_ref):
    o_ref[...] = _leaky(y_ref[...] * a_ref[...] + c_ref[...])


def _d3_call(y, av, cv):
    return pl.pallas_call(
        _d3_body,
        grid=(N // _BN,),
        in_specs=[pl.BlockSpec((_BN, D), lambda i: (i, 0)),
                  pl.BlockSpec((1, D), lambda i: (0, 0)),
                  pl.BlockSpec((1, D), lambda i: (0, 0))],
        out_specs=pl.BlockSpec((_BN, D), lambda i: (i, 0)),
        out_shape=jax.ShapeDtypeStruct((N, D), jnp.float32),
    )(y, av, cv)


def _pool_body(bbt_ref, h_ref, pool_ref):
    iot = lax.broadcasted_iota(jnp.int32, (NG, N), 0)
    oht = jnp.where(bbt_ref[...] == iot, 1.0, 0.0)
    pool_ref[...] = jnp.dot(oht, h_ref[...], preferred_element_type=jnp.float32)


def _pool_call(bbt, h):
    return pl.pallas_call(
        _pool_body,
        grid=(1,),
        in_specs=[pl.BlockSpec((NG, N), lambda i: (0, 0)),
                  pl.BlockSpec((N, D), lambda i: (0, 0))],
        out_specs=pl.BlockSpec((NG, D), lambda i: (0, 0)),
        out_shape=jax.ShapeDtypeStruct((NG, D), jnp.float32),
    )(bbt, h)


def _pp_call(pool, wm0rt, bm0):
    return pl.pallas_call(
        _mm_bias_body,
        grid=(1,),
        in_specs=[pl.BlockSpec((NG, D), lambda i: (0, 0)),
                  pl.BlockSpec((D, D), lambda i: (0, 0)),
                  pl.BlockSpec((1, D), lambda i: (0, 0))],
        out_specs=pl.BlockSpec((NG, D), lambda i: (0, 0)),
        out_shape=jax.ShapeDtypeStruct((NG, D), jnp.float32),
    )(pool, wm0rt, bm0)


def _head_body(h_ref, bb_ref, pp_ref, w0l_ref, w1_ref, wf_ref,
               bm1_ref, bf_ref, o_ref):
    iot = lax.broadcasted_iota(jnp.int32, (_BN, NG), 1)
    oh = jnp.where(bb_ref[...] == iot, 1.0, 0.0)
    r = (jnp.dot(h_ref[...], w0l_ref[...], preferred_element_type=jnp.float32)
         + jnp.dot(oh, pp_ref[...], preferred_element_type=jnp.float32))
    t = _leaky(r)
    u = _leaky(jnp.dot(t, w1_ref[...], preferred_element_type=jnp.float32)
               + bm1_ref[...])
    o_ref[...] = (jnp.dot(u, wf_ref[...], preferred_element_type=jnp.float32)
                  + bf_ref[...])


def _head_call(h, bb, pp, w0lt, wm1t, wft, bm1, bf):
    return pl.pallas_call(
        _head_body,
        grid=(N // _BN,),
        in_specs=[pl.BlockSpec((_BN, D), lambda i: (i, 0)),
                  pl.BlockSpec((_BN, NG), lambda i: (i, 0)),
                  pl.BlockSpec((NG, D), lambda i: (0, 0)),
                  pl.BlockSpec((D, D), lambda i: (0, 0)),
                  pl.BlockSpec((D, D), lambda i: (0, 0)),
                  pl.BlockSpec((D, D), lambda i: (0, 0)),
                  pl.BlockSpec((1, D), lambda i: (0, 0)),
                  pl.BlockSpec((1, D), lambda i: (0, 0))],
        out_specs=pl.BlockSpec((_BN, D), lambda i: (i, 0)),
        out_shape=jax.ShapeDtypeStruct((N, D), jnp.float32),
    )(h, bb, pp, w0lt, wm1t, wft, bm1, bf)


def _bn_consts(s, q, g, b):
    m = s / N
    v = q / N - m * m
    inv = g[None, :] / jnp.sqrt(v + 1e-5)
    return inv, b[None, :] - m * inv


def kernel(x, edge_index, edge_attr, batch, params):
    src4 = edge_index[0].reshape(32, NPAIR, 2, CH)
    dst4 = edge_index[1].reshape(32, NPAIR, 2, CH)
    bb = jnp.broadcast_to(batch[:, None], (N, NG))
    bbt = jnp.broadcast_to(batch[None, :], (NG, N))

    h = x
    for l in range(2):
        p = params['conv%d' % l]
        ea = _ea_call(edge_attr, p['We'].T, p['be'][None])
        parts = _edge_agg(h, ea, src4, dst4)
        epsv = jnp.full((1, D), 1.0 + p['eps'], jnp.float32)
        y1, s1, q1 = _d1_call(h, parts[:N], parts[AR:AR + N], epsv,
                              p['W1'].T, p['b1'][None])
        av1, cv1 = _bn_consts(s1, q1, p['gamma1'], p['beta1'])
        y2, s2, q2 = _d2_call(y1, av1, cv1, p['W2'].T, p['b2'][None])
        av2, cv2 = _bn_consts(s2, q2, params['bn%d_g' % l],
                              params['bn%d_b' % l])
        h = _d3_call(y2, av2, cv2)

    pool = _pool_call(bbt, h)
    pp = _pp_call(pool, params['Wm0'][:, D:].T, params['bm0'][None])
    wft = jnp.zeros((D, D), jnp.float32).at[:, :NC].set(params['Wf'].T)
    bf = jnp.zeros((1, D), jnp.float32).at[0, :NC].set(params['bf'])
    out = _head_call(h, bb, pp, params['Wm0'][:, :D].T, params['Wm1'].T,
                     wft, params['bm1'][None], bf)
    return out[:, :NC]

# --- scband reference (transcript-rebuilt; emitter-appended) ---
"""Pipeline reference for scband-m11-81071802679817 (READ-ONLY COPY).

The authoritative reference and input builder live on the scoring server;
editing this copy changes nothing except your own understanding.
"""

import jax, jax.numpy as jnp
import numpy as np

N = 10000
E = 320000
D = 128
DE = 16
NG = 64
NC = 10
NUM_LAYERS = 2


def _leaky(x):
    return jnp.where(x >= 0, x, 0.01 * x)


def _bn(x, g, b):
    m = jnp.mean(x, axis=0)
    v = jnp.var(x, axis=0)
    return (x - m) / jnp.sqrt(v + 1e-5) * g + b


def setup_inputs(seed: int = 0):
    key = jax.random.key(seed)
    ks = jax.random.split(key, 40)
    x = jax.random.normal(ks[0], (N, D), dtype=jnp.float32)
    edge_index = jax.random.randint(ks[1], (2, E), 0, N, dtype=jnp.int32)
    edge_attr = jax.random.normal(ks[2], (E, DE), dtype=jnp.float32)
    batch = jnp.sort(jax.random.randint(ks[3], (N,), 0, NG, dtype=jnp.int32))

    def lin(k, o, i):
        return jax.random.normal(k, (o, i), dtype=jnp.float32) * 0.05

    params = {}
    ki = 4
    for l in range(NUM_LAYERS):
        params['conv%d' % l] = {
            'We': lin(ks[ki + 0], D, DE),
            'be': jnp.zeros((D,), jnp.float32),
            'eps': jnp.zeros((), jnp.float32),
            'W1': lin(ks[ki + 1], D, D),
            'b1': jnp.zeros((D,), jnp.float32),
            'gamma1': jnp.ones((D,), jnp.float32),
            'beta1': jnp.zeros((D,), jnp.float32),
            'W2': lin(ks[ki + 2], D, D),
            'b2': jnp.zeros((D,), jnp.float32),
        }
        params['bn%d_g' % l] = jnp.ones((D,), jnp.float32)
        params['bn%d_b' % l] = jnp.zeros((D,), jnp.float32)
        ki += 3
    params['Wm0'] = lin(ks[ki + 0], 128, 2 * D)
    params['bm0'] = jnp.zeros((128,), jnp.float32)
    params['Wm1'] = lin(ks[ki + 1], 128, 128)
    params['bm1'] = jnp.zeros((128,), jnp.float32)
    params['Wf'] = lin(ks[ki + 2], NC, 128)
    params['bf'] = jnp.zeros((NC,), jnp.float32)
    return {'x': x, 'edge_index': edge_index, 'edge_attr': edge_attr, 'batch': batch, 'params': params}


def _forward(x, edge_attr, params, edge_index, batch):
    src = edge_index[0]
    dst = edge_index[1]
    h = x
    for l in range(NUM_LAYERS):
        p = params['conv%d' % l]
        ea = edge_attr @ p['We'].T + p['be']
        msg = jax.nn.relu(h[src] + ea)
        agg = jax.ops.segment_sum(msg, dst, num_segments=N)
        h2 = (1.0 + p['eps']) * h + agg
        h2 = h2 @ p['W1'].T + p['b1']
        h2 = _bn(h2, p['gamma1'], p['beta1'])
        h2 = _leaky(h2)
        h2 = h2 @ p['W2'].T + p['b2']
        h = _bn(h2, params['bn%d_g' % l], params['bn%d_b' % l])
        h = _leaky(h)
    pool = jax.ops.segment_sum(h, batch, num_segments=NG)
    counts = jnp.bincount(batch, length=NG)
    pool_expanded = jnp.repeat(pool, counts, axis=0, total_repeat_length=N)
    h = jnp.concatenate([h, pool_expanded], axis=1)
    for i in range(2):
        h = h @ params['Wm%d' % i].T + params['bm%d' % i]
        h = _leaky(h)
    return h @ params['Wf'].T + params['bf']


def reference(x, edge_index, edge_attr, batch, params):
    return _forward(x, edge_attr, params, edge_index, batch)

if __name__ == "__main__":
    import jax
    _d = setup_inputs()
    print(jax.jit(kernel)(*tuple(_d.values())))

</pallas_src>

<mosaic_0001>
#map = affine_map<(d0, d1) -> (0, 0)>
#map1 = affine_map<(d0, d1) -> (0, 0, 0, 0)>
module attributes {stable_mosaic.version = 14 : i64} {
  func.func @_edge_agg_body(%arg0: i32, %arg1: i32, %arg2: memref<10000x128xf32, #tpu.memory_space<hbm>>, %arg3: memref<320000x128xf32, #tpu.memory_space<hbm>>, %arg4: memref<32x125x2x40xi32, #tpu.memory_space<hbm>>, %arg5: memref<32x125x2x40xi32, #tpu.memory_space<hbm>>, %arg6: memref<20480x128xf32, #tpu.memory_space<hbm>>, %arg7: memref<2x40xi32, #tpu.memory_space<vmem>>, %arg8: memref<2x40xi32, #tpu.memory_space<vmem>>, %arg9: memref<2x40xi32, #tpu.memory_space<vmem>>, %arg10: memref<2x40xi32, #tpu.memory_space<vmem>>, %arg11: memref<40x128xf32, #tpu.memory_space<vmem>>, %arg12: memref<40x128xf32, #tpu.memory_space<vmem>>, %arg13: memref<40x128xf32, #tpu.memory_space<vmem>>, %arg14: memref<40x128xf32, #tpu.memory_space<vmem>>, %arg15: memref<16x128xf32, #tpu.memory_space<vmem>>, %arg16: memref<10240x128xf32, #tpu.memory_space<vmem_shared>>, %arg17: memref<!tpu.dma_semaphore, #tpu.memory_space<semaphore_mem>>, %arg18: memref<!tpu.dma_semaphore, #tpu.memory_space<semaphore_mem>>, %arg19: memref<!tpu.dma_semaphore, #tpu.memory_space<semaphore_mem>>, %arg20: memref<!tpu.dma_semaphore, #tpu.memory_space<semaphore_mem>>, %arg21: memref<!tpu.dma_semaphore, #tpu.memory_space<semaphore_mem>>, %arg22: memref<!tpu.dma_semaphore, #tpu.memory_space<semaphore_mem>>) attributes {dimension_semantics = [#tpu.dimension_semantics<core_parallel>, #tpu.dimension_semantics<subcore_parallel>], iteration_bounds = array<i64: 2, 16>, scalar_prefetch = 0 : i64, scratch_operands = 16 : i64, tpu.core_type = #tpu.core_type<sc_vector_subcore>, window_params = [{transform_indices = #map}, {transform_indices = #map}, {transform_indices = #map1}, {transform_indices = #map1}, {transform_indices = #map}]} {
    %mul3A = arith.constant 16 : i32
    %mul3A_0 = arith.muli %arg0, %mul3A : i32
    %add3A = arith.addi %mul3A_0, %arg1 : i32
    %mul3A_1 = arith.constant 640 : i32
    %mul3A_2 = arith.muli %arg1, %mul3A_1 : i32
    %broadcast_in_dim3A = arith.constant 0.000000e+00 : f32
    %broadcast_in_dim3A_3 = vector.broadcast %broadcast_in_dim3A : f32 to vector<16xf32>
    %scan3A = arith.constant 0 : i32
    %scan3A_4 = arith.constant 0 : i32
    %scan3A_5 = arith.constant 16 : i32
    %scan3A_6 = arith.addi %scan3A_4, %scan3A_5 : i32
    %scan3A_7 = arith.constant 1 : i32
    scf.for %scan3A_138 = %scan3A_4 to %scan3A_6 step %scan3A_7  : i32 {
      %swap3A = arith.index_cast %scan3A_138 : i32 to index
      %swap3A_139 = arith.constant 0 : index
      %swap3A_140 = tpu.vector_load %arg15[%swap3A, %swap3A_139] {strides = array<i32>} : memref<16x128xf32, #tpu.memory_space<vmem>>, vector<1x16xf32>,
      %swap3A_141 = vector.shape_cast %swap3A_140 : vector<1x16xf32> to vector<16xf32>
      %swap3A_142 = vector.shape_cast %broadcast_in_dim3A_3 : vector<16xf32> to vector<1x16xf32>
      tpu.vector_store %arg15[%swap3A, %swap3A_139], %swap3A_142 {strides = array<i32>} : memref<16x128xf32, #tpu.memory_space<vmem>>, vector<1x16xf32>,
      %swap3A_143 = arith.index_cast %scan3A_138 : i32 to index
      %swap3A_144 = arith.constant 16 : index
      %swap3A_145 = tpu.vector_load %arg15[%swap3A_143, %swap3A_144] {strides = array<i32>} : memref<16x128xf32, #tpu.memory_space<vmem>>, vector<1x16xf32>,
      %swap3A_146 = vector.shape_cast %swap3A_145 : vector<1x16xf32> to vector<16xf32>
      %swap3A_147 = vector.shape_cast %broadcast_in_dim3A_3 : vector<16xf32> to vector<1x16xf32>
      tpu.vector_store %arg15[%swap3A_143, %swap3A_144], %swap3A_147 {strides = array<i32>} : memref<16x128xf32, #tpu.memory_space<vmem>>, vector<1x16xf32>,
      %swap3A_148 = arith.index_cast %scan3A_138 : i32 to index
      %swap3A_149 = arith.constant 32 : index
      %swap3A_150 = tpu.vector_load %arg15[%swap3A_148, %swap3A_149] {strides = array<i32>} : memref<16x128xf32, #tpu.memory_space<vmem>>, vector<1x16xf32>,
      %swap3A_151 = vector.shape_cast %swap3A_150 : vector<1x16xf32> to vector<16xf32>
      %swap3A_152 = vector.shape_cast %broadcast_in_dim3A_3 : vector<16xf32> to vector<1x16xf32>
      tpu.vector_store %arg15[%swap3A_148, %swap3A_149], %swap3A_152 {strides = array<i32>} : memref<16x128xf32, #tpu.memory_space<vmem>>, vector<1x16xf32>,
      %swap3A_153 = arith.index_cast %scan3A_138 : i32 to index
      %swap3A_154 = arith.constant 48 : index
      %swap3A_155 = tpu.vector_load %arg15[%swap3A_153, %swap3A_154] {strides = array<i32>} : memref<16x128xf32, #tpu.memory_space<vmem>>, vector<1x16xf32>,
      %swap3A_156 = vector.shape_cast %swap3A_155 : vector<1x16xf32> to vector<16xf32>
      %swap3A_157 = vector.shape_cast %broadcast_in_dim3A_3 : vector<16xf32> to vector<1x16xf32>
      tpu.vector_store %arg15[%swap3A_153, %swap3A_154], %swap3A_157 {strides = array<i32>} : memref<16x128xf32, #tpu.memory_space<vmem>>, vector<1x16xf32>,
      %swap3A_158 = arith.index_cast %scan3A_138 : i32 to index
      %swap3A_159 = arith.constant 64 : index
      %swap3A_160 = tpu.vector_load %arg15[%swap3A_158, %swap3A_159] {strides = array<i32>} : memref<16x128xf32, #tpu.memory_space<vmem>>, vector<1x16xf32>,
      %swap3A_161 = vector.shape_cast %swap3A_160 : vector<1x16xf32> to vector<16xf32>
      %swap3A_162 = vector.shape_cast %broadcast_in_dim3A_3 : vector<16xf32> to vector<1x16xf32>
      tpu.vector_store %arg15[%swap3A_158, %swap3A_159], %swap3A_162 {strides = array<i32>} : memref<16x128xf32, #tpu.memory_space<vmem>>, vector<1x16xf32>,
      %swap3A_163 = arith.index_cast %scan3A_138 : i32 to index
      %swap3A_164 = arith.constant 80 : index
      %swap3A_165 = tpu.vector_load %arg15[%swap3A_163, %swap3A_164] {strides = array<i32>} : memref<16x128xf32, #tpu.memory_space<vmem>>, vector<1x16xf32>,
      %swap3A_166 = vector.shape_cast %swap3A_165 : vector<1x16xf32> to vector<16xf32>
      %swap3A_167 = vector.shape_cast %broadcast_in_dim3A_3 : vector<16xf32> to vector<1x16xf32>
      tpu.vector_store %arg15[%swap3A_163, %swap3A_164], %swap3A_167 {strides = array<i32>} : memref<16x128xf32, #tpu.memory_space<vmem>>, vector<1x16xf32>,
      %swap3A_168 = arith.index_cast %scan3A_138 : i32 to index
      %swap3A_169 = arith.constant 96 : index
      %swap3A_170 = tpu.vector_load %arg15[%swap3A_168, %swap3A_169] {strides = array<i32>} : memref<16x128xf32, #tpu.memory_space<vmem>>, vector<1x16xf32>,
      %swap3A_171 = vector.shape_cast %swap3A_170 : vector<1x16xf32> to vector<16xf32>
      %swap3A_172 = vector.shape_cast %broadcast_in_dim3A_3 : vector<16xf32> to vector<1x16xf32>
      tpu.vector_store %arg15[%swap3A_168, %swap3A_169], %swap3A_172 {strides = array<i32>} : memref<16x128xf32, #tpu.memory_space<vmem>>, vector<1x16xf32>,
      %swap3A_173 = arith.index_cast %scan3A_138 : i32 to index
      %swap3A_174 = arith.constant 112 : index
      %swap3A_175 = tpu.vector_load %arg15[%swap3A_173, %swap3A_174] {strides = array<i32>} : memref<16x128xf32, #tpu.memory_space<vmem>>, vector<1x16xf32>,
      %swap3A_176 = vector.shape_cast %swap3A_175 : vector<1x16xf32> to vector<16xf32>
      %swap3A_177 = vector.shape_cast %broadcast_in_dim3A_3 : vector<16xf32> to vector<1x16xf32>
      tpu.vector_store %arg15[%swap3A_173, %swap3A_174], %swap3A_177 {strides = array<i32>} : memref<16x128xf32, #tpu.memory_space<vmem>>, vector<1x16xf32>,
    }
    %scan3A_8 = arith.constant 16 : i32
    %scan3A_9 = arith.constant 0 : i32
    %scan3A_10 = arith.constant 0 : i32
    %scan3A_11 = arith.constant 40 : i32
    %scan3A_12 = arith.addi %scan3A_10, %scan3A_11 : i32
    %scan3A_13 = arith.constant 1 : i32
    scf.for %scan3A_138 = %scan3A_10 to %scan3A_12 step %scan3A_13  : i32 {
      %mul3A_139 = arith.constant 16 : i32
      %mul3A_140 = arith.muli %scan3A_138, %mul3A_139 : i32
      %add3A_141 = arith.addi %mul3A_2, %mul3A_140 : i32
      "tpu.region"() ({
        %run_scoped3A_142 = tpu.sem_alloc : memref<!tpu.dma_semaphore, #tpu.memory_space<semaphore_mem>>
        %dma_start3A_143 = arith.constant 0 : i32
        %dma_start3A_144 = tpu.memref_slice %arg16[%add3A_141, %dma_start3A_143] : memref<10240x128xf32, #tpu.memory_space<vmem_shared>> -> memref<16x128xf32, #tpu.memory_space<vmem_shared>>
        %dma_start3A_145 = arith.constant 0 : i32
        %dma_start3A_146 = tpu.memref_slice %arg16[%add3A_141, %dma_start3A_145] : memref<10240x128xf32, #tpu.memory_space<vmem_shared>> -> memref<16x128xf32, #tpu.memory_space<vmem_shared>>
        tpu.enqueue_dma source(%arg15 : memref<16x128xf32, #tpu.memory_space<vmem>>) target(%dma_start3A_146 : memref<16x128xf32, #tpu.memory_space<vmem_shared>>) target_semaphore(%run_scoped3A_142 : memref<!tpu.dma_semaphore, #tpu.memory_space<semaphore_mem>>)
        %dma_wait3A_147 = arith.constant 0 : i32
        %dma_wait3A_148 = tpu.memref_slice %arg16[%add3A_141, %dma_wait3A_147] : memref<10240x128xf32, #tpu.memory_space<vmem_shared>> -> memref<16x128xf32, #tpu.memory_space<vmem_shared>>
        %dma_wait3A_149 = arith.constant 0 : i32
        %dma_wait3A_150 = tpu.memref_slice %arg16[%add3A_141, %dma_wait3A_149] : memref<10240x128xf32, #tpu.memory_space<vmem_shared>> -> memref<16x128xf32, #tpu.memory_space<vmem_shared>>
        tpu.wait_dma2 semaphore(%run_scoped3A_142 : memref<!tpu.dma_semaphore, #tpu.memory_space<semaphore_mem>>) src(%arg15 : memref<16x128xf32, #tpu.memory_space<vmem>>) dst(%dma_wait3A_150 : memref<16x128xf32, #tpu.memory_space<vmem_shared>>)
        tpu.yield
      }) : () -> ()
    }
    %scan3A_14 = arith.constant 40 : i32
    %barrier3A = arith.constant 0 : index
    tpu.barrier barrier_id(%barrier3A)
    %dma_start3A = arith.constant 0 : i32
    %dma_start3A_15 = arith.constant 0 : i32
    %dma_start3A_16 = arith.constant 0 : i32
    %dma_start3A_17 = tpu.memref_slice %arg4[%add3A, %dma_start3A, %dma_start3A_15, %dma_start3A_16] : memref<32x125x2x40xi32, #tpu.memory_space<hbm>> -> memref<1x1x2x40xi32, #tpu.memory_space<hbm>>
    %dma_start3A_18 = tpu.memref_squeeze %dma_start3A_17 : memref<1x1x2x40xi32, #tpu.memory_space<hbm>> -> memref<2x40xi32, #tpu.memory_space<hbm>>
    %dma_start3A_19 = arith.constant 0 : i32
    %dma_start3A_20 = arith.constant 0 : i32
    %dma_start3A_21 = tpu.memref_slice %arg4[%add3A, %dma_start3A, %dma_start3A_19, %dma_start3A_20] : memref<32x125x2x40xi32, #tpu.memory_space<hbm>> -> memref<1x1x2x40xi32, #tpu.memory_space<hbm>>
    %dma_start3A_22 = tpu.memref_squeeze %dma_start3A_21 : memref<1x1x2x40xi32, #tpu.memory_space<hbm>> -> memref<2x40xi32, #tpu.memory_space<hbm>>
    tpu.enqueue_dma source(%dma_start3A_22 : memref<2x40xi32, #tpu.memory_space<hbm>>) target(%arg7 : memref<2x40xi32, #tpu.memory_space<vmem>>) target_semaphore(%arg21 : memref<!tpu.dma_semaphore, #tpu.memory_space<semaphore_mem>>)
    %dma_start3A_23 = arith.constant 0 : i32
    %dma_start3A_24 = arith.constant 0 : i32
    %dma_start3A_25 = arith.constant 0 : i32
    %dma_start3A_26 = tpu.memref_slice %arg5[%add3A, %dma_start3A_23, %dma_start3A_24, %dma_start3A_25] : memref<32x125x2x40xi32, #tpu.memory_space<hbm>> -> memref<1x1x2x40xi32, #tpu.memory_space<hbm>>
    %dma_start3A_27 = tpu.memref_squeeze %dma_start3A_26 : memref<1x1x2x40xi32, #tpu.memory_space<hbm>> -> memref<2x40xi32, #tpu.memory_space<hbm>>
    %dma_start3A_28 = arith.constant 0 : i32
    %dma_start3A_29 = arith.constant 0 : i32
    %dma_start3A_30 = tpu.memref_slice %arg5[%add3A, %dma_start3A_23, %dma_start3A_28, %dma_start3A_29] : memref<32x125x2x40xi32, #tpu.memory_space<hbm>> -> memref<1x1x2x40xi32, #tpu.memory_space<hbm>>
    %dma_start3A_31 = tpu.memref_squeeze %dma_start3A_30 : memref<1x1x2x40xi32, #tpu.memory_space<hbm>> -> memref<2x40xi32, #tpu.memory_space<hbm>>
    tpu.enqueue_dma source(%dma_start3A_31 : memref<2x40xi32, #tpu.memory_space<hbm>>) target(%arg9 : memref<2x40xi32, #tpu.memory_space<vmem>>) target_semaphore(%arg21 : memref<!tpu.dma_semaphore, #tpu.memory_space<semaphore_mem>>)
    %dma_wait3A = arith.constant 0 : i32
    %dma_wait3A_32 = arith.constant 0 : i32
    %dma_wait3A_33 = arith.constant 0 : i32
    %dma_wait3A_34 = tpu.memref_slice %arg4[%add3A, %dma_wait3A, %dma_wait3A_32, %dma_wait3A_33] : memref<32x125x2x40xi32, #tpu.memory_space<hbm>> -> memref<1x1x2x40xi32, #tpu.memory_space<hbm>>
    %dma_wait3A_35 = tpu.memref_squeeze %dma_wait3A_34 : memref<1x1x2x40xi32, #tpu.memory_space<hbm>> -> memref<2x40xi32, #tpu.memory_space<hbm>>
    %dma_wait3A_36 = arith.constant 0 : i32
    %dma_wait3A_37 = arith.constant 0 : i32
    %dma_wait3A_38 = tpu.memref_slice %arg4[%add3A, %dma_wait3A, %dma_wait3A_36, %dma_wait3A_37] : memref<32x125x2x40xi32, #tpu.memory_space<hbm>> -> memref<1x1x2x40xi32, #tpu.memory_space<hbm>>
    %dma_wait3A_39 = tpu.memref_squeeze %dma_wait3A_38 : memref<1x1x2x40xi32, #tpu.memory_space<hbm>> -> memref<2x40xi32, #tpu.memory_space<hbm>>
    tpu.wait_dma2 semaphore(%arg21 : memref<!tpu.dma_semaphore, #tpu.memory_space<semaphore_mem>>) src(%dma_wait3A_39 : memref<2x40xi32, #tpu.memory_space<hbm>>) dst(%arg7 : memref<2x40xi32, #tpu.memory_space<vmem>>)
    %dma_wait3A_40 = arith.constant 0 : i32
    %dma_wait3A_41 = arith.constant 0 : i32
    %dma_wait3A_42 = arith.constant 0 : i32
    %dma_wait3A_43 = tpu.memref_slice %arg5[%add3A, %dma_wait3A_40, %dma_wait3A_41, %dma_wait3A_42] : memref<32x125x2x40xi32, #tpu.memory_space<hbm>> -> memref<1x1x2x40xi32, #tpu.memory_space<hbm>>
    %dma_wait3A_44 = tpu.memref_squeeze %dma_wait3A_43 : memref<1x1x2x40xi32, #tpu.memory_space<hbm>> -> memref<2x40xi32, #tpu.memory_space<hbm>>
    %dma_wait3A_45 = arith.constant 0 : i32
    %dma_wait3A_46 = arith.constant 0 : i32
    %dma_wait3A_47 = tpu.memref_slice %arg5[%add3A, %dma_wait3A_40, %dma_wait3A_45, %dma_wait3A_46] : memref<32x125x2x40xi32, #tpu.memory_space<hbm>> -> memref<1x1x2x40xi32, #tpu.memory_space<hbm>>
    %dma_wait3A_48 = tpu.memref_squeeze %dma_wait3A_47 : memref<1x1x2x40xi32, #tpu.memory_space<hbm>> -> memref<2x40xi32, #tpu.memory_space<hbm>>
    tpu.wait_dma2 semaphore(%arg21 : memref<!tpu.dma_semaphore, #tpu.memory_space<semaphore_mem>>) src(%dma_wait3A_48 : memref<2x40xi32, #tpu.memory_space<hbm>>) dst(%arg9 : memref<2x40xi32, #tpu.memory_space<vmem>>)
    %dma_start3A_49 = arith.constant 0 : i32
    %dma_start3A_50 = arith.constant 0 : i32
    %dma_start3A_51 = tpu.memref_slice %arg7[%dma_start3A_49, %dma_start3A_50] : memref<2x40xi32, #tpu.memory_space<vmem>> -> memref<1x40xi32, #tpu.memory_space<vmem>>
    %dma_start3A_52 = tpu.memref_squeeze %dma_start3A_51 : memref<1x40xi32, #tpu.memory_space<vmem>> -> memref<40xi32, #tpu.memory_space<vmem>>
    %dma_start3A_53 = arith.constant 0 : i32
    %dma_start3A_54 = arith.constant 0 : i32
    %dma_start3A_55 = tpu.memref_slice %arg2[%dma_start3A_53, %dma_start3A_54] : memref<10000x128xf32, #tpu.memory_space<hbm>> -> memref<10000x128xf32, #tpu.memory_space<hbm>>
    tpu.enqueue_indirect_dma source(%dma_start3A_55 : memref<10000x128xf32, #tpu.memory_space<hbm>>) target(%arg11 : memref<40x128xf32, #tpu.memory_space<vmem>>) offsets(%dma_start3A_52 : memref<40xi32, #tpu.memory_space<vmem>>) semaphore(%arg17 : memref<!tpu.dma_semaphore, #tpu.memory_space<semaphore_mem>>)
    %mul3A_56 = arith.constant 10000 : i32
    %mul3A_57 = arith.muli %add3A, %mul3A_56 : i32
    %add3A_58 = arith.constant 0 : i32
    %add3A_59 = arith.addi %mul3A_57, %add3A_58 : i32
    %dma_start3A_60 = arith.constant 0 : i32
    %dma_start3A_61 = tpu.memref_slice %arg3[%add3A_59, %dma_start3A_60] : memref<320000x128xf32, #tpu.memory_space<hbm>> -> memref<40x128xf32, #tpu.memory_space<hbm>>
    %dma_start3A_62 = arith.constant 0 : i32
    %dma_start3A_63 = tpu.memref_slice %arg3[%add3A_59, %dma_start3A_62] : memref<320000x128xf32, #tpu.memory_space<hbm>> -> memref<40x128xf32, #tpu.memory_space<hbm>>
    tpu.enqueue_dma source(%dma_start3A_63 : memref<40x128xf32, #tpu.memory_space<hbm>>) target(%arg13 : memref<40x128xf32, #tpu.memory_space<vmem>>) target_semaphore(%arg19 : memref<!tpu.dma_semaphore, #tpu.memory_space<semaphore_mem>>)
    %scan3A_64 = arith.constant 0 : i32
    %scan3A_65 = arith.constant 0 : i32
    %scan3A_66 = arith.constant 62 : i32
    %scan3A_67 = arith.addi %scan3A_65, %scan3A_66 : i32
    %scan3A_68 = arith.constant 1 : i32
    scf.for %scan3A_138 = %scan3A_65 to %scan3A_67 step %scan3A_68  : i32 {
      %mul3A_139 = arith.constant 4 : i32
      %mul3A_140 = arith.muli %mul3A_139, %scan3A_138 : i32
      %mul3A_141 = arith.constant 2 : i32
      %mul3A_142 = arith.muli %mul3A_141, %scan3A_138 : i32
      %add3A_143 = arith.constant 1 : i32
      %add3A_144 = arith.addi %mul3A_142, %add3A_143 : i32
      %dma_start3A_145 = arith.constant 0 : i32
      %dma_start3A_146 = arith.constant 0 : i32
      %dma_start3A_147 = tpu.memref_slice %arg4[%add3A, %add3A_144, %dma_start3A_145, %dma_start3A_146] : memref<32x125x2x40xi32, #tpu.memory_space<hbm>> -> memref<1x1x2x40xi32, #tpu.memory_space<hbm>>
      %dma_start3A_148 = tpu.memref_squeeze %dma_start3A_147 : memref<1x1x2x40xi32, #tpu.memory_space<hbm>> -> memref<2x40xi32, #tpu.memory_space<hbm>>
      %dma_start3A_149 = arith.constant 0 : i32
      %dma_start3A_150 = arith.constant 0 : i32
      %dma_start3A_151 = tpu.memref_slice %arg4[%add3A, %add3A_144, %dma_start3A_149, %dma_start3A_150] : memref<32x125x2x40xi32, #tpu.memory_space<hbm>> -> memref<1x1x2x40xi32, #tpu.memory_space<hbm>>
      %dma_start3A_152 = tpu.memref_squeeze %dma_start3A_151 : memref<1x1x2x40xi32, #tpu.memory_space<hbm>> -> memref<2x40xi32, #tpu.memory_space<hbm>>
      tpu.enqueue_dma source(%dma_start3A_152 : memref<2x40xi32, #tpu.memory_space<hbm>>) target(%arg8 : memref<2x40xi32, #tpu.memory_space<vmem>>) target_semaphore(%arg22 : memref<!tpu.dma_semaphore, #tpu.memory_space<semaphore_mem>>)
      %dma_start3A_153 = arith.constant 0 : i32
      %dma_start3A_154 = arith.constant 0 : i32
      %dma_start3A_155 = tpu.memref_slice %arg5[%add3A, %add3A_144, %dma_start3A_153, %dma_start3A_154] : memref<32x125x2x40xi32, #tpu.memory_space<hbm>> -> memref<1x1x2x40xi32, #tpu.memory_space<hbm>>
      %dma_start3A_156 = tpu.memref_squeeze %dma_start3A_155 : memref<1x1x2x40xi32, #tpu.memory_space<hbm>> -> memref<2x40xi32, #tpu.memory_space<hbm>>
      %dma_start3A_157 = arith.constant 0 : i32
      %dma_start3A_158 = arith.constant 0 : i32
      %dma_start3A_159 = tpu.memref_slice %arg5[%add3A, %add3A_144, %dma_start3A_157, %dma_start3A_158] : memref<32x125x2x40xi32, #tpu.memory_space<hbm>> -> memref<1x1x2x40xi32, #tpu.memory_space<hbm>>
      %dma_start3A_160 = tpu.memref_squeeze %dma_start3A_159 : memref<1x1x2x40xi32, #tpu.memory_space<hbm>> -> memref<2x40xi32, #tpu.memory_space<hbm>>
      tpu.enqueue_dma source(%dma_start3A_160 : memref<2x40xi32, #tpu.memory_space<hbm>>) target(%arg10 : memref<2x40xi32, #tpu.memory_space<vmem>>) target_semaphore(%arg22 : memref<!tpu.dma_semaphore, #tpu.memory_space<semaphore_mem>>)
      %add3A_161 = arith.constant 1 : i32
      %add3A_162 = arith.addi %mul3A_140, %add3A_161 : i32
      %dma_start3A_163 = arith.constant 1 : i32
      %dma_start3A_164 = arith.constant 0 : i32
      %dma_start3A_165 = tpu.memref_slice %arg7[%dma_start3A_163, %dma_start3A_164] : memref<2x40xi32, #tpu.memory_space<vmem>> -> memref<1x40xi32, #tpu.memory_space<vmem>>
      %dma_start3A_166 = tpu.memref_squeeze %dma_start3A_165 : memref<1x40xi32, #tpu.memory_space<vmem>> -> memref<40xi32, #tpu.memory_space<vmem>>
      %dma_start3A_167 = arith.constant 0 : i32
      %dma_start3A_168 = arith.constant 0 : i32
      %dma_start3A_169 = tpu.memref_slice %arg2[%dma_start3A_167, %dma_start3A_168] : memref<10000x128xf32, #tpu.memory_space<hbm>> -> memref<10000x128xf32, #tpu.memory_space<hbm>>
      tpu.enqueue_indirect_dma source(%dma_start3A_169 : memref<10000x128xf32, #tpu.memory_space<hbm>>) target(%arg12 : memref<40x128xf32, #tpu.memory_space<vmem>>) offsets(%dma_start3A_166 : memref<40xi32, #tpu.memory_space<vmem>>) semaphore(%arg18 : memref<!tpu.dma_semaphore, #tpu.memory_space<semaphore_mem>>)
      %mul3A_170 = arith.constant 10000 : i32
      %mul3A_171 = arith.muli %add3A, %mul3A_170 : i32
      %mul3A_172 = arith.constant 40 : i32
      %mul3A_173 = arith.muli %add3A_162, %mul3A_172 : i32
      %add3A_174 = arith.addi %mul3A_171, %mul3A_173 : i32
      %dma_start3A_175 = arith.constant 0 : i32
      %dma_start3A_176 = tpu.memref_slice %arg3[%add3A_174, %dma_start3A_175] : memref<320000x128xf32, #tpu.memory_space<hbm>> -> memref<40x128xf32, #tpu.memory_space<hbm>>
      %dma_start3A_177 = arith.constant 0 : i32
      %dma_start3A_178 = tpu.memref_slice %arg3[%add3A_174, %dma_start3A_177] : memref<320000x128xf32, #tpu.memory_space<hbm>> -> memref<40x128xf32, #tpu.memory_space<hbm>>
      tpu.enqueue_dma source(%dma_start3A_178 : memref<40x128xf32, #tpu.memory_space<hbm>>) target(%arg14 : memref<40x128xf32, #tpu.memory_space<vmem>>) target_semaphore(%arg20 : memref<!tpu.dma_semaphore, #tpu.memory_space<semaphore_mem>>)
      %dma_wait3A_179 = arith.constant 0 : i32
      %dma_wait3A_180 = arith.constant 0 : i32
      %dma_wait3A_181 = tpu.memref_slice %arg7[%dma_wait3A_179, %dma_wait3A_180] : memref<2x40xi32, #tpu.memory_space<vmem>> -> memref<1x40xi32, #tpu.memory_space<vmem>>
      %dma_wait3A_182 = tpu.memref_squeeze %dma_wait3A_181 : memref<1x40xi32, #tpu.memory_space<vmem>> -> memref<40xi32, #tpu.memory_space<vmem>>
      %dma_wait3A_183 = arith.constant 0 : i32
      %dma_wait3A_184 = arith.constant 0 : i32
      %dma_wait3A_185 = tpu.memref_slice %arg2[%dma_wait3A_183, %dma_wait3A_184] : memref<10000x128xf32, #tpu.memory_space<hbm>> -> memref<10000x128xf32, #tpu.memory_space<hbm>>
      tpu.wait_indirect_dma semaphore(%arg17 : memref<!tpu.dma_semaphore, #tpu.memory_space<semaphore_mem>>) src(%dma_wait3A_185 : memref<10000x128xf32, #tpu.memory_space<hbm>>) dst(%arg11 : memref<40x128xf32, #tpu.memory_space<vmem>>)
      %mul3A_186 = arith.constant 10000 : i32
      %mul3A_187 = arith.muli %add3A, %mul3A_186 : i32
      %mul3A_188 = arith.constant 40 : i32
      %mul3A_189 = arith.muli %mul3A_140, %mul3A_188 : i32
      %add3A_190 = arith.addi %mul3A_187, %mul3A_189 : i32
      %dma_wait3A_191 = arith.constant 0 : i32
      %dma_wait3A_192 = tpu.memref_slice %arg3[%add3A_190, %dma_wait3A_191] : memref<320000x128xf32, #tpu.memory_space<hbm>> -> memref<40x128xf32, #tpu.memory_space<hbm>>
      %dma_wait3A_193 = arith.constant 0 : i32
      %dma_wait3A_194 = tpu.memref_slice %arg3[%add3A_190, %dma_wait3A_193] : memref<320000x128xf32, #tpu.memory_space<hbm>> -> memref<40x128xf32, #tpu.memory_space<hbm>>
      tpu.wait_dma2 semaphore(%arg19 : memref<!tpu.dma_semaphore, #tpu.memory_space<semaphore_mem>>) src(%dma_wait3A_194 : memref<40x128xf32, #tpu.memory_space<hbm>>) dst(%arg13 : memref<40x128xf32, #tpu.memory_space<vmem>>)
      %scan3A_195 = arith.constant 0 : i32
      %scan3A_196 = arith.constant 0 : i32
      %scan3A_197 = arith.constant 40 : i32
      %scan3A_198 = arith.addi %scan3A_196, %scan3A_197 : i32
      %scan3A_199 = arith.constant 1 : i32
      scf.for %scan3A_391 = %scan3A_196 to %scan3A_198 step %scan3A_199  : i32 {
        %get3A = arith.index_cast %scan3A_391 : i32 to index
        %get3A_392 = arith.constant 0 : index
        %get3A_393 = tpu.vector_load %arg11[%get3A, %get3A_392] {strides = array<i32>} : memref<40x128xf32, #tpu.memory_space<vmem>>, vector<1x16xf32>,
        %get3A_394 = vector.shape_cast %get3A_393 : vector<1x16xf32> to vector<16xf32>
        %get3A_395 = arith.index_cast %scan3A_391 : i32 to index
        %get3A_396 = arith.constant 0 : index
        %get3A_397 = tpu.vector_load %arg13[%get3A_395, %get3A_396] {strides = array<i32>} : memref<40x128xf32, #tpu.memory_space<vmem>>, vector<1x16xf32>,
        %get3A_398 = vector.shape_cast %get3A_397 : vector<1x16xf32> to vector<16xf32>
        %add3A_399 = arith.addf %get3A_394, %get3A_398 : vector<16xf32>
        %max3A = arith.constant 0.000000e+00 : f32
        %max3A_400 = vector.broadcast %max3A : f32 to vector<16xf32>
        %max3A_401 = arith.maximumf %add3A_399, %max3A_400 : vector<16xf32>
        %swap3A = arith.index_cast %scan3A_391 : i32 to index
        %swap3A_402 = arith.constant 0 : index
        %swap3A_403 = tpu.vector_load %arg13[%swap3A, %swap3A_402] {strides = array<i32>} : memref<40x128xf32, #tpu.memory_space<vmem>>, vector<1x16xf32>,
        %swap3A_404 = vector.shape_cast %swap3A_403 : vector<1x16xf32> to vector<16xf32>
        %swap3A_405 = vector.shape_cast %max3A_401 : vector<16xf32> to vector<1x16xf32>
        tpu.vector_store %arg13[%swap3A, %swap3A_402], %swap3A_405 {strides = array<i32>} : memref<40x128xf32, #tpu.memory_space<vmem>>, vector<1x16xf32>,
        %get3A_406 = arith.index_cast %scan3A_391 : i32 to index
        %get3A_407 = arith.constant 16 : index
        %get3A_408 = tpu.vector_load %arg11[%get3A_406, %get3A_407] {strides = array<i32>} : memref<40x128xf32, #tpu.memory_space<vmem>>, vector<1x16xf32>,
        %get3A_409 = vector.shape_cast %get3A_408 : vector<1x16xf32> to vector<16xf32>
        %get3A_410 = arith.index_cast %scan3A_391 : i32 to index
        %get3A_411 = arith.constant 16 : index
        %get3A_412 = tpu.vector_load %arg13[%get3A_410, %get3A_411] {strides = array<i32>} : memref<40x128xf32, #tpu.memory_space<vmem>>, vector<1x16xf32>,
        %get3A_413 = vector.shape_cast %get3A_412 : vector<1x16xf32> to vector<16xf32>
        %add3A_414 = arith.addf %get3A_409, %get3A_413 : vector<16xf32>
        %max3A_415 = arith.constant 0.000000e+00 : f32
        %max3A_416 = vector.broadcast %max3A_415 : f32 to vector<16xf32>
        %max3A_417 = arith.maximumf %add3A_414, %max3A_416 : vector<16xf32>
        %swap3A_418 = arith.index_cast %scan3A_391 : i32 to index
        %swap3A_419 = arith.constant 16 : index
        %swap3A_420 = tpu.vector_load %arg13[%swap3A_418, %swap3A_419] {strides = array<i32>} : memref<40x128xf32, #tpu.memory_space<vmem>>, vector<1x16xf32>,
        %swap3A_421 = vector.shape_cast %swap3A_420 : vector<1x16xf32> to vector<16xf32>
        %swap3A_422 = vector.shape_cast %max3A_417 : vector<16xf32> to vector<1x16xf32>
        tpu.vector_store %arg13[%swap3A_418, %swap3A_419], %swap3A_422 {strides = array<i32>} : memref<40x128xf32, #tpu.memory_space<vmem>>, vector<1x16xf32>,
        %get3A_423 = arith.index_cast %scan3A_391 : i32 to index
        %get3A_424 = arith.constant 32 : index
        %get3A_425 = tpu.vector_load %arg11[%get3A_423, %get3A_424] {strides = array<i32>} : memref<40x128xf32, #tpu.memory_space<vmem>>, vector<1x16xf32>,
        %get3A_426 = vector.shape_cast %get3A_425 : vector<1x16xf32> to vector<16xf32>
        %get3A_427 = arith.index_cast %scan3A_391 : i32 to index
        %get3A_428 = arith.constant 32 : index
        %get3A_429 = tpu.vector_load %arg13[%get3A_427, %get3A_428] {strides = array<i32>} : memref<40x128xf32, #tpu.memory_space<vmem>>, vector<1x16xf32>,
        %get3A_430 = vector.shape_cast %get3A_429 : vector<1x16xf32> to vector<16xf32>
        %add3A_431 = arith.addf %get3A_426, %get3A_430 : vector<16xf32>
        %max3A_432 = arith.constant 0.000000e+00 : f32
        %max3A_433 = vector.broadcast %max3A_432 : f32 to vector<16xf32>
        %max3A_434 = arith.maximumf %add3A_431, %max3A_433 : vector<16xf32>
        %swap3A_435 = arith.index_cast %scan3A_391 : i32 to index
        %swap3A_436 = arith.constant 32 : index
        %swap3A_437 = tpu.vector_load %arg13[%swap3A_435, %swap3A_436] {strides = array<i32>} : memref<40x128xf32, #tpu.memory_space<vmem>>, vector<1x16xf32>,
        %swap3A_438 = vector.shape_cast %swap3A_437 : vector<1x16xf32> to vector<16xf32>
        %swap3A_439 = vector.shape_cast %max3A_434 : vector<16xf32> to vector<1x16xf32>
        tpu.vector_store %arg13[%swap3A_435, %swap3A_436], %swap3A_439 {strides = array<i32>} : memref<40x128xf32, #tpu.memory_space<vmem>>, vector<1x16xf32>,
        %get3A_440 = arith.index_cast %scan3A_391 : i32 to index
        %get3A_441 = arith.constant 48 : index
        %get3A_442 = tpu.vector_load %arg11[%get3A_440, %get3A_441] {strides = array<i32>} : memref<40x128xf32, #tpu.memory_space<vmem>>, vector<1x16xf32>,
        %get3A_443 = vector.shape_cast %get3A_442 : vector<1x16xf32> to vector<16xf32>
        %get3A_444 = arith.index_cast %scan3A_391 : i32 to index
        %get3A_445 = arith.constant 48 : index
        %get3A_446 = tpu.vector_load %arg13[%get3A_444, %get3A_445] {strides = array<i32>} : memref<40x128xf32, #tpu.memory_space<vmem>>, vector<1x16xf32>,
        %get3A_447 = vector.shape_cast %get3A_446 : vector<1x16xf32> to vector<16xf32>
        %add3A_448 = arith.addf %get3A_443, %get3A_447 : vector<16xf32>
        %max3A_449 = arith.constant 0.000000e+00 : f32
        %max3A_450 = vector.broadcast %max3A_449 : f32 to vector<16xf32>
        %max3A_451 = arith.maximumf %add3A_448, %max3A_450 : vector<16xf32>
        %swap3A_452 = arith.index_cast %scan3A_391 : i32 to index
        %swap3A_453 = arith.constant 48 : index
        %swap3A_454 = tpu.vector_load %arg13[%swap3A_452, %swap3A_453] {strides = array<i32>} : memref<40x128xf32, #tpu.memory_space<vmem>>, vector<1x16xf32>,
        %swap3A_455 = vector.shape_cast %swap3A_454 : vector<1x16xf32> to vector<16xf32>
        %swap3A_456 = vector.shape_cast %max3A_451 : vector<16xf32> to vector<1x16xf32>
        tpu.vector_store %arg13[%swap3A_452, %swap3A_453], %swap3A_456 {strides = array<i32>} : memref<40x128xf32, #tpu.memory_space<vmem>>, vector<1x16xf32>,
        %get3A_457 = arith.index_cast %scan3A_391 : i32 to index
        %get3A_458 = arith.constant 64 : index
        %get3A_459 = tpu.vector_load %arg11[%get3A_457, %get3A_458] {strides = array<i32>} : memref<40x128xf32, #tpu.memory_space<vmem>>, vector<1x16xf32>,
        %get3A_460 = vector.shape_cast %get3A_459 : vector<1x16xf32> to vector<16xf32>
        %get3A_461 = arith.index_cast %scan3A_391 : i32 to index
        %get3A_462 = arith.constant 64 : index
        %get3A_463 = tpu.vector_load %arg13[%get3A_461, %get3A_462] {strides = array<i32>} : memref<40x128xf32, #tpu.memory_space<vmem>>, vector<1x16xf32>,
        %get3A_464 = vector.shape_cast %get3A_463 : vector<1x16xf32> to vector<16xf32>
        %add3A_465 = arith.addf %get3A_460, %get3A_464 : vector<16xf32>
        %max3A_466 = arith.constant 0.000000e+00 : f32
        %max3A_467 = vector.broadcast %max3A_466 : f32 to vector<16xf32>
        %max3A_468 = arith.maximumf %add3A_465, %max3A_467 : vector<16xf32>
        %swap3A_469 = arith.index_cast %scan3A_391 : i32 to index
        %swap3A_470 = arith.constant 64 : index
        %swap3A_471 = tpu.vector_load %arg13[%swap3A_469, %swap3A_470] {strides = array<i32>} : memref<40x128xf32, #tpu.memory_space<vmem>>, vector<1x16xf32>,
        %swap3A_472 = vector.shape_cast %swap3A_471 : vector<1x16xf32> to vector<16xf32>
        %swap3A_473 = vector.shape_cast %max3A_468 : vector<16xf32> to vector<1x16xf32>
        tpu.vector_store %arg13[%swap3A_469, %swap3A_470], %swap3A_473 {strides = array<i32>} : memref<40x128xf32, #tpu.memory_space<vmem>>, vector<1x16xf32>,
        %get3A_474 = arith.index_cast %scan3A_391 : i32 to index
        %get3A_475 = arith.constant 80 : index
        %get3A_476 = tpu.vector_load %arg11[%get3A_474, %get3A_475] {strides = array<i32>} : memref<40x128xf32, #tpu.memory_space<vmem>>, vector<1x16xf32>,
        %get3A_477 = vector.shape_cast %get3A_476 : vector<1x16xf32> to vector<16xf32>
        %get3A_478 = arith.index_cast %scan3A_391 : i32 to index
        %get3A_479 = arith.constant 80 : index
        %get3A_480 = tpu.vector_load %arg13[%get3A_478, %get3A_479] {strides = array<i32>} : memref<40x128xf32, #tpu.memory_space<vmem>>, vector<1x16xf32>,
        %get3A_481 = vector.shape_cast %get3A_480 : vector<1x16xf32> to vector<16xf32>
        %add3A_482 = arith.addf %get3A_477, %get3A_481 : vector<16xf32>
        %max3A_483 = arith.constant 0.000000e+00 : f32
        %max3A_484 = vector.broadcast %max3A_483 : f32 to vector<16xf32>
        %max3A_485 = arith.maximumf %add3A_482, %max3A_484 : vector<16xf32>
        %swap3A_486 = arith.index_cast %scan3A_391 : i32 to index
        %swap3A_487 = arith.constant 80 : index
        %swap3A_488 = tpu.vector_load %arg13[%swap3A_486, %swap3A_487] {strides = array<i32>} : memref<40x128xf32, #tpu.memory_space<vmem>>, vector<1x16xf32>,
        %swap3A_489 = vector.shape_cast %swap3A_488 : vector<1x16xf32> to vector<16xf32>
        %swap3A_490 = vector.shape_cast %max3A_485 : vector<16xf32> to vector<1x16xf32>
        tpu.vector_store %arg13[%swap3A_486, %swap3A_487], %swap3A_490 {strides = array<i32>} : memref<40x128xf32, #tpu.memory_space<vmem>>, vector<1x16xf32>,
        %get3A_491 = arith.index_cast %scan3A_391 : i32 to index
        %get3A_492 = arith.constant 96 : index
        %get3A_493 = tpu.vector_load %arg11[%get3A_491, %get3A_492] {strides = array<i32>} : memref<40x128xf32, #tpu.memory_space<vmem>>, vector<1x16xf32>,
        %get3A_494 = vector.shape_cast %get3A_493 : vector<1x16xf32> to vector<16xf32>
        %get3A_495 = arith.index_cast %scan3A_391 : i32 to index
        %get3A_496 = arith.constant 96 : index
        %get3A_497 = tpu.vector_load %arg13[%get3A_495, %get3A_496] {strides = array<i32>} : memref<40x128xf32, #tpu.memory_space<vmem>>, vector<1x16xf32>,
        %get3A_498 = vector.shape_cast %get3A_497 : vector<1x16xf32> to vector<16xf32>
        %add3A_499 = arith.addf %get3A_494, %get3A_498 : vector<16xf32>
        %max3A_500 = arith.constant 0.000000e+00 : f32
        %max3A_501 = vector.broadcast %max3A_500 : f32 to vector<16xf32>
        %max3A_502 = arith.maximumf %add3A_499, %max3A_501 : vector<16xf32>
        %swap3A_503 = arith.index_cast %scan3A_391 : i32 to index
        %swap3A_504 = arith.constant 96 : index
        %swap3A_505 = tpu.vector_load %arg13[%swap3A_503, %swap3A_504] {strides = array<i32>} : memref<40x128xf32, #tpu.memory_space<vmem>>, vector<1x16xf32>,
        %swap3A_506 = vector.shape_cast %swap3A_505 : vector<1x16xf32> to vector<16xf32>
        %swap3A_507 = vector.shape_cast %max3A_502 : vector<16xf32> to vector<1x16xf32>
        tpu.vector_store %arg13[%swap3A_503, %swap3A_504], %swap3A_507 {strides = array<i32>} : memref<40x128xf32, #tpu.memory_space<vmem>>, vector<1x16xf32>,
        %get3A_508 = arith.index_cast %scan3A_391 : i32 to index
        %get3A_509 = arith.constant 112 : index
        %get3A_510 = tpu.vector_load %arg11[%get3A_508, %get3A_509] {strides = array<i32>} : memref<40x128xf32, #tpu.memory_space<vmem>>, vector<1x16xf32>,
        %get3A_511 = vector.shape_cast %get3A_510 : vector<1x16xf32> to vector<16xf32>
        %get3A_512 = arith.index_cast %scan3A_391 : i32 to index
        %get3A_513 = arith.constant 112 : index
        %get3A_514 = tpu.vector_load %arg13[%get3A_512, %get3A_513] {strides = array<i32>} : memref<40x128xf32, #tpu.memory_space<vmem>>, vector<1x16xf32>,
        %get3A_515 = vector.shape_cast %get3A_514 : vector<1x16xf32> to vector<16xf32>
        %add3A_516 = arith.addf %get3A_511, %get3A_515 : vector<16xf32>
        %max3A_517 = arith.constant 0.000000e+00 : f32
        %max3A_518 = vector.broadcast %max3A_517 : f32 to vector<16xf32>
        %max3A_519 = arith.maximumf %add3A_516, %max3A_518 : vector<16xf32>
        %swap3A_520 = arith.index_cast %scan3A_391 : i32 to index
        %swap3A_521 = arith.constant 112 : index
        %swap3A_522 = tpu.vector_load %arg13[%swap3A_520, %swap3A_521] {strides = array<i32>} : memref<40x128xf32, #tpu.memory_space<vmem>>, vector<1x16xf32>,
        %swap3A_523 = vector.shape_cast %swap3A_522 : vector<1x16xf32> to vector<16xf32>
        %swap3A_524 = vector.shape_cast %max3A_519 : vector<16xf32> to vector<1x16xf32>
        tpu.vector_store %arg13[%swap3A_520, %swap3A_521], %swap3A_524 {strides = array<i32>} : memref<40x128xf32, #tpu.memory_space<vmem>>, vector<1x16xf32>,
      }
      %scan3A_200 = arith.constant 40 : i32
      %run_scoped3A_201 = arith.constant 0 : i32
      "tpu.region"() ({
        %run_scoped3A_391 = tpu.sem_alloc : memref<!tpu.dma_semaphore, #tpu.memory_space<semaphore_mem>>
        %dma_start3A_392 = arith.constant 0 : i32
        %dma_start3A_393 = tpu.memref_slice %arg9[%run_scoped3A_201, %dma_start3A_392] : memref<2x40xi32, #tpu.memory_space<vmem>> -> memref<1x40xi32, #tpu.memory_space<vmem>>
        %dma_start3A_394 = tpu.memref_squeeze %dma_start3A_393 : memref<1x40xi32, #tpu.memory_space<vmem>> -> memref<40xi32, #tpu.memory_space<vmem>>
        %dma_start3A_395 = arith.constant 0 : i32
        %dma_start3A_396 = arith.constant 0 : i32
        %dma_start3A_397 = tpu.memref_slice %arg16[%dma_start3A_395, %dma_start3A_396] : memref<10240x128xf32, #tpu.memory_space<vmem_shared>> -> memref<10240x128xf32, #tpu.memory_space<vmem_shared>>
        tpu.enqueue_indirect_dma source(%arg13 : memref<40x128xf32, #tpu.memory_space<vmem>>) target(%dma_start3A_397 : memref<10240x128xf32, #tpu.memory_space<vmem_shared>>) offsets(%dma_start3A_394 : memref<40xi32, #tpu.memory_space<vmem>>) semaphore(%run_scoped3A_391 : memref<!tpu.dma_semaphore, #tpu.memory_space<semaphore_mem>>) {add = true}
        %dma_wait3A_398 = arith.constant 0 : i32
        %dma_wait3A_399 = tpu.memref_slice %arg9[%run_scoped3A_201, %dma_wait3A_398] : memref<2x40xi32, #tpu.memory_space<vmem>> -> memref<1x40xi32, #tpu.memory_space<vmem>>
        %dma_wait3A_400 = tpu.memref_squeeze %dma_wait3A_399 : memref<1x40xi32, #tpu.memory_space<vmem>> -> memref<40xi32, #tpu.memory_space<vmem>>
        %dma_wait3A_401 = arith.constant 0 : i32
        %dma_wait3A_402 = arith.constant 0 : i32
        %dma_wait3A_403 = tpu.memref_slice %arg16[%dma_wait3A_401, %dma_wait3A_402] : memref<10240x128xf32, #tpu.memory_space<vmem_shared>> -> memref<10240x128xf32, #tpu.memory_space<vmem_shared>>
        tpu.wait_indirect_dma semaphore(%run_scoped3A_391 : memref<!tpu.dma_semaphore, #tpu.memory_space<semaphore_mem>>) src(%arg13 : memref<40x128xf32, #tpu.memory_space<vmem>>) dst(%dma_wait3A_403 : memref<10240x128xf32, #tpu.memory_space<vmem_shared>>)
        tpu.yield
      }) : () -> ()
      %mul3A_202 = arith.constant 2 : i32
      %mul3A_203 = arith.muli %mul3A_202, %scan3A_138 : i32
      %add3A_204 = arith.constant 1 : i32
      %add3A_205 = arith.addi %mul3A_203, %add3A_204 : i32
      %dma_wait3A_206 = arith.constant 0 : i32
      %dma_wait3A_207 = arith.constant 0 : i32
      %dma_wait3A_208 = tpu.memref_slice %arg4[%add3A, %add3A_205, %dma_wait3A_206, %dma_wait3A_207] : memref<32x125x2x40xi32, #tpu.memory_space<hbm>> -> memref<1x1x2x40xi32, #tpu.memory_space<hbm>>
      %dma_wait3A_209 = tpu.memref_squeeze %dma_wait3A_208 : memref<1x1x2x40xi32, #tpu.memory_space<hbm>> -> memref<2x40xi32, #tpu.memory_space<hbm>>
      %dma_wait3A_210 = arith.constant 0 : i32
      %dma_wait3A_211 = arith.constant 0 : i32
      %dma_wait3A_212 = tpu.memref_slice %arg4[%add3A, %add3A_205, %dma_wait3A_210, %dma_wait3A_211] : memref<32x125x2x40xi32, #tpu.memory_space<hbm>> -> memref<1x1x2x40xi32, #tpu.memory_space<hbm>>
      %dma_wait3A_213 = tpu.memref_squeeze %dma_wait3A_212 : memref<1x1x2x40xi32, #tpu.memory_space<hbm>> -> memref<2x40xi32, #tpu.memory_space<hbm>>
      tpu.wait_dma2 semaphore(%arg22 : memref<!tpu.dma_semaphore, #tpu.memory_space<semaphore_mem>>) src(%dma_wait3A_213 : memref<2x40xi32, #tpu.memory_space<hbm>>) dst(%arg8 : memref<2x40xi32, #tpu.memory_space<vmem>>)
      %dma_wait3A_214 = arith.constant 0 : i32
      %dma_wait3A_215 = arith.constant 0 : i32
      %dma_wait3A_216 = tpu.memref_slice %arg5[%add3A, %add3A_205, %dma_wait3A_214, %dma_wait3A_215] : memref<32x125x2x40xi32, #tpu.memory_space<hbm>> -> memref<1x1x2x40xi32, #tpu.memory_space<hbm>>
      %dma_wait3A_217 = tpu.memref_squeeze %dma_wait3A_216 : memref<1x1x2x40xi32, #tpu.memory_space<hbm>> -> memref<2x40xi32, #tpu.memory_space<hbm>>
      %dma_wait3A_218 = arith.constant 0 : i32
      %dma_wait3A_219 = arith.constant 0 : i32
      %dma_wait3A_220 = tpu.memref_slice %arg5[%add3A, %add3A_205, %dma_wait3A_218, %dma_wait3A_219] : memref<32x125x2x40xi32, #tpu.memory_space<hbm>> -> memref<1x1x2x40xi32, #tpu.memory_space<hbm>>
      %dma_wait3A_221 = tpu.memref_squeeze %dma_wait3A_220 : memref<1x1x2x40xi32, #tpu.memory_space<hbm>> -> memref<2x40xi32, #tpu.memory_space<hbm>>
      tpu.wait_dma2 semaphore(%arg22 : memref<!tpu.dma_semaphore, #tpu.memory_space<semaphore_mem>>) src(%dma_wait3A_221 : memref<2x40xi32, #tpu.memory_space<hbm>>) dst(%arg10 : memref<2x40xi32, #tpu.memory_space<vmem>>)
      %add3A_222 = arith.constant 2 : i32
      %add3A_223 = arith.addi %mul3A_140, %add3A_222 : i32
      %dma_start3A_224 = arith.constant 0 : i32
      %dma_start3A_225 = arith.constant 0 : i32
      %dma_start3A_226 = tpu.memref_slice %arg8[%dma_start3A_224, %dma_start3A_225] : memref<2x40xi32, #tpu.memory_space<vmem>> -> memref<1x40xi32, #tpu.memory_space<vmem>>
      %dma_start3A_227 = tpu.memref_squeeze %dma_start3A_226 : memref<1x40xi32, #tpu.memory_space<vmem>> -> memref<40xi32, #tpu.memory_space<vmem>>
      %dma_start3A_228 = arith.constant 0 : i32
      %dma_start3A_229 = arith.constant 0 : i32
      %dma_start3A_230 = tpu.memref_slice %arg2[%dma_start3A_228, %dma_start3A_229] : memref<10000x128xf32, #tpu.memory_space<hbm>> -> memref<10000x128xf32, #tpu.memory_space<hbm>>
      tpu.enqueue_indirect_dma source(%dma_start3A_230 : memref<10000x128xf32, #tpu.memory_space<hbm>>) target(%arg11 : memref<40x128xf32, #tpu.memory_space<vmem>>) offsets(%dma_start3A_227 : memref<40xi32, #tpu.memory_space<vmem>>) semaphore(%arg17 : memref<!tpu.dma_semaphore, #tpu.memory_space<semaphore_mem>>)
      %mul3A_231 = arith.constant 10000 : i32
      %mul3A_232 = arith.muli %add3A, %mul3A_231 : i32
      %mul3A_233 = arith.constant 40 : i32
      %mul3A_234 = arith.muli %add3A_223, %mul3A_233 : i32
      %add3A_235 = arith.addi %mul3A_232, %mul3A_234 : i32
      %dma_start3A_236 = arith.constant 0 : i32
      %dma_start3A_237 = tpu.memref_slice %arg3[%add3A_235, %dma_start3A_236] : memref<320000x128xf32, #tpu.memory_space<hbm>> -> memref<40x128xf32, #tpu.memory_space<hbm>>
      %dma_start3A_238 = arith.constant 0 : i32
      %dma_start3A_239 = tpu.memref_slice %arg3[%add3A_235, %dma_start3A_238] : memref<320000x128xf32, #tpu.memory_space<hbm>> -> memref<40x128xf32, #tpu.memory_space<hbm>>
      tpu.enqueue_dma source(%dma_start3A_239 : memref<40x128xf32, #tpu.memory_space<hbm>>) target(%arg13 : memref<40x128xf32, #tpu.memory_space<vmem>>) target_semaphore(%arg19 : memref<!tpu.dma_semaphore, #tpu.memory_space<semaphore_mem>>)
      %add3A_240 = arith.constant 1 : i32
      %add3A_241 = arith.addi %mul3A_140, %add3A_240 : i32
      %dma_wait3A_242 = arith.constant 1 : i32
      %dma_wait3A_243 = arith.constant 0 : i32
      %dma_wait3A_244 = tpu.memref_slice %arg7[%dma_wait3A_242, %dma_wait3A_243] : memref<2x40xi32, #tpu.memory_space<vmem>> -> memref<1x40xi32, #tpu.memory_space<vmem>>
      %dma_wait3A_245 = tpu.memref_squeeze %dma_wait3A_244 : memref<1x40xi32, #tpu.memory_space<vmem>> -> memref<40xi32, #tpu.memory_space<vmem>>
      %dma_wait3A_246 = arith.constant 0 : i32
      %dma_wait3A_247 = arith.constant 0 : i32
      %dma_wait3A_248 = tpu.memref_slice %arg2[%dma_wait3A_246, %dma_wait3A_247] : memref<10000x128xf32, #tpu.memory_space<hbm>> -> memref<10000x128xf32, #tpu.memory_space<hbm>>
      tpu.wait_indirect_dma semaphore(%arg18 : memref<!tpu.dma_semaphore, #tpu.memory_space<semaphore_mem>>) src(%dma_wait3A_248 : memref<10000x128xf32, #tpu.memory_space<hbm>>) dst(%arg12 : memref<40x128xf32, #tpu.memory_space<vmem>>)
      %mul3A_249 = arith.constant 10000 : i32
      %mul3A_250 = arith.muli %add3A, %mul3A_249 : i32
      %mul3A_251 = arith.constant 40 : i32
      %mul3A_252 = arith.muli %add3A_241, %mul3A_251 : i32
      %add3A_253 = arith.addi %mul3A_250, %mul3A_252 : i32
      %dma_wait3A_254 = arith.constant 0 : i32
      %dma_wait3A_255 = tpu.memref_slice %arg3[%add3A_253, %dma_wait3A_254] : memref<320000x128xf32, #tpu.memory_space<hbm>> -> memref<40x128xf32, #tpu.memory_space<hbm>>
      %dma_wait3A_256 = arith.constant 0 : i32
      %dma_wait3A_257 = tpu.memref_slice %arg3[%add3A_253, %dma_wait3A_256] : memref<320000x128xf32, #tpu.memory_space<hbm>> -> memref<40x128xf32, #tpu.memory_space<hbm>>
      tpu.wait_dma2 semaphore(%arg20 : memref<!tpu.dma_semaphore, #tpu.memory_space<semaphore_mem>>) src(%dma_wait3A_257 : memref<40x128xf32, #tpu.memory_space<hbm>>) dst(%arg14 : memref<40x128xf32, #tpu.memory_space<vmem>>)
      %scan3A_258 = arith.constant 0 : i32
      %scan3A_259 = arith.constant 0 : i32
      %scan3A_260 = arith.constant 40 : i32
      %scan3A_261 = arith.addi %scan3A_259, %scan3A_260 : i32
      %scan3A_262 = arith.constant 1 : i32
      scf.for %scan3A_391 = %scan3A_259 to %scan3A_261 step %scan3A_262  : i32 {
        %get3A = arith.index_cast %scan3A_391 : i32 to index
        %get3A_392 = arith.constant 0 : index
        %get3A_393 = tpu.vector_load %arg12[%get3A, %get3A_392] {strides = array<i32>} : memref<40x128xf32, #tpu.memory_space<vmem>>, vector<1x16xf32>,
        %get3A_394 = vector.shape_cast %get3A_393 : vector<1x16xf32> to vector<16xf32>
        %get3A_395 = arith.index_cast %scan3A_391 : i32 to index
        %get3A_396 = arith.constant 0 : index
        %get3A_397 = tpu.vector_load %arg14[%get3A_395, %get3A_396] {strides = array<i32>} : memref<40x128xf32, #tpu.memory_space<vmem>>, vector<1x16xf32>,
        %get3A_398 = vector.shape_cast %get3A_397 : vector<1x16xf32> to vector<16xf32>
        %add3A_399 = arith.addf %get3A_394, %get3A_398 : vector<16xf32>
        %max3A = arith.constant 0.000000e+00 : f32
        %max3A_400 = vector.broadcast %max3A : f32 to vector<16xf32>
        %max3A_401 = arith.maximumf %add3A_399, %max3A_400 : vector<16xf32>
        %swap3A = arith.index_cast %scan3A_391 : i32 to index
        %swap3A_402 = arith.constant 0 : index
        %swap3A_403 = tpu.vector_load %arg14[%swap3A, %swap3A_402] {strides = array<i32>} : memref<40x128xf32, #tpu.memory_space<vmem>>, vector<1x16xf32>,
        %swap3A_404 = vector.shape_cast %swap3A_403 : vector<1x16xf32> to vector<16xf32>
        %swap3A_405 = vector.shape_cast %max3A_401 : vector<16xf32> to vector<1x16xf32>
        tpu.vector_store %arg14[%swap3A, %swap3A_402], %swap3A_405 {strides = array<i32>} : memref<40x128xf32, #tpu.memory_space<vmem>>, vector<1x16xf32>,
        %get3A_406 = arith.index_cast %scan3A_391 : i32 to index
        %get3A_407 = arith.constant 16 : index
        %get3A_408 = tpu.vector_load %arg12[%get3A_406, %get3A_407] {strides = array<i32>} : memref<40x128xf32, #tpu.memory_space<vmem>>, vector<1x16xf32>,
        %get3A_409 = vector.shape_cast %get3A_408 : vector<1x16xf32> to vector<16xf32>
        %get3A_410 = arith.index_cast %scan3A_391 : i32 to index
        %get3A_411 = arith.constant 16 : index
        %get3A_412 = tpu.vector_load %arg14[%get3A_410, %get3A_411] {strides = array<i32>} : memref<40x128xf32, #tpu.memory_space<vmem>>, vector<1x16xf32>,
        %get3A_413 = vector.shape_cast %get3A_412 : vector<1x16xf32> to vector<16xf32>
        %add3A_414 = arith.addf %get3A_409, %get3A_413 : vector<16xf32>
        %max3A_415 = arith.constant 0.000000e+00 : f32
        %max3A_416 = vector.broadcast %max3A_415 : f32 to vector<16xf32>
        %max3A_417 = arith.maximumf %add3A_414, %max3A_416 : vector<16xf32>
        %swap3A_418 = arith.index_cast %scan3A_391 : i32 to index
        %swap3A_419 = arith.constant 16 : index
        %swap3A_420 = tpu.vector_load %arg14[%swap3A_418, %swap3A_419] {strides = array<i32>} : memref<40x128xf32, #tpu.memory_space<vmem>>, vector<1x16xf32>,
        %swap3A_421 = vector.shape_cast %swap3A_420 : vector<1x16xf32> to vector<16xf32>
        %swap3A_422 = vector.shape_cast %max3A_417 : vector<16xf32> to vector<1x16xf32>
        tpu.vector_store %arg14[%swap3A_418, %swap3A_419], %swap3A_422 {strides = array<i32>} : memref<40x128xf32, #tpu.memory_space<vmem>>, vector<1x16xf32>,
        %get3A_423 = arith.index_cast %scan3A_391 : i32 to index
        %get3A_424 = arith.constant 32 : index
        %get3A_425 = tpu.vector_load %arg12[%get3A_423, %get3A_424] {strides = array<i32>} : memref<40x128xf32, #tpu.memory_space<vmem>>, vector<1x16xf32>,
        %get3A_426 = vector.shape_cast %get3A_425 : vector<1x16xf32> to vector<16xf32>
        %get3A_427 = arith.index_cast %scan3A_391 : i32 to index
        %get3A_428 = arith.constant 32 : index
        %get3A_429 = tpu.vector_load %arg14[%get3A_427, %get3A_428] {strides = array<i32>} : memref<40x128xf32, #tpu.memory_space<vmem>>, vector<1x16xf32>,
        %get3A_430 = vector.shape_cast %get3A_429 : vector<1x16xf32> to vector<16xf32>
        %add3A_431 = arith.addf %get3A_426, %get3A_430 : vector<16xf32>
        %max3A_432 = arith.constant 0.000000e+00 : f32
        %max3A_433 = vector.broadcast %max3A_432 : f32 to vector<16xf32>
        %max3A_434 = arith.maximumf %add3A_431, %max3A_433 : vector<16xf32>
        %swap3A_435 = arith.index_cast %scan3A_391 : i32 to index
        %swap3A_436 = arith.constant 32 : index
        %swap3A_437 = tpu.vector_load %arg14[%swap3A_435, %swap3A_436] {strides = array<i32>} : memref<40x128xf32, #tpu.memory_space<vmem>>, vector<1x16xf32>,
        %swap3A_438 = vector.shape_cast %swap3A_437 : vector<1x16xf32> to vector<16xf32>
        %swap3A_439 = vector.shape_cast %max3A_434 : vector<16xf32> to vector<1x16xf32>
        tpu.vector_store %arg14[%swap3A_435, %swap3A_436], %swap3A_439 {strides = array<i32>} : memref<40x128xf32, #tpu.memory_space<vmem>>, vector<1x16xf32>,
        %get3A_440 = arith.index_cast %scan3A_391 : i32 to index
        %get3A_441 = arith.constant 48 : index
        %get3A_442 = tpu.vector_load %arg12[%get3A_440, %get3A_441] {strides = array<i32>} : memref<40x128xf32, #tpu.memory_space<vmem>>, vector<1x16xf32>,
        %get3A_443 = vector.shape_cast %get3A_442 : vector<1x16xf32> to vector<16xf32>
        %get3A_444 = arith.index_cast %scan3A_391 : i32 to index
        %get3A_445 = arith.constant 48 : index
        %get3A_446 = tpu.vector_load %arg14[%get3A_444, %get3A_445] {strides = array<i32>} : memref<40x128xf32, #tpu.memory_space<vmem>>, vector<1x16xf32>,
        %get3A_447 = vector.shape_cast %get3A_446 : vector<1x16xf32> to vector<16xf32>
        %add3A_448 = arith.addf %get3A_443, %get3A_447 : vector<16xf32>
        %max3A_449 = arith.constant 0.000000e+00 : f32
        %max3A_450 = vector.broadcast %max3A_449 : f32 to vector<16xf32>
        %max3A_451 = arith.maximumf %add3A_448, %max3A_450 : vector<16xf32>
        %swap3A_452 = arith.index_cast %scan3A_391 : i32 to index
        %swap3A_453 = arith.constant 48 : index
        %swap3A_454 = tpu.vector_load %arg14[%swap3A_452, %swap3A_453] {strides = array<i32>} : memref<40x128xf32, #tpu.memory_space<vmem>>, vector<1x16xf32>,
        %swap3A_455 = vector.shape_cast %swap3A_454 : vector<1x16xf32> to vector<16xf32>
        %swap3A_456 = vector.shape_cast %max3A_451 : vector<16xf32> to vector<1x16xf32>
        tpu.vector_store %arg14[%swap3A_452, %swap3A_453], %swap3A_456 {strides = array<i32>} : memref<40x128xf32, #tpu.memory_space<vmem>>, vector<1x16xf32>,
        %get3A_457 = arith.index_cast %scan3A_391 : i32 to index
        %get3A_458 = arith.constant 64 : index
        %get3A_459 = tpu.vector_load %arg12[%get3A_457, %get3A_458] {strides = array<i32>} : memref<40x128xf32, #tpu.memory_space<vmem>>, vector<1x16xf32>,
        %get3A_460 = vector.shape_cast %get3A_459 : vector<1x16xf32> to vector<16xf32>
        %get3A_461 = arith.index_cast %scan3A_391 : i32 to index
        %get3A_462 = arith.constant 64 : index
        %get3A_463 = tpu.vector_load %arg14[%get3A_461, %get3A_462] {strides = array<i32>} : memref<40x128xf32, #tpu.memory_space<vmem>>, vector<1x16xf32>,
        %get3A_464 = vector.shape_cast %get3A_463 : vector<1x16xf32> to vector<16xf32>
        %add3A_465 = arith.addf %get3A_460, %get3A_464 : vector<16xf32>
        %max3A_466 = arith.constant 0.000000e+00 : f32
        %max3A_467 = vector.broadcast %max3A_466 : f32 to vector<16xf32>
        %max3A_468 = arith.maximumf %add3A_465, %max3A_467 : vector<16xf32>
        %swap3A_469 = arith.index_cast %scan3A_391 : i32 to index
        %swap3A_470 = arith.constant 64 : index
        %swap3A_471 = tpu.vector_load %arg14[%swap3A_469, %swap3A_470] {strides = array<i32>} : memref<40x128xf32, #tpu.memory_space<vmem>>, vector<1x16xf32>,
        %swap3A_472 = vector.shape_cast %swap3A_471 : vector<1x16xf32> to vector<16xf32>
        %swap3A_473 = vector.shape_cast %max3A_468 : vector<16xf32> to vector<1x16xf32>
        tpu.vector_store %arg14[%swap3A_469, %swap3A_470], %swap3A_473 {strides = array<i32>} : memref<40x128xf32, #tpu.memory_space<vmem>>, vector<1x16xf32>,
        %get3A_474 = arith.index_cast %scan3A_391 : i32 to index
        %get3A_475 = arith.constant 80 : index
        %get3A_476 = tpu.vector_load %arg12[%get3A_474, %get3A_475] {strides = array<i32>} : memref<40x128xf32, #tpu.memory_space<vmem>>, vector<1x16xf32>,
        %get3A_477 = vector.shape_cast %get3A_476 : vector<1x16xf32> to vector<16xf32>
        %get3A_478 = arith.index_cast %scan3A_391 : i32 to index
        %get3A_479 = arith.constant 80 : index
        %get3A_480 = tpu.vector_load %arg14[%get3A_478, %get3A_479] {strides = array<i32>} : memref<40x128xf32, #tpu.memory_space<vmem>>, vector<1x16xf32>,
        %get3A_481 = vector.shape_cast %get3A_480 : vector<1x16xf32> to vector<16xf32>
        %add3A_482 = arith.addf %get3A_477, %get3A_481 : vector<16xf32>
        %max3A_483 = arith.constant 0.000000e+00 : f32
        %max3A_484 = vector.broadcast %max3A_483 : f32 to vector<16xf32>
        %max3A_485 = arith.maximumf %add3A_482, %max3A_484 : vector<16xf32>
        %swap3A_486 = arith.index_cast %scan3A_391 : i32 to index
        %swap3A_487 = arith.constant 80 : index
        %swap3A_488 = tpu.vector_load %arg14[%swap3A_486, %swap3A_487] {strides = array<i32>} : memref<40x128xf32, #tpu.memory_space<vmem>>, vector<1x16xf32>,
        %swap3A_489 = vector.shape_cast %swap3A_488 : vector<1x16xf32> to vector<16xf32>
        %swap3A_490 = vector.shape_cast %max3A_485 : vector<16xf32> to vector<1x16xf32>
        tpu.vector_store %arg14[%swap3A_486, %swap3A_487], %swap3A_490 {strides = array<i32>} : memref<40x128xf32, #tpu.memory_space<vmem>>, vector<1x16xf32>,
        %get3A_491 = arith.index_cast %scan3A_391 : i32 to index
        %get3A_492 = arith.constant 96 : index
        %get3A_493 = tpu.vector_load %arg12[%get3A_491, %get3A_492] {strides = array<i32>} : memref<40x128xf32, #tpu.memory_space<vmem>>, vector<1x16xf32>,
        %get3A_494 = vector.shape_cast %get3A_493 : vector<1x16xf32> to vector<16xf32>
        %get3A_495 = arith.index_cast %scan3A_391 : i32 to index
        %get3A_496 = arith.constant 96 : index
        %get3A_497 = tpu.vector_load %arg14[%get3A_495, %get3A_496] {strides = array<i32>} : memref<40x128xf32, #tpu.memory_space<vmem>>, vector<1x16xf32>,
        %get3A_498 = vector.shape_cast %get3A_497 : vector<1x16xf32> to vector<16xf32>
        %add3A_499 = arith.addf %get3A_494, %get3A_498 : vector<16xf32>
        %max3A_500 = arith.constant 0.000000e+00 : f32
        %max3A_501 = vector.broadcast %max3A_500 : f32 to vector<16xf32>
        %max3A_502 = arith.maximumf %add3A_499, %max3A_501 : vector<16xf32>
        %swap3A_503 = arith.index_cast %scan3A_391 : i32 to index
        %swap3A_504 = arith.constant 96 : index
        %swap3A_505 = tpu.vector_load %arg14[%swap3A_503, %swap3A_504] {strides = array<i32>} : memref<40x128xf32, #tpu.memory_space<vmem>>, vector<1x16xf32>,
        %swap3A_506 = vector.shape_cast %swap3A_505 : vector<1x16xf32> to vector<16xf32>
        %swap3A_507 = vector.shape_cast %max3A_502 : vector<16xf32> to vector<1x16xf32>
        tpu.vector_store %arg14[%swap3A_503, %swap3A_504], %swap3A_507 {strides = array<i32>} : memref<40x128xf32, #tpu.memory_space<vmem>>, vector<1x16xf32>,
        %get3A_508 = arith.index_cast %scan3A_391 : i32 to index
        %get3A_509 = arith.constant 112 : index
        %get3A_510 = tpu.vector_load %arg12[%get3A_508, %get3A_509] {strides = array<i32>} : memref<40x128xf32, #tpu.memory_space<vmem>>, vector<1x16xf32>,
        %get3A_511 = vector.shape_cast %get3A_510 : vector<1x16xf32> to vector<16xf32>
        %get3A_512 = arith.index_cast %scan3A_391 : i32 to index
        %get3A_513 = arith.constant 112 : index
        %get3A_514 = tpu.vector_load %arg14[%get3A_512, %get3A_513] {strides = array<i32>} : memref<40x128xf32, #tpu.memory_space<vmem>>, vector<1x16xf32>,
        %get3A_515 = vector.shape_cast %get3A_514 : vector<1x16xf32> to vector<16xf32>
        %add3A_516 = arith.addf %get3A_511, %get3A_515 : vector<16xf32>
        %max3A_517 = arith.constant 0.000000e+00 : f32
        %max3A_518 = vector.broadcast %max3A_517 : f32 to vector<16xf32>
        %max3A_519 = arith.maximumf %add3A_516, %max3A_518 : vector<16xf32>
        %swap3A_520 = arith.index_cast %scan3A_391 : i32 to index
        %swap3A_521 = arith.constant 112 : index
        %swap3A_522 = tpu.vector_load %arg14[%swap3A_520, %swap3A_521] {strides = array<i32>} : memref<40x128xf32, #tpu.memory_space<vmem>>, vector<1x16xf32>,
        %swap3A_523 = vector.shape_cast %swap3A_522 : vector<1x16xf32> to vector<16xf32>
        %swap3A_524 = vector.shape_cast %max3A_519 : vector<16xf32> to vector<1x16xf32>
        tpu.vector_store %arg14[%swap3A_520, %swap3A_521], %swap3A_524 {strides = array<i32>} : memref<40x128xf32, #tpu.memory_space<vmem>>, vector<1x16xf32>,
      }
      %scan3A_263 = arith.constant 40 : i32
      %run_scoped3A_264 = arith.constant 1 : i32
      "tpu.region"() ({
        %run_scoped3A_391 = tpu.sem_alloc : memref<!tpu.dma_semaphore, #tpu.memory_space<semaphore_mem>>
        %dma_start3A_392 = arith.constant 0 : i32
        %dma_start3A_393 = tpu.memref_slice %arg9[%run_scoped3A_264, %dma_start3A_392] : memref<2x40xi32, #tpu.memory_space<vmem>> -> memref<1x40xi32, #tpu.memory_space<vmem>>
        %dma_start3A_394 = tpu.memref_squeeze %dma_start3A_393 : memref<1x40xi32, #tpu.memory_space<vmem>> -> memref<40xi32, #tpu.memory_space<vmem>>
        %dma_start3A_395 = arith.constant 0 : i32
        %dma_start3A_396 = arith.constant 0 : i32
        %dma_start3A_397 = tpu.memref_slice %arg16[%dma_start3A_395, %dma_start3A_396] : memref<10240x128xf32, #tpu.memory_space<vmem_shared>> -> memref<10240x128xf32, #tpu.memory_space<vmem_shared>>
        tpu.enqueue_indirect_dma source(%arg14 : memref<40x128xf32, #tpu.memory_space<vmem>>) target(%dma_start3A_397 : memref<10240x128xf32, #tpu.memory_space<vmem_shared>>) offsets(%dma_start3A_394 : memref<40xi32, #tpu.memory_space<vmem>>) semaphore(%run_scoped3A_391 : memref<!tpu.dma_semaphore, #tpu.memory_space<semaphore_mem>>) {add = true}
        %dma_wait3A_398 = arith.constant 0 : i32
        %dma_wait3A_399 = tpu.memref_slice %arg9[%run_scoped3A_264, %dma_wait3A_398] : memref<2x40xi32, #tpu.memory_space<vmem>> -> memref<1x40xi32, #tpu.memory_space<vmem>>
        %dma_wait3A_400 = tpu.memref_squeeze %dma_wait3A_399 : memref<1x40xi32, #tpu.memory_space<vmem>> -> memref<40xi32, #tpu.memory_space<vmem>>
        %dma_wait3A_401 = arith.constant 0 : i32
        %dma_wait3A_402 = arith.constant 0 : i32
        %dma_wait3A_403 = tpu.memref_slice %arg16[%dma_wait3A_401, %dma_wait3A_402] : memref<10240x128xf32, #tpu.memory_space<vmem_shared>> -> memref<10240x128xf32, #tpu.memory_space<vmem_shared>>
        tpu.wait_indirect_dma semaphore(%run_scoped3A_391 : memref<!tpu.dma_semaphore, #tpu.memory_space<semaphore_mem>>) src(%arg14 : memref<40x128xf32, #tpu.memory_space<vmem>>) dst(%dma_wait3A_403 : memref<10240x128xf32, #tpu.memory_space<vmem_shared>>)
        tpu.yield
      }) : () -> ()
      %mul3A_265 = arith.constant 2 : i32
      %mul3A_266 = arith.muli %mul3A_265, %scan3A_138 : i32
      %add3A_267 = arith.constant 2 : i32
      %add3A_268 = arith.addi %mul3A_266, %add3A_267 : i32
      %dma_start3A_269 = arith.constant 0 : i32
      %dma_start3A_270 = arith.constant 0 : i32
      %dma_start3A_271 = tpu.memref_slice %arg4[%add3A, %add3A_268, %dma_start3A_269, %dma_start3A_270] : memref<32x125x2x40xi32, #tpu.memory_space<hbm>> -> memref<1x1x2x40xi32, #tpu.memory_space<hbm>>
      %dma_start3A_272 = tpu.memref_squeeze %dma_start3A_271 : memref<1x1x2x40xi32, #tpu.memory_space<hbm>> -> memref<2x40xi32, #tpu.memory_space<hbm>>
      %dma_start3A_273 = arith.constant 0 : i32
      %dma_start3A_274 = arith.constant 0 : i32
      %dma_start3A_275 = tpu.memref_slice %arg4[%add3A, %add3A_268, %dma_start3A_273, %dma_start3A_274] : memref<32x125x2x40xi32, #tpu.memory_space<hbm>> -> memref<1x1x2x40xi32, #tpu.memory_space<hbm>>
      %dma_start3A_276 = tpu.memref_squeeze %dma_start3A_275 : memref<1x1x2x40xi32, #tpu.memory_space<hbm>> -> memref<2x40xi32, #tpu.memory_space<hbm>>
      tpu.enqueue_dma source(%dma_start3A_276 : memref<2x40xi32, #tpu.memory_space<hbm>>) target(%arg7 : memref<2x40xi32, #tpu.memory_space<vmem>>) target_semaphore(%arg21 : memref<!tpu.dma_semaphore, #tpu.memory_space<semaphore_mem>>)
      %dma_start3A_277 = arith.constant 0 : i32
      %dma_start3A_278 = arith.constant 0 : i32
      %dma_start3A_279 = tpu.memref_slice %arg5[%add3A, %add3A_268, %dma_start3A_277, %dma_start3A_278] : memref<32x125x2x40xi32, #tpu.memory_space<hbm>> -> memref<1x1x2x40xi32, #tpu.memory_space<hbm>>
      %dma_start3A_280 = tpu.memref_squeeze %dma_start3A_279 : memref<1x1x2x40xi32, #tpu.memory_space<hbm>> -> memref<2x40xi32, #tpu.memory_space<hbm>>
      %dma_start3A_281 = arith.constant 0 : i32
      %dma_start3A_282 = arith.constant 0 : i32
      %dma_start3A_283 = tpu.memref_slice %arg5[%add3A, %add3A_268, %dma_start3A_281, %dma_start3A_282] : memref<32x125x2x40xi32, #tpu.memory_space<hbm>> -> memref<1x1x2x40xi32, #tpu.memory_space<hbm>>
      %dma_start3A_284 = tpu.memref_squeeze %dma_start3A_283 : memref<1x1x2x40xi32, #tpu.memory_space<hbm>> -> memref<2x40xi32, #tpu.memory_space<hbm>>
      tpu.enqueue_dma source(%dma_start3A_284 : memref<2x40xi32, #tpu.memory_space<hbm>>) target(%arg9 : memref<2x40xi32, #tpu.memory_space<vmem>>) target_semaphore(%arg21 : memref<!tpu.dma_semaphore, #tpu.memory_space<semaphore_mem>>)
      %add3A_285 = arith.constant 3 : i32
      %add3A_286 = arith.addi %mul3A_140, %add3A_285 : i32
      %dma_start3A_287 = arith.constant 1 : i32
      %dma_start3A_288 = arith.constant 0 : i32
      %dma_start3A_289 = tpu.memref_slice %arg8[%dma_start3A_287, %dma_start3A_288] : memref<2x40xi32, #tpu.memory_space<vmem>> -> memref<1x40xi32, #tpu.memory_space<vmem>>
      %dma_start3A_290 = tpu.memref_squeeze %dma_start3A_289 : memref<1x40xi32, #tpu.memory_space<vmem>> -> memref<40xi32, #tpu.memory_space<vmem>>
      %dma_start3A_291 = arith.constant 0 : i32
      %dma_start3A_292 = arith.constant 0 : i32
      %dma_start3A_293 = tpu.memref_slice %arg2[%dma_start3A_291, %dma_start3A_292] : memref<10000x128xf32, #tpu.memory_space<hbm>> -> memref<10000x128xf32, #tpu.memory_space<hbm>>
      tpu.enqueue_indirect_dma source(%dma_start3A_293 : memref<10000x128xf32, #tpu.memory_space<hbm>>) target(%arg12 : memref<40x128xf32, #tpu.memory_space<vmem>>) offsets(%dma_start3A_290 : memref<40xi32, #tpu.memory_space<vmem>>) semaphore(%arg18 : memref<!tpu.dma_semaphore, #tpu.memory_space<semaphore_mem>>)
      %mul3A_294 = arith.constant 10000 : i32
      %mul3A_295 = arith.muli %add3A, %mul3A_294 : i32
      %mul3A_296 = arith.constant 40 : i32
      %mul3A_297 = arith.muli %add3A_286, %mul3A_296 : i32
      %add3A_298 = arith.addi %mul3A_295, %mul3A_297 : i32
      %dma_start3A_299 = arith.constant 0 : i32
      %dma_start3A_300 = tpu.memref_slice %arg3[%add3A_298, %dma_start3A_299] : memref<320000x128xf32, #tpu.memory_space<hbm>> -> memref<40x128xf32, #tpu.memory_space<hbm>>
      %dma_start3A_301 = arith.constant 0 : i32
      %dma_start3A_302 = tpu.memref_slice %arg3[%add3A_298, %dma_start3A_301] : memref<320000x128xf32, #tpu.memory_space<hbm>> -> memref<40x128xf32, #tpu.memory_space<hbm>>
      tpu.enqueue_dma source(%dma_start3A_302 : memref<40x128xf32, #tpu.memory_space<hbm>>) target(%arg14 : memref<40x128xf32, #tpu.memory_space<vmem>>) target_semaphore(%arg20 : memref<!tpu.dma_semaphore, #tpu.memory_space<semaphore_mem>>)
      %add3A_303 = arith.constant 2 : i32
      %add3A_304 = arith.addi %mul3A_140, %add3A_303 : i32
      %dma_wait3A_305 = arith.constant 0 : i32
      %dma_wait3A_306 = arith.constant 0 : i32
      %dma_wait3A_307 = tpu.memref_slice %arg8[%dma_wait3A_305, %dma_wait3A_306] : memref<2x40xi32, #tpu.memory_space<vmem>> -> memref<1x40xi32, #tpu.memory_space<vmem>>
      %dma_wait3A_308 = tpu.memref_squeeze %dma_wait3A_307 : memref<1x40xi32, #tpu.memory_space<vmem>> -> memref<40xi32, #tpu.memory_space<vmem>>
      %dma_wait3A_309 = arith.constant 0 : i32
      %dma_wait3A_310 = arith.constant 0 : i32
      %dma_wait3A_311 = tpu.memref_slice %arg2[%dma_wait3A_309, %dma_wait3A_310] : memref<10000x128xf32, #tpu.memory_space<hbm>> -> memref<10000x128xf32, #tpu.memory_space<hbm>>
      tpu.wait_indirect_dma semaphore(%arg17 : memref<!tpu.dma_semaphore, #tpu.memory_space<semaphore_mem>>) src(%dma_wait3A_311 : memref<10000x128xf32, #tpu.memory_space<hbm>>) dst(%arg11 : memref<40x128xf32, #tpu.memory_space<vmem>>)
      %mul3A_312 = arith.constant 10000 : i32
      %mul3A_313 = arith.muli %add3A, %mul3A_312 : i32
      %mul3A_314 = arith.constant 40 : i32
      %mul3A_315 = arith.muli %add3A_304, %mul3A_314 : i32
      %add3A_316 = arith.addi %mul3A_313, %mul3A_315 : i32
      %dma_wait3A_317 = arith.constant 0 : i32
      %dma_wait3A_318 = tpu.memref_slice %arg3[%add3A_316, %dma_wait3A_317] : memref<320000x128xf32, #tpu.memory_space<hbm>> -> memref<40x128xf32, #tpu.memory_space<hbm>>
      %dma_wait3A_319 = arith.constant 0 : i32
      %dma_wait3A_320 = tpu.memref_slice %arg3[%add3A_316, %dma_wait3A_319] : memref<320000x128xf32, #tpu.memory_space<hbm>> -> memref<40x128xf32, #tpu.memory_space<hbm>>
      tpu.wait_dma2 semaphore(%arg19 : memref<!tpu.dma_semaphore, #tpu.memory_space<semaphore_mem>>) src(%dma_wait3A_320 : memref<40x128xf32, #tpu.memory_space<hbm>>) dst(%arg13 : memref<40x128xf32, #tpu.memory_space<vmem>>)
      %scan3A_321 = arith.constant 0 : i32
      %scan3A_322 = arith.constant 0 : i32
      %scan3A_323 = arith.constant 40 : i32
      %scan3A_324 = arith.addi %scan3A_322, %scan3A_323 : i32
      %scan3A_325 = arith.constant 1 : i32
      scf.for %scan3A_391 = %scan3A_322 to %scan3A_324 step %scan3A_325  : i32 {
        %get3A = arith.index_cast %scan3A_391 : i32 to index
        %get3A_392 = arith.constant 0 : index
        %get3A_393 = tpu.vector_load %arg11[%get3A, %get3A_392] {strides = array<i32>} : memref<40x128xf32, #tpu.memory_space<vmem>>, vector<1x16xf32>,
        %get3A_394 = vector.shape_cast %get3A_393 : vector<1x16xf32> to vector<16xf32>
        %get3A_395 = arith.index_cast %scan3A_391 : i32 to index
        %get3A_396 = arith.constant 0 : index
        %get3A_397 = tpu.vector_load %arg13[%get3A_395, %get3A_396] {strides = array<i32>} : memref<40x128xf32, #tpu.memory_space<vmem>>, vector<1x16xf32>,
        %get3A_398 = vector.shape_cast %get3A_397 : vector<1x16xf32> to vector<16xf32>
        %add3A_399 = arith.addf %get3A_394, %get3A_398 : vector<16xf32>
        %max3A = arith.constant 0.000000e+00 : f32
        %max3A_400 = vector.broadcast %max3A : f32 to vector<16xf32>
        %max3A_401 = arith.maximumf %add3A_399, %max3A_400 : vector<16xf32>
        %swap3A = arith.index_cast %scan3A_391 : i32 to index
        %swap3A_402 = arith.constant 0 : index
        %swap3A_403 = tpu.vector_load %arg13[%swap3A, %swap3A_402] {strides = array<i32>} : memref<40x128xf32, #tpu.memory_space<vmem>>, vector<1x16xf32>,
        %swap3A_404 = vector.shape_cast %swap3A_403 : vector<1x16xf32> to vector<16xf32>
        %swap3A_405 = vector.shape_cast %max3A_401 : vector<16xf32> to vector<1x16xf32>
        tpu.vector_store %arg13[%swap3A, %swap3A_402], %swap3A_405 {strides = array<i32>} : memref<40x128xf32, #tpu.memory_space<vmem>>, vector<1x16xf32>,
        %get3A_406 = arith.index_cast %scan3A_391 : i32 to index
        %get3A_407 = arith.constant 16 : index
        %get3A_408 = tpu.vector_load %arg11[%get3A_406, %get3A_407] {strides = array<i32>} : memref<40x128xf32, #tpu.memory_space<vmem>>, vector<1x16xf32>,
        %get3A_409 = vector.shape_cast %get3A_408 : vector<1x16xf32> to vector<16xf32>
        %get3A_410 = arith.index_cast %scan3A_391 : i32 to index
        %get3A_411 = arith.constant 16 : index
        %get3A_412 = tpu.vector_load %arg13[%get3A_410, %get3A_411] {strides = array<i32>} : memref<40x128xf32, #tpu.memory_space<vmem>>, vector<1x16xf32>,
        %get3A_413 = vector.shape_cast %get3A_412 : vector<1x16xf32> to vector<16xf32>
        %add3A_414 = arith.addf %get3A_409, %get3A_413 : vector<16xf32>
        %max3A_415 = arith.constant 0.000000e+00 : f32
        %max3A_416 = vector.broadcast %max3A_415 : f32 to vector<16xf32>
        %max3A_417 = arith.maximumf %add3A_414, %max3A_416 : vector<16xf32>
        %swap3A_418 = arith.index_cast %scan3A_391 : i32 to index
        %swap3A_419 = arith.constant 16 : index
        %swap3A_420 = tpu.vector_load %arg13[%swap3A_418, %swap3A_419] {strides = array<i32>} : memref<40x128xf32, #tpu.memory_space<vmem>>, vector<1x16xf32>,
        %swap3A_421 = vector.shape_cast %swap3A_420 : vector<1x16xf32> to vector<16xf32>
        %swap3A_422 = vector.shape_cast %max3A_417 : vector<16xf32> to vector<1x16xf32>
        tpu.vector_store %arg13[%swap3A_418, %swap3A_419], %swap3A_422 {strides = array<i32>} : memref<40x128xf32, #tpu.memory_space<vmem>>, vector<1x16xf32>,
        %get3A_423 = arith.index_cast %scan3A_391 : i32 to index
        %get3A_424 = arith.constant 32 : index
        %get3A_425 = tpu.vector_load %arg11[%get3A_423, %get3A_424] {strides = array<i32>} : memref<40x128xf32, #tpu.memory_space<vmem>>, vector<1x16xf32>,
        %get3A_426 = vector.shape_cast %get3A_425 : vector<1x16xf32> to vector<16xf32>
        %get3A_427 = arith.index_cast %scan3A_391 : i32 to index
        %get3A_428 = arith.constant 32 : index
        %get3A_429 = tpu.vector_load %arg13[%get3A_427, %get3A_428] {strides = array<i32>} : memref<40x128xf32, #tpu.memory_space<vmem>>, vector<1x16xf32>,
        %get3A_430 = vector.shape_cast %get3A_429 : vector<1x16xf32> to vector<16xf32>
        %add3A_431 = arith.addf %get3A_426, %get3A_430 : vector<16xf32>
        %max3A_432 = arith.constant 0.000000e+00 : f32
        %max3A_433 = vector.broadcast %max3A_432 : f32 to vector<16xf32>
        %max3A_434 = arith.maximumf %add3A_431, %max3A_433 : vector<16xf32>
        %swap3A_435 = arith.index_cast %scan3A_391 : i32 to index
        %swap3A_436 = arith.constant 32 : index
        %swap3A_437 = tpu.vector_load %arg13[%swap3A_435, %swap3A_436] {strides = array<i32>} : memref<40x128xf32, #tpu.memory_space<vmem>>, vector<1x16xf32>,
        %swap3A_438 = vector.shape_cast %swap3A_437 : vector<1x16xf32> to vector<16xf32>
        %swap3A_439 = vector.shape_cast %max3A_434 : vector<16xf32> to vector<1x16xf32>
        tpu.vector_store %arg13[%swap3A_435, %swap3A_436], %swap3A_439 {strides = array<i32>} : memref<40x128xf32, #tpu.memory_space<vmem>>, vector<1x16xf32>,
        %get3A_440 = arith.index_cast %scan3A_391 : i32 to index
        %get3A_441 = arith.constant 48 : index
        %get3A_442 = tpu.vector_load %arg11[%get3A_440, %get3A_441] {strides = array<i32>} : memref<40x128xf32, #tpu.memory_space<vmem>>, vector<1x16xf32>,
        %get3A_443 = vector.shape_cast %get3A_442 : vector<1x16xf32> to vector<16xf32>
        %get3A_444 = arith.index_cast %scan3A_391 : i32 to index
        %get3A_445 = arith.constant 48 : index
        %get3A_446 = tpu.vector_load %arg13[%get3A_444, %get3A_445] {strides = array<i32>} : memref<40x128xf32, #tpu.memory_space<vmem>>, vector<1x16xf32>,
        %get3A_447 = vector.shape_cast %get3A_446 : vector<1x16xf32> to vector<16xf32>
        %add3A_448 = arith.addf %get3A_443, %get3A_447 : vector<16xf32>
        %max3A_449 = arith.constant 0.000000e+00 : f32
        %max3A_450 = vector.broadcast %max3A_449 : f32 to vector<16xf32>
        %max3A_451 = arith.maximumf %add3A_448, %max3A_450 : vector<16xf32>
        %swap3A_452 = arith.index_cast %scan3A_391 : i32 to index
        %swap3A_453 = arith.constant 48 : index
        %swap3A_454 = tpu.vector_load %arg13[%swap3A_452, %swap3A_453] {strides = array<i32>} : memref<40x128xf32, #tpu.memory_space<vmem>>, vector<1x16xf32>,
        %swap3A_455 = vector.shape_cast %swap3A_454 : vector<1x16xf32> to vector<16xf32>
        %swap3A_456 = vector.shape_cast %max3A_451 : vector<16xf32> to vector<1x16xf32>
        tpu.vector_store %arg13[%swap3A_452, %swap3A_453], %swap3A_456 {strides = array<i32>} : memref<40x128xf32, #tpu.memory_space<vmem>>, vector<1x16xf32>,
        %get3A_457 = arith.index_cast %scan3A_391 : i32 to index
        %get3A_458 = arith.constant 64 : index
        %get3A_459 = tpu.vector_load %arg11[%get3A_457, %get3A_458] {strides = array<i32>} : memref<40x128xf32, #tpu.memory_space<vmem>>, vector<1x16xf32>,
        %get3A_460 = vector.shape_cast %get3A_459 : vector<1x16xf32> to vector<16xf32>
        %get3A_461 = arith.index_cast %scan3A_391 : i32 to index
        %get3A_462 = arith.constant 64 : index
        %get3A_463 = tpu.vector_load %arg13[%get3A_461, %get3A_462] {strides = array<i32>} : memref<40x128xf32, #tpu.memory_space<vmem>>, vector<1x16xf32>,
        %get3A_464 = vector.shape_cast %get3A_463 : vector<1x16xf32> to vector<16xf32>
        %add3A_465 = arith.addf %get3A_460, %get3A_464 : vector<16xf32>
        %max3A_466 = arith.constant 0.000000e+00 : f32
        %max3A_467 = vector.broadcast %max3A_466 : f32 to vector<16xf32>
        %max3A_468 = arith.maximumf %add3A_465, %max3A_467 : vector<16xf32>
        %swap3A_469 = arith.index_cast %scan3A_391 : i32 to index
        %swap3A_470 = arith.constant 64 : index
        %swap3A_471 = tpu.vector_load %arg13[%swap3A_469, %swap3A_470] {strides = array<i32>} : memref<40x128xf32, #tpu.memory_space<vmem>>, vector<1x16xf32>,
        %swap3A_472 = vector.shape_cast %swap3A_471 : vector<1x16xf32> to vector<16xf32>
        %swap3A_473 = vector.shape_cast %max3A_468 : vector<16xf32> to vector<1x16xf32>
        tpu.vector_store %arg13[%swap3A_469, %swap3A_470], %swap3A_473 {strides = array<i32>} : memref<40x128xf32, #tpu.memory_space<vmem>>, vector<1x16xf32>,
        %get3A_474 = arith.index_cast %scan3A_391 : i32 to index
        %get3A_475 = arith.constant 80 : index
        %get3A_476 = tpu.vector_load %arg11[%get3A_474, %get3A_475] {strides = array<i32>} : memref<40x128xf32, #tpu.memory_space<vmem>>, vector<1x16xf32>,
        %get3A_477 = vector.shape_cast %get3A_476 : vector<1x16xf32> to vector<16xf32>
        %get3A_478 = arith.index_cast %scan3A_391 : i32 to index
        %get3A_479 = arith.constant 80 : index
        %get3A_480 = tpu.vector_load %arg13[%get3A_478, %get3A_479] {strides = array<i32>} : memref<40x128xf32, #tpu.memory_space<vmem>>, vector<1x16xf32>,
        %get3A_481 = vector.shape_cast %get3A_480 : vector<1x16xf32> to vector<16xf32>
        %add3A_482 = arith.addf %get3A_477, %get3A_481 : vector<16xf32>
        %max3A_483 = arith.constant 0.000000e+00 : f32
        %max3A_484 = vector.broadcast %max3A_483 : f32 to vector<16xf32>
        %max3A_485 = arith.maximumf %add3A_482, %max3A_484 : vector<16xf32>
        %swap3A_486 = arith.index_cast %scan3A_391 : i32 to index
        %swap3A_487 = arith.constant 80 : index
        %swap3A_488 = tpu.vector_load %arg13[%swap3A_486, %swap3A_487] {strides = array<i32>} : memref<40x128xf32, #tpu.memory_space<vmem>>, vector<1x16xf32>,
        %swap3A_489 = vector.shape_cast %swap3A_488 : vector<1x16xf32> to vector<16xf32>
        %swap3A_490 = vector.shape_cast %max3A_485 : vector<16xf32> to vector<1x16xf32>
        tpu.vector_store %arg13[%swap3A_486, %swap3A_487], %swap3A_490 {strides = array<i32>} : memref<40x128xf32, #tpu.memory_space<vmem>>, vector<1x16xf32>,
        %get3A_491 = arith.index_cast %scan3A_391 : i32 to index
        %get3A_492 = arith.constant 96 : index
        %get3A_493 = tpu.vector_load %arg11[%get3A_491, %get3A_492] {strides = array<i32>} : memref<40x128xf32, #tpu.memory_space<vmem>>, vector<1x16xf32>,
        %get3A_494 = vector.shape_cast %get3A_493 : vector<1x16xf32> to vector<16xf32>
        %get3A_495 = arith.index_cast %scan3A_391 : i32 to index
        %get3A_496 = arith.constant 96 : index
        %get3A_497 = tpu.vector_load %arg13[%get3A_495, %get3A_496] {strides = array<i32>} : memref<40x128xf32, #tpu.memory_space<vmem>>, vector<1x16xf32>,
        %get3A_498 = vector.shape_cast %get3A_497 : vector<1x16xf32> to vector<16xf32>
        %add3A_499 = arith.addf %get3A_494, %get3A_498 : vector<16xf32>
        %max3A_500 = arith.constant 0.000000e+00 : f32
        %max3A_501 = vector.broadcast %max3A_500 : f32 to vector<16xf32>
        %max3A_502 = arith.maximumf %add3A_499, %max3A_501 : vector<16xf32>
        %swap3A_503 = arith.index_cast %scan3A_391 : i32 to index
        %swap3A_504 = arith.constant 96 : index
        %swap3A_505 = tpu.vector_load %arg13[%swap3A_503, %swap3A_504] {strides = array<i32>} : memref<40x128xf32, #tpu.memory_space<vmem>>, vector<1x16xf32>,
        %swap3A_506 = vector.shape_cast %swap3A_505 : vector<1x16xf32> to vector<16xf32>
        %swap3A_507 = vector.shape_cast %max3A_502 : vector<16xf32> to vector<1x16xf32>
        tpu.vector_store %arg13[%swap3A_503, %swap3A_504], %swap3A_507 {strides = array<i32>} : memref<40x128xf32, #tpu.memory_space<vmem>>, vector<1x16xf32>,
        %get3A_508 = arith.index_cast %scan3A_391 : i32 to index
        %get3A_509 = arith.constant 112 : index
        %get3A_510 = tpu.vector_load %arg11[%get3A_508, %get3A_509] {strides = array<i32>} : memref<40x128xf32, #tpu.memory_space<vmem>>, vector<1x16xf32>,
        %get3A_511 = vector.shape_cast %get3A_510 : vector<1x16xf32> to vector<16xf32>
        %get3A_512 = arith.index_cast %scan3A_391 : i32 to index
        %get3A_513 = arith.constant 112 : index
        %get3A_514 = tpu.vector_load %arg13[%get3A_512, %get3A_513] {strides = array<i32>} : memref<40x128xf32, #tpu.memory_space<vmem>>, vector<1x16xf32>,
        %get3A_515 = vector.shape_cast %get3A_514 : vector<1x16xf32> to vector<16xf32>
        %add3A_516 = arith.addf %get3A_511, %get3A_515 : vector<16xf32>
        %max3A_517 = arith.constant 0.000000e+00 : f32
        %max3A_518 = vector.broadcast %max3A_517 : f32 to vector<16xf32>
        %max3A_519 = arith.maximumf %add3A_516, %max3A_518 : vector<16xf32>
        %swap3A_520 = arith.index_cast %scan3A_391 : i32 to index
        %swap3A_521 = arith.constant 112 : index
        %swap3A_522 = tpu.vector_load %arg13[%swap3A_520, %swap3A_521] {strides = array<i32>} : memref<40x128xf32, #tpu.memory_space<vmem>>, vector<1x16xf32>,
        %swap3A_523 = vector.shape_cast %swap3A_522 : vector<1x16xf32> to vector<16xf32>
        %swap3A_524 = vector.shape_cast %max3A_519 : vector<16xf32> to vector<1x16xf32>
        tpu.vector_store %arg13[%swap3A_520, %swap3A_521], %swap3A_524 {strides = array<i32>} : memref<40x128xf32, #tpu.memory_space<vmem>>, vector<1x16xf32>,
      }
      %scan3A_326 = arith.constant 40 : i32
      %run_scoped3A_327 = arith.constant 0 : i32
      "tpu.region"() ({
        %run_scoped3A_391 = tpu.sem_alloc : memref<!tpu.dma_semaphore, #tpu.memory_space<semaphore_mem>>
        %dma_start3A_392 = arith.constant 0 : i32
        %dma_start3A_393 = tpu.memref_slice %arg10[%run_scoped3A_327, %dma_start3A_392] : memref<2x40xi32, #tpu.memory_space<vmem>> -> memref<1x40xi32, #tpu.memory_space<vmem>>
        %dma_start3A_394 = tpu.memref_squeeze %dma_start3A_393 : memref<1x40xi32, #tpu.memory_space<vmem>> -> memref<40xi32, #tpu.memory_space<vmem>>
        %dma_start3A_395 = arith.constant 0 : i32
        %dma_start3A_396 = arith.constant 0 : i32
        %dma_start3A_397 = tpu.memref_slice %arg16[%dma_start3A_395, %dma_start3A_396] : memref<10240x128xf32, #tpu.memory_space<vmem_shared>> -> memref<10240x128xf32, #tpu.memory_space<vmem_shared>>
        tpu.enqueue_indirect_dma source(%arg13 : memref<40x128xf32, #tpu.memory_space<vmem>>) target(%dma_start3A_397 : memref<10240x128xf32, #tpu.memory_space<vmem_shared>>) offsets(%dma_start3A_394 : memref<40xi32, #tpu.memory_space<vmem>>) semaphore(%run_scoped3A_391 : memref<!tpu.dma_semaphore, #tpu.memory_space<semaphore_mem>>) {add = true}
        %dma_wait3A_398 = arith.constant 0 : i32
        %dma_wait3A_399 = tpu.memref_slice %arg10[%run_scoped3A_327, %dma_wait3A_398] : memref<2x40xi32, #tpu.memory_space<vmem>> -> memref<1x40xi32, #tpu.memory_space<vmem>>
        %dma_wait3A_400 = tpu.memref_squeeze %dma_wait3A_399 : memref<1x40xi32, #tpu.memory_space<vmem>> -> memref<40xi32, #tpu.memory_space<vmem>>
        %dma_wait3A_401 = arith.constant 0 : i32
        %dma_wait3A_402 = arith.constant 0 : i32
        %dma_wait3A_403 = tpu.memref_slice %arg16[%dma_wait3A_401, %dma_wait3A_402] : memref<10240x128xf32, #tpu.memory_space<vmem_shared>> -> memref<10240x128xf32, #tpu.memory_space<vmem_shared>>
        tpu.wait_indirect_dma semaphore(%run_scoped3A_391 : memref<!tpu.dma_semaphore, #tpu.memory_space<semaphore_mem>>) src(%arg13 : memref<40x128xf32, #tpu.memory_space<vmem>>) dst(%dma_wait3A_403 : memref<10240x128xf32, #tpu.memory_space<vmem_shared>>)
        tpu.yield
      }) : () -> ()
      %mul3A_328 = arith.constant 2 : i32
      %mul3A_329 = arith.muli %mul3A_328, %scan3A_138 : i32
      %add3A_330 = arith.constant 2 : i32
      %add3A_331 = arith.addi %mul3A_329, %add3A_330 : i32
      %dma_wait3A_332 = arith.constant 0 : i32
      %dma_wait3A_333 = arith.constant 0 : i32
      %dma_wait3A_334 = tpu.memref_slice %arg4[%add3A, %add3A_331, %dma_wait3A_332, %dma_wait3A_333] : memref<32x125x2x40xi32, #tpu.memory_space<hbm>> -> memref<1x1x2x40xi32, #tpu.memory_space<hbm>>
      %dma_wait3A_335 = tpu.memref_squeeze %dma_wait3A_334 : memref<1x1x2x40xi32, #tpu.memory_space<hbm>> -> memref<2x40xi32, #tpu.memory_space<hbm>>
      %dma_wait3A_336 = arith.constant 0 : i32
      %dma_wait3A_337 = arith.constant 0 : i32
      %dma_wait3A_338 = tpu.memref_slice %arg4[%add3A, %add3A_331, %dma_wait3A_336, %dma_wait3A_337] : memref<32x125x2x40xi32, #tpu.memory_space<hbm>> -> memref<1x1x2x40xi32, #tpu.memory_space<hbm>>
      %dma_wait3A_339 = tpu.memref_squeeze %dma_wait3A_338 : memref<1x1x2x40xi32, #tpu.memory_space<hbm>> -> memref<2x40xi32, #tpu.memory_space<hbm>>
      tpu.wait_dma2 semaphore(%arg21 : memref<!tpu.dma_semaphore, #tpu.memory_space<semaphore_mem>>) src(%dma_wait3A_339 : memref<2x40xi32, #tpu.memory_space<hbm>>) dst(%arg7 : memref<2x40xi32, #tpu.memory_space<vmem>>)
      %dma_wait3A_340 = arith.constant 0 : i32
      %dma_wait3A_341 = arith.constant 0 : i32
      %dma_wait3A_342 = tpu.memref_slice %arg5[%add3A, %add3A_331, %dma_wait3A_340, %dma_wait3A_341] : memref<32x125x2x40xi32, #tpu.memory_space<hbm>> -> memref<1x1x2x40xi32, #tpu.memory_space<hbm>>
      %dma_wait3A_343 = tpu.memref_squeeze %dma_wait3A_342 : memref<1x1x2x40xi32, #tpu.memory_space<hbm>> -> memref<2x40xi32, #tpu.memory_space<hbm>>
      %dma_wait3A_344 = arith.constant 0 : i32
      %dma_wait3A_345 = arith.constant 0 : i32
      %dma_wait3A_346 = tpu.memref_slice %arg5[%add3A, %add3A_331, %dma_wait3A_344, %dma_wait3A_345] : memref<32x125x2x40xi32, #tpu.memory_space<hbm>> -> memref<1x1x2x40xi32, #tpu.memory_space<hbm>>
      %dma_wait3A_347 = tpu.memref_squeeze %dma_wait3A_346 : memref<1x1x2x40xi32, #tpu.memory_space<hbm>> -> memref<2x40xi32, #tpu.memory_space<hbm>>
      tpu.wait_dma2 semaphore(%arg21 : memref<!tpu.dma_semaphore, #tpu.memory_space<semaphore_mem>>) src(%dma_wait3A_347 : memref<2x40xi32, #tpu.memory_space<hbm>>) dst(%arg9 : memref<2x40xi32, #tpu.memory_space<vmem>>)
      %add3A_348 = arith.constant 4 : i32
      %add3A_349 = arith.addi %mul3A_140, %add3A_348 : i32
      %dma_start3A_350 = arith.constant 0 : i32
      %dma_start3A_351 = arith.constant 0 : i32
      %dma_start3A_352 = tpu.memref_slice %arg7[%dma_start3A_350, %dma_start3A_351] : memref<2x40xi32, #tpu.memory_space<vmem>> -> memref<1x40xi32, #tpu.memory_space<vmem>>
      %dma_start3A_353 = tpu.memref_squeeze %dma_start3A_352 : memref<1x40xi32, #tpu.memory_space<vmem>> -> memref<40xi32, #tpu.memory_space<vmem>>
      %dma_start3A_354 = arith.constant 0 : i32
      %dma_start3A_355 = arith.constant 0 : i32
      %dma_start3A_356 = tpu.memref_slice %arg2[%dma_start3A_354, %dma_start3A_355] : memref<10000x128xf32, #tpu.memory_space<hbm>> -> memref<10000x128xf32, #tpu.memory_space<hbm>>
      tpu.enqueue_indirect_dma source(%dma_start3A_356 : memref<10000x128xf32, #tpu.memory_space<hbm>>) target(%arg11 : memref<40x128xf32, #tpu.memory_space<vmem>>) offsets(%dma_start3A_353 : memref<40xi32, #tpu.memory_space<vmem>>) semaphore(%arg17 : memref<!tpu.dma_semaphore, #tpu.memory_space<semaphore_mem>>)
      %mul3A_357 = arith.constant 10000 : i32
      %mul3A_358 = arith.muli %add3A, %mul3A_357 : i32
      %mul3A_359 = arith.constant 40 : i32
      %mul3A_360 = arith.muli %add3A_349, %mul3A_359 : i32
      %add3A_361 = arith.addi %mul3A_358, %mul3A_360 : i32
      %dma_start3A_362 = arith.constant 0 : i32
      %dma_start3A_363 = tpu.memref_slice %arg3[%add3A_361, %dma_start3A_362] : memref<320000x128xf32, #tpu.memory_space<hbm>> -> memref<40x128xf32, #tpu.memory_space<hbm>>
      %dma_start3A_364 = arith.constant 0 : i32
      %dma_start3A_365 = tpu.memref_slice %arg3[%add3A_361, %dma_start3A_364] : memref<320000x128xf32, #tpu.memory_space<hbm>> -> memref<40x128xf32, #tpu.memory_space<hbm>>
      tpu.enqueue_dma source(%dma_start3A_365 : memref<40x128xf32, #tpu.memory_space<hbm>>) target(%arg13 : memref<40x128xf32, #tpu.memory_space<vmem>>) target_semaphore(%arg19 : memref<!tpu.dma_semaphore, #tpu.memory_space<semaphore_mem>>)
      %add3A_366 = arith.constant 3 : i32
      %add3A_367 = arith.addi %mul3A_140, %add3A_366 : i32
      %dma_wait3A_368 = arith.constant 1 : i32
      %dma_wait3A_369 = arith.constant 0 : i32
      %dma_wait3A_370 = tpu.memref_slice %arg8[%dma_wait3A_368, %dma_wait3A_369] : memref<2x40xi32, #tpu.memory_space<vmem>> -> memref<1x40xi32, #tpu.memory_space<vmem>>
      %dma_wait3A_371 = tpu.memref_squeeze %dma_wait3A_370 : memref<1x40xi32, #tpu.memory_space<vmem>> -> memref<40xi32, #tpu.memory_space<vmem>>
      %dma_wait3A_372 = arith.constant 0 : i32
      %dma_wait3A_373 = arith.constant 0 : i32
      %dma_wait3A_374 = tpu.memref_slice %arg2[%dma_wait3A_372, %dma_wait3A_373] : memref<10000x128xf32, #tpu.memory_space<hbm>> -> memref<10000x128xf32, #tpu.memory_space<hbm>>
      tpu.wait_indirect_dma semaphore(%arg18 : memref<!tpu.dma_semaphore, #tpu.memory_space<semaphore_mem>>) src(%dma_wait3A_374 : memref<10000x128xf32, #tpu.memory_space<hbm>>) dst(%arg12 : memref<40x128xf32, #tpu.memory_space<vmem>>)
      %mul3A_375 = arith.constant 10000 : i32
      %mul3A_376 = arith.muli %add3A, %mul3A_375 : i32
      %mul3A_377 = arith.constant 40 : i32
      %mul3A_378 = arith.muli %add3A_367, %mul3A_377 : i32
      %add3A_379 = arith.addi %mul3A_376, %mul3A_378 : i32
      %dma_wait3A_380 = arith.constant 0 : i32
      %dma_wait3A_381 = tpu.memref_slice %arg3[%add3A_379, %dma_wait3A_380] : memref<320000x128xf32, #tpu.memory_space<hbm>> -> memref<40x128xf32, #tpu.memory_space<hbm>>
      %dma_wait3A_382 = arith.constant 0 : i32
      %dma_wait3A_383 = tpu.memref_slice %arg3[%add3A_379, %dma_wait3A_382] : memref<320000x128xf32, #tpu.memory_space<hbm>> -> memref<40x128xf32, #tpu.memory_space<hbm>>
      tpu.wait_dma2 semaphore(%arg20 : memref<!tpu.dma_semaphore, #tpu.memory_space<semaphore_mem>>) src(%dma_wait3A_383 : memref<40x128xf32, #tpu.memory_space<hbm>>) dst(%arg14 : memref<40x128xf32, #tpu.memory_space<vmem>>)
      %scan3A_384 = arith.constant 0 : i32
      %scan3A_385 = arith.constant 0 : i32
      %scan3A_386 = arith.constant 40 : i32
      %scan3A_387 = arith.addi %scan3A_385, %scan3A_386 : i32
      %scan3A_388 = arith.constant 1 : i32
      scf.for %scan3A_391 = %scan3A_385 to %scan3A_387 step %scan3A_388  : i32 {
        %get3A = arith.index_cast %scan3A_391 : i32 to index
        %get3A_392 = arith.constant 0 : index
        %get3A_393 = tpu.vector_load %arg12[%get3A, %get3A_392] {strides = array<i32>} : memref<40x128xf32, #tpu.memory_space<vmem>>, vector<1x16xf32>,
        %get3A_394 = vector.shape_cast %get3A_393 : vector<1x16xf32> to vector<16xf32>
        %get3A_395 = arith.index_cast %scan3A_391 : i32 to index
        %get3A_396 = arith.constant 0 : index
        %get3A_397 = tpu.vector_load %arg14[%get3A_395, %get3A_396] {strides = array<i32>} : memref<40x128xf32, #tpu.memory_space<vmem>>, vector<1x16xf32>,
        %get3A_398 = vector.shape_cast %get3A_397 : vector<1x16xf32> to vector<16xf32>
        %add3A_399 = arith.addf %get3A_394, %get3A_398 : vector<16xf32>
        %max3A = arith.constant 0.000000e+00 : f32
        %max3A_400 = vector.broadcast %max3A : f32 to vector<16xf32>
        %max3A_401 = arith.maximumf %add3A_399, %max3A_400 : vector<16xf32>
        %swap3A = arith.index_cast %scan3A_391 : i32 to index
        %swap3A_402 = arith.constant 0 : index
        %swap3A_403 = tpu.vector_load %arg14[%swap3A, %swap3A_402] {strides = array<i32>} : memref<40x128xf32, #tpu.memory_space<vmem>>, vector<1x16xf32>,
        %swap3A_404 = vector.shape_cast %swap3A_403 : vector<1x16xf32> to vector<16xf32>
        %swap3A_405 = vector.shape_cast %max3A_401 : vector<16xf32> to vector<1x16xf32>
        tpu.vector_store %arg14[%swap3A, %swap3A_402], %swap3A_405 {strides = array<i32>} : memref<40x128xf32, #tpu.memory_space<vmem>>, vector<1x16xf32>,
        %get3A_406 = arith.index_cast %scan3A_391 : i32 to index
        %get3A_407 = arith.constant 16 : index
        %get3A_408 = tpu.vector_load %arg12[%get3A_406, %get3A_407] {strides = array<i32>} : memref<40x128xf32, #tpu.memory_space<vmem>>, vector<1x16xf32>,
        %get3A_409 = vector.shape_cast %get3A_408 : vector<1x16xf32> to vector<16xf32>
        %get3A_410 = arith.index_cast %scan3A_391 : i32 to index
        %get3A_411 = arith.constant 16 : index
        %get3A_412 = tpu.vector_load %arg14[%get3A_410, %get3A_411] {strides = array<i32>} : memref<40x128xf32, #tpu.memory_space<vmem>>, vector<1x16xf32>,
        %get3A_413 = vector.shape_cast %get3A_412 : vector<1x16xf32> to vector<16xf32>
        %add3A_414 = arith.addf %get3A_409, %get3A_413 : vector<16xf32>
        %max3A_415 = arith.constant 0.000000e+00 : f32
        %max3A_416 = vector.broadcast %max3A_415 : f32 to vector<16xf32>
        %max3A_417 = arith.maximumf %add3A_414, %max3A_416 : vector<16xf32>
        %swap3A_418 = arith.index_cast %scan3A_391 : i32 to index
        %swap3A_419 = arith.constant 16 : index
        %swap3A_420 = tpu.vector_load %arg14[%swap3A_418, %swap3A_419] {strides = array<i32>} : memref<40x128xf32, #tpu.memory_space<vmem>>, vector<1x16xf32>,
        %swap3A_421 = vector.shape_cast %swap3A_420 : vector<1x16xf32> to vector<16xf32>
        %swap3A_422 = vector.shape_cast %max3A_417 : vector<16xf32> to vector<1x16xf32>
        tpu.vector_store %arg14[%swap3A_418, %swap3A_419], %swap3A_422 {strides = array<i32>} : memref<40x128xf32, #tpu.memory_space<vmem>>, vector<1x16xf32>,
        %get3A_423 = arith.index_cast %scan3A_391 : i32 to index
        %get3A_424 = arith.constant 32 : index
        %get3A_425 = tpu.vector_load %arg12[%get3A_423, %get3A_424] {strides = array<i32>} : memref<40x128xf32, #tpu.memory_space<vmem>>, vector<1x16xf32>,
        %get3A_426 = vector.shape_cast %get3A_425 : vector<1x16xf32> to vector<16xf32>
        %get3A_427 = arith.index_cast %scan3A_391 : i32 to index
        %get3A_428 = arith.constant 32 : index
        %get3A_429 = tpu.vector_load %arg14[%get3A_427, %get3A_428] {strides = array<i32>} : memref<40x128xf32, #tpu.memory_space<vmem>>, vector<1x16xf32>,
        %get3A_430 = vector.shape_cast %get3A_429 : vector<1x16xf32> to vector<16xf32>
        %add3A_431 = arith.addf %get3A_426, %get3A_430 : vector<16xf32>
        %max3A_432 = arith.constant 0.000000e+00 : f32
        %max3A_433 = vector.broadcast %max3A_432 : f32 to vector<16xf32>
        %max3A_434 = arith.maximumf %add3A_431, %max3A_433 : vector<16xf32>
        %swap3A_435 = arith.index_cast %scan3A_391 : i32 to index
        %swap3A_436 = arith.constant 32 : index
        %swap3A_437 = tpu.vector_load %arg14[%swap3A_435, %swap3A_436] {strides = array<i32>} : memref<40x128xf32, #tpu.memory_space<vmem>>, vector<1x16xf32>,
        %swap3A_438 = vector.shape_cast %swap3A_437 : vector<1x16xf32> to vector<16xf32>
        %swap3A_439 = vector.shape_cast %max3A_434 : vector<16xf32> to vector<1x16xf32>
        tpu.vector_store %arg14[%swap3A_435, %swap3A_436], %swap3A_439 {strides = array<i32>} : memref<40x128xf32, #tpu.memory_space<vmem>>, vector<1x16xf32>,
        %get3A_440 = arith.index_cast %scan3A_391 : i32 to index
        %get3A_441 = arith.constant 48 : index
        %get3A_442 = tpu.vector_load %arg12[%get3A_440, %get3A_441] {strides = array<i32>} : memref<40x128xf32, #tpu.memory_space<vmem>>, vector<1x16xf32>,
        %get3A_443 = vector.shape_cast %get3A_442 : vector<1x16xf32> to vector<16xf32>
        %get3A_444 = arith.index_cast %scan3A_391 : i32 to index
        %get3A_445 = arith.constant 48 : index
        %get3A_446 = tpu.vector_load %arg14[%get3A_444, %get3A_445] {strides = array<i32>} : memref<40x128xf32, #tpu.memory_space<vmem>>, vector<1x16xf32>,
        %get3A_447 = vector.shape_cast %get3A_446 : vector<1x16xf32> to vector<16xf32>
        %add3A_448 = arith.addf %get3A_443, %get3A_447 : vector<16xf32>
        %max3A_449 = arith.constant 0.000000e+00 : f32
        %max3A_450 = vector.broadcast %max3A_449 : f32 to vector<16xf32>
        %max3A_451 = arith.maximumf %add3A_448, %max3A_450 : vector<16xf32>
        %swap3A_452 = arith.index_cast %scan3A_391 : i32 to index
        %swap3A_453 = arith.constant 48 : index
        %swap3A_454 = tpu.vector_load %arg14[%swap3A_452, %swap3A_453] {strides = array<i32>} : memref<40x128xf32, #tpu.memory_space<vmem>>, vector<1x16xf32>,
        %swap3A_455 = vector.shape_cast %swap3A_454 : vector<1x16xf32> to vector<16xf32>
        %swap3A_456 = vector.shape_cast %max3A_451 : vector<16xf32> to vector<1x16xf32>
        tpu.vector_store %arg14[%swap3A_452, %swap3A_453], %swap3A_456 {strides = array<i32>} : memref<40x128xf32, #tpu.memory_space<vmem>>, vector<1x16xf32>,
        %get3A_457 = arith.index_cast %scan3A_391 : i32 to index
        %get3A_458 = arith.constant 64 : index
        %get3A_459 = tpu.vector_load %arg12[%get3A_457, %get3A_458] {strides = array<i32>} : memref<40x128xf32, #tpu.memory_space<vmem>>, vector<1x16xf32>,
        %get3A_460 = vector.shape_cast %get3A_459 : vector<1x16xf32> to vector<16xf32>
        %get3A_461 = arith.index_cast %scan3A_391 : i32 to index
        %get3A_462 = arith.constant 64 : index
        %get3A_463 = tpu.vector_load %arg14[%get3A_461, %get3A_462] {strides = array<i32>} : memref<40x128xf32, #tpu.memory_space<vmem>>, vector<1x16xf32>,
        %get3A_464 = vector.shape_cast %get3A_463 : vector<1x16xf32> to vector<16xf32>
        %add3A_465 = arith.addf %get3A_460, %get3A_464 : vector<16xf32>
        %max3A_466 = arith.constant 0.000000e+00 : f32
        %max3A_467 = vector.broadcast %max3A_466 : f32 to vector<16xf32>
        %max3A_468 = arith.maximumf %add3A_465, %max3A_467 : vector<16xf32>
        %swap3A_469 = arith.index_cast %scan3A_391 : i32 to index
        %swap3A_470 = arith.constant 64 : index
        %swap3A_471 = tpu.vector_load %arg14[%swap3A_469, %swap3A_470] {strides = array<i32>} : memref<40x128xf32, #tpu.memory_space<vmem>>, vector<1x16xf32>,
        %swap3A_472 = vector.shape_cast %swap3A_471 : vector<1x16xf32> to vector<16xf32>
        %swap3A_473 = vector.shape_cast %max3A_468 : vector<16xf32> to vector<1x16xf32>
        tpu.vector_store %arg14[%swap3A_469, %swap3A_470], %swap3A_473 {strides = array<i32>} : memref<40x128xf32, #tpu.memory_space<vmem>>, vector<1x16xf32>,
        %get3A_474 = arith.index_cast %scan3A_391 : i32 to index
        %get3A_475 = arith.constant 80 : index
        %get3A_476 = tpu.vector_load %arg12[%get3A_474, %get3A_475] {strides = array<i32>} : memref<40x128xf32, #tpu.memory_space<vmem>>, vector<1x16xf32>,
        %get3A_477 = vector.shape_cast %get3A_476 : vector<1x16xf32> to vector<16xf32>
        %get3A_478 = arith.index_cast %scan3A_391 : i32 to index
        %get3A_479 = arith.constant 80 : index
        %get3A_480 = tpu.vector_load %arg14[%get3A_478, %get3A_479] {strides = array<i32>} : memref<40x128xf32, #tpu.memory_space<vmem>>, vector<1x16xf32>,
        %get3A_481 = vector.shape_cast %get3A_480 : vector<1x16xf32> to vector<16xf32>
        %add3A_482 = arith.addf %get3A_477, %get3A_481 : vector<16xf32>
        %max3A_483 = arith.constant 0.000000e+00 : f32
        %max3A_484 = vector.broadcast %max3A_483 : f32 to vector<16xf32>
        %max3A_485 = arith.maximumf %add3A_482, %max3A_484 : vector<16xf32>
        %swap3A_486 = arith.index_cast %scan3A_391 : i32 to index
        %swap3A_487 = arith.constant 80 : index
        %swap3A_488 = tpu.vector_load %arg14[%swap3A_486, %swap3A_487] {strides = array<i32>} : memref<40x128xf32, #tpu.memory_space<vmem>>, vector<1x16xf32>,
        %swap3A_489 = vector.shape_cast %swap3A_488 : vector<1x16xf32> to vector<16xf32>
        %swap3A_490 = vector.shape_cast %max3A_485 : vector<16xf32> to vector<1x16xf32>
        tpu.vector_store %arg14[%swap3A_486, %swap3A_487], %swap3A_490 {strides = array<i32>} : memref<40x128xf32, #tpu.memory_space<vmem>>, vector<1x16xf32>,
        %get3A_491 = arith.index_cast %scan3A_391 : i32 to index
        %get3A_492 = arith.constant 96 : index
        %get3A_493 = tpu.vector_load %arg12[%get3A_491, %get3A_492] {strides = array<i32>} : memref<40x128xf32, #tpu.memory_space<vmem>>, vector<1x16xf32>,
        %get3A_494 = vector.shape_cast %get3A_493 : vector<1x16xf32> to vector<16xf32>
        %get3A_495 = arith.index_cast %scan3A_391 : i32 to index
        %get3A_496 = arith.constant 96 : index
        %get3A_497 = tpu.vector_load %arg14[%get3A_495, %get3A_496] {strides = array<i32>} : memref<40x128xf32, #tpu.memory_space<vmem>>, vector<1x16xf32>,
        %get3A_498 = vector.shape_cast %get3A_497 : vector<1x16xf32> to vector<16xf32>
        %add3A_499 = arith.addf %get3A_494, %get3A_498 : vector<16xf32>
        %max3A_500 = arith.constant 0.000000e+00 : f32
        %max3A_501 = vector.broadcast %max3A_500 : f32 to vector<16xf32>
        %max3A_502 = arith.maximumf %add3A_499, %max3A_501 : vector<16xf32>
        %swap3A_503 = arith.index_cast %scan3A_391 : i32 to index
        %swap3A_504 = arith.constant 96 : index
        %swap3A_505 = tpu.vector_load %arg14[%swap3A_503, %swap3A_504] {strides = array<i32>} : memref<40x128xf32, #tpu.memory_space<vmem>>, vector<1x16xf32>,
        %swap3A_506 = vector.shape_cast %swap3A_505 : vector<1x16xf32> to vector<16xf32>
        %swap3A_507 = vector.shape_cast %max3A_502 : vector<16xf32> to vector<1x16xf32>
        tpu.vector_store %arg14[%swap3A_503, %swap3A_504], %swap3A_507 {strides = array<i32>} : memref<40x128xf32, #tpu.memory_space<vmem>>, vector<1x16xf32>,
        %get3A_508 = arith.index_cast %scan3A_391 : i32 to index
        %get3A_509 = arith.constant 112 : index
        %get3A_510 = tpu.vector_load %arg12[%get3A_508, %get3A_509] {strides = array<i32>} : memref<40x128xf32, #tpu.memory_space<vmem>>, vector<1x16xf32>,
        %get3A_511 = vector.shape_cast %get3A_510 : vector<1x16xf32> to vector<16xf32>
        %get3A_512 = arith.index_cast %scan3A_391 : i32 to index
        %get3A_513 = arith.constant 112 : index
        %get3A_514 = tpu.vector_load %arg14[%get3A_512, %get3A_513] {strides = array<i32>} : memref<40x128xf32, #tpu.memory_space<vmem>>, vector<1x16xf32>,
        %get3A_515 = vector.shape_cast %get3A_514 : vector<1x16xf32> to vector<16xf32>
        %add3A_516 = arith.addf %get3A_511, %get3A_515 : vector<16xf32>
        %max3A_517 = arith.constant 0.000000e+00 : f32
        %max3A_518 = vector.broadcast %max3A_517 : f32 to vector<16xf32>
        %max3A_519 = arith.maximumf %add3A_516, %max3A_518 : vector<16xf32>
        %swap3A_520 = arith.index_cast %scan3A_391 : i32 to index
        %swap3A_521 = arith.constant 112 : index
        %swap3A_522 = tpu.vector_load %arg14[%swap3A_520, %swap3A_521] {strides = array<i32>} : memref<40x128xf32, #tpu.memory_space<vmem>>, vector<1x16xf32>,
        %swap3A_523 = vector.shape_cast %swap3A_522 : vector<1x16xf32> to vector<16xf32>
        %swap3A_524 = vector.shape_cast %max3A_519 : vector<16xf32> to vector<1x16xf32>
        tpu.vector_store %arg14[%swap3A_520, %swap3A_521], %swap3A_524 {strides = array<i32>} : memref<40x128xf32, #tpu.memory_space<vmem>>, vector<1x16xf32>,
      }
      %scan3A_389 = arith.constant 40 : i32
      %run_scoped3A_390 = arith.constant 1 : i32
      "tpu.region"() ({
        %run_scoped3A_391 = tpu.sem_alloc : memref<!tpu.dma_semaphore, #tpu.memory_space<semaphore_mem>>
        %dma_start3A_392 = arith.constant 0 : i32
        %dma_start3A_393 = tpu.memref_slice %arg10[%run_scoped3A_390, %dma_start3A_392] : memref<2x40xi32, #tpu.memory_space<vmem>> -> memref<1x40xi32, #tpu.memory_space<vmem>>
        %dma_start3A_394 = tpu.memref_squeeze %dma_start3A_393 : memref<1x40xi32, #tpu.memory_space<vmem>> -> memref<40xi32, #tpu.memory_space<vmem>>
        %dma_start3A_395 = arith.constant 0 : i32
        %dma_start3A_396 = arith.constant 0 : i32
        %dma_start3A_397 = tpu.memref_slice %arg16[%dma_start3A_395, %dma_start3A_396] : memref<10240x128xf32, #tpu.memory_space<vmem_shared>> -> memref<10240x128xf32, #tpu.memory_space<vmem_shared>>
        tpu.enqueue_indirect_dma source(%arg14 : memref<40x128xf32, #tpu.memory_space<vmem>>) target(%dma_start3A_397 : memref<10240x128xf32, #tpu.memory_space<vmem_shared>>) offsets(%dma_start3A_394 : memref<40xi32, #tpu.memory_space<vmem>>) semaphore(%run_scoped3A_391 : memref<!tpu.dma_semaphore, #tpu.memory_space<semaphore_mem>>) {add = true}
        %dma_wait3A_398 = arith.constant 0 : i32
        %dma_wait3A_399 = tpu.memref_slice %arg10[%run_scoped3A_390, %dma_wait3A_398] : memref<2x40xi32, #tpu.memory_space<vmem>> -> memref<1x40xi32, #tpu.memory_space<vmem>>
        %dma_wait3A_400 = tpu.memref_squeeze %dma_wait3A_399 : memref<1x40xi32, #tpu.memory_space<vmem>> -> memref<40xi32, #tpu.memory_space<vmem>>
        %dma_wait3A_401 = arith.constant 0 : i32
        %dma_wait3A_402 = arith.constant 0 : i32
        %dma_wait3A_403 = tpu.memref_slice %arg16[%dma_wait3A_401, %dma_wait3A_402] : memref<10240x128xf32, #tpu.memory_space<vmem_shared>> -> memref<10240x128xf32, #tpu.memory_space<vmem_shared>>
        tpu.wait_indirect_dma semaphore(%run_scoped3A_391 : memref<!tpu.dma_semaphore, #tpu.memory_space<semaphore_mem>>) src(%arg14 : memref<40x128xf32, #tpu.memory_space<vmem>>) dst(%dma_wait3A_403 : memref<10240x128xf32, #tpu.memory_space<vmem_shared>>)
        tpu.yield
      }) : () -> ()
    }
    %scan3A_69 = arith.constant 62 : i32
    %dma_start3A_70 = arith.constant 1 : i32
    %dma_start3A_71 = arith.constant 0 : i32
    %dma_start3A_72 = tpu.memref_slice %arg7[%dma_start3A_70, %dma_start3A_71] : memref<2x40xi32, #tpu.memory_space<vmem>> -> memref<1x40xi32, #tpu.memory_space<vmem>>
    %dma_start3A_73 = tpu.memref_squeeze %dma_start3A_72 : memref<1x40xi32, #tpu.memory_space<vmem>> -> memref<40xi32, #tpu.memory_space<vmem>>
    %dma_start3A_74 = arith.constant 0 : i32
    %dma_start3A_75 = arith.constant 0 : i32
    %dma_start3A_76 = tpu.memref_slice %arg2[%dma_start3A_74, %dma_start3A_75] : memref<10000x128xf32, #tpu.memory_space<hbm>> -> memref<10000x128xf32, #tpu.memory_space<hbm>>
    tpu.enqueue_indirect_dma source(%dma_start3A_76 : memref<10000x128xf32, #tpu.memory_space<hbm>>) target(%arg12 : memref<40x128xf32, #tpu.memory_space<vmem>>) offsets(%dma_start3A_73 : memref<40xi32, #tpu.memory_space<vmem>>) semaphore(%arg18 : memref<!tpu.dma_semaphore, #tpu.memory_space<semaphore_mem>>)
    %mul3A_77 = arith.constant 10000 : i32
    %mul3A_78 = arith.muli %add3A, %mul3A_77 : i32
    %add3A_79 = arith.constant 9960 : i32
    %add3A_80 = arith.addi %mul3A_78, %add3A_79 : i32
    %dma_start3A_81 = arith.constant 0 : i32
    %dma_start3A_82 = tpu.memref_slice %arg3[%add3A_80, %dma_start3A_81] : memref<320000x128xf32, #tpu.memory_space<hbm>> -> memref<40x128xf32, #tpu.memory_space<hbm>>
    %dma_start3A_83 = arith.constant 0 : i32
    %dma_start3A_84 = tpu.memref_slice %arg3[%add3A_80, %dma_start3A_83] : memref<320000x128xf32, #tpu.memory_space<hbm>> -> memref<40x128xf32, #tpu.memory_space<hbm>>
    tpu.enqueue_dma source(%dma_start3A_84 : memref<40x128xf32, #tpu.memory_space<hbm>>) target(%arg14 : memref<40x128xf32, #tpu.memory_space<vmem>>) target_semaphore(%arg20 : memref<!tpu.dma_semaphore, #tpu.memory_space<semaphore_mem>>)
    %dma_wait3A_85 = arith.constant 0 : i32
    %dma_wait3A_86 = arith.constant 0 : i32
    %dma_wait3A_87 = tpu.memref_slice %arg7[%dma_wait3A_85, %dma_wait3A_86] : memref<2x40xi32, #tpu.memory_space<vmem>> -> memref<1x40xi32, #tpu.memory_space<vmem>>
    %dma_wait3A_88 = tpu.memref_squeeze %dma_wait3A_87 : memref<1x40xi32, #tpu.memory_space<vmem>> -> memref<40xi32, #tpu.memory_space<vmem>>
    %dma_wait3A_89 = arith.constant 0 : i32
    %dma_wait3A_90 = arith.constant 0 : i32
    %dma_wait3A_91 = tpu.memref_slice %arg2[%dma_wait3A_89, %dma_wait3A_90] : memref<10000x128xf32, #tpu.memory_space<hbm>> -> memref<10000x128xf32, #tpu.memory_space<hbm>>
    tpu.wait_indirect_dma semaphore(%arg17 : memref<!tpu.dma_semaphore, #tpu.memory_space<semaphore_mem>>) src(%dma_wait3A_91 : memref<10000x128xf32, #tpu.memory_space<hbm>>) dst(%arg11 : memref<40x128xf32, #tpu.memory_space<vmem>>)
    %mul3A_92 = arith.constant 10000 : i32
    %mul3A_93 = arith.muli %add3A, %mul3A_92 : i32
    %add3A_94 = arith.constant 9920 : i32
    %add3A_95 = arith.addi %mul3A_93, %add3A_94 : i32
    %dma_wait3A_96 = arith.constant 0 : i32
    %dma_wait3A_97 = tpu.memref_slice %arg3[%add3A_95, %dma_wait3A_96] : memref<320000x128xf32, #tpu.memory_space<hbm>> -> memref<40x128xf32, #tpu.memory_space<hbm>>
    %dma_wait3A_98 = arith.constant 0 : i32
    %dma_wait3A_99 = tpu.memref_slice %arg3[%add3A_95, %dma_wait3A_98] : memref<320000x128xf32, #tpu.memory_space<hbm>> -> memref<40x128xf32, #tpu.memory_space<hbm>>
    tpu.wait_dma2 semaphore(%arg19 : memref<!tpu.dma_semaphore, #tpu.memory_space<semaphore_mem>>) src(%dma_wait3A_99 : memref<40x128xf32, #tpu.memory_space<hbm>>) dst(%arg13 : memref<40x128xf32, #tpu.memory_space<vmem>>)
    %scan3A_100 = arith.constant 0 : i32
    %scan3A_101 = arith.constant 0 : i32
    %scan3A_102 = arith.constant 40 : i32
    %scan3A_103 = arith.addi %scan3A_101, %scan3A_102 : i32
    %scan3A_104 = arith.constant 1 : i32
    scf.for %scan3A_138 = %scan3A_101 to %scan3A_103 step %scan3A_104  : i32 {
      %get3A = arith.index_cast %scan3A_138 : i32 to index
      %get3A_139 = arith.constant 0 : index
      %get3A_140 = tpu.vector_load %arg11[%get3A, %get3A_139] {strides = array<i32>} : memref<40x128xf32, #tpu.memory_space<vmem>>, vector<1x16xf32>,
      %get3A_141 = vector.shape_cast %get3A_140 : vector<1x16xf32> to vector<16xf32>
      %get3A_142 = arith.index_cast %scan3A_138 : i32 to index
      %get3A_143 = arith.constant 0 : index
      %get3A_144 = tpu.vector_load %arg13[%get3A_142, %get3A_143] {strides = array<i32>} : memref<40x128xf32, #tpu.memory_space<vmem>>, vector<1x16xf32>,
      %get3A_145 = vector.shape_cast %get3A_144 : vector<1x16xf32> to vector<16xf32>
      %add3A_146 = arith.addf %get3A_141, %get3A_145 : vector<16xf32>
      %max3A = arith.constant 0.000000e+00 : f32
      %max3A_147 = vector.broadcast %max3A : f32 to vector<16xf32>
      %max3A_148 = arith.maximumf %add3A_146, %max3A_147 : vector<16xf32>
      %swap3A = arith.index_cast %scan3A_138 : i32 to index
      %swap3A_149 = arith.constant 0 : index
      %swap3A_150 = tpu.vector_load %arg13[%swap3A, %swap3A_149] {strides = array<i32>} : memref<40x128xf32, #tpu.memory_space<vmem>>, vector<1x16xf32>,
      %swap3A_151 = vector.shape_cast %swap3A_150 : vector<1x16xf32> to vector<16xf32>
      %swap3A_152 = vector.shape_cast %max3A_148 : vector<16xf32> to vector<1x16xf32>
      tpu.vector_store %arg13[%swap3A, %swap3A_149], %swap3A_152 {strides = array<i32>} : memref<40x128xf32, #tpu.memory_space<vmem>>, vector<1x16xf32>,
      %get3A_153 = arith.index_cast %scan3A_138 : i32 to index
      %get3A_154 = arith.constant 16 : index
      %get3A_155 = tpu.vector_load %arg11[%get3A_153, %get3A_154] {strides = array<i32>} : memref<40x128xf32, #tpu.memory_space<vmem>>, vector<1x16xf32>,
      %get3A_156 = vector.shape_cast %get3A_155 : vector<1x16xf32> to vector<16xf32>
      %get3A_157 = arith.index_cast %scan3A_138 : i32 to index
      %get3A_158 = arith.constant 16 : index
      %get3A_159 = tpu.vector_load %arg13[%get3A_157, %get3A_158] {strides = array<i32>} : memref<40x128xf32, #tpu.memory_space<vmem>>, vector<1x16xf32>,
      %get3A_160 = vector.shape_cast %get3A_159 : vector<1x16xf32> to vector<16xf32>
      %add3A_161 = arith.addf %get3A_156, %get3A_160 : vector<16xf32>
      %max3A_162 = arith.constant 0.000000e+00 : f32
      %max3A_163 = vector.broadcast %max3A_162 : f32 to vector<16xf32>
      %max3A_164 = arith.maximumf %add3A_161, %max3A_163 : vector<16xf32>
      %swap3A_165 = arith.index_cast %scan3A_138 : i32 to index
      %swap3A_166 = arith.constant 16 : index
      %swap3A_167 = tpu.vector_load %arg13[%swap3A_165, %swap3A_166] {strides = array<i32>} : memref<40x128xf32, #tpu.memory_space<vmem>>, vector<1x16xf32>,
      %swap3A_168 = vector.shape_cast %swap3A_167 : vector<1x16xf32> to vector<16xf32>
      %swap3A_169 = vector.shape_cast %max3A_164 : vector<16xf32> to vector<1x16xf32>
      tpu.vector_store %arg13[%swap3A_165, %swap3A_166], %swap3A_169 {strides = array<i32>} : memref<40x128xf32, #tpu.memory_space<vmem>>, vector<1x16xf32>,
      %get3A_170 = arith.index_cast %scan3A_138 : i32 to index
      %get3A_171 = arith.constant 32 : index
      %get3A_172 = tpu.vector_load %arg11[%get3A_170, %get3A_171] {strides = array<i32>} : memref<40x128xf32, #tpu.memory_space<vmem>>, vector<1x16xf32>,
      %get3A_173 = vector.shape_cast %get3A_172 : vector<1x16xf32> to vector<16xf32>
      %get3A_174 = arith.index_cast %scan3A_138 : i32 to index
      %get3A_175 = arith.constant 32 : index
      %get3A_176 = tpu.vector_load %arg13[%get3A_174, %get3A_175] {strides = array<i32>} : memref<40x128xf32, #tpu.memory_space<vmem>>, vector<1x16xf32>,
      %get3A_177 = vector.shape_cast %get3A_176 : vector<1x16xf32> to vector<16xf32>
      %add3A_178 = arith.addf %get3A_173, %get3A_177 : vector<16xf32>
      %max3A_179 = arith.constant 0.000000e+00 : f32
      %max3A_180 = vector.broadcast %max3A_179 : f32 to vector<16xf32>
      %max3A_181 = arith.maximumf %add3A_178, %max3A_180 : vector<16xf32>
      %swap3A_182 = arith.index_cast %scan3A_138 : i32 to index
      %swap3A_183 = arith.constant 32 : index
      %swap3A_184 = tpu.vector_load %arg13[%swap3A_182, %swap3A_183] {strides = array<i32>} : memref<40x128xf32, #tpu.memory_space<vmem>>, vector<1x16xf32>,
      %swap3A_185 = vector.shape_cast %swap3A_184 : vector<1x16xf32> to vector<16xf32>
      %swap3A_186 = vector.shape_cast %max3A_181 : vector<16xf32> to vector<1x16xf32>
      tpu.vector_store %arg13[%swap3A_182, %swap3A_183], %swap3A_186 {strides = array<i32>} : memref<40x128xf32, #tpu.memory_space<vmem>>, vector<1x16xf32>,
      %get3A_187 = arith.index_cast %scan3A_138 : i32 to index
      %get3A_188 = arith.constant 48 : index
      %get3A_189 = tpu.vector_load %arg11[%get3A_187, %get3A_188] {strides = array<i32>} : memref<40x128xf32, #tpu.memory_space<vmem>>, vector<1x16xf32>,
      %get3A_190 = vector.shape_cast %get3A_189 : vector<1x16xf32> to vector<16xf32>
      %get3A_191 = arith.index_cast %scan3A_138 : i32 to index
      %get3A_192 = arith.constant 48 : index
      %get3A_193 = tpu.vector_load %arg13[%get3A_191, %get3A_192] {strides = array<i32>} : memref<40x128xf32, #tpu.memory_space<vmem>>, vector<1x16xf32>,
      %get3A_194 = vector.shape_cast %get3A_193 : vector<1x16xf32> to vector<16xf32>
      %add3A_195 = arith.addf %get3A_190, %get3A_194 : vector<16xf32>
      %max3A_196 = arith.constant 0.000000e+00 : f32
      %max3A_197 = vector.broadcast %max3A_196 : f32 to vector<16xf32>
      %max3A_198 = arith.maximumf %add3A_195, %max3A_197 : vector<16xf32>
      %swap3A_199 = arith.index_cast %scan3A_138 : i32 to index
      %swap3A_200 = arith.constant 48 : index
      %swap3A_201 = tpu.vector_load %arg13[%swap3A_199, %swap3A_200] {strides = array<i32>} : memref<40x128xf32, #tpu.memory_space<vmem>>, vector<1x16xf32>,
      %swap3A_202 = vector.shape_cast %swap3A_201 : vector<1x16xf32> to vector<16xf32>
      %swap3A_203 = vector.shape_cast %max3A_198 : vector<16xf32> to vector<1x16xf32>
      tpu.vector_store %arg13[%swap3A_199, %swap3A_200], %swap3A_203 {strides = array<i32>} : memref<40x128xf32, #tpu.memory_space<vmem>>, vector<1x16xf32>,
      %get3A_204 = arith.index_cast %scan3A_138 : i32 to index
      %get3A_205 = arith.constant 64 : index
      %get3A_206 = tpu.vector_load %arg11[%get3A_204, %get3A_205] {strides = array<i32>} : memref<40x128xf32, #tpu.memory_space<vmem>>, vector<1x16xf32>,
      %get3A_207 = vector.shape_cast %get3A_206 : vector<1x16xf32> to vector<16xf32>
      %get3A_208 = arith.index_cast %scan3A_138 : i32 to index
      %get3A_209 = arith.constant 64 : index
      %get3A_210 = tpu.vector_load %arg13[%get3A_208, %get3A_209] {strides = array<i32>} : memref<40x128xf32, #tpu.memory_space<vmem>>, vector<1x16xf32>,
      %get3A_211 = vector.shape_cast %get3A_210 : vector<1x16xf32> to vector<16xf32>
      %add3A_212 = arith.addf %get3A_207, %get3A_211 : vector<16xf32>
      %max3A_213 = arith.constant 0.000000e+00 : f32
      %max3A_214 = vector.broadcast %max3A_213 : f32 to vector<16xf32>
      %max3A_215 = arith.maximumf %add3A_212, %max3A_214 : vector<16xf32>
      %swap3A_216 = arith.index_cast %scan3A_138 : i32 to index
      %swap3A_217 = arith.constant 64 : index
      %swap3A_218 = tpu.vector_load %arg13[%swap3A_216, %swap3A_217] {strides = array<i32>} : memref<40x128xf32, #tpu.memory_space<vmem>>, vector<1x16xf32>,
      %swap3A_219 = vector.shape_cast %swap3A_218 : vector<1x16xf32> to vector<16xf32>
      %swap3A_220 = vector.shape_cast %max3A_215 : vector<16xf32> to vector<1x16xf32>
      tpu.vector_store %arg13[%swap3A_216, %swap3A_217], %swap3A_220 {strides = array<i32>} : memref<40x128xf32, #tpu.memory_space<vmem>>, vector<1x16xf32>,
      %get3A_221 = arith.index_cast %scan3A_138 : i32 to index
      %get3A_222 = arith.constant 80 : index
      %get3A_223 = tpu.vector_load %arg11[%get3A_221, %get3A_222] {strides = array<i32>} : memref<40x128xf32, #tpu.memory_space<vmem>>, vector<1x16xf32>,
      %get3A_224 = vector.shape_cast %get3A_223 : vector<1x16xf32> to vector<16xf32>
      %get3A_225 = arith.index_cast %scan3A_138 : i32 to index
      %get3A_226 = arith.constant 80 : index
      %get3A_227 = tpu.vector_load %arg13[%get3A_225, %get3A_226] {strides = array<i32>} : memref<40x128xf32, #tpu.memory_space<vmem>>, vector<1x16xf32>,
      %get3A_228 = vector.shape_cast %get3A_227 : vector<1x16xf32> to vector<16xf32>
      %add3A_229 = arith.addf %get3A_224, %get3A_228 : vector<16xf32>
      %max3A_230 = arith.constant 0.000000e+00 : f32
      %max3A_231 = vector.broadcast %max3A_230 : f32 to vector<16xf32>
      %max3A_232 = arith.maximumf %add3A_229, %max3A_231 : vector<16xf32>
      %swap3A_233 = arith.index_cast %scan3A_138 : i32 to index
      %swap3A_234 = arith.constant 80 : index
      %swap3A_235 = tpu.vector_load %arg13[%swap3A_233, %swap3A_234] {strides = array<i32>} : memref<40x128xf32, #tpu.memory_space<vmem>>, vector<1x16xf32>,
      %swap3A_236 = vector.shape_cast %swap3A_235 : vector<1x16xf32> to vector<16xf32>
      %swap3A_237 = vector.shape_cast %max3A_232 : vector<16xf32> to vector<1x16xf32>
      tpu.vector_store %arg13[%swap3A_233, %swap3A_234], %swap3A_237 {strides = array<i32>} : memref<40x128xf32, #tpu.memory_space<vmem>>, vector<1x16xf32>,
      %get3A_238 = arith.index_cast %scan3A_138 : i32 to index
      %get3A_239 = arith.constant 96 : index
      %get3A_240 = tpu.vector_load %arg11[%get3A_238, %get3A_239] {strides = array<i32>} : memref<40x128xf32, #tpu.memory_space<vmem>>, vector<1x16xf32>,
      %get3A_241 = vector.shape_cast %get3A_240 : vector<1x16xf32> to vector<16xf32>
      %get3A_242 = arith.index_cast %scan3A_138 : i32 to index
      %get3A_243 = arith.constant 96 : index
      %get3A_244 = tpu.vector_load %arg13[%get3A_242, %get3A_243] {strides = array<i32>} : memref<40x128xf32, #tpu.memory_space<vmem>>, vector<1x16xf32>,
      %get3A_245 = vector.shape_cast %get3A_244 : vector<1x16xf32> to vector<16xf32>
      %add3A_246 = arith.addf %get3A_241, %get3A_245 : vector<16xf32>
      %max3A_247 = arith.constant 0.000000e+00 : f32
      %max3A_248 = vector.broadcast %max3A_247 : f32 to vector<16xf32>
      %max3A_249 = arith.maximumf %add3A_246, %max3A_248 : vector<16xf32>
      %swap3A_250 = arith.index_cast %scan3A_138 : i32 to index
      %swap3A_251 = arith.constant 96 : index
      %swap3A_252 = tpu.vector_load %arg13[%swap3A_250, %swap3A_251] {strides = array<i32>} : memref<40x128xf32, #tpu.memory_space<vmem>>, vector<1x16xf32>,
      %swap3A_253 = vector.shape_cast %swap3A_252 : vector<1x16xf32> to vector<16xf32>
      %swap3A_254 = vector.shape_cast %max3A_249 : vector<16xf32> to vector<1x16xf32>
      tpu.vector_store %arg13[%swap3A_250, %swap3A_251], %swap3A_254 {strides = array<i32>} : memref<40x128xf32, #tpu.memory_space<vmem>>, vector<1x16xf32>,
      %get3A_255 = arith.index_cast %scan3A_138 : i32 to index
      %get3A_256 = arith.constant 112 : index
      %get3A_257 = tpu.vector_load %arg11[%get3A_255, %get3A_256] {strides = array<i32>} : memref<40x128xf32, #tpu.memory_space<vmem>>, vector<1x16xf32>,
      %get3A_258 = vector.shape_cast %get3A_257 : vector<1x16xf32> to vector<16xf32>
      %get3A_259 = arith.index_cast %scan3A_138 : i32 to index
      %get3A_260 = arith.constant 112 : index
      %get3A_261 = tpu.vector_load %arg13[%get3A_259, %get3A_260] {strides = array<i32>} : memref<40x128xf32, #tpu.memory_space<vmem>>, vector<1x16xf32>,
      %get3A_262 = vector.shape_cast %get3A_261 : vector<1x16xf32> to vector<16xf32>
      %add3A_263 = arith.addf %get3A_258, %get3A_262 : vector<16xf32>
      %max3A_264 = arith.constant 0.000000e+00 : f32
      %max3A_265 = vector.broadcast %max3A_264 : f32 to vector<16xf32>
      %max3A_266 = arith.maximumf %add3A_263, %max3A_265 : vector<16xf32>
      %swap3A_267 = arith.index_cast %scan3A_138 : i32 to index
      %swap3A_268 = arith.constant 112 : index
      %swap3A_269 = tpu.vector_load %arg13[%swap3A_267, %swap3A_268] {strides = array<i32>} : memref<40x128xf32, #tpu.memory_space<vmem>>, vector<1x16xf32>,
      %swap3A_270 = vector.shape_cast %swap3A_269 : vector<1x16xf32> to vector<16xf32>
      %swap3A_271 = vector.shape_cast %max3A_266 : vector<16xf32> to vector<1x16xf32>
      tpu.vector_store %arg13[%swap3A_267, %swap3A_268], %swap3A_271 {strides = array<i32>} : memref<40x128xf32, #tpu.memory_space<vmem>>, vector<1x16xf32>,
    }
    %scan3A_105 = arith.constant 40 : i32
    %run_scoped3A = arith.constant 0 : i32
    "tpu.region"() ({
      %run_scoped3A_138 = tpu.sem_alloc : memref<!tpu.dma_semaphore, #tpu.memory_space<semaphore_mem>>
      %dma_start3A_139 = arith.constant 0 : i32
      %dma_start3A_140 = tpu.memref_slice %arg9[%run_scoped3A, %dma_start3A_139] : memref<2x40xi32, #tpu.memory_space<vmem>> -> memref<1x40xi32, #tpu.memory_space<vmem>>
      %dma_start3A_141 = tpu.memref_squeeze %dma_start3A_140 : memref<1x40xi32, #tpu.memory_space<vmem>> -> memref<40xi32, #tpu.memory_space<vmem>>
      %dma_start3A_142 = arith.constant 0 : i32
      %dma_start3A_143 = arith.constant 0 : i32
      %dma_start3A_144 = tpu.memref_slice %arg16[%dma_start3A_142, %dma_start3A_143] : memref<10240x128xf32, #tpu.memory_space<vmem_shared>> -> memref<10240x128xf32, #tpu.memory_space<vmem_shared>>
      tpu.enqueue_indirect_dma source(%arg13 : memref<40x128xf32, #tpu.memory_space<vmem>>) target(%dma_start3A_144 : memref<10240x128xf32, #tpu.memory_space<vmem_shared>>) offsets(%dma_start3A_141 : memref<40xi32, #tpu.memory_space<vmem>>) semaphore(%run_scoped3A_138 : memref<!tpu.dma_semaphore, #tpu.memory_space<semaphore_mem>>) {add = true}
      %dma_wait3A_145 = arith.constant 0 : i32
      %dma_wait3A_146 = tpu.memref_slice %arg9[%run_scoped3A, %dma_wait3A_145] : memref<2x40xi32, #tpu.memory_space<vmem>> -> memref<1x40xi32, #tpu.memory_space<vmem>>
      %dma_wait3A_147 = tpu.memref_squeeze %dma_wait3A_146 : memref<1x40xi32, #tpu.memory_space<vmem>> -> memref<40xi32, #tpu.memory_space<vmem>>
      %dma_wait3A_148 = arith.constant 0 : i32
      %dma_wait3A_149 = arith.constant 0 : i32
      %dma_wait3A_150 = tpu.memref_slice %arg16[%dma_wait3A_148, %dma_wait3A_149] : memref<10240x128xf32, #tpu.memory_space<vmem_shared>> -> memref<10240x128xf32, #tpu.memory_space<vmem_shared>>
      tpu.wait_indirect_dma semaphore(%run_scoped3A_138 : memref<!tpu.dma_semaphore, #tpu.memory_space<semaphore_mem>>) src(%arg13 : memref<40x128xf32, #tpu.memory_space<vmem>>) dst(%dma_wait3A_150 : memref<10240x128xf32, #tpu.memory_space<vmem_shared>>)
      tpu.yield
    }) : () -> ()
    %dma_wait3A_106 = arith.constant 1 : i32
    %dma_wait3A_107 = arith.constant 0 : i32
    %dma_wait3A_108 = tpu.memref_slice %arg7[%dma_wait3A_106, %dma_wait3A_107] : memref<2x40xi32, #tpu.memory_space<vmem>> -> memref<1x40xi32, #tpu.memory_space<vmem>>
    %dma_wait3A_109 = tpu.memref_squeeze %dma_wait3A_108 : memref<1x40xi32, #tpu.memory_space<vmem>> -> memref<40xi32, #tpu.memory_space<vmem>>
    %dma_wait3A_110 = arith.constant 0 : i32
    %dma_wait3A_111 = arith.constant 0 : i32
    %dma_wait3A_112 = tpu.memref_slice %arg2[%dma_wait3A_110, %dma_wait3A_111] : memref<10000x128xf32, #tpu.memory_space<hbm>> -> memref<10000x128xf32, #tpu.memory_space<hbm>>
    tpu.wait_indirect_dma semaphore(%arg18 : memref<!tpu.dma_semaphore, #tpu.memory_space<semaphore_mem>>) src(%dma_wait3A_112 : memref<10000x128xf32, #tpu.memory_space<hbm>>) dst(%arg12 : memref<40x128xf32, #tpu.memory_space<vmem>>)
    %mul3A_113 = arith.constant 10000 : i32
    %mul3A_114 = arith.muli %add3A, %mul3A_113 : i32
    %add3A_115 = arith.constant 9960 : i32
    %add3A_116 = arith.addi %mul3A_114, %add3A_115 : i32
    %dma_wait3A_117 = arith.constant 0 : i32
    %dma_wait3A_118 = tpu.memref_slice %arg3[%add3A_116, %dma_wait3A_117] : memref<320000x128xf32, #tpu.memory_space<hbm>> -> memref<40x128xf32, #tpu.memory_space<hbm>>
    %dma_wait3A_119 = arith.constant 0 : i32
    %dma_wait3A_120 = tpu.memref_slice %arg3[%add3A_116, %dma_wait3A_119] : memref<320000x128xf32, #tpu.memory_space<hbm>> -> memref<40x128xf32, #tpu.memory_space<hbm>>
    tpu.wait_dma2 semaphore(%arg20 : memref<!tpu.dma_semaphore, #tpu.memory_space<semaphore_mem>>) src(%dma_wait3A_120 : memref<40x128xf32, #tpu.memory_space<hbm>>) dst(%arg14 : memref<40x128xf32, #tpu.memory_space<vmem>>)
    %scan3A_121 = arith.constant 0 : i32
    %scan3A_122 = arith.constant 0 : i32
    %scan3A_123 = arith.constant 40 : i32
    %scan3A_124 = arith.addi %scan3A_122, %scan3A_123 : i32
    %scan3A_125 = arith.constant 1 : i32
    scf.for %scan3A_138 = %scan3A_122 to %scan3A_124 step %scan3A_125  : i32 {
      %get3A = arith.index_cast %scan3A_138 : i32 to index
      %get3A_139 = arith.constant 0 : index
      %get3A_140 = tpu.vector_load %arg12[%get3A, %get3A_139] {strides = array<i32>} : memref<40x128xf32, #tpu.memory_space<vmem>>, vector<1x16xf32>,
      %get3A_141 = vector.shape_cast %get3A_140 : vector<1x16xf32> to vector<16xf32>
      %get3A_142 = arith.index_cast %scan3A_138 : i32 to index
      %get3A_143 = arith.constant 0 : index
      %get3A_144 = tpu.vector_load %arg14[%get3A_142, %get3A_143] {strides = array<i32>} : memref<40x128xf32, #tpu.memory_space<vmem>>, vector<1x16xf32>,
      %get3A_145 = vector.shape_cast %get3A_144 : vector<1x16xf32> to vector<16xf32>
      %add3A_146 = arith.addf %get3A_141, %get3A_145 : vector<16xf32>
      %max3A = arith.constant 0.000000e+00 : f32
      %max3A_147 = vector.broadcast %max3A : f32 to vector<16xf32>
      %max3A_148 = arith.maximumf %add3A_146, %max3A_147 : vector<16xf32>
      %swap3A = arith.index_cast %scan3A_138 : i32 to index
      %swap3A_149 = arith.constant 0 : index
      %swap3A_150 = tpu.vector_load %arg14[%swap3A, %swap3A_149] {strides = array<i32>} : memref<40x128xf32, #tpu.memory_space<vmem>>, vector<1x16xf32>,
      %swap3A_151 = vector.shape_cast %swap3A_150 : vector<1x16xf32> to vector<16xf32>
      %swap3A_152 = vector.shape_cast %max3A_148 : vector<16xf32> to vector<1x16xf32>
      tpu.vector_store %arg14[%swap3A, %swap3A_149], %swap3A_152 {strides = array<i32>} : memref<40x128xf32, #tpu.memory_space<vmem>>, vector<1x16xf32>,
      %get3A_153 = arith.index_cast %scan3A_138 : i32 to index
      %get3A_154 = arith.constant 16 : index
      %get3A_155 = tpu.vector_load %arg12[%get3A_153, %get3A_154] {strides = array<i32>} : memref<40x128xf32, #tpu.memory_space<vmem>>, vector<1x16xf32>,
      %get3A_156 = vector.shape_cast %get3A_155 : vector<1x16xf32> to vector<16xf32>
      %get3A_157 = arith.index_cast %scan3A_138 : i32 to index
      %get3A_158 = arith.constant 16 : index
      %get3A_159 = tpu.vector_load %arg14[%get3A_157, %get3A_158] {strides = array<i32>} : memref<40x128xf32, #tpu.memory_space<vmem>>, vector<1x16xf32>,
      %get3A_160 = vector.shape_cast %get3A_159 : vector<1x16xf32> to vector<16xf32>
      %add3A_161 = arith.addf %get3A_156, %get3A_160 : vector<16xf32>
      %max3A_162 = arith.constant 0.000000e+00 : f32
      %max3A_163 = vector.broadcast %max3A_162 : f32 to vector<16xf32>
      %max3A_164 = arith.maximumf %add3A_161, %max3A_163 : vector<16xf32>
      %swap3A_165 = arith.index_cast %scan3A_138 : i32 to index
      %swap3A_166 = arith.constant 16 : index
      %swap3A_167 = tpu.vector_load %arg14[%swap3A_165, %swap3A_166] {strides = array<i32>} : memref<40x128xf32, #tpu.memory_space<vmem>>, vector<1x16xf32>,
      %swap3A_168 = vector.shape_cast %swap3A_167 : vector<1x16xf32> to vector<16xf32>
      %swap3A_169 = vector.shape_cast %max3A_164 : vector<16xf32> to vector<1x16xf32>
      tpu.vector_store %arg14[%swap3A_165, %swap3A_166], %swap3A_169 {strides = array<i32>} : memref<40x128xf32, #tpu.memory_space<vmem>>, vector<1x16xf32>,
      %get3A_170 = arith.index_cast %scan3A_138 : i32 to index
      %get3A_171 = arith.constant 32 : index
      %get3A_172 = tpu.vector_load %arg12[%get3A_170, %get3A_171] {strides = array<i32>} : memref<40x128xf32, #tpu.memory_space<vmem>>, vector<1x16xf32>,
      %get3A_173 = vector.shape_cast %get3A_172 : vector<1x16xf32> to vector<16xf32>
      %get3A_174 = arith.index_cast %scan3A_138 : i32 to index
      %get3A_175 = arith.constant 32 : index
      %get3A_176 = tpu.vector_load %arg14[%get3A_174, %get3A_175] {strides = array<i32>} : memref<40x128xf32, #tpu.memory_space<vmem>>, vector<1x16xf32>,
      %get3A_177 = vector.shape_cast %get3A_176 : vector<1x16xf32> to vector<16xf32>
      %add3A_178 = arith.addf %get3A_173, %get3A_177 : vector<16xf32>
      %max3A_179 = arith.constant 0.000000e+00 : f32
      %max3A_180 = vector.broadcast %max3A_179 : f32 to vector<16xf32>
      %max3A_181 = arith.maximumf %add3A_178, %max3A_180 : vector<16xf32>
      %swap3A_182 = arith.index_cast %scan3A_138 : i32 to index
      %swap3A_183 = arith.constant 32 : index
      %swap3A_184 = tpu.vector_load %arg14[%swap3A_182, %swap3A_183] {strides = array<i32>} : memref<40x128xf32, #tpu.memory_space<vmem>>, vector<1x16xf32>,
      %swap3A_185 = vector.shape_cast %swap3A_184 : vector<1x16xf32> to vector<16xf32>
      %swap3A_186 = vector.shape_cast %max3A_181 : vector<16xf32> to vector<1x16xf32>
      tpu.vector_store %arg14[%swap3A_182, %swap3A_183], %swap3A_186 {strides = array<i32>} : memref<40x128xf32, #tpu.memory_space<vmem>>, vector<1x16xf32>,
      %get3A_187 = arith.index_cast %scan3A_138 : i32 to index
      %get3A_188 = arith.constant 48 : index
      %get3A_189 = tpu.vector_load %arg12[%get3A_187, %get3A_188] {strides = array<i32>} : memref<40x128xf32, #tpu.memory_space<vmem>>, vector<1x16xf32>,
      %get3A_190 = vector.shape_cast %get3A_189 : vector<1x16xf32> to vector<16xf32>
      %get3A_191 = arith.index_cast %scan3A_138 : i32 to index
      %get3A_192 = arith.constant 48 : index
      %get3A_193 = tpu.vector_load %arg14[%get3A_191, %get3A_192] {strides = array<i32>} : memref<40x128xf32, #tpu.memory_space<vmem>>, vector<1x16xf32>,
      %get3A_194 = vector.shape_cast %get3A_193 : vector<1x16xf32> to vector<16xf32>
      %add3A_195 = arith.addf %get3A_190, %get3A_194 : vector<16xf32>
      %max3A_196 = arith.constant 0.000000e+00 : f32
      %max3A_197 = vector.broadcast %max3A_196 : f32 to vector<16xf32>
      %max3A_198 = arith.maximumf %add3A_195, %max3A_197 : vector<16xf32>
      %swap3A_199 = arith.index_cast %scan3A_138 : i32 to index
      %swap3A_200 = arith.constant 48 : index
      %swap3A_201 = tpu.vector_load %arg14[%swap3A_199, %swap3A_200] {strides = array<i32>} : memref<40x128xf32, #tpu.memory_space<vmem>>, vector<1x16xf32>,
      %swap3A_202 = vector.shape_cast %swap3A_201 : vector<1x16xf32> to vector<16xf32>
      %swap3A_203 = vector.shape_cast %max3A_198 : vector<16xf32> to vector<1x16xf32>
      tpu.vector_store %arg14[%swap3A_199, %swap3A_200], %swap3A_203 {strides = array<i32>} : memref<40x128xf32, #tpu.memory_space<vmem>>, vector<1x16xf32>,
      %get3A_204 = arith.index_cast %scan3A_138 : i32 to index
      %get3A_205 = arith.constant 64 : index
      %get3A_206 = tpu.vector_load %arg12[%get3A_204, %get3A_205] {strides = array<i32>} : memref<40x128xf32, #tpu.memory_space<vmem>>, vector<1x16xf32>,
      %get3A_207 = vector.shape_cast %get3A_206 : vector<1x16xf32> to vector<16xf32>
      %get3A_208 = arith.index_cast %scan3A_138 : i32 to index
      %get3A_209 = arith.constant 64 : index
      %get3A_210 = tpu.vector_load %arg14[%get3A_208, %get3A_209] {strides = array<i32>} : memref<40x128xf32, #tpu.memory_space<vmem>>, vector<1x16xf32>,
      %get3A_211 = vector.shape_cast %get3A_210 : vector<1x16xf32> to vector<16xf32>
      %add3A_212 = arith.addf %get3A_207, %get3A_211 : vector<16xf32>
      %max3A_213 = arith.constant 0.000000e+00 : f32
      %max3A_214 = vector.broadcast %max3A_213 : f32 to vector<16xf32>
      %max3A_215 = arith.maximumf %add3A_212, %max3A_214 : vector<16xf32>
      %swap3A_216 = arith.index_cast %scan3A_138 : i32 to index
      %swap3A_217 = arith.constant 64 : index
      %swap3A_218 = tpu.vector_load %arg14[%swap3A_216, %swap3A_217] {strides = array<i32>} : memref<40x128xf32, #tpu.memory_space<vmem>>, vector<1x16xf32>,
      %swap3A_219 = vector.shape_cast %swap3A_218 : vector<1x16xf32> to vector<16xf32>
      %swap3A_220 = vector.shape_cast %max3A_215 : vector<16xf32> to vector<1x16xf32>
      tpu.vector_store %arg14[%swap3A_216, %swap3A_217], %swap3A_220 {strides = array<i32>} : memref<40x128xf32, #tpu.memory_space<vmem>>, vector<1x16xf32>,
      %get3A_221 = arith.index_cast %scan3A_138 : i32 to index
      %get3A_222 = arith.constant 80 : index
      %get3A_223 = tpu.vector_load %arg12[%get3A_221, %get3A_222] {strides = array<i32>} : memref<40x128xf32, #tpu.memory_space<vmem>>, vector<1x16xf32>,
      %get3A_224 = vector.shape_cast %get3A_223 : vector<1x16xf32> to vector<16xf32>
      %get3A_225 = arith.index_cast %scan3A_138 : i32 to index
      %get3A_226 = arith.constant 80 : index
      %get3A_227 = tpu.vector_load %arg14[%get3A_225, %get3A_226] {strides = array<i32>} : memref<40x128xf32, #tpu.memory_space<vmem>>, vector<1x16xf32>,
      %get3A_228 = vector.shape_cast %get3A_227 : vector<1x16xf32> to vector<16xf32>
      %add3A_229 = arith.addf %get3A_224, %get3A_228 : vector<16xf32>
      %max3A_230 = arith.constant 0.000000e+00 : f32
      %max3A_231 = vector.broadcast %max3A_230 : f32 to vector<16xf32>
      %max3A_232 = arith.maximumf %add3A_229, %max3A_231 : vector<16xf32>
      %swap3A_233 = arith.index_cast %scan3A_138 : i32 to index
      %swap3A_234 = arith.constant 80 : index
      %swap3A_235 = tpu.vector_load %arg14[%swap3A_233, %swap3A_234] {strides = array<i32>} : memref<40x128xf32, #tpu.memory_space<vmem>>, vector<1x16xf32>,
      %swap3A_236 = vector.shape_cast %swap3A_235 : vector<1x16xf32> to vector<16xf32>
      %swap3A_237 = vector.shape_cast %max3A_232 : vector<16xf32> to vector<1x16xf32>
      tpu.vector_store %arg14[%swap3A_233, %swap3A_234], %swap3A_237 {strides = array<i32>} : memref<40x128xf32, #tpu.memory_space<vmem>>, vector<1x16xf32>,
      %get3A_238 = arith.index_cast %scan3A_138 : i32 to index
      %get3A_239 = arith.constant 96 : index
      %get3A_240 = tpu.vector_load %arg12[%get3A_238, %get3A_239] {strides = array<i32>} : memref<40x128xf32, #tpu.memory_space<vmem>>, vector<1x16xf32>,
      %get3A_241 = vector.shape_cast %get3A_240 : vector<1x16xf32> to vector<16xf32>
      %get3A_242 = arith.index_cast %scan3A_138 : i32 to index
      %get3A_243 = arith.constant 96 : index
      %get3A_244 = tpu.vector_load %arg14[%get3A_242, %get3A_243] {strides = array<i32>} : memref<40x128xf32, #tpu.memory_space<vmem>>, vector<1x16xf32>,
      %get3A_245 = vector.shape_cast %get3A_244 : vector<1x16xf32> to vector<16xf32>
      %add3A_246 = arith.addf %get3A_241, %get3A_245 : vector<16xf32>
      %max3A_247 = arith.constant 0.000000e+00 : f32
      %max3A_248 = vector.broadcast %max3A_247 : f32 to vector<16xf32>
      %max3A_249 = arith.maximumf %add3A_246, %max3A_248 : vector<16xf32>
      %swap3A_250 = arith.index_cast %scan3A_138 : i32 to index
      %swap3A_251 = arith.constant 96 : index
      %swap3A_252 = tpu.vector_load %arg14[%swap3A_250, %swap3A_251] {strides = array<i32>} : memref<40x128xf32, #tpu.memory_space<vmem>>, vector<1x16xf32>,
      %swap3A_253 = vector.shape_cast %swap3A_252 : vector<1x16xf32> to vector<16xf32>
      %swap3A_254 = vector.shape_cast %max3A_249 : vector<16xf32> to vector<1x16xf32>
      tpu.vector_store %arg14[%swap3A_250, %swap3A_251], %swap3A_254 {strides = array<i32>} : memref<40x128xf32, #tpu.memory_space<vmem>>, vector<1x16xf32>,
      %get3A_255 = arith.index_cast %scan3A_138 : i32 to index
      %get3A_256 = arith.constant 112 : index
      %get3A_257 = tpu.vector_load %arg12[%get3A_255, %get3A_256] {strides = array<i32>} : memref<40x128xf32, #tpu.memory_space<vmem>>, vector<1x16xf32>,
      %get3A_258 = vector.shape_cast %get3A_257 : vector<1x16xf32> to vector<16xf32>
      %get3A_259 = arith.index_cast %scan3A_138 : i32 to index
      %get3A_260 = arith.constant 112 : index
      %get3A_261 = tpu.vector_load %arg14[%get3A_259, %get3A_260] {strides = array<i32>} : memref<40x128xf32, #tpu.memory_space<vmem>>, vector<1x16xf32>,
      %get3A_262 = vector.shape_cast %get3A_261 : vector<1x16xf32> to vector<16xf32>
      %add3A_263 = arith.addf %get3A_258, %get3A_262 : vector<16xf32>
      %max3A_264 = arith.constant 0.000000e+00 : f32
      %max3A_265 = vector.broadcast %max3A_264 : f32 to vector<16xf32>
      %max3A_266 = arith.maximumf %add3A_263, %max3A_265 : vector<16xf32>
      %swap3A_267 = arith.index_cast %scan3A_138 : i32 to index
      %swap3A_268 = arith.constant 112 : index
      %swap3A_269 = tpu.vector_load %arg14[%swap3A_267, %swap3A_268] {strides = array<i32>} : memref<40x128xf32, #tpu.memory_space<vmem>>, vector<1x16xf32>,
      %swap3A_270 = vector.shape_cast %swap3A_269 : vector<1x16xf32> to vector<16xf32>
      %swap3A_271 = vector.shape_cast %max3A_266 : vector<16xf32> to vector<1x16xf32>
      tpu.vector_store %arg14[%swap3A_267, %swap3A_268], %swap3A_271 {strides = array<i32>} : memref<40x128xf32, #tpu.memory_space<vmem>>, vector<1x16xf32>,
    }
    %scan3A_126 = arith.constant 40 : i32
    %run_scoped3A_127 = arith.constant 1 : i32
    "tpu.region"() ({
      %run_scoped3A_138 = tpu.sem_alloc : memref<!tpu.dma_semaphore, #tpu.memory_space<semaphore_mem>>
      %dma_start3A_139 = arith.constant 0 : i32
      %dma_start3A_140 = tpu.memref_slice %arg9[%run_scoped3A_127, %dma_start3A_139] : memref<2x40xi32, #tpu.memory_space<vmem>> -> memref<1x40xi32, #tpu.memory_space<vmem>>
      %dma_start3A_141 = tpu.memref_squeeze %dma_start3A_140 : memref<1x40xi32, #tpu.memory_space<vmem>> -> memref<40xi32, #tpu.memory_space<vmem>>
      %dma_start3A_142 = arith.constant 0 : i32
      %dma_start3A_143 = arith.constant 0 : i32
      %dma_start3A_144 = tpu.memref_slice %arg16[%dma_start3A_142, %dma_start3A_143] : memref<10240x128xf32, #tpu.memory_space<vmem_shared>> -> memref<10240x128xf32, #tpu.memory_space<vmem_shared>>
      tpu.enqueue_indirect_dma source(%arg14 : memref<40x128xf32, #tpu.memory_space<vmem>>) target(%dma_start3A_144 : memref<10240x128xf32, #tpu.memory_space<vmem_shared>>) offsets(%dma_start3A_141 : memref<40xi32, #tpu.memory_space<vmem>>) semaphore(%run_scoped3A_138 : memref<!tpu.dma_semaphore, #tpu.memory_space<semaphore_mem>>) {add = true}
      %dma_wait3A_145 = arith.constant 0 : i32
      %dma_wait3A_146 = tpu.memref_slice %arg9[%run_scoped3A_127, %dma_wait3A_145] : memref<2x40xi32, #tpu.memory_space<vmem>> -> memref<1x40xi32, #tpu.memory_space<vmem>>
      %dma_wait3A_147 = tpu.memref_squeeze %dma_wait3A_146 : memref<1x40xi32, #tpu.memory_space<vmem>> -> memref<40xi32, #tpu.memory_space<vmem>>
      %dma_wait3A_148 = arith.constant 0 : i32
      %dma_wait3A_149 = arith.constant 0 : i32
      %dma_wait3A_150 = tpu.memref_slice %arg16[%dma_wait3A_148, %dma_wait3A_149] : memref<10240x128xf32, #tpu.memory_space<vmem_shared>> -> memref<10240x128xf32, #tpu.memory_space<vmem_shared>>
      tpu.wait_indirect_dma semaphore(%run_scoped3A_138 : memref<!tpu.dma_semaphore, #tpu.memory_space<semaphore_mem>>) src(%arg14 : memref<40x128xf32, #tpu.memory_space<vmem>>) dst(%dma_wait3A_150 : memref<10240x128xf32, #tpu.memory_space<vmem_shared>>)
      tpu.yield
    }) : () -> ()
    %barrier3A_128 = arith.constant 0 : index
    tpu.barrier barrier_id(%barrier3A_128)
    %mul3A_129 = arith.constant 10240 : i32
    %mul3A_130 = arith.muli %arg0, %mul3A_129 : i32
    %add3A_131 = arith.addi %mul3A_130, %mul3A_2 : i32
    %scan3A_132 = arith.constant 0 : i32
    %scan3A_133 = arith.constant 0 : i32
    %scan3A_134 = arith.constant 40 : i32
    %scan3A_135 = arith.addi %scan3A_133, %scan3A_134 : i32
    %scan3A_136 = arith.constant 1 : i32
    scf.for %scan3A_138 = %scan3A_133 to %scan3A_135 step %scan3A_136  : i32 {
      %mul3A_139 = arith.constant 16 : i32
      %mul3A_140 = arith.muli %scan3A_138, %mul3A_139 : i32
      %add3A_141 = arith.addi %mul3A_2, %mul3A_140 : i32
      "tpu.region"() ({
        %run_scoped3A_145 = tpu.sem_alloc : memref<!tpu.dma_semaphore, #tpu.memory_space<semaphore_mem>>
        %dma_start3A_146 = arith.constant 0 : i32
        %dma_start3A_147 = tpu.memref_slice %arg16[%add3A_141, %dma_start3A_146] : memref<10240x128xf32, #tpu.memory_space<vmem_shared>> -> memref<16x128xf32, #tpu.memory_space<vmem_shared>>
        %dma_start3A_148 = arith.constant 0 : i32
        %dma_start3A_149 = tpu.memref_slice %arg16[%add3A_141, %dma_start3A_148] : memref<10240x128xf32, #tpu.memory_space<vmem_shared>> -> memref<16x128xf32, #tpu.memory_space<vmem_shared>>
        tpu.enqueue_dma source(%dma_start3A_149 : memref<16x128xf32, #tpu.memory_space<vmem_shared>>) target(%arg15 : memref<16x128xf32, #tpu.memory_space<vmem>>) target_semaphore(%run_scoped3A_145 : memref<!tpu.dma_semaphore, #tpu.memory_space<semaphore_mem>>)
        %dma_wait3A_150 = arith.constant 0 : i32
        %dma_wait3A_151 = tpu.memref_slice %arg16[%add3A_141, %dma_wait3A_150] : memref<10240x128xf32, #tpu.memory_space<vmem_shared>> -> memref<16x128xf32, #tpu.memory_space<vmem_shared>>
        %dma_wait3A_152 = arith.constant 0 : i32
        %dma_wait3A_153 = tpu.memref_slice %arg16[%add3A_141, %dma_wait3A_152] : memref<10240x128xf32, #tpu.memory_space<vmem_shared>> -> memref<16x128xf32, #tpu.memory_space<vmem_shared>>
        tpu.wait_dma2 semaphore(%run_scoped3A_145 : memref<!tpu.dma_semaphore, #tpu.memory_space<semaphore_mem>>) src(%dma_wait3A_153 : memref<16x128xf32, #tpu.memory_space<vmem_shared>>) dst(%arg15 : memref<16x128xf32, #tpu.memory_space<vmem>>)
        tpu.yield
      }) : () -> ()
      %mul3A_142 = arith.constant 16 : i32
      %mul3A_143 = arith.muli %scan3A_138, %mul3A_142 : i32
      %add3A_144 = arith.addi %add3A_131, %mul3A_143 : i32
      "tpu.region"() ({
        %run_scoped3A_145 = tpu.sem_alloc : memref<!tpu.dma_semaphore, #tpu.memory_space<semaphore_mem>>
        %dma_start3A_146 = arith.constant 0 : i32
        %dma_start3A_147 = tpu.memref_slice %arg6[%add3A_144, %dma_start3A_146] : memref<20480x128xf32, #tpu.memory_space<hbm>> -> memref<16x128xf32, #tpu.memory_space<hbm>>
        %dma_start3A_148 = arith.constant 0 : i32
        %dma_start3A_149 = tpu.memref_slice %arg6[%add3A_144, %dma_start3A_148] : memref<20480x128xf32, #tpu.memory_space<hbm>> -> memref<16x128xf32, #tpu.memory_space<hbm>>
        tpu.enqueue_dma source(%arg15 : memref<16x128xf32, #tpu.memory_space<vmem>>) target(%dma_start3A_149 : memref<16x128xf32, #tpu.memory_space<hbm>>) target_semaphore(%run_scoped3A_145 : memref<!tpu.dma_semaphore, #tpu.memory_space<semaphore_mem>>)
        %dma_wait3A_150 = arith.constant 0 : i32
        %dma_wait3A_151 = tpu.memref_slice %arg6[%add3A_144, %dma_wait3A_150] : memref<20480x128xf32, #tpu.memory_space<hbm>> -> memref<16x128xf32, #tpu.memory_space<hbm>>
        %dma_wait3A_152 = arith.constant 0 : i32
        %dma_wait3A_153 = tpu.memref_slice %arg6[%add3A_144, %dma_wait3A_152] : memref<20480x128xf32, #tpu.memory_space<hbm>> -> memref<16x128xf32, #tpu.memory_space<hbm>>
        tpu.wait_dma2 semaphore(%run_scoped3A_145 : memref<!tpu.dma_semaphore, #tpu.memory_space<semaphore_mem>>) src(%arg15 : memref<16x128xf32, #tpu.memory_space<vmem>>) dst(%dma_wait3A_153 : memref<16x128xf32, #tpu.memory_space<hbm>>)
        tpu.yield
      }) : () -> ()
    }
    %scan3A_137 = arith.constant 40 : i32
    return
  }
}

#map = affine_map<(d0, d1) -> (0, 0)>
#map1 = affine_map<(d0, d1) -> (0, 0, 0, 0)>
module attributes {stable_mosaic.version = 14 : i64} {
  func.func @_edge_agg_body(%arg0: i32, %arg1: i32, %arg2: memref<10000x128xf32, #tpu.memory_space<hbm>>, %arg3: memref<320000x128xf32, #tpu.memory_space<hbm>>, %arg4: memref<32x125x2x40xi32, #tpu.memory_space<hbm>>, %arg5: memref<32x125x2x40xi32, #tpu.memory_space<hbm>>, %arg6: memref<20480x128xf32, #tpu.memory_space<hbm>>, %arg7: memref<2x40xi32, #tpu.memory_space<vmem>>, %arg8: memref<2x40xi32, #tpu.memory_space<vmem>>, %arg9: memref<2x40xi32, #tpu.memory_space<vmem>>, %arg10: memref<2x40xi32, #tpu.memory_space<vmem>>, %arg11: memref<40x128xf32, #tpu.memory_space<vmem>>, %arg12: memref<40x128xf32, #tpu.memory_space<vmem>>, %arg13: memref<40x128xf32, #tpu.memory_space<vmem>>, %arg14: memref<40x128xf32, #tpu.memory_space<vmem>>, %arg15: memref<16x128xf32, #tpu.memory_space<vmem>>, %arg16: memref<10240x128xf32, #tpu.memory_space<vmem_shared>>, %arg17: memref<!tpu.dma_semaphore, #tpu.memory_space<semaphore_mem>>, %arg18: memref<!tpu.dma_semaphore, #tpu.memory_space<semaphore_mem>>, %arg19: memref<!tpu.dma_semaphore, #tpu.memory_space<semaphore_mem>>, %arg20: memref<!tpu.dma_semaphore, #tpu.memory_space<semaphore_mem>>, %arg21: memref<!tpu.dma_semaphore, #tpu.memory_space<semaphore_mem>>, %arg22: memref<!tpu.dma_semaphore, #tpu.memory_space<semaphore_mem>>) attributes {dimension_semantics = [#tpu.dimension_semantics<core_parallel>, #tpu.dimension_semantics<subcore_parallel>], iteration_bounds = array<i64: 2, 16>, scalar_prefetch = 0 : i64, scratch_operands = 16 : i64, tpu.core_type = #tpu.core_type<sc_vector_subcore>, window_params = [{transform_indices = #map}, {transform_indices = #map}, {transform_indices = #map1}, {transform_indices = #map1}, {transform_indices = #map}]} {
    %mul3A = arith.constant 16 : i32
    %mul3A_0 = arith.muli %arg0, %mul3A : i32
    %add3A = arith.addi %mul3A_0, %arg1 : i32
    %mul3A_1 = arith.constant 640 : i32
    %mul3A_2 = arith.muli %arg1, %mul3A_1 : i32
    %broadcast_in_dim3A = arith.constant 0.000000e+00 : f32
    %broadcast_in_dim3A_3 = vector.broadcast %broadcast_in_dim3A : f32 to vector<16xf32>
    %scan3A = arith.constant 0 : i32
    %scan3A_4 = arith.constant 0 : i32
    %scan3A_5 = arith.constant 16 : i32
    %scan3A_6 = arith.addi %scan3A_4, %scan3A_5 : i32
    %scan3A_7 = arith.constant 1 : i32
    scf.for %scan3A_138 = %scan3A_4 to %scan3A_6 step %scan3A_7  : i32 {
      %swap3A = arith.index_cast %scan3A_138 : i32 to index
      %swap3A_139 = arith.constant 0 : index
      %swap3A_140 = tpu.vector_load %arg15[%swap3A, %swap3A_139] {strides = array<i32>} : memref<16x128xf32, #tpu.memory_space<vmem>>, vector<1x16xf32>,
      %swap3A_141 = vector.shape_cast %swap3A_140 : vector<1x16xf32> to vector<16xf32>
      %swap3A_142 = vector.shape_cast %broadcast_in_dim3A_3 : vector<16xf32> to vector<1x16xf32>
      tpu.vector_store %arg15[%swap3A, %swap3A_139], %swap3A_142 {strides = array<i32>} : memref<16x128xf32, #tpu.memory_space<vmem>>, vector<1x16xf32>,
      %swap3A_143 = arith.index_cast %scan3A_138 : i32 to index
      %swap3A_144 = arith.constant 16 : index
      %swap3A_145 = tpu.vector_load %arg15[%swap3A_143, %swap3A_144] {strides = array<i32>} : memref<16x128xf32, #tpu.memory_space<vmem>>, vector<1x16xf32>,
      %swap3A_146 = vector.shape_cast %swap3A_145 : vector<1x16xf32> to vector<16xf32>
      %swap3A_147 = vector.shape_cast %broadcast_in_dim3A_3 : vector<16xf32> to vector<1x16xf32>
      tpu.vector_store %arg15[%swap3A_143, %swap3A_144], %swap3A_147 {strides = array<i32>} : memref<16x128xf32, #tpu.memory_space<vmem>>, vector<1x16xf32>,
      %swap3A_148 = arith.index_cast %scan3A_138 : i32 to index
      %swap3A_149 = arith.constant 32 : index
      %swap3A_150 = tpu.vector_load %arg15[%swap3A_148, %swap3A_149] {strides = array<i32>} : memref<16x128xf32, #tpu.memory_space<vmem>>, vector<1x16xf32>,
      %swap3A_151 = vector.shape_cast %swap3A_150 : vector<1x16xf32> to vector<16xf32>
      %swap3A_152 = vector.shape_cast %broadcast_in_dim3A_3 : vector<16xf32> to vector<1x16xf32>
      tpu.vector_store %arg15[%swap3A_148, %swap3A_149], %swap3A_152 {strides = array<i32>} : memref<16x128xf32, #tpu.memory_space<vmem>>, vector<1x16xf32>,
      %swap3A_153 = arith.index_cast %scan3A_138 : i32 to index
      %swap3A_154 = arith.constant 48 : index
      %swap3A_155 = tpu.vector_load %arg15[%swap3A_153, %swap3A_154] {strides = array<i32>} : memref<16x128xf32, #tpu.memory_space<vmem>>, vector<1x16xf32>,
      %swap3A_156 = vector.shape_cast %swap3A_155 : vector<1x16xf32> to vector<16xf32>
      %swap3A_157 = vector.shape_cast %broadcast_in_dim3A_3 : vector<16xf32> to vector<1x16xf32>
      tpu.vector_store %arg15[%swap3A_153, %swap3A_154], %swap3A_157 {strides = array<i32>} : memref<16x128xf32, #tpu.memory_space<vmem>>, vector<1x16xf32>,
      %swap3A_158 = arith.index_cast %scan3A_138 : i32 to index
      %swap3A_159 = arith.constant 64 : index
      %swap3A_160 = tpu.vector_load %arg15[%swap3A_158, %swap3A_159] {strides = array<i32>} : memref<16x128xf32, #tpu.memory_space<vmem>>, vector<1x16xf32>,
      %swap3A_161 = vector.shape_cast %swap3A_160 : vector<1x16xf32> to vector<16xf32>
      %swap3A_162 = vector.shape_cast %broadcast_in_dim3A_3 : vector<16xf32> to vector<1x16xf32>
      tpu.vector_store %arg15[%swap3A_158, %swap3A_159], %swap3A_162 {strides = array<i32>} : memref<16x128xf32, #tpu.memory_space<vmem>>, vector<1x16xf32>,
      %swap3A_163 = arith.index_cast %scan3A_138 : i32 to index
      %swap3A_164 = arith.constant 80 : index
      %swap3A_165 = tpu.vector_load %arg15[%swap3A_163, %swap3A_164] {strides = array<i32>} : memref<16x128xf32, #tpu.memory_space<vmem>>, vector<1x16xf32>,
      %swap3A_166 = vector.shape_cast %swap3A_165 : vector<1x16xf32> to vector<16xf32>
      %swap3A_167 = vector.shape_cast %broadcast_in_dim3A_3 : vector<16xf32> to vector<1x16xf32>
      tpu.vector_store %arg15[%swap3A_163, %swap3A_164], %swap3A_167 {strides = array<i32>} : memref<16x128xf32, #tpu.memory_space<vmem>>, vector<1x16xf32>,
      %swap3A_168 = arith.index_cast %scan3A_138 : i32 to index
      %swap3A_169 = arith.constant 96 : index
      %swap3A_170 = tpu.vector_load %arg15[%swap3A_168, %swap3A_169] {strides = array<i32>} : memref<16x128xf32, #tpu.memory_space<vmem>>, vector<1x16xf32>,
      %swap3A_171 = vector.shape_cast %swap3A_170 : vector<1x16xf32> to vector<16xf32>
      %swap3A_172 = vector.shape_cast %broadcast_in_dim3A_3 : vector<16xf32> to vector<1x16xf32>
      tpu.vector_store %arg15[%swap3A_168, %swap3A_169], %swap3A_172 {strides = array<i32>} : memref<16x128xf32, #tpu.memory_space<vmem>>, vector<1x16xf32>,
      %swap3A_173 = arith.index_cast %scan3A_138 : i32 to index
      %swap3A_174 = arith.constant 112 : index
      %swap3A_175 = tpu.vector_load %arg15[%swap3A_173, %swap3A_174] {strides = array<i32>} : memref<16x128xf32, #tpu.memory_space<vmem>>, vector<1x16xf32>,
      %swap3A_176 = vector.shape_cast %swap3A_175 : vector<1x16xf32> to vector<16xf32>
      %swap3A_177 = vector.shape_cast %broadcast_in_dim3A_3 : vector<16xf32> to vector<1x16xf32>
      tpu.vector_store %arg15[%swap3A_173, %swap3A_174], %swap3A_177 {strides = array<i32>} : memref<16x128xf32, #tpu.memory_space<vmem>>, vector<1x16xf32>,
    }
    %scan3A_8 = arith.constant 16 : i32
    %scan3A_9 = arith.constant 0 : i32
    %scan3A_10 = arith.constant 0 : i32
    %scan3A_11 = arith.constant 40 : i32
    %scan3A_12 = arith.addi %scan3A_10, %scan3A_11 : i32
    %scan3A_13 = arith.constant 1 : i32
    scf.for %scan3A_138 = %scan3A_10 to %scan3A_12 step %scan3A_13  : i32 {
      %mul3A_139 = arith.constant 16 : i32
      %mul3A_140 = arith.muli %scan3A_138, %mul3A_139 : i32
      %add3A_141 = arith.addi %mul3A_2, %mul3A_140 : i32
      "tpu.region"() ({
        %run_scoped3A_142 = tpu.sem_alloc : memref<!tpu.dma_semaphore, #tpu.memory_space<semaphore_mem>>
        %dma_start3A_143 = arith.constant 0 : i32
        %dma_start3A_144 = tpu.memref_slice %arg16[%add3A_141, %dma_start3A_143] : memref<10240x128xf32, #tpu.memory_space<vmem_shared>> -> memref<16x128xf32, #tpu.memory_space<vmem_shared>>
        %dma_start3A_145 = arith.constant 0 : i32
        %dma_start3A_146 = tpu.memref_slice %arg16[%add3A_141, %dma_start3A_145] : memref<10240x128xf32, #tpu.memory_space<vmem_shared>> -> memref<16x128xf32, #tpu.memory_space<vmem_shared>>
        tpu.enqueue_dma source(%arg15 : memref<16x128xf32, #tpu.memory_space<vmem>>) target(%dma_start3A_146 : memref<16x128xf32, #tpu.memory_space<vmem_shared>>) target_semaphore(%run_scoped3A_142 : memref<!tpu.dma_semaphore, #tpu.memory_space<semaphore_mem>>)
        %dma_wait3A_147 = arith.constant 0 : i32
        %dma_wait3A_148 = tpu.memref_slice %arg16[%add3A_141, %dma_wait3A_147] : memref<10240x128xf32, #tpu.memory_space<vmem_shared>> -> memref<16x128xf32, #tpu.memory_space<vmem_shared>>
        %dma_wait3A_149 = arith.constant 0 : i32
        %dma_wait3A_150 = tpu.memref_slice %arg16[%add3A_141, %dma_wait3A_149] : memref<10240x128xf32, #tpu.memory_space<vmem_shared>> -> memref<16x128xf32, #tpu.memory_space<vmem_shared>>
        tpu.wait_dma2 semaphore(%run_scoped3A_142 : memref<!tpu.dma_semaphore, #tpu.memory_space<semaphore_mem>>) src(%arg15 : memref<16x128xf32, #tpu.memory_space<vmem>>) dst(%dma_wait3A_150 : memref<16x128xf32, #tpu.memory_space<vmem_shared>>)
        tpu.yield
      }) : () -> ()
    }
    %scan3A_14 = arith.constant 40 : i32
    %barrier3A = arith.constant 0 : index
    tpu.barrier barrier_id(%barrier3A)
    %dma_start3A = arith.constant 0 : i32
    %dma_start3A_15 = arith.constant 0 : i32
    %dma_start3A_16 = arith.constant 0 : i32
    %dma_start3A_17 = tpu.memref_slice %arg4[%add3A, %dma_start3A, %dma_start3A_15, %dma_start3A_16] : memref<32x125x2x40xi32, #tpu.memory_space<hbm>> -> memref<1x1x2x40xi32, #tpu.memory_space<hbm>>
    %dma_start3A_18 = tpu.memref_squeeze %dma_start3A_17 : memref<1x1x2x40xi32, #tpu.memory_space<hbm>> -> memref<2x40xi32, #tpu.memory_space<hbm>>
    %dma_start3A_19 = arith.constant 0 : i32
    %dma_start3A_20 = arith.constant 0 : i32
    %dma_start3A_21 = tpu.memref_slice %arg4[%add3A, %dma_start3A, %dma_start3A_19, %dma_start3A_20] : memref<32x125x2x40xi32, #tpu.memory_space<hbm>> -> memref<1x1x2x40xi32, #tpu.memory_space<hbm>>
    %dma_start3A_22 = tpu.memref_squeeze %dma_start3A_21 : memref<1x1x2x40xi32, #tpu.memory_space<hbm>> -> memref<2x40xi32, #tpu.memory_space<hbm>>
    tpu.enqueue_dma source(%dma_start3A_22 : memref<2x40xi32, #tpu.memory_space<hbm>>) target(%arg7 : memref<2x40xi32, #tpu.memory_space<vmem>>) target_semaphore(%arg21 : memref<!tpu.dma_semaphore, #tpu.memory_space<semaphore_mem>>)
    %dma_start3A_23 = arith.constant 0 : i32
    %dma_start3A_24 = arith.constant 0 : i32
    %dma_start3A_25 = arith.constant 0 : i32
    %dma_start3A_26 = tpu.memref_slice %arg5[%add3A, %dma_start3A_23, %dma_start3A_24, %dma_start3A_25] : memref<32x125x2x40xi32, #tpu.memory_space<hbm>> -> memref<1x1x2x40xi32, #tpu.memory_space<hbm>>
    %dma_start3A_27 = tpu.memref_squeeze %dma_start3A_26 : memref<1x1x2x40xi32, #tpu.memory_space<hbm>> -> memref<2x40xi32, #tpu.memory_space<hbm>>
    %dma_start3A_28 = arith.constant 0 : i32
    %dma_start3A_29 = arith.constant 0 : i32
    %dma_start3A_30 = tpu.memref_slice %arg5[%add3A, %dma_start3A_23, %dma_start3A_28, %dma_start3A_29] : memref<32x125x2x40xi32, #tpu.memory_space<hbm>> -> memref<1x1x2x40xi32, #tpu.memory_space<hbm>>
    %dma_start3A_31 = tpu.memref_squeeze %dma_start3A_30 : memref<1x1x2x40xi32, #tpu.memory_space<hbm>> -> memref<2x40xi32, #tpu.memory_space<hbm>>
    tpu.enqueue_dma source(%dma_start3A_31 : memref<2x40xi32, #tpu.memory_space<hbm>>) target(%arg9 : memref<2x40xi32, #tpu.memory_space<vmem>>) target_semaphore(%arg21 : memref<!tpu.dma_semaphore, #tpu.memory_space<semaphore_mem>>)
    %dma_wait3A = arith.constant 0 : i32
    %dma_wait3A_32 = arith.constant 0 : i32
    %dma_wait3A_33 = arith.constant 0 : i32
    %dma_wait3A_34 = tpu.memref_slice %arg4[%add3A, %dma_wait3A, %dma_wait3A_32, %dma_wait3A_33] : memref<32x125x2x40xi32, #tpu.memory_space<hbm>> -> memref<1x1x2x40xi32, #tpu.memory_space<hbm>>
    %dma_wait3A_35 = tpu.memref_squeeze %dma_wait3A_34 : memref<1x1x2x40xi32, #tpu.memory_space<hbm>> -> memref<2x40xi32, #tpu.memory_space<hbm>>
    %dma_wait3A_36 = arith.constant 0 : i32
    %dma_wait3A_37 = arith.constant 0 : i32
    %dma_wait3A_38 = tpu.memref_slice %arg4[%add3A, %dma_wait3A, %dma_wait3A_36, %dma_wait3A_37] : memref<32x125x2x40xi32, #tpu.memory_space<hbm>> -> memref<1x1x2x40xi32, #tpu.memory_space<hbm>>
    %dma_wait3A_39 = tpu.memref_squeeze %dma_wait3A_38 : memref<1x1x2x40xi32, #tpu.memory_space<hbm>> -> memref<2x40xi32, #tpu.memory_space<hbm>>
    tpu.wait_dma2 semaphore(%arg21 : memref<!tpu.dma_semaphore, #tpu.memory_space<semaphore_mem>>) src(%dma_wait3A_39 : memref<2x40xi32, #tpu.memory_space<hbm>>) dst(%arg7 : memref<2x40xi32, #tpu.memory_space<vmem>>)
    %dma_wait3A_40 = arith.constant 0 : i32
    %dma_wait3A_41 = arith.constant 0 : i32
    %dma_wait3A_42 = arith.constant 0 : i32
    %dma_wait3A_43 = tpu.memref_slice %arg5[%add3A, %dma_wait3A_40, %dma_wait3A_41, %dma_wait3A_42] : memref<32x125x2x40xi32, #tpu.memory_space<hbm>> -> memref<1x1x2x40xi32, #tpu.memory_space<hbm>>
    %dma_wait3A_44 = tpu.memref_squeeze %dma_wait3A_43 : memref<1x1x2x40xi32, #tpu.memory_space<hbm>> -> memref<2x40xi32, #tpu.memory_space<hbm>>
    %dma_wait3A_45 = arith.constant 0 : i32
    %dma_wait3A_46 = arith.constant 0 : i32
    %dma_wait3A_47 = tpu.memref_slice %arg5[%add3A, %dma_wait3A_40, %dma_wait3A_45, %dma_wait3A_46] : memref<32x125x2x40xi32, #tpu.memory_space<hbm>> -> memref<1x1x2x40xi32, #tpu.memory_space<hbm>>
    %dma_wait3A_48 = tpu.memref_squeeze %dma_wait3A_47 : memref<1x1x2x40xi32, #tpu.memory_space<hbm>> -> memref<2x40xi32, #tpu.memory_space<hbm>>
    tpu.wait_dma2 semaphore(%arg21 : memref<!tpu.dma_semaphore, #tpu.memory_space<semaphore_mem>>) src(%dma_wait3A_48 : memref<2x40xi32, #tpu.memory_space<hbm>>) dst(%arg9 : memref<2x40xi32, #tpu.memory_space<vmem>>)
    %dma_start3A_49 = arith.constant 0 : i32
    %dma_start3A_50 = arith.constant 0 : i32
    %dma_start3A_51 = tpu.memref_slice %arg7[%dma_start3A_49, %dma_start3A_50] : memref<2x40xi32, #tpu.memory_space<vmem>> -> memref<1x40xi32, #tpu.memory_space<vmem>>
    %dma_start3A_52 = tpu.memref_squeeze %dma_start3A_51 : memref<1x40xi32, #tpu.memory_space<vmem>> -> memref<40xi32, #tpu.memory_space<vmem>>
    %dma_start3A_53 = arith.constant 0 : i32
    %dma_start3A_54 = arith.constant 0 : i32
    %dma_start3A_55 = tpu.memref_slice %arg2[%dma_start3A_53, %dma_start3A_54] : memref<10000x128xf32, #tpu.memory_space<hbm>> -> memref<10000x128xf32, #tpu.memory_space<hbm>>
    tpu.enqueue_indirect_dma source(%dma_start3A_55 : memref<10000x128xf32, #tpu.memory_space<hbm>>) target(%arg11 : memref<40x128xf32, #tpu.memory_space<vmem>>) offsets(%dma_start3A_52 : memref<40xi32, #tpu.memory_space<vmem>>) semaphore(%arg17 : memref<!tpu.dma_semaphore, #tpu.memory_space<semaphore_mem>>)
    %mul3A_56 = arith.constant 10000 : i32
    %mul3A_57 = arith.muli %add3A, %mul3A_56 : i32
    %add3A_58 = arith.constant 0 : i32
    %add3A_59 = arith.addi %mul3A_57, %add3A_58 : i32
    %dma_start3A_60 = arith.constant 0 : i32
    %dma_start3A_61 = tpu.memref_slice %arg3[%add3A_59, %dma_start3A_60] : memref<320000x128xf32, #tpu.memory_space<hbm>> -> memref<40x128xf32, #tpu.memory_space<hbm>>
    %dma_start3A_62 = arith.constant 0 : i32
    %dma_start3A_63 = tpu.memref_slice %arg3[%add3A_59, %dma_start3A_62] : memref<320000x128xf32, #tpu.memory_space<hbm>> -> memref<40x128xf32, #tpu.memory_space<hbm>>
    tpu.enqueue_dma source(%dma_start3A_63 : memref<40x128xf32, #tpu.memory_space<hbm>>) target(%arg13 : memref<40x128xf32, #tpu.memory_space<vmem>>) target_semaphore(%arg19 : memref<!tpu.dma_semaphore, #tpu.memory_space<semaphore_mem>>)
    %scan3A_64 = arith.constant 0 : i32
    %scan3A_65 = arith.constant 0 : i32
    %scan3A_66 = arith.constant 62 : i32
    %scan3A_67 = arith.addi %scan3A_65, %scan3A_66 : i32
    %scan3A_68 = arith.constant 1 : i32
    scf.for %scan3A_138 = %scan3A_65 to %scan3A_67 step %scan3A_68  : i32 {
      %mul3A_139 = arith.constant 4 : i32
      %mul3A_140 = arith.muli %mul3A_139, %scan3A_138 : i32
      %mul3A_141 = arith.constant 2 : i32
      %mul3A_142 = arith.muli %mul3A_141, %scan3A_138 : i32
      %add3A_143 = arith.constant 1 : i32
      %add3A_144 = arith.addi %mul3A_142, %add3A_143 : i32
      %dma_start3A_145 = arith.constant 0 : i32
      %dma_start3A_146 = arith.constant 0 : i32
      %dma_start3A_147 = tpu.memref_slice %arg4[%add3A, %add3A_144, %dma_start3A_145, %dma_start3A_146] : memref<32x125x2x40xi32, #tpu.memory_space<hbm>> -> memref<1x1x2x40xi32, #tpu.memory_space<hbm>>
      %dma_start3A_148 = tpu.memref_squeeze %dma_start3A_147 : memref<1x1x2x40xi32, #tpu.memory_space<hbm>> -> memref<2x40xi32, #tpu.memory_space<hbm>>
      %dma_start3A_149 = arith.constant 0 : i32
      %dma_start3A_150 = arith.constant 0 : i32
      %dma_start3A_151 = tpu.memref_slice %arg4[%add3A, %add3A_144, %dma_start3A_149, %dma_start3A_150] : memref<32x125x2x40xi32, #tpu.memory_space<hbm>> -> memref<1x1x2x40xi32, #tpu.memory_space<hbm>>
      %dma_start3A_152 = tpu.memref_squeeze %dma_start3A_151 : memref<1x1x2x40xi32, #tpu.memory_space<hbm>> -> memref<2x40xi32, #tpu.memory_space<hbm>>
      tpu.enqueue_dma source(%dma_start3A_152 : memref<2x40xi32, #tpu.memory_space<hbm>>) target(%arg8 : memref<2x40xi32, #tpu.memory_space<vmem>>) target_semaphore(%arg22 : memref<!tpu.dma_semaphore, #tpu.memory_space<semaphore_mem>>)
      %dma_start3A_153 = arith.constant 0 : i32
      %dma_start3A_154 = arith.constant 0 : i32
      %dma_start3A_155 = tpu.memref_slice %arg5[%add3A, %add3A_144, %dma_start3A_153, %dma_start3A_154] : memref<32x125x2x40xi32, #tpu.memory_space<hbm>> -> memref<1x1x2x40xi32, #tpu.memory_space<hbm>>
      %dma_start3A_156 = tpu.memref_squeeze %dma_start3A_155 : memref<1x1x2x40xi32, #tpu.memory_space<hbm>> -> memref<2x40xi32, #tpu.memory_space<hbm>>
      %dma_start3A_157 = arith.constant 0 : i32
      %dma_start3A_158 = arith.constant 0 : i32
      %dma_start3A_159 = tpu.memref_slice %arg5[%add3A, %add3A_144, %dma_start3A_157, %dma_start3A_158] : memref<32x125x2x40xi32, #tpu.memory_space<hbm>> -> memref<1x1x2x40xi32, #tpu.memory_space<hbm>>
      %dma_start3A_160 = tpu.memref_squeeze %dma_start3A_159 : memref<1x1x2x40xi32, #tpu.memory_space<hbm>> -> memref<2x40xi32, #tpu.memory_space<hbm>>
      tpu.enqueue_dma source(%dma_start3A_160 : memref<2x40xi32, #tpu.memory_space<hbm>>) target(%arg10 : memref<2x40xi32, #tpu.memory_space<vmem>>) target_semaphore(%arg22 : memref<!tpu.dma_semaphore, #tpu.memory_space<semaphore_mem>>)
      %add3A_161 = arith.constant 1 : i32
      %add3A_162 = arith.addi %mul3A_140, %add3A_161 : i32
      %dma_start3A_163 = arith.constant 1 : i32
      %dma_start3A_164 = arith.constant 0 : i32
      %dma_start3A_165 = tpu.memref_slice %arg7[%dma_start3A_163, %dma_start3A_164] : memref<2x40xi32, #tpu.memory_space<vmem>> -> memref<1x40xi32, #tpu.memory_space<vmem>>
      %dma_start3A_166 = tpu.memref_squeeze %dma_start3A_165 : memref<1x40xi32, #tpu.memory_space<vmem>> -> memref<40xi32, #tpu.memory_space<vmem>>
      %dma_start3A_167 = arith.constant 0 : i32
      %dma_start3A_168 = arith.constant 0 : i32
      %dma_start3A_169 = tpu.memref_slice %arg2[%dma_start3A_167, %dma_start3A_168] : memref<10000x128xf32, #tpu.memory_space<hbm>> -> memref<10000x128xf32, #tpu.memory_space<hbm>>
      tpu.enqueue_indirect_dma source(%dma_start3A_169 : memref<10000x128xf32, #tpu.memory_space<hbm>>) target(%arg12 : memref<40x128xf32, #tpu.memory_space<vmem>>) offsets(%dma_start3A_166 : memref<40xi32, #tpu.memory_space<vmem>>) semaphore(%arg18 : memref<!tpu.dma_semaphore, #tpu.memory_space<semaphore_mem>>)
      %mul3A_170 = arith.constant 10000 : i32
      %mul3A_171 = arith.muli %add3A, %mul3A_170 : i32
      %mul3A_172 = arith.constant 40 : i32
      %mul3A_173 = arith.muli %add3A_162, %mul3A_172 : i32
      %add3A_174 = arith.addi %mul3A_171, %mul3A_173 : i32
      %dma_start3A_175 = arith.constant 0 : i32
      %dma_start3A_176 = tpu.memref_slice %arg3[%add3A_174, %dma_start3A_175] : memref<320000x128xf32, #tpu.memory_space<hbm>> -> memref<40x128xf32, #tpu.memory_space<hbm>>
      %dma_start3A_177 = arith.constant 0 : i32
      %dma_start3A_178 = tpu.memref_slice %arg3[%add3A_174, %dma_start3A_177] : memref<320000x128xf32, #tpu.memory_space<hbm>> -> memref<40x128xf32, #tpu.memory_space<hbm>>
      tpu.enqueue_dma source(%dma_start3A_178 : memref<40x128xf32, #tpu.memory_space<hbm>>) target(%arg14 : memref<40x128xf32, #tpu.memory_space<vmem>>) target_semaphore(%arg20 : memref<!tpu.dma_semaphore, #tpu.memory_space<semaphore_mem>>)
      %dma_wait3A_179 = arith.constant 0 : i32
      %dma_wait3A_180 = arith.constant 0 : i32
      %dma_wait3A_181 = tpu.memref_slice %arg7[%dma_wait3A_179, %dma_wait3A_180] : memref<2x40xi32, #tpu.memory_space<vmem>> -> memref<1x40xi32, #tpu.memory_space<vmem>>
      %dma_wait3A_182 = tpu.memref_squeeze %dma_wait3A_181 : memref<1x40xi32, #tpu.memory_space<vmem>> -> memref<40xi32, #tpu.memory_space<vmem>>
      %dma_wait3A_183 = arith.constant 0 : i32
      %dma_wait3A_184 = arith.constant 0 : i32
      %dma_wait3A_185 = tpu.memref_slice %arg2[%dma_wait3A_183, %dma_wait3A_184] : memref<10000x128xf32, #tpu.memory_space<hbm>> -> memref<10000x128xf32, #tpu.memory_space<hbm>>
      tpu.wait_indirect_dma semaphore(%arg17 : memref<!tpu.dma_semaphore, #tpu.memory_space<semaphore_mem>>) src(%dma_wait3A_185 : memref<10000x128xf32, #tpu.memory_space<hbm>>) dst(%arg11 : memref<40x128xf32, #tpu.memory_space<vmem>>)
      %mul3A_186 = arith.constant 10000 : i32
      %mul3A_187 = arith.muli %add3A, %mul3A_186 : i32
      %mul3A_188 = arith.constant 40 : i32
      %mul3A_189 = arith.muli %mul3A_140, %mul3A_188 : i32
      %add3A_190 = arith.addi %mul3A_187, %mul3A_189 : i32
      %dma_wait3A_191 = arith.constant 0 : i32
      %dma_wait3A_192 = tpu.memref_slice %arg3[%add3A_190, %dma_wait3A_191] : memref<320000x128xf32, #tpu.memory_space<hbm>> -> memref<40x128xf32, #tpu.memory_space<hbm>>
      %dma_wait3A_193 = arith.constant 0 : i32
      %dma_wait3A_194 = tpu.memref_slice %arg3[%add3A_190, %dma_wait3A_193] : memref<320000x128xf32, #tpu.memory_space<hbm>> -> memref<40x128xf32, #tpu.memory_space<hbm>>
      tpu.wait_dma2 semaphore(%arg19 : memref<!tpu.dma_semaphore, #tpu.memory_space<semaphore_mem>>) src(%dma_wait3A_194 : memref<40x128xf32, #tpu.memory_space<hbm>>) dst(%arg13 : memref<40x128xf32, #tpu.memory_space<vmem>>)
      %scan3A_195 = arith.constant 0 : i32
      %scan3A_196 = arith.constant 0 : i32
      %scan3A_197 = arith.constant 40 : i32
      %scan3A_198 = arith.addi %scan3A_196, %scan3A_197 : i32
      %scan3A_199 = arith.constant 1 : i32
      scf.for %scan3A_391 = %scan3A_196 to %scan3A_198 step %scan3A_199  : i32 {
        %get3A = arith.index_cast %scan3A_391 : i32 to index
        %get3A_392 = arith.constant 0 : index
        %get3A_393 = tpu.vector_load %arg11[%get3A, %get3A_392] {strides = array<i32>} : memref<40x128xf32, #tpu.memory_space<vmem>>, vector<1x16xf32>,
        %get3A_394 = vector.shape_cast %get3A_393 : vector<1x16xf32> to vector<16xf32>
        %get3A_395 = arith.index_cast %scan3A_391 : i32 to index
        %get3A_396 = arith.constant 0 : index
        %get3A_397 = tpu.vector_load %arg13[%get3A_395, %get3A_396] {strides = array<i32>} : memref<40x128xf32, #tpu.memory_space<vmem>>, vector<1x16xf32>,
        %get3A_398 = vector.shape_cast %get3A_397 : vector<1x16xf32> to vector<16xf32>
        %add3A_399 = arith.addf %get3A_394, %get3A_398 : vector<16xf32>
        %max3A = arith.constant 0.000000e+00 : f32
        %max3A_400 = vector.broadcast %max3A : f32 to vector<16xf32>
        %max3A_401 = arith.maximumf %add3A_399, %max3A_400 : vector<16xf32>
        %swap3A = arith.index_cast %scan3A_391 : i32 to index
        %swap3A_402 = arith.constant 0 : index
        %swap3A_403 = tpu.vector_load %arg13[%swap3A, %swap3A_402] {strides = array<i32>} : memref<40x128xf32, #tpu.memory_space<vmem>>, vector<1x16xf32>,
        %swap3A_404 = vector.shape_cast %swap3A_403 : vector<1x16xf32> to vector<16xf32>
        %swap3A_405 = vector.shape_cast %max3A_401 : vector<16xf32> to vector<1x16xf32>
        tpu.vector_store %arg13[%swap3A, %swap3A_402], %swap3A_405 {strides = array<i32>} : memref<40x128xf32, #tpu.memory_space<vmem>>, vector<1x16xf32>,
        %get3A_406 = arith.index_cast %scan3A_391 : i32 to index
        %get3A_407 = arith.constant 16 : index
        %get3A_408 = tpu.vector_load %arg11[%get3A_406, %get3A_407] {strides = array<i32>} : memref<40x128xf32, #tpu.memory_space<vmem>>, vector<1x16xf32>,
        %get3A_409 = vector.shape_cast %get3A_408 : vector<1x16xf32> to vector<16xf32>
        %get3A_410 = arith.index_cast %scan3A_391 : i32 to index
        %get3A_411 = arith.constant 16 : index
        %get3A_412 = tpu.vector_load %arg13[%get3A_410, %get3A_411] {strides = array<i32>} : memref<40x128xf32, #tpu.memory_space<vmem>>, vector<1x16xf32>,
        %get3A_413 = vector.shape_cast %get3A_412 : vector<1x16xf32> to vector<16xf32>
        %add3A_414 = arith.addf %get3A_409, %get3A_413 : vector<16xf32>
        %max3A_415 = arith.constant 0.000000e+00 : f32
        %max3A_416 = vector.broadcast %max3A_415 : f32 to vector<16xf32>
        %max3A_417 = arith.maximumf %add3A_414, %max3A_416 : vector<16xf32>
        %swap3A_418 = arith.index_cast %scan3A_391 : i32 to index
        %swap3A_419 = arith.constant 16 : index
        %swap3A_420 = tpu.vector_load %arg13[%swap3A_418, %swap3A_419] {strides = array<i32>} : memref<40x128xf32, #tpu.memory_space<vmem>>, vector<1x16xf32>,
        %swap3A_421 = vector.shape_cast %swap3A_420 : vector<1x16xf32> to vector<16xf32>
        %swap3A_422 = vector.shape_cast %max3A_417 : vector<16xf32> to vector<1x16xf32>
        tpu.vector_store %arg13[%swap3A_418, %swap3A_419], %swap3A_422 {strides = array<i32>} : memref<40x128xf32, #tpu.memory_space<vmem>>, vector<1x16xf32>,
        %get3A_423 = arith.index_cast %scan3A_391 : i32 to index
        %get3A_424 = arith.constant 32 : index
        %get3A_425 = tpu.vector_load %arg11[%get3A_423, %get3A_424] {strides = array<i32>} : memref<40x128xf32, #tpu.memory_space<vmem>>, vector<1x16xf32>,
        %get3A_426 = vector.shape_cast %get3A_425 : vector<1x16xf32> to vector<16xf32>
        %get3A_427 = arith.index_cast %scan3A_391 : i32 to index
        %get3A_428 = arith.constant 32 : index
        %get3A_429 = tpu.vector_load %arg13[%get3A_427, %get3A_428] {strides = array<i32>} : memref<40x128xf32, #tpu.memory_space<vmem>>, vector<1x16xf32>,
        %get3A_430 = vector.shape_cast %get3A_429 : vector<1x16xf32> to vector<16xf32>
        %add3A_431 = arith.addf %get3A_426, %get3A_430 : vector<16xf32>
        %max3A_432 = arith.constant 0.000000e+00 : f32
        %max3A_433 = vector.broadcast %max3A_432 : f32 to vector<16xf32>
        %max3A_434 = arith.maximumf %add3A_431, %max3A_433 : vector<16xf32>
        %swap3A_435 = arith.index_cast %scan3A_391 : i32 to index
        %swap3A_436 = arith.constant 32 : index
        %swap3A_437 = tpu.vector_load %arg13[%swap3A_435, %swap3A_436] {strides = array<i32>} : memref<40x128xf32, #tpu.memory_space<vmem>>, vector<1x16xf32>,
        %swap3A_438 = vector.shape_cast %swap3A_437 : vector<1x16xf32> to vector<16xf32>
        %swap3A_439 = vector.shape_cast %max3A_434 : vector<16xf32> to vector<1x16xf32>
        tpu.vector_store %arg13[%swap3A_435, %swap3A_436], %swap3A_439 {strides = array<i32>} : memref<40x128xf32, #tpu.memory_space<vmem>>, vector<1x16xf32>,
        %get3A_440 = arith.index_cast %scan3A_391 : i32 to index
        %get3A_441 = arith.constant 48 : index
        %get3A_442 = tpu.vector_load %arg11[%get3A_440, %get3A_441] {strides = array<i32>} : memref<40x128xf32, #tpu.memory_space<vmem>>, vector<1x16xf32>,
        %get3A_443 = vector.shape_cast %get3A_442 : vector<1x16xf32> to vector<16xf32>
        %get3A_444 = arith.index_cast %scan3A_391 : i32 to index
        %get3A_445 = arith.constant 48 : index
        %get3A_446 = tpu.vector_load %arg13[%get3A_444, %get3A_445] {strides = array<i32>} : memref<40x128xf32, #tpu.memory_space<vmem>>, vector<1x16xf32>,
        %get3A_447 = vector.shape_cast %get3A_446 : vector<1x16xf32> to vector<16xf32>
        %add3A_448 = arith.addf %get3A_443, %get3A_447 : vector<16xf32>
        %max3A_449 = arith.constant 0.000000e+00 : f32
        %max3A_450 = vector.broadcast %max3A_449 : f32 to vector<16xf32>
        %max3A_451 = arith.maximumf %add3A_448, %max3A_450 : vector<16xf32>
        %swap3A_452 = arith.index_cast %scan3A_391 : i32 to index
        %swap3A_453 = arith.constant 48 : index
        %swap3A_454 = tpu.vector_load %arg13[%swap3A_452, %swap3A_453] {strides = array<i32>} : memref<40x128xf32, #tpu.memory_space<vmem>>, vector<1x16xf32>,
        %swap3A_455 = vector.shape_cast %swap3A_454 : vector<1x16xf32> to vector<16xf32>
        %swap3A_456 = vector.shape_cast %max3A_451 : vector<16xf32> to vector<1x16xf32>
        tpu.vector_store %arg13[%swap3A_452, %swap3A_453], %swap3A_456 {strides = array<i32>} : memref<40x128xf32, #tpu.memory_space<vmem>>, vector<1x16xf32>,
        %get3A_457 = arith.index_cast %scan3A_391 : i32 to index
        %get3A_458 = arith.constant 64 : index
        %get3A_459 = tpu.vector_load %arg11[%get3A_457, %get3A_458] {strides = array<i32>} : memref<40x128xf32, #tpu.memory_space<vmem>>, vector<1x16xf32>,
        %get3A_460 = vector.shape_cast %get3A_459 : vector<1x16xf32> to vector<16xf32>
        %get3A_461 = arith.index_cast %scan3A_391 : i32 to index
        %get3A_462 = arith.constant 64 : index
        %get3A_463 = tpu.vector_load %arg13[%get3A_461, %get3A_462] {strides = array<i32>} : memref<40x128xf32, #tpu.memory_space<vmem>>, vector<1x16xf32>,
        %get3A_464 = vector.shape_cast %get3A_463 : vector<1x16xf32> to vector<16xf32>
        %add3A_465 = arith.addf %get3A_460, %get3A_464 : vector<16xf32>
        %max3A_466 = arith.constant 0.000000e+00 : f32
        %max3A_467 = vector.broadcast %max3A_466 : f32 to vector<16xf32>
        %max3A_468 = arith.maximumf %add3A_465, %max3A_467 : vector<16xf32>
        %swap3A_469 = arith.index_cast %scan3A_391 : i32 to index
        %swap3A_470 = arith.constant 64 : index
        %swap3A_471 = tpu.vector_load %arg13[%swap3A_469, %swap3A_470] {strides = array<i32>} : memref<40x128xf32, #tpu.memory_space<vmem>>, vector<1x16xf32>,
        %swap3A_472 = vector.shape_cast %swap3A_471 : vector<1x16xf32> to vector<16xf32>
        %swap3A_473 = vector.shape_cast %max3A_468 : vector<16xf32> to vector<1x16xf32>
        tpu.vector_store %arg13[%swap3A_469, %swap3A_470], %swap3A_473 {strides = array<i32>} : memref<40x128xf32, #tpu.memory_space<vmem>>, vector<1x16xf32>,
        %get3A_474 = arith.index_cast %scan3A_391 : i32 to index
        %get3A_475 = arith.constant 80 : index
        %get3A_476 = tpu.vector_load %arg11[%get3A_474, %get3A_475] {strides = array<i32>} : memref<40x128xf32, #tpu.memory_space<vmem>>, vector<1x16xf32>,
        %get3A_477 = vector.shape_cast %get3A_476 : vector<1x16xf32> to vector<16xf32>
        %get3A_478 = arith.index_cast %scan3A_391 : i32 to index
        %get3A_479 = arith.constant 80 : index
        %get3A_480 = tpu.vector_load %arg13[%get3A_478, %get3A_479] {strides = array<i32>} : memref<40x128xf32, #tpu.memory_space<vmem>>, vector<1x16xf32>,
        %get3A_481 = vector.shape_cast %get3A_480 : vector<1x16xf32> to vector<16xf32>
        %add3A_482 = arith.addf %get3A_477, %get3A_481 : vector<16xf32>
        %max3A_483 = arith.constant 0.000000e+00 : f32
        %max3A_484 = vector.broadcast %max3A_483 : f32 to vector<16xf32>
        %max3A_485 = arith.maximumf %add3A_482, %max3A_484 : vector<16xf32>
        %swap3A_486 = arith.index_cast %scan3A_391 : i32 to index
        %swap3A_487 = arith.constant 80 : index
        %swap3A_488 = tpu.vector_load %arg13[%swap3A_486, %swap3A_487] {strides = array<i32>} : memref<40x128xf32, #tpu.memory_space<vmem>>, vector<1x16xf32>,
        %swap3A_489 = vector.shape_cast %swap3A_488 : vector<1x16xf32> to vector<16xf32>
        %swap3A_490 = vector.shape_cast %max3A_485 : vector<16xf32> to vector<1x16xf32>
        tpu.vector_store %arg13[%swap3A_486, %swap3A_487], %swap3A_490 {strides = array<i32>} : memref<40x128xf32, #tpu.memory_space<vmem>>, vector<1x16xf32>,
        %get3A_491 = arith.index_cast %scan3A_391 : i32 to index
        %get3A_492 = arith.constant 96 : index
        %get3A_493 = tpu.vector_load %arg11[%get3A_491, %get3A_492] {strides = array<i32>} : memref<40x128xf32, #tpu.memory_space<vmem>>, vector<1x16xf32>,
        %get3A_494 = vector.shape_cast %get3A_493 : vector<1x16xf32> to vector<16xf32>
        %get3A_495 = arith.index_cast %scan3A_391 : i32 to index
        %get3A_496 = arith.constant 96 : index
        %get3A_497 = tpu.vector_load %arg13[%get3A_495, %get3A_496] {strides = array<i32>} : memref<40x128xf32, #tpu.memory_space<vmem>>, vector<1x16xf32>,
        %get3A_498 = vector.shape_cast %get3A_497 : vector<1x16xf32> to vector<16xf32>
        %add3A_499 = arith.addf %get3A_494, %get3A_498 : vector<16xf32>
        %max3A_500 = arith.constant 0.000000e+00 : f32
        %max3A_501 = vector.broadcast %max3A_500 : f32 to vector<16xf32>
        %max3A_502 = arith.maximumf %add3A_499, %max3A_501 : vector<16xf32>
        %swap3A_503 = arith.index_cast %scan3A_391 : i32 to index
        %swap3A_504 = arith.constant 96 : index
        %swap3A_505 = tpu.vector_load %arg13[%swap3A_503, %swap3A_504] {strides = array<i32>} : memref<40x128xf32, #tpu.memory_space<vmem>>, vector<1x16xf32>,
        %swap3A_506 = vector.shape_cast %swap3A_505 : vector<1x16xf32> to vector<16xf32>
        %swap3A_507 = vector.shape_cast %max3A_502 : vector<16xf32> to vector<1x16xf32>
        tpu.vector_store %arg13[%swap3A_503, %swap3A_504], %swap3A_507 {strides = array<i32>} : memref<40x128xf32, #tpu.memory_space<vmem>>, vector<1x16xf32>,
        %get3A_508 = arith.index_cast %scan3A_391 : i32 to index
        %get3A_509 = arith.constant 112 : index
        %get3A_510 = tpu.vector_load %arg11[%get3A_508, %get3A_509] {strides = array<i32>} : memref<40x128xf32, #tpu.memory_space<vmem>>, vector<1x16xf32>,
        %get3A_511 = vector.shape_cast %get3A_510 : vector<1x16xf32> to vector<16xf32>
        %get3A_512 = arith.index_cast %scan3A_391 : i32 to index
        %get3A_513 = arith.constant 112 : index
        %get3A_514 = tpu.vector_load %arg13[%get3A_512, %get3A_513] {strides = array<i32>} : memref<40x128xf32, #tpu.memory_space<vmem>>, vector<1x16xf32>,
        %get3A_515 = vector.shape_cast %get3A_514 : vector<1x16xf32> to vector<16xf32>
        %add3A_516 = arith.addf %get3A_511, %get3A_515 : vector<16xf32>
        %max3A_517 = arith.constant 0.000000e+00 : f32
        %max3A_518 = vector.broadcast %max3A_517 : f32 to vector<16xf32>
        %max3A_519 = arith.maximumf %add3A_516, %max3A_518 : vector<16xf32>
        %swap3A_520 = arith.index_cast %scan3A_391 : i32 to index
        %swap3A_521 = arith.constant 112 : index
        %swap3A_522 = tpu.vector_load %arg13[%swap3A_520, %swap3A_521] {strides = array<i32>} : memref<40x128xf32, #tpu.memory_space<vmem>>, vector<1x16xf32>,
        %swap3A_523 = vector.shape_cast %swap3A_522 : vector<1x16xf32> to vector<16xf32>
        %swap3A_524 = vector.shape_cast %max3A_519 : vector<16xf32> to vector<1x16xf32>
        tpu.vector_store %arg13[%swap3A_520, %swap3A_521], %swap3A_524 {strides = array<i32>} : memref<40x128xf32, #tpu.memory_space<vmem>>, vector<1x16xf32>,
      }
      %scan3A_200 = arith.constant 40 : i32
      %run_scoped3A_201 = arith.constant 0 : i32
      "tpu.region"() ({
        %run_scoped3A_391 = tpu.sem_alloc : memref<!tpu.dma_semaphore, #tpu.memory_space<semaphore_mem>>
        %dma_start3A_392 = arith.constant 0 : i32
        %dma_start3A_393 = tpu.memref_slice %arg9[%run_scoped3A_201, %dma_start3A_392] : memref<2x40xi32, #tpu.memory_space<vmem>> -> memref<1x40xi32, #tpu.memory_space<vmem>>
        %dma_start3A_394 = tpu.memref_squeeze %dma_start3A_393 : memref<1x40xi32, #tpu.memory_space<vmem>> -> memref<40xi32, #tpu.memory_space<vmem>>
        %dma_start3A_395 = arith.constant 0 : i32
        %dma_start3A_396 = arith.constant 0 : i32
        %dma_start3A_397 = tpu.memref_slice %arg16[%dma_start3A_395, %dma_start3A_396] : memref<10240x128xf32, #tpu.memory_space<vmem_shared>> -> memref<10240x128xf32, #tpu.memory_space<vmem_shared>>
        tpu.enqueue_indirect_dma source(%arg13 : memref<40x128xf32, #tpu.memory_space<vmem>>) target(%dma_start3A_397 : memref<10240x128xf32, #tpu.memory_space<vmem_shared>>) offsets(%dma_start3A_394 : memref<40xi32, #tpu.memory_space<vmem>>) semaphore(%run_scoped3A_391 : memref<!tpu.dma_semaphore, #tpu.memory_space<semaphore_mem>>) {add = true}
        %dma_wait3A_398 = arith.constant 0 : i32
        %dma_wait3A_399 = tpu.memref_slice %arg9[%run_scoped3A_201, %dma_wait3A_398] : memref<2x40xi32, #tpu.memory_space<vmem>> -> memref<1x40xi32, #tpu.memory_space<vmem>>
        %dma_wait3A_400 = tpu.memref_squeeze %dma_wait3A_399 : memref<1x40xi32, #tpu.memory_space<vmem>> -> memref<40xi32, #tpu.memory_space<vmem>>
        %dma_wait3A_401 = arith.constant 0 : i32
        %dma_wait3A_402 = arith.constant 0 : i32
        %dma_wait3A_403 = tpu.memref_slice %arg16[%dma_wait3A_401, %dma_wait3A_402] : memref<10240x128xf32, #tpu.memory_space<vmem_shared>> -> memref<10240x128xf32, #tpu.memory_space<vmem_shared>>
        tpu.wait_indirect_dma semaphore(%run_scoped3A_391 : memref<!tpu.dma_semaphore, #tpu.memory_space<semaphore_mem>>) src(%arg13 : memref<40x128xf32, #tpu.memory_space<vmem>>) dst(%dma_wait3A_403 : memref<10240x128xf32, #tpu.memory_space<vmem_shared>>)
        tpu.yield
      }) : () -> ()
      %mul3A_202 = arith.constant 2 : i32
      %mul3A_203 = arith.muli %mul3A_202, %scan3A_138 : i32
      %add3A_204 = arith.constant 1 : i32
      %add3A_205 = arith.addi %mul3A_203, %add3A_204 : i32
      %dma_wait3A_206 = arith.constant 0 : i32
      %dma_wait3A_207 = arith.constant 0 : i32
      %dma_wait3A_208 = tpu.memref_slice %arg4[%add3A, %add3A_205, %dma_wait3A_206, %dma_wait3A_207] : memref<32x125x2x40xi32, #tpu.memory_space<hbm>> -> memref<1x1x2x40xi32, #tpu.memory_space<hbm>>
      %dma_wait3A_209 = tpu.memref_squeeze %dma_wait3A_208 : memref<1x1x2x40xi32, #tpu.memory_space<hbm>> -> memref<2x40xi32, #tpu.memory_space<hbm>>
      %dma_wait3A_210 = arith.constant 0 : i32
      %dma_wait3A_211 = arith.constant 0 : i32
      %dma_wait3A_212 = tpu.memref_slice %arg4[%add3A, %add3A_205, %dma_wait3A_210, %dma_wait3A_211] : memref<32x125x2x40xi32, #tpu.memory_space<hbm>> -> memref<1x1x2x40xi32, #tpu.memory_space<hbm>>
      %dma_wait3A_213 = tpu.memref_squeeze %dma_wait3A_212 : memref<1x1x2x40xi32, #tpu.memory_space<hbm>> -> memref<2x40xi32, #tpu.memory_space<hbm>>
      tpu.wait_dma2 semaphore(%arg22 : memref<!tpu.dma_semaphore, #tpu.memory_space<semaphore_mem>>) src(%dma_wait3A_213 : memref<2x40xi32, #tpu.memory_space<hbm>>) dst(%arg8 : memref<2x40xi32, #tpu.memory_space<vmem>>)
      %dma_wait3A_214 = arith.constant 0 : i32
      %dma_wait3A_215 = arith.constant 0 : i32
      %dma_wait3A_216 = tpu.memref_slice %arg5[%add3A, %add3A_205, %dma_wait3A_214, %dma_wait3A_215] : memref<32x125x2x40xi32, #tpu.memory_space<hbm>> -> memref<1x1x2x40xi32, #tpu.memory_space<hbm>>
      %dma_wait3A_217 = tpu.memref_squeeze %dma_wait3A_216 : memref<1x1x2x40xi32, #tpu.memory_space<hbm>> -> memref<2x40xi32, #tpu.memory_space<hbm>>
      %dma_wait3A_218 = arith.constant 0 : i32
      %dma_wait3A_219 = arith.constant 0 : i32
      %dma_wait3A_220 = tpu.memref_slice %arg5[%add3A, %add3A_205, %dma_wait3A_218, %dma_wait3A_219] : memref<32x125x2x40xi32, #tpu.memory_space<hbm>> -> memref<1x1x2x40xi32, #tpu.memory_space<hbm>>
      %dma_wait3A_221 = tpu.memref_squeeze %dma_wait3A_220 : memref<1x1x2x40xi32, #tpu.memory_space<hbm>> -> memref<2x40xi32, #tpu.memory_space<hbm>>
      tpu.wait_dma2 semaphore(%arg22 : memref<!tpu.dma_semaphore, #tpu.memory_space<semaphore_mem>>) src(%dma_wait3A_221 : memref<2x40xi32, #tpu.memory_space<hbm>>) dst(%arg10 : memref<2x40xi32, #tpu.memory_space<vmem>>)
      %add3A_222 = arith.constant 2 : i32
      %add3A_223 = arith.addi %mul3A_140, %add3A_222 : i32
      %dma_start3A_224 = arith.constant 0 : i32
      %dma_start3A_225 = arith.constant 0 : i32
      %dma_start3A_226 = tpu.memref_slice %arg8[%dma_start3A_224, %dma_start3A_225] : memref<2x40xi32, #tpu.memory_space<vmem>> -> memref<1x40xi32, #tpu.memory_space<vmem>>
      %dma_start3A_227 = tpu.memref_squeeze %dma_start3A_226 : memref<1x40xi32, #tpu.memory_space<vmem>> -> memref<40xi32, #tpu.memory_space<vmem>>
      %dma_start3A_228 = arith.constant 0 : i32
      %dma_start3A_229 = arith.constant 0 : i32
      %dma_start3A_230 = tpu.memref_slice %arg2[%dma_start3A_228, %dma_start3A_229] : memref<10000x128xf32, #tpu.memory_space<hbm>> -> memref<10000x128xf32, #tpu.memory_space<hbm>>
      tpu.enqueue_indirect_dma source(%dma_start3A_230 : memref<10000x128xf32, #tpu.memory_space<hbm>>) target(%arg11 : memref<40x128xf32, #tpu.memory_space<vmem>>) offsets(%dma_start3A_227 : memref<40xi32, #tpu.memory_space<vmem>>) semaphore(%arg17 : memref<!tpu.dma_semaphore, #tpu.memory_space<semaphore_mem>>)
      %mul3A_231 = arith.constant 10000 : i32
      %mul3A_232 = arith.muli %add3A, %mul3A_231 : i32
      %mul3A_233 = arith.constant 40 : i32
      %mul3A_234 = arith.muli %add3A_223, %mul3A_233 : i32
      %add3A_235 = arith.addi %mul3A_232, %mul3A_234 : i32
      %dma_start3A_236 = arith.constant 0 : i32
      %dma_start3A_237 = tpu.memref_slice %arg3[%add3A_235, %dma_start3A_236] : memref<320000x128xf32, #tpu.memory_space<hbm>> -> memref<40x128xf32, #tpu.memory_space<hbm>>
      %dma_start3A_238 = arith.constant 0 : i32
      %dma_start3A_239 = tpu.memref_slice %arg3[%add3A_235, %dma_start3A_238] : memref<320000x128xf32, #tpu.memory_space<hbm>> -> memref<40x128xf32, #tpu.memory_space<hbm>>
      tpu.enqueue_dma source(%dma_start3A_239 : memref<40x128xf32, #tpu.memory_space<hbm>>) target(%arg13 : memref<40x128xf32, #tpu.memory_space<vmem>>) target_semaphore(%arg19 : memref<!tpu.dma_semaphore, #tpu.memory_space<semaphore_mem>>)
      %add3A_240 = arith.constant 1 : i32
      %add3A_241 = arith.addi %mul3A_140, %add3A_240 : i32
      %dma_wait3A_242 = arith.constant 1 : i32
      %dma_wait3A_243 = arith.constant 0 : i32
      %dma_wait3A_244 = tpu.memref_slice %arg7[%dma_wait3A_242, %dma_wait3A_243] : memref<2x40xi32, #tpu.memory_space<vmem>> -> memref<1x40xi32, #tpu.memory_space<vmem>>
      %dma_wait3A_245 = tpu.memref_squeeze %dma_wait3A_244 : memref<1x40xi32, #tpu.memory_space<vmem>> -> memref<40xi32, #tpu.memory_space<vmem>>
      %dma_wait3A_246 = arith.constant 0 : i32
      %dma_wait3A_247 = arith.constant 0 : i32
      %dma_wait3A_248 = tpu.memref_slice %arg2[%dma_wait3A_246, %dma_wait3A_247] : memref<10000x128xf32, #tpu.memory_space<hbm>> -> memref<10000x128xf32, #tpu.memory_space<hbm>>
      tpu.wait_indirect_dma semaphore(%arg18 : memref<!tpu.dma_semaphore, #tpu.memory_space<semaphore_mem>>) src(%dma_wait3A_248 : memref<10000x128xf32, #tpu.memory_space<hbm>>) dst(%arg12 : memref<40x128xf32, #tpu.memory_space<vmem>>)
      %mul3A_249 = arith.constant 10000 : i32
      %mul3A_250 = arith.muli %add3A, %mul3A_249 : i32
      %mul3A_251 = arith.constant 40 : i32
      %mul3A_252 = arith.muli %add3A_241, %mul3A_251 : i32
      %add3A_253 = arith.addi %mul3A_250, %mul3A_252 : i32
      %dma_wait3A_254 = arith.constant 0 : i32
      %dma_wait3A_255 = tpu.memref_slice %arg3[%add3A_253, %dma_wait3A_254] : memref<320000x128xf32, #tpu.memory_space<hbm>> -> memref<40x128xf32, #tpu.memory_space<hbm>>
      %dma_wait3A_256 = arith.constant 0 : i32
      %dma_wait3A_257 = tpu.memref_slice %arg3[%add3A_253, %dma_wait3A_256] : memref<320000x128xf32, #tpu.memory_space<hbm>> -> memref<40x128xf32, #tpu.memory_space<hbm>>
      tpu.wait_dma2 semaphore(%arg20 : memref<!tpu.dma_semaphore, #tpu.memory_space<semaphore_mem>>) src(%dma_wait3A_257 : memref<40x128xf32, #tpu.memory_space<hbm>>) dst(%arg14 : memref<40x128xf32, #tpu.memory_space<vmem>>)
      %scan3A_258 = arith.constant 0 : i32
      %scan3A_259 = arith.constant 0 : i32
      %scan3A_260 = arith.constant 40 : i32
      %scan3A_261 = arith.addi %scan3A_259, %scan3A_260 : i32
      %scan3A_262 = arith.constant 1 : i32
      scf.for %scan3A_391 = %scan3A_259 to %scan3A_261 step %scan3A_262  : i32 {
        %get3A = arith.index_cast %scan3A_391 : i32 to index
        %get3A_392 = arith.constant 0 : index
        %get3A_393 = tpu.vector_load %arg12[%get3A, %get3A_392] {strides = array<i32>} : memref<40x128xf32, #tpu.memory_space<vmem>>, vector<1x16xf32>,
        %get3A_394 = vector.shape_cast %get3A_393 : vector<1x16xf32> to vector<16xf32>
        %get3A_395 = arith.index_cast %scan3A_391 : i32 to index
        %get3A_396 = arith.constant 0 : index
        %get3A_397 = tpu.vector_load %arg14[%get3A_395, %get3A_396] {strides = array<i32>} : memref<40x128xf32, #tpu.memory_space<vmem>>, vector<1x16xf32>,
        %get3A_398 = vector.shape_cast %get3A_397 : vector<1x16xf32> to vector<16xf32>
        %add3A_399 = arith.addf %get3A_394, %get3A_398 : vector<16xf32>
        %max3A = arith.constant 0.000000e+00 : f32
        %max3A_400 = vector.broadcast %max3A : f32 to vector<16xf32>
        %max3A_401 = arith.maximumf %add3A_399, %max3A_400 : vector<16xf32>
        %swap3A = arith.index_cast %scan3A_391 : i32 to index
        %swap3A_402 = arith.constant 0 : index
        %swap3A_403 = tpu.vector_load %arg14[%swap3A, %swap3A_402] {strides = array<i32>} : memref<40x128xf32, #tpu.memory_space<vmem>>, vector<1x16xf32>,
        %swap3A_404 = vector.shape_cast %swap3A_403 : vector<1x16xf32> to vector<16xf32>
        %swap3A_405 = vector.shape_cast %max3A_401 : vector<16xf32> to vector<1x16xf32>
        tpu.vector_store %arg14[%swap3A, %swap3A_402], %swap3A_405 {strides = array<i32>} : memref<40x128xf32, #tpu.memory_space<vmem>>, vector<1x16xf32>,
        %get3A_406 = arith.index_cast %scan3A_391 : i32 to index
        %get3A_407 = arith.constant 16 : index
        %get3A_408 = tpu.vector_load %arg12[%get3A_406, %get3A_407] {strides = array<i32>} : memref<40x128xf32, #tpu.memory_space<vmem>>, vector<1x16xf32>,
        %get3A_409 = vector.shape_cast %get3A_408 : vector<1x16xf32> to vector<16xf32>
        %get3A_410 = arith.index_cast %scan3A_391 : i32 to index
        %get3A_411 = arith.constant 16 : index
        %get3A_412 = tpu.vector_load %arg14[%get3A_410, %get3A_411] {strides = array<i32>} : memref<40x128xf32, #tpu.memory_space<vmem>>, vector<1x16xf32>,
        %get3A_413 = vector.shape_cast %get3A_412 : vector<1x16xf32> to vector<16xf32>
        %add3A_414 = arith.addf %get3A_409, %get3A_413 : vector<16xf32>
        %max3A_415 = arith.constant 0.000000e+00 : f32
        %max3A_416 = vector.broadcast %max3A_415 : f32 to vector<16xf32>
        %max3A_417 = arith.maximumf %add3A_414, %max3A_416 : vector<16xf32>
        %swap3A_418 = arith.index_cast %scan3A_391 : i32 to index
        %swap3A_419 = arith.constant 16 : index
        %swap3A_420 = tpu.vector_load %arg14[%swap3A_418, %swap3A_419] {strides = array<i32>} : memref<40x128xf32, #tpu.memory_space<vmem>>, vector<1x16xf32>,
        %swap3A_421 = vector.shape_cast %swap3A_420 : vector<1x16xf32> to vector<16xf32>
        %swap3A_422 = vector.shape_cast %max3A_417 : vector<16xf32> to vector<1x16xf32>
        tpu.vector_store %arg14[%swap3A_418, %swap3A_419], %swap3A_422 {strides = array<i32>} : memref<40x128xf32, #tpu.memory_space<vmem>>, vector<1x16xf32>,
        %get3A_423 = arith.index_cast %scan3A_391 : i32 to index
        %get3A_424 = arith.constant 32 : index
        %get3A_425 = tpu.vector_load %arg12[%get3A_423, %get3A_424] {strides = array<i32>} : memref<40x128xf32, #tpu.memory_space<vmem>>, vector<1x16xf32>,
        %get3A_426 = vector.shape_cast %get3A_425 : vector<1x16xf32> to vector<16xf32>
        %get3A_427 = arith.index_cast %scan3A_391 : i32 to index
        %get3A_428 = arith.constant 32 : index
        %get3A_429 = tpu.vector_load %arg14[%get3A_427, %get3A_428] {strides = array<i32>} : memref<40x128xf32, #tpu.memory_space<vmem>>, vector<1x16xf32>,
        %get3A_430 = vector.shape_cast %get3A_429 : vector<1x16xf32> to vector<16xf32>
        %add3A_431 = arith.addf %get3A_426, %get3A_430 : vector<16xf32>
        %max3A_432 = arith.constant 0.000000e+00 : f32
        %max3A_433 = vector.broadcast %max3A_432 : f32 to vector<16xf32>
        %max3A_434 = arith.maximumf %add3A_431, %max3A_433 : vector<16xf32>
        %swap3A_435 = arith.index_cast %scan3A_391 : i32 to index
        %swap3A_436 = arith.constant 32 : index
        %swap3A_437 = tpu.vector_load %arg14[%swap3A_435, %swap3A_436] {strides = array<i32>} : memref<40x128xf32, #tpu.memory_space<vmem>>, vector<1x16xf32>,
        %swap3A_438 = vector.shape_cast %swap3A_437 : vector<1x16xf32> to vector<16xf32>
        %swap3A_439 = vector.shape_cast %max3A_434 : vector<16xf32> to vector<1x16xf32>
        tpu.vector_store %arg14[%swap3A_435, %swap3A_436], %swap3A_439 {strides = array<i32>} : memref<40x128xf32, #tpu.memory_space<vmem>>, vector<1x16xf32>,
        %get3A_440 = arith.index_cast %scan3A_391 : i32 to index
        %get3A_441 = arith.constant 48 : index
        %get3A_442 = tpu.vector_load %arg12[%get3A_440, %get3A_441] {strides = array<i32>} : memref<40x128xf32, #tpu.memory_space<vmem>>, vector<1x16xf32>,
        %get3A_443 = vector.shape_cast %get3A_442 : vector<1x16xf32> to vector<16xf32>
        %get3A_444 = arith.index_cast %scan3A_391 : i32 to index
        %get3A_445 = arith.constant 48 : index
        %get3A_446 = tpu.vector_load %arg14[%get3A_444, %get3A_445] {strides = array<i32>} : memref<40x128xf32, #tpu.memory_space<vmem>>, vector<1x16xf32>,
        %get3A_447 = vector.shape_cast %get3A_446 : vector<1x16xf32> to vector<16xf32>
        %add3A_448 = arith.addf %get3A_443, %get3A_447 : vector<16xf32>
        %max3A_449 = arith.constant 0.000000e+00 : f32
        %max3A_450 = vector.broadcast %max3A_449 : f32 to vector<16xf32>
        %max3A_451 = arith.maximumf %add3A_448, %max3A_450 : vector<16xf32>
        %swap3A_452 = arith.index_cast %scan3A_391 : i32 to index
        %swap3A_453 = arith.constant 48 : index
        %swap3A_454 = tpu.vector_load %arg14[%swap3A_452, %swap3A_453] {strides = array<i32>} : memref<40x128xf32, #tpu.memory_space<vmem>>, vector<1x16xf32>,
        %swap3A_455 = vector.shape_cast %swap3A_454 : vector<1x16xf32> to vector<16xf32>
        %swap3A_456 = vector.shape_cast %max3A_451 : vector<16xf32> to vector<1x16xf32>
        tpu.vector_store %arg14[%swap3A_452, %swap3A_453], %swap3A_456 {strides = array<i32>} : memref<40x128xf32, #tpu.memory_space<vmem>>, vector<1x16xf32>,
        %get3A_457 = arith.index_cast %scan3A_391 : i32 to index
        %get3A_458 = arith.constant 64 : index
        %get3A_459 = tpu.vector_load %arg12[%get3A_457, %get3A_458] {strides = array<i32>} : memref<40x128xf32, #tpu.memory_space<vmem>>, vector<1x16xf32>,
        %get3A_460 = vector.shape_cast %get3A_459 : vector<1x16xf32> to vector<16xf32>
        %get3A_461 = arith.index_cast %scan3A_391 : i32 to index
        %get3A_462 = arith.constant 64 : index
        %get3A_463 = tpu.vector_load %arg14[%get3A_461, %get3A_462] {strides = array<i32>} : memref<40x128xf32, #tpu.memory_space<vmem>>, vector<1x16xf32>,
        %get3A_464 = vector.shape_cast %get3A_463 : vector<1x16xf32> to vector<16xf32>
        %add3A_465 = arith.addf %get3A_460, %get3A_464 : vector<16xf32>
        %max3A_466 = arith.constant 0.000000e+00 : f32
        %max3A_467 = vector.broadcast %max3A_466 : f32 to vector<16xf32>
        %max3A_468 = arith.maximumf %add3A_465, %max3A_467 : vector<16xf32>
        %swap3A_469 = arith.index_cast %scan3A_391 : i32 to index
        %swap3A_470 = arith.constant 64 : index
        %swap3A_471 = tpu.vector_load %arg14[%swap3A_469, %swap3A_470] {strides = array<i32>} : memref<40x128xf32, #tpu.memory_space<vmem>>, vector<1x16xf32>,
        %swap3A_472 = vector.shape_cast %swap3A_471 : vector<1x16xf32> to vector<16xf32>
        %swap3A_473 = vector.shape_cast %max3A_468 : vector<16xf32> to vector<1x16xf32>
        tpu.vector_store %arg14[%swap3A_469, %swap3A_470], %swap3A_473 {strides = array<i32>} : memref<40x128xf32, #tpu.memory_space<vmem>>, vector<1x16xf32>,
        %get3A_474 = arith.index_cast %scan3A_391 : i32 to index
        %get3A_475 = arith.constant 80 : index
        %get3A_476 = tpu.vector_load %arg12[%get3A_474, %get3A_475] {strides = array<i32>} : memref<40x128xf32, #tpu.memory_space<vmem>>, vector<1x16xf32>,
        %get3A_477 = vector.shape_cast %get3A_476 : vector<1x16xf32> to vector<16xf32>
        %get3A_478 = arith.index_cast %scan3A_391 : i32 to index
        %get3A_479 = arith.constant 80 : index
        %get3A_480 = tpu.vector_load %arg14[%get3A_478, %get3A_479] {strides = array<i32>} : memref<40x128xf32, #tpu.memory_space<vmem>>, vector<1x16xf32>,
        %get3A_481 = vector.shape_cast %get3A_480 : vector<1x16xf32> to vector<16xf32>
        %add3A_482 = arith.addf %get3A_477, %get3A_481 : vector<16xf32>
        %max3A_483 = arith.constant 0.000000e+00 : f32
        %max3A_484 = vector.broadcast %max3A_483 : f32 to vector<16xf32>
        %max3A_485 = arith.maximumf %add3A_482, %max3A_484 : vector<16xf32>
        %swap3A_486 = arith.index_cast %scan3A_391 : i32 to index
        %swap3A_487 = arith.constant 80 : index
        %swap3A_488 = tpu.vector_load %arg14[%swap3A_486, %swap3A_487] {strides = array<i32>} : memref<40x128xf32, #tpu.memory_space<vmem>>, vector<1x16xf32>,
        %swap3A_489 = vector.shape_cast %swap3A_488 : vector<1x16xf32> to vector<16xf32>
        %swap3A_490 = vector.shape_cast %max3A_485 : vector<16xf32> to vector<1x16xf32>
        tpu.vector_store %arg14[%swap3A_486, %swap3A_487], %swap3A_490 {strides = array<i32>} : memref<40x128xf32, #tpu.memory_space<vmem>>, vector<1x16xf32>,
        %get3A_491 = arith.index_cast %scan3A_391 : i32 to index
        %get3A_492 = arith.constant 96 : index
        %get3A_493 = tpu.vector_load %arg12[%get3A_491, %get3A_492] {strides = array<i32>} : memref<40x128xf32, #tpu.memory_space<vmem>>, vector<1x16xf32>,
        %get3A_494 = vector.shape_cast %get3A_493 : vector<1x16xf32> to vector<16xf32>
        %get3A_495 = arith.index_cast %scan3A_391 : i32 to index
        %get3A_496 = arith.constant 96 : index
        %get3A_497 = tpu.vector_load %arg14[%get3A_495, %get3A_496] {strides = array<i32>} : memref<40x128xf32, #tpu.memory_space<vmem>>, vector<1x16xf32>,
        %get3A_498 = vector.shape_cast %get3A_497 : vector<1x16xf32> to vector<16xf32>
        %add3A_499 = arith.addf %get3A_494, %get3A_498 : vector<16xf32>
        %max3A_500 = arith.constant 0.000000e+00 : f32
        %max3A_501 = vector.broadcast %max3A_500 : f32 to vector<16xf32>
        %max3A_502 = arith.maximumf %add3A_499, %max3A_501 : vector<16xf32>
        %swap3A_503 = arith.index_cast %scan3A_391 : i32 to index
        %swap3A_504 = arith.constant 96 : index
        %swap3A_505 = tpu.vector_load %arg14[%swap3A_503, %swap3A_504] {strides = array<i32>} : memref<40x128xf32, #tpu.memory_space<vmem>>, vector<1x16xf32>,
        %swap3A_506 = vector.shape_cast %swap3A_505 : vector<1x16xf32> to vector<16xf32>
        %swap3A_507 = vector.shape_cast %max3A_502 : vector<16xf32> to vector<1x16xf32>
        tpu.vector_store %arg14[%swap3A_503, %swap3A_504], %swap3A_507 {strides = array<i32>} : memref<40x128xf32, #tpu.memory_space<vmem>>, vector<1x16xf32>,
        %get3A_508 = arith.index_cast %scan3A_391 : i32 to index
        %get3A_509 = arith.constant 112 : index
        %get3A_510 = tpu.vector_load %arg12[%get3A_508, %get3A_509] {strides = array<i32>} : memref<40x128xf32, #tpu.memory_space<vmem>>, vector<1x16xf32>,
        %get3A_511 = vector.shape_cast %get3A_510 : vector<1x16xf32> to vector<16xf32>
        %get3A_512 = arith.index_cast %scan3A_391 : i32 to index
        %get3A_513 = arith.constant 112 : index
        %get3A_514 = tpu.vector_load %arg14[%get3A_512, %get3A_513] {strides = array<i32>} : memref<40x128xf32, #tpu.memory_space<vmem>>, vector<1x16xf32>,
        %get3A_515 = vector.shape_cast %get3A_514 : vector<1x16xf32> to vector<16xf32>
        %add3A_516 = arith.addf %get3A_511, %get3A_515 : vector<16xf32>
        %max3A_517 = arith.constant 0.000000e+00 : f32
        %max3A_518 = vector.broadcast %max3A_517 : f32 to vector<16xf32>
        %max3A_519 = arith.maximumf %add3A_516, %max3A_518 : vector<16xf32>
        %swap3A_520 = arith.index_cast %scan3A_391 : i32 to index
        %swap3A_521 = arith.constant 112 : index
        %swap3A_522 = tpu.vector_load %arg14[%swap3A_520, %swap3A_521] {strides = array<i32>} : memref<40x128xf32, #tpu.memory_space<vmem>>, vector<1x16xf32>,
        %swap3A_523 = vector.shape_cast %swap3A_522 : vector<1x16xf32> to vector<16xf32>
        %swap3A_524 = vector.shape_cast %max3A_519 : vector<16xf32> to vector<1x16xf32>
        tpu.vector_store %arg14[%swap3A_520, %swap3A_521], %swap3A_524 {strides = array<i32>} : memref<40x128xf32, #tpu.memory_space<vmem>>, vector<1x16xf32>,
      }
      %scan3A_263 = arith.constant 40 : i32
      %run_scoped3A_264 = arith.constant 1 : i32
      "tpu.region"() ({
        %run_scoped3A_391 = tpu.sem_alloc : memref<!tpu.dma_semaphore, #tpu.memory_space<semaphore_mem>>
        %dma_start3A_392 = arith.constant 0 : i32
        %dma_start3A_393 = tpu.memref_slice %arg9[%run_scoped3A_264, %dma_start3A_392] : memref<2x40xi32, #tpu.memory_space<vmem>> -> memref<1x40xi32, #tpu.memory_space<vmem>>
        %dma_start3A_394 = tpu.memref_squeeze %dma_start3A_393 : memref<1x40xi32, #tpu.memory_space<vmem>> -> memref<40xi32, #tpu.memory_space<vmem>>
        %dma_start3A_395 = arith.constant 0 : i32
        %dma_start3A_396 = arith.constant 0 : i32
        %dma_start3A_397 = tpu.memref_slice %arg16[%dma_start3A_395, %dma_start3A_396] : memref<10240x128xf32, #tpu.memory_space<vmem_shared>> -> memref<10240x128xf32, #tpu.memory_space<vmem_shared>>
        tpu.enqueue_indirect_dma source(%arg14 : memref<40x128xf32, #tpu.memory_space<vmem>>) target(%dma_start3A_397 : memref<10240x128xf32, #tpu.memory_space<vmem_shared>>) offsets(%dma_start3A_394 : memref<40xi32, #tpu.memory_space<vmem>>) semaphore(%run_scoped3A_391 : memref<!tpu.dma_semaphore, #tpu.memory_space<semaphore_mem>>) {add = true}
        %dma_wait3A_398 = arith.constant 0 : i32
        %dma_wait3A_399 = tpu.memref_slice %arg9[%run_scoped3A_264, %dma_wait3A_398] : memref<2x40xi32, #tpu.memory_space<vmem>> -> memref<1x40xi32, #tpu.memory_space<vmem>>
        %dma_wait3A_400 = tpu.memref_squeeze %dma_wait3A_399 : memref<1x40xi32, #tpu.memory_space<vmem>> -> memref<40xi32, #tpu.memory_space<vmem>>
        %dma_wait3A_401 = arith.constant 0 : i32
        %dma_wait3A_402 = arith.constant 0 : i32
        %dma_wait3A_403 = tpu.memref_slice %arg16[%dma_wait3A_401, %dma_wait3A_402] : memref<10240x128xf32, #tpu.memory_space<vmem_shared>> -> memref<10240x128xf32, #tpu.memory_space<vmem_shared>>
        tpu.wait_indirect_dma semaphore(%run_scoped3A_391 : memref<!tpu.dma_semaphore, #tpu.memory_space<semaphore_mem>>) src(%arg14 : memref<40x128xf32, #tpu.memory_space<vmem>>) dst(%dma_wait3A_403 : memref<10240x128xf32, #tpu.memory_space<vmem_shared>>)
        tpu.yield
      }) : () -> ()
      %mul3A_265 = arith.constant 2 : i32
      %mul3A_266 = arith.muli %mul3A_265, %scan3A_138 : i32
      %add3A_267 = arith.constant 2 : i32
      %add3A_268 = arith.addi %mul3A_266, %add3A_267 : i32
      %dma_start3A_269 = arith.constant 0 : i32
      %dma_start3A_270 = arith.constant 0 : i32
      %dma_start3A_271 = tpu.memref_slice %arg4[%add3A, %add3A_268, %dma_start3A_269, %dma_start3A_270] : memref<32x125x2x40xi32, #tpu.memory_space<hbm>> -> memref<1x1x2x40xi32, #tpu.memory_space<hbm>>
      %dma_start3A_272 = tpu.memref_squeeze %dma_start3A_271 : memref<1x1x2x40xi32, #tpu.memory_space<hbm>> -> memref<2x40xi32, #tpu.memory_space<hbm>>
      %dma_start3A_273 = arith.constant 0 : i32
      %dma_start3A_274 = arith.constant 0 : i32
      %dma_start3A_275 = tpu.memref_slice %arg4[%add3A, %add3A_268, %dma_start3A_273, %dma_start3A_274] : memref<32x125x2x40xi32, #tpu.memory_space<hbm>> -> memref<1x1x2x40xi32, #tpu.memory_space<hbm>>
      %dma_start3A_276 = tpu.memref_squeeze %dma_start3A_275 : memref<1x1x2x40xi32, #tpu.memory_space<hbm>> -> memref<2x40xi32, #tpu.memory_space<hbm>>
      tpu.enqueue_dma source(%dma_start3A_276 : memref<2x40xi32, #tpu.memory_space<hbm>>) target(%arg7 : memref<2x40xi32, #tpu.memory_space<vmem>>) target_semaphore(%arg21 : memref<!tpu.dma_semaphore, #tpu.memory_space<semaphore_mem>>)
      %dma_start3A_277 = arith.constant 0 : i32
      %dma_start3A_278 = arith.constant 0 : i32
      %dma_start3A_279 = tpu.memref_slice %arg5[%add3A, %add3A_268, %dma_start3A_277, %dma_start3A_278] : memref<32x125x2x40xi32, #tpu.memory_space<hbm>> -> memref<1x1x2x40xi32, #tpu.memory_space<hbm>>
      %dma_start3A_280 = tpu.memref_squeeze %dma_start3A_279 : memref<1x1x2x40xi32, #tpu.memory_space<hbm>> -> memref<2x40xi32, #tpu.memory_space<hbm>>
      %dma_start3A_281 = arith.constant 0 : i32
      %dma_start3A_282 = arith.constant 0 : i32
      %dma_start3A_283 = tpu.memref_slice %arg5[%add3A, %add3A_268, %dma_start3A_281, %dma_start3A_282] : memref<32x125x2x40xi32, #tpu.memory_space<hbm>> -> memref<1x1x2x40xi32, #tpu.memory_space<hbm>>
      %dma_start3A_284 = tpu.memref_squeeze %dma_start3A_283 : memref<1x1x2x40xi32, #tpu.memory_space<hbm>> -> memref<2x40xi32, #tpu.memory_space<hbm>>
      tpu.enqueue_dma source(%dma_start3A_284 : memref<2x40xi32, #tpu.memory_space<hbm>>) target(%arg9 : memref<2x40xi32, #tpu.memory_space<vmem>>) target_semaphore(%arg21 : memref<!tpu.dma_semaphore, #tpu.memory_space<semaphore_mem>>)
      %add3A_285 = arith.constant 3 : i32
      %add3A_286 = arith.addi %mul3A_140, %add3A_285 : i32
      %dma_start3A_287 = arith.constant 1 : i32
      %dma_start3A_288 = arith.constant 0 : i32
      %dma_start3A_289 = tpu.memref_slice %arg8[%dma_start3A_287, %dma_start3A_288] : memref<2x40xi32, #tpu.memory_space<vmem>> -> memref<1x40xi32, #tpu.memory_space<vmem>>
      %dma_start3A_290 = tpu.memref_squeeze %dma_start3A_289 : memref<1x40xi32, #tpu.memory_space<vmem>> -> memref<40xi32, #tpu.memory_space<vmem>>
      %dma_start3A_291 = arith.constant 0 : i32
      %dma_start3A_292 = arith.constant 0 : i32
      %dma_start3A_293 = tpu.memref_slice %arg2[%dma_start3A_291, %dma_start3A_292] : memref<10000x128xf32, #tpu.memory_space<hbm>> -> memref<10000x128xf32, #tpu.memory_space<hbm>>
      tpu.enqueue_indirect_dma source(%dma_start3A_293 : memref<10000x128xf32, #tpu.memory_space<hbm>>) target(%arg12 : memref<40x128xf32, #tpu.memory_space<vmem>>) offsets(%dma_start3A_290 : memref<40xi32, #tpu.memory_space<vmem>>) semaphore(%arg18 : memref<!tpu.dma_semaphore, #tpu.memory_space<semaphore_mem>>)
      %mul3A_294 = arith.constant 10000 : i32
      %mul3A_295 = arith.muli %add3A, %mul3A_294 : i32
      %mul3A_296 = arith.constant 40 : i32
      %mul3A_297 = arith.muli %add3A_286, %mul3A_296 : i32
      %add3A_298 = arith.addi %mul3A_295, %mul3A_297 : i32
      %dma_start3A_299 = arith.constant 0 : i32
      %dma_start3A_300 = tpu.memref_slice %arg3[%add3A_298, %dma_start3A_299] : memref<320000x128xf32, #tpu.memory_space<hbm>> -> memref<40x128xf32, #tpu.memory_space<hbm>>
      %dma_start3A_301 = arith.constant 0 : i32
      %dma_start3A_302 = tpu.memref_slice %arg3[%add3A_298, %dma_start3A_301] : memref<320000x128xf32, #tpu.memory_space<hbm>> -> memref<40x128xf32, #tpu.memory_space<hbm>>
      tpu.enqueue_dma source(%dma_start3A_302 : memref<40x128xf32, #tpu.memory_space<hbm>>) target(%arg14 : memref<40x128xf32, #tpu.memory_space<vmem>>) target_semaphore(%arg20 : memref<!tpu.dma_semaphore, #tpu.memory_space<semaphore_mem>>)
      %add3A_303 = arith.constant 2 : i32
      %add3A_304 = arith.addi %mul3A_140, %add3A_303 : i32
      %dma_wait3A_305 = arith.constant 0 : i32
      %dma_wait3A_306 = arith.constant 0 : i32
      %dma_wait3A_307 = tpu.memref_slice %arg8[%dma_wait3A_305, %dma_wait3A_306] : memref<2x40xi32, #tpu.memory_space<vmem>> -> memref<1x40xi32, #tpu.memory_space<vmem>>
      %dma_wait3A_308 = tpu.memref_squeeze %dma_wait3A_307 : memref<1x40xi32, #tpu.memory_space<vmem>> -> memref<40xi32, #tpu.memory_space<vmem>>
      %dma_wait3A_309 = arith.constant 0 : i32
      %dma_wait3A_310 = arith.constant 0 : i32
      %dma_wait3A_311 = tpu.memref_slice %arg2[%dma_wait3A_309, %dma_wait3A_310] : memref<10000x128xf32, #tpu.memory_space<hbm>> -> memref<10000x128xf32, #tpu.memory_space<hbm>>
      tpu.wait_indirect_dma semaphore(%arg17 : memref<!tpu.dma_semaphore, #tpu.memory_space<semaphore_mem>>) src(%dma_wait3A_311 : memref<10000x128xf32, #tpu.memory_space<hbm>>) dst(%arg11 : memref<40x128xf32, #tpu.memory_space<vmem>>)
      %mul3A_312 = arith.constant 10000 : i32
      %mul3A_313 = arith.muli %add3A, %mul3A_312 : i32
      %mul3A_314 = arith.constant 40 : i32
      %mul3A_315 = arith.muli %add3A_304, %mul3A_314 : i32
      %add3A_316 = arith.addi %mul3A_313, %mul3A_315 : i32
      %dma_wait3A_317 = arith.constant 0 : i32
      %dma_wait3A_318 = tpu.memref_slice %arg3[%add3A_316, %dma_wait3A_317] : memref<320000x128xf32, #tpu.memory_space<hbm>> -> memref<40x128xf32, #tpu.memory_space<hbm>>
      %dma_wait3A_319 = arith.constant 0 : i32
      %dma_wait3A_320 = tpu.memref_slice %arg3[%add3A_316, %dma_wait3A_319] : memref<320000x128xf32, #tpu.memory_space<hbm>> -> memref<40x128xf32, #tpu.memory_space<hbm>>
      tpu.wait_dma2 semaphore(%arg19 : memref<!tpu.dma_semaphore, #tpu.memory_space<semaphore_mem>>) src(%dma_wait3A_320 : memref<40x128xf32, #tpu.memory_space<hbm>>) dst(%arg13 : memref<40x128xf32, #tpu.memory_space<vmem>>)
      %scan3A_321 = arith.constant 0 : i32
      %scan3A_322 = arith.constant 0 : i32
      %scan3A_323 = arith.constant 40 : i32
      %scan3A_324 = arith.addi %scan3A_322, %scan3A_323 : i32
      %scan3A_325 = arith.constant 1 : i32
      scf.for %scan3A_391 = %scan3A_322 to %scan3A_324 step %scan3A_325  : i32 {
        %get3A = arith.index_cast %scan3A_391 : i32 to index
        %get3A_392 = arith.constant 0 : index
        %get3A_393 = tpu.vector_load %arg11[%get3A, %get3A_392] {strides = array<i32>} : memref<40x128xf32, #tpu.memory_space<vmem>>, vector<1x16xf32>,
        %get3A_394 = vector.shape_cast %get3A_393 : vector<1x16xf32> to vector<16xf32>
        %get3A_395 = arith.index_cast %scan3A_391 : i32 to index
        %get3A_396 = arith.constant 0 : index
        %get3A_397 = tpu.vector_load %arg13[%get3A_395, %get3A_396] {strides = array<i32>} : memref<40x128xf32, #tpu.memory_space<vmem>>, vector<1x16xf32>,
        %get3A_398 = vector.shape_cast %get3A_397 : vector<1x16xf32> to vector<16xf32>
        %add3A_399 = arith.addf %get3A_394, %get3A_398 : vector<16xf32>
        %max3A = arith.constant 0.000000e+00 : f32
        %max3A_400 = vector.broadcast %max3A : f32 to vector<16xf32>
        %max3A_401 = arith.maximumf %add3A_399, %max3A_400 : vector<16xf32>
        %swap3A = arith.index_cast %scan3A_391 : i32 to index
        %swap3A_402 = arith.constant 0 : index
        %swap3A_403 = tpu.vector_load %arg13[%swap3A, %swap3A_402] {strides = array<i32>} : memref<40x128xf32, #tpu.memory_space<vmem>>, vector<1x16xf32>,
        %swap3A_404 = vector.shape_cast %swap3A_403 : vector<1x16xf32> to vector<16xf32>
        %swap3A_405 = vector.shape_cast %max3A_401 : vector<16xf32> to vector<1x16xf32>
        tpu.vector_store %arg13[%swap3A, %swap3A_402], %swap3A_405 {strides = array<i32>} : memref<40x128xf32, #tpu.memory_space<vmem>>, vector<1x16xf32>,
        %get3A_406 = arith.index_cast %scan3A_391 : i32 to index
        %get3A_407 = arith.constant 16 : index
        %get3A_408 = tpu.vector_load %arg11[%get3A_406, %get3A_407] {strides = array<i32>} : memref<40x128xf32, #tpu.memory_space<vmem>>, vector<1x16xf32>,
        %get3A_409 = vector.shape_cast %get3A_408 : vector<1x16xf32> to vector<16xf32>
        %get3A_410 = arith.index_cast %scan3A_391 : i32 to index
        %get3A_411 = arith.constant 16 : index
        %get3A_412 = tpu.vector_load %arg13[%get3A_410, %get3A_411] {strides = array<i32>} : memref<40x128xf32, #tpu.memory_space<vmem>>, vector<1x16xf32>,
        %get3A_413 = vector.shape_cast %get3A_412 : vector<1x16xf32> to vector<16xf32>
        %add3A_414 = arith.addf %get3A_409, %get3A_413 : vector<16xf32>
        %max3A_415 = arith.constant 0.000000e+00 : f32
        %max3A_416 = vector.broadcast %max3A_415 : f32 to vector<16xf32>
        %max3A_417 = arith.maximumf %add3A_414, %max3A_416 : vector<16xf32>
        %swap3A_418 = arith.index_cast %scan3A_391 : i32 to index
        %swap3A_419 = arith.constant 16 : index
        %swap3A_420 = tpu.vector_load %arg13[%swap3A_418, %swap3A_419] {strides = array<i32>} : memref<40x128xf32, #tpu.memory_space<vmem>>, vector<1x16xf32>,
        %swap3A_421 = vector.shape_cast %swap3A_420 : vector<1x16xf32> to vector<16xf32>
        %swap3A_422 = vector.shape_cast %max3A_417 : vector<16xf32> to vector<1x16xf32>
        tpu.vector_store %arg13[%swap3A_418, %swap3A_419], %swap3A_422 {strides = array<i32>} : memref<40x128xf32, #tpu.memory_space<vmem>>, vector<1x16xf32>,
        %get3A_423 = arith.index_cast %scan3A_391 : i32 to index
        %get3A_424 = arith.constant 32 : index
        %get3A_425 = tpu.vector_load %arg11[%get3A_423, %get3A_424] {strides = array<i32>} : memref<40x128xf32, #tpu.memory_space<vmem>>, vector<1x16xf32>,
        %get3A_426 = vector.shape_cast %get3A_425 : vector<1x16xf32> to vector<16xf32>
        %get3A_427 = arith.index_cast %scan3A_391 : i32 to index
        %get3A_428 = arith.constant 32 : index
        %get3A_429 = tpu.vector_load %arg13[%get3A_427, %get3A_428] {strides = array<i32>} : memref<40x128xf32, #tpu.memory_space<vmem>>, vector<1x16xf32>,
        %get3A_430 = vector.shape_cast %get3A_429 : vector<1x16xf32> to vector<16xf32>
        %add3A_431 = arith.addf %get3A_426, %get3A_430 : vector<16xf32>
        %max3A_432 = arith.constant 0.000000e+00 : f32
        %max3A_433 = vector.broadcast %max3A_432 : f32 to vector<16xf32>
        %max3A_434 = arith.maximumf %add3A_431, %max3A_433 : vector<16xf32>
        %swap3A_435 = arith.index_cast %scan3A_391 : i32 to index
        %swap3A_436 = arith.constant 32 : index
        %swap3A_437 = tpu.vector_load %arg13[%swap3A_435, %swap3A_436] {strides = array<i32>} : memref<40x128xf32, #tpu.memory_space<vmem>>, vector<1x16xf32>,
        %swap3A_438 = vector.shape_cast %swap3A_437 : vector<1x16xf32> to vector<16xf32>
        %swap3A_439 = vector.shape_cast %max3A_434 : vector<16xf32> to vector<1x16xf32>
        tpu.vector_store %arg13[%swap3A_435, %swap3A_436], %swap3A_439 {strides = array<i32>} : memref<40x128xf32, #tpu.memory_space<vmem>>, vector<1x16xf32>,
        %get3A_440 = arith.index_cast %scan3A_391 : i32 to index
        %get3A_441 = arith.constant 48 : index
        %get3A_442 = tpu.vector_load %arg11[%get3A_440, %get3A_441] {strides = array<i32>} : memref<40x128xf32, #tpu.memory_space<vmem>>, vector<1x16xf32>,
        %get3A_443 = vector.shape_cast %get3A_442 : vector<1x16xf32> to vector<16xf32>
        %get3A_444 = arith.index_cast %scan3A_391 : i32 to index
        %get3A_445 = arith.constant 48 : index
        %get3A_446 = tpu.vector_load %arg13[%get3A_444, %get3A_445] {strides = array<i32>} : memref<40x128xf32, #tpu.memory_space<vmem>>, vector<1x16xf32>,
        %get3A_447 = vector.shape_cast %get3A_446 : vector<1x16xf32> to vector<16xf32>
        %add3A_448 = arith.addf %get3A_443, %get3A_447 : vector<16xf32>
        %max3A_449 = arith.constant 0.000000e+00 : f32
        %max3A_450 = vector.broadcast %max3A_449 : f32 to vector<16xf32>
        %max3A_451 = arith.maximumf %add3A_448, %max3A_450 : vector<16xf32>
        %swap3A_452 = arith.index_cast %scan3A_391 : i32 to index
        %swap3A_453 = arith.constant 48 : index
        %swap3A_454 = tpu.vector_load %arg13[%swap3A_452, %swap3A_453] {strides = array<i32>} : memref<40x128xf32, #tpu.memory_space<vmem>>, vector<1x16xf32>,
        %swap3A_455 = vector.shape_cast %swap3A_454 : vector<1x16xf32> to vector<16xf32>
        %swap3A_456 = vector.shape_cast %max3A_451 : vector<16xf32> to vector<1x16xf32>
        tpu.vector_store %arg13[%swap3A_452, %swap3A_453], %swap3A_456 {strides = array<i32>} : memref<40x128xf32, #tpu.memory_space<vmem>>, vector<1x16xf32>,
        %get3A_457 = arith.index_cast %scan3A_391 : i32 to index
        %get3A_458 = arith.constant 64 : index
        %get3A_459 = tpu.vector_load %arg11[%get3A_457, %get3A_458] {strides = array<i32>} : memref<40x128xf32, #tpu.memory_space<vmem>>, vector<1x16xf32>,
        %get3A_460 = vector.shape_cast %get3A_459 : vector<1x16xf32> to vector<16xf32>
        %get3A_461 = arith.index_cast %scan3A_391 : i32 to index
        %get3A_462 = arith.constant 64 : index
        %get3A_463 = tpu.vector_load %arg13[%get3A_461, %get3A_462] {strides = array<i32>} : memref<40x128xf32, #tpu.memory_space<vmem>>, vector<1x16xf32>,
        %get3A_464 = vector.shape_cast %get3A_463 : vector<1x16xf32> to vector<16xf32>
        %add3A_465 = arith.addf %get3A_460, %get3A_464 : vector<16xf32>
        %max3A_466 = arith.constant 0.000000e+00 : f32
        %max3A_467 = vector.broadcast %max3A_466 : f32 to vector<16xf32>
        %max3A_468 = arith.maximumf %add3A_465, %max3A_467 : vector<16xf32>
        %swap3A_469 = arith.index_cast %scan3A_391 : i32 to index
        %swap3A_470 = arith.constant 64 : index
        %swap3A_471 = tpu.vector_load %arg13[%swap3A_469, %swap3A_470] {strides = array<i32>} : memref<40x128xf32, #tpu.memory_space<vmem>>, vector<1x16xf32>,
        %swap3A_472 = vector.shape_cast %swap3A_471 : vector<1x16xf32> to vector<16xf32>
        %swap3A_473 = vector.shape_cast %max3A_468 : vector<16xf32> to vector<1x16xf32>
        tpu.vector_store %arg13[%swap3A_469, %swap3A_470], %swap3A_473 {strides = array<i32>} : memref<40x128xf32, #tpu.memory_space<vmem>>, vector<1x16xf32>,
        %get3A_474 = arith.index_cast %scan3A_391 : i32 to index
        %get3A_475 = arith.constant 80 : index
        %get3A_476 = tpu.vector_load %arg11[%get3A_474, %get3A_475] {strides = array<i32>} : memref<40x128xf32, #tpu.memory_space<vmem>>, vector<1x16xf32>,
        %get3A_477 = vector.shape_cast %get3A_476 : vector<1x16xf32> to vector<16xf32>
        %get3A_478 = arith.index_cast %scan3A_391 : i32 to index
        %get3A_479 = arith.constant 80 : index
        %get3A_480 = tpu.vector_load %arg13[%get3A_478, %get3A_479] {strides = array<i32>} : memref<40x128xf32, #tpu.memory_space<vmem>>, vector<1x16xf32>,
        %get3A_481 = vector.shape_cast %get3A_480 : vector<1x16xf32> to vector<16xf32>
        %add3A_482 = arith.addf %get3A_477, %get3A_481 : vector<16xf32>
        %max3A_483 = arith.constant 0.000000e+00 : f32
        %max3A_484 = vector.broadcast %max3A_483 : f32 to vector<16xf32>
        %max3A_485 = arith.maximumf %add3A_482, %max3A_484 : vector<16xf32>
        %swap3A_486 = arith.index_cast %scan3A_391 : i32 to index
        %swap3A_487 = arith.constant 80 : index
        %swap3A_488 = tpu.vector_load %arg13[%swap3A_486, %swap3A_487] {strides = array<i32>} : memref<40x128xf32, #tpu.memory_space<vmem>>, vector<1x16xf32>,
        %swap3A_489 = vector.shape_cast %swap3A_488 : vector<1x16xf32> to vector<16xf32>
        %swap3A_490 = vector.shape_cast %max3A_485 : vector<16xf32> to vector<1x16xf32>
        tpu.vector_store %arg13[%swap3A_486, %swap3A_487], %swap3A_490 {strides = array<i32>} : memref<40x128xf32, #tpu.memory_space<vmem>>, vector<1x16xf32>,
        %get3A_491 = arith.index_cast %scan3A_391 : i32 to index
        %get3A_492 = arith.constant 96 : index
        %get3A_493 = tpu.vector_load %arg11[%get3A_491, %get3A_492] {strides = array<i32>} : memref<40x128xf32, #tpu.memory_space<vmem>>, vector<1x16xf32>,
        %get3A_494 = vector.shape_cast %get3A_493 : vector<1x16xf32> to vector<16xf32>
        %get3A_495 = arith.index_cast %scan3A_391 : i32 to index
        %get3A_496 = arith.constant 96 : index
        %get3A_497 = tpu.vector_load %arg13[%get3A_495, %get3A_496] {strides = array<i32>} : memref<40x128xf32, #tpu.memory_space<vmem>>, vector<1x16xf32>,
        %get3A_498 = vector.shape_cast %get3A_497 : vector<1x16xf32> to vector<16xf32>
        %add3A_499 = arith.addf %get3A_494, %get3A_498 : vector<16xf32>
        %max3A_500 = arith.constant 0.000000e+00 : f32
        %max3A_501 = vector.broadcast %max3A_500 : f32 to vector<16xf32>
        %max3A_502 = arith.maximumf %add3A_499, %max3A_501 : vector<16xf32>
        %swap3A_503 = arith.index_cast %scan3A_391 : i32 to index
        %swap3A_504 = arith.constant 96 : index
        %swap3A_505 = tpu.vector_load %arg13[%swap3A_503, %swap3A_504] {strides = array<i32>} : memref<40x128xf32, #tpu.memory_space<vmem>>, vector<1x16xf32>,
        %swap3A_506 = vector.shape_cast %swap3A_505 : vector<1x16xf32> to vector<16xf32>
        %swap3A_507 = vector.shape_cast %max3A_502 : vector<16xf32> to vector<1x16xf32>
        tpu.vector_store %arg13[%swap3A_503, %swap3A_504], %swap3A_507 {strides = array<i32>} : memref<40x128xf32, #tpu.memory_space<vmem>>, vector<1x16xf32>,
        %get3A_508 = arith.index_cast %scan3A_391 : i32 to index
        %get3A_509 = arith.constant 112 : index
        %get3A_510 = tpu.vector_load %arg11[%get3A_508, %get3A_509] {strides = array<i32>} : memref<40x128xf32, #tpu.memory_space<vmem>>, vector<1x16xf32>,
        %get3A_511 = vector.shape_cast %get3A_510 : vector<1x16xf32> to vector<16xf32>
        %get3A_512 = arith.index_cast %scan3A_391 : i32 to index
        %get3A_513 = arith.constant 112 : index
        %get3A_514 = tpu.vector_load %arg13[%get3A_512, %get3A_513] {strides = array<i32>} : memref<40x128xf32, #tpu.memory_space<vmem>>, vector<1x16xf32>,
        %get3A_515 = vector.shape_cast %get3A_514 : vector<1x16xf32> to vector<16xf32>
        %add3A_516 = arith.addf %get3A_511, %get3A_515 : vector<16xf32>
        %max3A_517 = arith.constant 0.000000e+00 : f32
        %max3A_518 = vector.broadcast %max3A_517 : f32 to vector<16xf32>
        %max3A_519 = arith.maximumf %add3A_516, %max3A_518 : vector<16xf32>
        %swap3A_520 = arith.index_cast %scan3A_391 : i32 to index
        %swap3A_521 = arith.constant 112 : index
        %swap3A_522 = tpu.vector_load %arg13[%swap3A_520, %swap3A_521] {strides = array<i32>} : memref<40x128xf32, #tpu.memory_space<vmem>>, vector<1x16xf32>,
        %swap3A_523 = vector.shape_cast %swap3A_522 : vector<1x16xf32> to vector<16xf32>
        %swap3A_524 = vector.shape_cast %max3A_519 : vector<16xf32> to vector<1x16xf32>
        tpu.vector_store %arg13[%swap3A_520, %swap3A_521], %swap3A_524 {strides = array<i32>} : memref<40x128xf32, #tpu.memory_space<vmem>>, vector<1x16xf32>,
      }
      %scan3A_326 = arith.constant 40 : i32
      %run_scoped3A_327 = arith.constant 0 : i32
      "tpu.region"() ({
        %run_scoped3A_391 = tpu.sem_alloc : memref<!tpu.dma_semaphore, #tpu.memory_space<semaphore_mem>>
        %dma_start3A_392 = arith.constant 0 : i32
        %dma_start3A_393 = tpu.memref_slice %arg10[%run_scoped3A_327, %dma_start3A_392] : memref<2x40xi32, #tpu.memory_space<vmem>> -> memref<1x40xi32, #tpu.memory_space<vmem>>
        %dma_start3A_394 = tpu.memref_squeeze %dma_start3A_393 : memref<1x40xi32, #tpu.memory_space<vmem>> -> memref<40xi32, #tpu.memory_space<vmem>>
        %dma_start3A_395 = arith.constant 0 : i32
        %dma_start3A_396 = arith.constant 0 : i32
        %dma_start3A_397 = tpu.memref_slice %arg16[%dma_start3A_395, %dma_start3A_396] : memref<10240x128xf32, #tpu.memory_space<vmem_shared>> -> memref<10240x128xf32, #tpu.memory_space<vmem_shared>>
        tpu.enqueue_indirect_dma source(%arg13 : memref<40x128xf32, #tpu.memory_space<vmem>>) target(%dma_start3A_397 : memref<10240x128xf32, #tpu.memory_space<vmem_shared>>) offsets(%dma_start3A_394 : memref<40xi32, #tpu.memory_space<vmem>>) semaphore(%run_scoped3A_391 : memref<!tpu.dma_semaphore, #tpu.memory_space<semaphore_mem>>) {add = true}
        %dma_wait3A_398 = arith.constant 0 : i32
        %dma_wait3A_399 = tpu.memref_slice %arg10[%run_scoped3A_327, %dma_wait3A_398] : memref<2x40xi32, #tpu.memory_space<vmem>> -> memref<1x40xi32, #tpu.memory_space<vmem>>
        %dma_wait3A_400 = tpu.memref_squeeze %dma_wait3A_399 : memref<1x40xi32, #tpu.memory_space<vmem>> -> memref<40xi32, #tpu.memory_space<vmem>>
        %dma_wait3A_401 = arith.constant 0 : i32
        %dma_wait3A_402 = arith.constant 0 : i32
        %dma_wait3A_403 = tpu.memref_slice %arg16[%dma_wait3A_401, %dma_wait3A_402] : memref<10240x128xf32, #tpu.memory_space<vmem_shared>> -> memref<10240x128xf32, #tpu.memory_space<vmem_shared>>
        tpu.wait_indirect_dma semaphore(%run_scoped3A_391 : memref<!tpu.dma_semaphore, #tpu.memory_space<semaphore_mem>>) src(%arg13 : memref<40x128xf32, #tpu.memory_space<vmem>>) dst(%dma_wait3A_403 : memref<10240x128xf32, #tpu.memory_space<vmem_shared>>)
        tpu.yield
      }) : () -> ()
      %mul3A_328 = arith.constant 2 : i32
      %mul3A_329 = arith.muli %mul3A_328, %scan3A_138 : i32
      %add3A_330 = arith.constant 2 : i32
      %add3A_331 = arith.addi %mul3A_329, %add3A_330 : i32
      %dma_wait3A_332 = arith.constant 0 : i32
      %dma_wait3A_333 = arith.constant 0 : i32
      %dma_wait3A_334 = tpu.memref_slice %arg4[%add3A, %add3A_331, %dma_wait3A_332, %dma_wait3A_333] : memref<32x125x2x40xi32, #tpu.memory_space<hbm>> -> memref<1x1x2x40xi32, #tpu.memory_space<hbm>>
      %dma_wait3A_335 = tpu.memref_squeeze %dma_wait3A_334 : memref<1x1x2x40xi32, #tpu.memory_space<hbm>> -> memref<2x40xi32, #tpu.memory_space<hbm>>
      %dma_wait3A_336 = arith.constant 0 : i32
      %dma_wait3A_337 = arith.constant 0 : i32
      %dma_wait3A_338 = tpu.memref_slice %arg4[%add3A, %add3A_331, %dma_wait3A_336, %dma_wait3A_337] : memref<32x125x2x40xi32, #tpu.memory_space<hbm>> -> memref<1x1x2x40xi32, #tpu.memory_space<hbm>>
      %dma_wait3A_339 = tpu.memref_squeeze %dma_wait3A_338 : memref<1x1x2x40xi32, #tpu.memory_space<hbm>> -> memref<2x40xi32, #tpu.memory_space<hbm>>
      tpu.wait_dma2 semaphore(%arg21 : memref<!tpu.dma_semaphore, #tpu.memory_space<semaphore_mem>>) src(%dma_wait3A_339 : memref<2x40xi32, #tpu.memory_space<hbm>>) dst(%arg7 : memref<2x40xi32, #tpu.memory_space<vmem>>)
      %dma_wait3A_340 = arith.constant 0 : i32
      %dma_wait3A_341 = arith.constant 0 : i32
      %dma_wait3A_342 = tpu.memref_slice %arg5[%add3A, %add3A_331, %dma_wait3A_340, %dma_wait3A_341] : memref<32x125x2x40xi32, #tpu.memory_space<hbm>> -> memref<1x1x2x40xi32, #tpu.memory_space<hbm>>
      %dma_wait3A_343 = tpu.memref_squeeze %dma_wait3A_342 : memref<1x1x2x40xi32, #tpu.memory_space<hbm>> -> memref<2x40xi32, #tpu.memory_space<hbm>>
      %dma_wait3A_344 = arith.constant 0 : i32
      %dma_wait3A_345 = arith.constant 0 : i32
      %dma_wait3A_346 = tpu.memref_slice %arg5[%add3A, %add3A_331, %dma_wait3A_344, %dma_wait3A_345] : memref<32x125x2x40xi32, #tpu.memory_space<hbm>> -> memref<1x1x2x40xi32, #tpu.memory_space<hbm>>
      %dma_wait3A_347 = tpu.memref_squeeze %dma_wait3A_346 : memref<1x1x2x40xi32, #tpu.memory_space<hbm>> -> memref<2x40xi32, #tpu.memory_space<hbm>>
      tpu.wait_dma2 semaphore(%arg21 : memref<!tpu.dma_semaphore, #tpu.memory_space<semaphore_mem>>) src(%dma_wait3A_347 : memref<2x40xi32, #tpu.memory_space<hbm>>) dst(%arg9 : memref<2x40xi32, #tpu.memory_space<vmem>>)
      %add3A_348 = arith.constant 4 : i32
      %add3A_349 = arith.addi %mul3A_140, %add3A_348 : i32
      %dma_start3A_350 = arith.constant 0 : i32
      %dma_start3A_351 = arith.constant 0 : i32
      %dma_start3A_352 = tpu.memref_slice %arg7[%dma_start3A_350, %dma_start3A_351] : memref<2x40xi32, #tpu.memory_space<vmem>> -> memref<1x40xi32, #tpu.memory_space<vmem>>
      %dma_start3A_353 = tpu.memref_squeeze %dma_start3A_352 : memref<1x40xi32, #tpu.memory_space<vmem>> -> memref<40xi32, #tpu.memory_space<vmem>>
      %dma_start3A_354 = arith.constant 0 : i32
      %dma_start3A_355 = arith.constant 0 : i32
      %dma_start3A_356 = tpu.memref_slice %arg2[%dma_start3A_354, %dma_start3A_355] : memref<10000x128xf32, #tpu.memory_space<hbm>> -> memref<10000x128xf32, #tpu.memory_space<hbm>>
      tpu.enqueue_indirect_dma source(%dma_start3A_356 : memref<10000x128xf32, #tpu.memory_space<hbm>>) target(%arg11 : memref<40x128xf32, #tpu.memory_space<vmem>>) offsets(%dma_start3A_353 : memref<40xi32, #tpu.memory_space<vmem>>) semaphore(%arg17 : memref<!tpu.dma_semaphore, #tpu.memory_space<semaphore_mem>>)
      %mul3A_357 = arith.constant 10000 : i32
      %mul3A_358 = arith.muli %add3A, %mul3A_357 : i32
      %mul3A_359 = arith.constant 40 : i32
      %mul3A_360 = arith.muli %add3A_349, %mul3A_359 : i32
      %add3A_361 = arith.addi %mul3A_358, %mul3A_360 : i32
      %dma_start3A_362 = arith.constant 0 : i32
      %dma_start3A_363 = tpu.memref_slice %arg3[%add3A_361, %dma_start3A_362] : memref<320000x128xf32, #tpu.memory_space<hbm>> -> memref<40x128xf32, #tpu.memory_space<hbm>>
      %dma_start3A_364 = arith.constant 0 : i32
      %dma_start3A_365 = tpu.memref_slice %arg3[%add3A_361, %dma_start3A_364] : memref<320000x128xf32, #tpu.memory_space<hbm>> -> memref<40x128xf32, #tpu.memory_space<hbm>>
      tpu.enqueue_dma source(%dma_start3A_365 : memref<40x128xf32, #tpu.memory_space<hbm>>) target(%arg13 : memref<40x128xf32, #tpu.memory_space<vmem>>) target_semaphore(%arg19 : memref<!tpu.dma_semaphore, #tpu.memory_space<semaphore_mem>>)
      %add3A_366 = arith.constant 3 : i32
      %add3A_367 = arith.addi %mul3A_140, %add3A_366 : i32
      %dma_wait3A_368 = arith.constant 1 : i32
      %dma_wait3A_369 = arith.constant 0 : i32
      %dma_wait3A_370 = tpu.memref_slice %arg8[%dma_wait3A_368, %dma_wait3A_369] : memref<2x40xi32, #tpu.memory_space<vmem>> -> memref<1x40xi32, #tpu.memory_space<vmem>>
      %dma_wait3A_371 = tpu.memref_squeeze %dma_wait3A_370 : memref<1x40xi32, #tpu.memory_space<vmem>> -> memref<40xi32, #tpu.memory_space<vmem>>
      %dma_wait3A_372 = arith.constant 0 : i32
      %dma_wait3A_373 = arith.constant 0 : i32
      %dma_wait3A_374 = tpu.memref_slice %arg2[%dma_wait3A_372, %dma_wait3A_373] : memref<10000x128xf32, #tpu.memory_space<hbm>> -> memref<10000x128xf32, #tpu.memory_space<hbm>>
      tpu.wait_indirect_dma semaphore(%arg18 : memref<!tpu.dma_semaphore, #tpu.memory_space<semaphore_mem>>) src(%dma_wait3A_374 : memref<10000x128xf32, #tpu.memory_space<hbm>>) dst(%arg12 : memref<40x128xf32, #tpu.memory_space<vmem>>)
      %mul3A_375 = arith.constant 10000 : i32
      %mul3A_376 = arith.muli %add3A, %mul3A_375 : i32
      %mul3A_377 = arith.constant 40 : i32
      %mul3A_378 = arith.muli %add3A_367, %mul3A_377 : i32
      %add3A_379 = arith.addi %mul3A_376, %mul3A_378 : i32
      %dma_wait3A_380 = arith.constant 0 : i32
      %dma_wait3A_381 = tpu.memref_slice %arg3[%add3A_379, %dma_wait3A_380] : memref<320000x128xf32, #tpu.memory_space<hbm>> -> memref<40x128xf32, #tpu.memory_space<hbm>>
      %dma_wait3A_382 = arith.constant 0 : i32
      %dma_wait3A_383 = tpu.memref_slice %arg3[%add3A_379, %dma_wait3A_382] : memref<320000x128xf32, #tpu.memory_space<hbm>> -> memref<40x128xf32, #tpu.memory_space<hbm>>
      tpu.wait_dma2 semaphore(%arg20 : memref<!tpu.dma_semaphore, #tpu.memory_space<semaphore_mem>>) src(%dma_wait3A_383 : memref<40x128xf32, #tpu.memory_space<hbm>>) dst(%arg14 : memref<40x128xf32, #tpu.memory_space<vmem>>)
      %scan3A_384 = arith.constant 0 : i32
      %scan3A_385 = arith.constant 0 : i32
      %scan3A_386 = arith.constant 40 : i32
      %scan3A_387 = arith.addi %scan3A_385, %scan3A_386 : i32
      %scan3A_388 = arith.constant 1 : i32
      scf.for %scan3A_391 = %scan3A_385 to %scan3A_387 step %scan3A_388  : i32 {
        %get3A = arith.index_cast %scan3A_391 : i32 to index
        %get3A_392 = arith.constant 0 : index
        %get3A_393 = tpu.vector_load %arg12[%get3A, %get3A_392] {strides = array<i32>} : memref<40x128xf32, #tpu.memory_space<vmem>>, vector<1x16xf32>,
        %get3A_394 = vector.shape_cast %get3A_393 : vector<1x16xf32> to vector<16xf32>
        %get3A_395 = arith.index_cast %scan3A_391 : i32 to index
        %get3A_396 = arith.constant 0 : index
        %get3A_397 = tpu.vector_load %arg14[%get3A_395, %get3A_396] {strides = array<i32>} : memref<40x128xf32, #tpu.memory_space<vmem>>, vector<1x16xf32>,
        %get3A_398 = vector.shape_cast %get3A_397 : vector<1x16xf32> to vector<16xf32>
        %add3A_399 = arith.addf %get3A_394, %get3A_398 : vector<16xf32>
        %max3A = arith.constant 0.000000e+00 : f32
        %max3A_400 = vector.broadcast %max3A : f32 to vector<16xf32>
        %max3A_401 = arith.maximumf %add3A_399, %max3A_400 : vector<16xf32>
        %swap3A = arith.index_cast %scan3A_391 : i32 to index
        %swap3A_402 = arith.constant 0 : index
        %swap3A_403 = tpu.vector_load %arg14[%swap3A, %swap3A_402] {strides = array<i32>} : memref<40x128xf32, #tpu.memory_space<vmem>>, vector<1x16xf32>,
        %swap3A_404 = vector.shape_cast %swap3A_403 : vector<1x16xf32> to vector<16xf32>
        %swap3A_405 = vector.shape_cast %max3A_401 : vector<16xf32> to vector<1x16xf32>
        tpu.vector_store %arg14[%swap3A, %swap3A_402], %swap3A_405 {strides = array<i32>} : memref<40x128xf32, #tpu.memory_space<vmem>>, vector<1x16xf32>,
        %get3A_406 = arith.index_cast %scan3A_391 : i32 to index
        %get3A_407 = arith.constant 16 : index
        %get3A_408 = tpu.vector_load %arg12[%get3A_406, %get3A_407] {strides = array<i32>} : memref<40x128xf32, #tpu.memory_space<vmem>>, vector<1x16xf32>,
        %get3A_409 = vector.shape_cast %get3A_408 : vector<1x16xf32> to vector<16xf32>
        %get3A_410 = arith.index_cast %scan3A_391 : i32 to index
        %get3A_411 = arith.constant 16 : index
        %get3A_412 = tpu.vector_load %arg14[%get3A_410, %get3A_411] {strides = array<i32>} : memref<40x128xf32, #tpu.memory_space<vmem>>, vector<1x16xf32>,
        %get3A_413 = vector.shape_cast %get3A_412 : vector<1x16xf32> to vector<16xf32>
        %add3A_414 = arith.addf %get3A_409, %get3A_413 : vector<16xf32>
        %max3A_415 = arith.constant 0.000000e+00 : f32
        %max3A_416 = vector.broadcast %max3A_415 : f32 to vector<16xf32>
        %max3A_417 = arith.maximumf %add3A_414, %max3A_416 : vector<16xf32>
        %swap3A_418 = arith.index_cast %scan3A_391 : i32 to index
        %swap3A_419 = arith.constant 16 : index
        %swap3A_420 = tpu.vector_load %arg14[%swap3A_418, %swap3A_419] {strides = array<i32>} : memref<40x128xf32, #tpu.memory_space<vmem>>, vector<1x16xf32>,
        %swap3A_421 = vector.shape_cast %swap3A_420 : vector<1x16xf32> to vector<16xf32>
        %swap3A_422 = vector.shape_cast %max3A_417 : vector<16xf32> to vector<1x16xf32>
        tpu.vector_store %arg14[%swap3A_418, %swap3A_419], %swap3A_422 {strides = array<i32>} : memref<40x128xf32, #tpu.memory_space<vmem>>, vector<1x16xf32>,
        %get3A_423 = arith.index_cast %scan3A_391 : i32 to index
        %get3A_424 = arith.constant 32 : index
        %get3A_425 = tpu.vector_load %arg12[%get3A_423, %get3A_424] {strides = array<i32>} : memref<40x128xf32, #tpu.memory_space<vmem>>, vector<1x16xf32>,
        %get3A_426 = vector.shape_cast %get3A_425 : vector<1x16xf32> to vector<16xf32>
        %get3A_427 = arith.index_cast %scan3A_391 : i32 to index
        %get3A_428 = arith.constant 32 : index
        %get3A_429 = tpu.vector_load %arg14[%get3A_427, %get3A_428] {strides = array<i32>} : memref<40x128xf32, #tpu.memory_space<vmem>>, vector<1x16xf32>,
        %get3A_430 = vector.shape_cast %get3A_429 : vector<1x16xf32> to vector<16xf32>
        %add3A_431 = arith.addf %get3A_426, %get3A_430 : vector<16xf32>
        %max3A_432 = arith.constant 0.000000e+00 : f32
        %max3A_433 = vector.broadcast %max3A_432 : f32 to vector<16xf32>
        %max3A_434 = arith.maximumf %add3A_431, %max3A_433 : vector<16xf32>
        %swap3A_435 = arith.index_cast %scan3A_391 : i32 to index
        %swap3A_436 = arith.constant 32 : index
        %swap3A_437 = tpu.vector_load %arg14[%swap3A_435, %swap3A_436] {strides = array<i32>} : memref<40x128xf32, #tpu.memory_space<vmem>>, vector<1x16xf32>,
        %swap3A_438 = vector.shape_cast %swap3A_437 : vector<1x16xf32> to vector<16xf32>
        %swap3A_439 = vector.shape_cast %max3A_434 : vector<16xf32> to vector<1x16xf32>
        tpu.vector_store %arg14[%swap3A_435, %swap3A_436], %swap3A_439 {strides = array<i32>} : memref<40x128xf32, #tpu.memory_space<vmem>>, vector<1x16xf32>,
        %get3A_440 = arith.index_cast %scan3A_391 : i32 to index
        %get3A_441 = arith.constant 48 : index
        %get3A_442 = tpu.vector_load %arg12[%get3A_440, %get3A_441] {strides = array<i32>} : memref<40x128xf32, #tpu.memory_space<vmem>>, vector<1x16xf32>,
        %get3A_443 = vector.shape_cast %get3A_442 : vector<1x16xf32> to vector<16xf32>
        %get3A_444 = arith.index_cast %scan3A_391 : i32 to index
        %get3A_445 = arith.constant 48 : index
        %get3A_446 = tpu.vector_load %arg14[%get3A_444, %get3A_445] {strides = array<i32>} : memref<40x128xf32, #tpu.memory_space<vmem>>, vector<1x16xf32>,
        %get3A_447 = vector.shape_cast %get3A_446 : vector<1x16xf32> to vector<16xf32>
        %add3A_448 = arith.addf %get3A_443, %get3A_447 : vector<16xf32>
        %max3A_449 = arith.constant 0.000000e+00 : f32
        %max3A_450 = vector.broadcast %max3A_449 : f32 to vector<16xf32>
        %max3A_451 = arith.maximumf %add3A_448, %max3A_450 : vector<16xf32>
        %swap3A_452 = arith.index_cast %scan3A_391 : i32 to index
        %swap3A_453 = arith.constant 48 : index
        %swap3A_454 = tpu.vector_load %arg14[%swap3A_452, %swap3A_453] {strides = array<i32>} : memref<40x128xf32, #tpu.memory_space<vmem>>, vector<1x16xf32>,
        %swap3A_455 = vector.shape_cast %swap3A_454 : vector<1x16xf32> to vector<16xf32>
        %swap3A_456 = vector.shape_cast %max3A_451 : vector<16xf32> to vector<1x16xf32>
        tpu.vector_store %arg14[%swap3A_452, %swap3A_453], %swap3A_456 {strides = array<i32>} : memref<40x128xf32, #tpu.memory_space<vmem>>, vector<1x16xf32>,
        %get3A_457 = arith.index_cast %scan3A_391 : i32 to index
        %get3A_458 = arith.constant 64 : index
        %get3A_459 = tpu.vector_load %arg12[%get3A_457, %get3A_458] {strides = array<i32>} : memref<40x128xf32, #tpu.memory_space<vmem>>, vector<1x16xf32>,
        %get3A_460 = vector.shape_cast %get3A_459 : vector<1x16xf32> to vector<16xf32>
        %get3A_461 = arith.index_cast %scan3A_391 : i32 to index
        %get3A_462 = arith.constant 64 : index
        %get3A_463 = tpu.vector_load %arg14[%get3A_461, %get3A_462] {strides = array<i32>} : memref<40x128xf32, #tpu.memory_space<vmem>>, vector<1x16xf32>,
        %get3A_464 = vector.shape_cast %get3A_463 : vector<1x16xf32> to vector<16xf32>
        %add3A_465 = arith.addf %get3A_460, %get3A_464 : vector<16xf32>
        %max3A_466 = arith.constant 0.000000e+00 : f32
        %max3A_467 = vector.broadcast %max3A_466 : f32 to vector<16xf32>
        %max3A_468 = arith.maximumf %add3A_465, %max3A_467 : vector<16xf32>
        %swap3A_469 = arith.index_cast %scan3A_391 : i32 to index
        %swap3A_470 = arith.constant 64 : index
        %swap3A_471 = tpu.vector_load %arg14[%swap3A_469, %swap3A_470] {strides = array<i32>} : memref<40x128xf32, #tpu.memory_space<vmem>>, vector<1x16xf32>,
        %swap3A_472 = vector.shape_cast %swap3A_471 : vector<1x16xf32> to vector<16xf32>
        %swap3A_473 = vector.shape_cast %max3A_468 : vector<16xf32> to vector<1x16xf32>
        tpu.vector_store %arg14[%swap3A_469, %swap3A_470], %swap3A_473 {strides = array<i32>} : memref<40x128xf32, #tpu.memory_space<vmem>>, vector<1x16xf32>,
        %get3A_474 = arith.index_cast %scan3A_391 : i32 to index
        %get3A_475 = arith.constant 80 : index
        %get3A_476 = tpu.vector_load %arg12[%get3A_474, %get3A_475] {strides = array<i32>} : memref<40x128xf32, #tpu.memory_space<vmem>>, vector<1x16xf32>,
        %get3A_477 = vector.shape_cast %get3A_476 : vector<1x16xf32> to vector<16xf32>
        %get3A_478 = arith.index_cast %scan3A_391 : i32 to index
        %get3A_479 = arith.constant 80 : index
        %get3A_480 = tpu.vector_load %arg14[%get3A_478, %get3A_479] {strides = array<i32>} : memref<40x128xf32, #tpu.memory_space<vmem>>, vector<1x16xf32>,
        %get3A_481 = vector.shape_cast %get3A_480 : vector<1x16xf32> to vector<16xf32>
        %add3A_482 = arith.addf %get3A_477, %get3A_481 : vector<16xf32>
        %max3A_483 = arith.constant 0.000000e+00 : f32
        %max3A_484 = vector.broadcast %max3A_483 : f32 to vector<16xf32>
        %max3A_485 = arith.maximumf %add3A_482, %max3A_484 : vector<16xf32>
        %swap3A_486 = arith.index_cast %scan3A_391 : i32 to index
        %swap3A_487 = arith.constant 80 : index
        %swap3A_488 = tpu.vector_load %arg14[%swap3A_486, %swap3A_487] {strides = array<i32>} : memref<40x128xf32, #tpu.memory_space<vmem>>, vector<1x16xf32>,
        %swap3A_489 = vector.shape_cast %swap3A_488 : vector<1x16xf32> to vector<16xf32>
        %swap3A_490 = vector.shape_cast %max3A_485 : vector<16xf32> to vector<1x16xf32>
        tpu.vector_store %arg14[%swap3A_486, %swap3A_487], %swap3A_490 {strides = array<i32>} : memref<40x128xf32, #tpu.memory_space<vmem>>, vector<1x16xf32>,
        %get3A_491 = arith.index_cast %scan3A_391 : i32 to index
        %get3A_492 = arith.constant 96 : index
        %get3A_493 = tpu.vector_load %arg12[%get3A_491, %get3A_492] {strides = array<i32>} : memref<40x128xf32, #tpu.memory_space<vmem>>, vector<1x16xf32>,
        %get3A_494 = vector.shape_cast %get3A_493 : vector<1x16xf32> to vector<16xf32>
        %get3A_495 = arith.index_cast %scan3A_391 : i32 to index
        %get3A_496 = arith.constant 96 : index
        %get3A_497 = tpu.vector_load %arg14[%get3A_495, %get3A_496] {strides = array<i32>} : memref<40x128xf32, #tpu.memory_space<vmem>>, vector<1x16xf32>,
        %get3A_498 = vector.shape_cast %get3A_497 : vector<1x16xf32> to vector<16xf32>
        %add3A_499 = arith.addf %get3A_494, %get3A_498 : vector<16xf32>
        %max3A_500 = arith.constant 0.000000e+00 : f32
        %max3A_501 = vector.broadcast %max3A_500 : f32 to vector<16xf32>
        %max3A_502 = arith.maximumf %add3A_499, %max3A_501 : vector<16xf32>
        %swap3A_503 = arith.index_cast %scan3A_391 : i32 to index
        %swap3A_504 = arith.constant 96 : index
        %swap3A_505 = tpu.vector_load %arg14[%swap3A_503, %swap3A_504] {strides = array<i32>} : memref<40x128xf32, #tpu.memory_space<vmem>>, vector<1x16xf32>,
        %swap3A_506 = vector.shape_cast %swap3A_505 : vector<1x16xf32> to vector<16xf32>
        %swap3A_507 = vector.shape_cast %max3A_502 : vector<16xf32> to vector<1x16xf32>
        tpu.vector_store %arg14[%swap3A_503, %swap3A_504], %swap3A_507 {strides = array<i32>} : memref<40x128xf32, #tpu.memory_space<vmem>>, vector<1x16xf32>,
        %get3A_508 = arith.index_cast %scan3A_391 : i32 to index
        %get3A_509 = arith.constant 112 : index
        %get3A_510 = tpu.vector_load %arg12[%get3A_508, %get3A_509] {strides = array<i32>} : memref<40x128xf32, #tpu.memory_space<vmem>>, vector<1x16xf32>,
        %get3A_511 = vector.shape_cast %get3A_510 : vector<1x16xf32> to vector<16xf32>
        %get3A_512 = arith.index_cast %scan3A_391 : i32 to index
        %get3A_513 = arith.constant 112 : index
        %get3A_514 = tpu.vector_load %arg14[%get3A_512, %get3A_513] {strides = array<i32>} : memref<40x128xf32, #tpu.memory_space<vmem>>, vector<1x16xf32>,
        %get3A_515 = vector.shape_cast %get3A_514 : vector<1x16xf32> to vector<16xf32>
        %add3A_516 = arith.addf %get3A_511, %get3A_515 : vector<16xf32>
        %max3A_517 = arith.constant 0.000000e+00 : f32
        %max3A_518 = vector.broadcast %max3A_517 : f32 to vector<16xf32>
        %max3A_519 = arith.maximumf %add3A_516, %max3A_518 : vector<16xf32>
        %swap3A_520 = arith.index_cast %scan3A_391 : i32 to index
        %swap3A_521 = arith.constant 112 : index
        %swap3A_522 = tpu.vector_load %arg14[%swap3A_520, %swap3A_521] {strides = array<i32>} : memref<40x128xf32, #tpu.memory_space<vmem>>, vector<1x16xf32>,
        %swap3A_523 = vector.shape_cast %swap3A_522 : vector<1x16xf32> to vector<16xf32>
        %swap3A_524 = vector.shape_cast %max3A_519 : vector<16xf32> to vector<1x16xf32>
        tpu.vector_store %arg14[%swap3A_520, %swap3A_521], %swap3A_524 {strides = array<i32>} : memref<40x128xf32, #tpu.memory_space<vmem>>, vector<1x16xf32>,
      }
      %scan3A_389 = arith.constant 40 : i32
      %run_scoped3A_390 = arith.constant 1 : i32
      "tpu.region"() ({
        %run_scoped3A_391 = tpu.sem_alloc : memref<!tpu.dma_semaphore, #tpu.memory_space<semaphore_mem>>
        %dma_start3A_392 = arith.constant 0 : i32
        %dma_start3A_393 = tpu.memref_slice %arg10[%run_scoped3A_390, %dma_start3A_392] : memref<2x40xi32, #tpu.memory_space<vmem>> -> memref<1x40xi32, #tpu.memory_space<vmem>>
        %dma_start3A_394 = tpu.memref_squeeze %dma_start3A_393 : memref<1x40xi32, #tpu.memory_space<vmem>> -> memref<40xi32, #tpu.memory_space<vmem>>
        %dma_start3A_395 = arith.constant 0 : i32
        %dma_start3A_396 = arith.constant 0 : i32
        %dma_start3A_397 = tpu.memref_slice %arg16[%dma_start3A_395, %dma_start3A_396] : memref<10240x128xf32, #tpu.memory_space<vmem_shared>> -> memref<10240x128xf32, #tpu.memory_space<vmem_shared>>
        tpu.enqueue_indirect_dma source(%arg14 : memref<40x128xf32, #tpu.memory_space<vmem>>) target(%dma_start3A_397 : memref<10240x128xf32, #tpu.memory_space<vmem_shared>>) offsets(%dma_start3A_394 : memref<40xi32, #tpu.memory_space<vmem>>) semaphore(%run_scoped3A_391 : memref<!tpu.dma_semaphore, #tpu.memory_space<semaphore_mem>>) {add = true}
        %dma_wait3A_398 = arith.constant 0 : i32
        %dma_wait3A_399 = tpu.memref_slice %arg10[%run_scoped3A_390, %dma_wait3A_398] : memref<2x40xi32, #tpu.memory_space<vmem>> -> memref<1x40xi32, #tpu.memory_space<vmem>>
        %dma_wait3A_400 = tpu.memref_squeeze %dma_wait3A_399 : memref<1x40xi32, #tpu.memory_space<vmem>> -> memref<40xi32, #tpu.memory_space<vmem>>
        %dma_wait3A_401 = arith.constant 0 : i32
        %dma_wait3A_402 = arith.constant 0 : i32
        %dma_wait3A_403 = tpu.memref_slice %arg16[%dma_wait3A_401, %dma_wait3A_402] : memref<10240x128xf32, #tpu.memory_space<vmem_shared>> -> memref<10240x128xf32, #tpu.memory_space<vmem_shared>>
        tpu.wait_indirect_dma semaphore(%run_scoped3A_391 : memref<!tpu.dma_semaphore, #tpu.memory_space<semaphore_mem>>) src(%arg14 : memref<40x128xf32, #tpu.memory_space<vmem>>) dst(%dma_wait3A_403 : memref<10240x128xf32, #tpu.memory_space<vmem_shared>>)
        tpu.yield
      }) : () -> ()
    }
    %scan3A_69 = arith.constant 62 : i32
    %dma_start3A_70 = arith.constant 1 : i32
    %dma_start3A_71 = arith.constant 0 : i32
    %dma_start3A_72 = tpu.memref_slice %arg7[%dma_start3A_70, %dma_start3A_71] : memref<2x40xi32, #tpu.memory_space<vmem>> -> memref<1x40xi32, #tpu.memory_space<vmem>>
    %dma_start3A_73 = tpu.memref_squeeze %dma_start3A_72 : memref<1x40xi32, #tpu.memory_space<vmem>> -> memref<40xi32, #tpu.memory_space<vmem>>
    %dma_start3A_74 = arith.constant 0 : i32
    %dma_start3A_75 = arith.constant 0 : i32
    %dma_start3A_76 = tpu.memref_slice %arg2[%dma_start3A_74, %dma_start3A_75] : memref<10000x128xf32, #tpu.memory_space<hbm>> -> memref<10000x128xf32, #tpu.memory_space<hbm>>
    tpu.enqueue_indirect_dma source(%dma_start3A_76 : memref<10000x128xf32, #tpu.memory_space<hbm>>) target(%arg12 : memref<40x128xf32, #tpu.memory_space<vmem>>) offsets(%dma_start3A_73 : memref<40xi32, #tpu.memory_space<vmem>>) semaphore(%arg18 : memref<!tpu.dma_semaphore, #tpu.memory_space<semaphore_mem>>)
    %mul3A_77 = arith.constant 10000 : i32
    %mul3A_78 = arith.muli %add3A, %mul3A_77 : i32
    %add3A_79 = arith.constant 9960 : i32
    %add3A_80 = arith.addi %mul3A_78, %add3A_79 : i32
    %dma_start3A_81 = arith.constant 0 : i32
    %dma_start3A_82 = tpu.memref_slice %arg3[%add3A_80, %dma_start3A_81] : memref<320000x128xf32, #tpu.memory_space<hbm>> -> memref<40x128xf32, #tpu.memory_space<hbm>>
    %dma_start3A_83 = arith.constant 0 : i32
    %dma_start3A_84 = tpu.memref_slice %arg3[%add3A_80, %dma_start3A_83] : memref<320000x128xf32, #tpu.memory_space<hbm>> -> memref<40x128xf32, #tpu.memory_space<hbm>>
    tpu.enqueue_dma source(%dma_start3A_84 : memref<40x128xf32, #tpu.memory_space<hbm>>) target(%arg14 : memref<40x128xf32, #tpu.memory_space<vmem>>) target_semaphore(%arg20 : memref<!tpu.dma_semaphore, #tpu.memory_space<semaphore_mem>>)
    %dma_wait3A_85 = arith.constant 0 : i32
    %dma_wait3A_86 = arith.constant 0 : i32
    %dma_wait3A_87 = tpu.memref_slice %arg7[%dma_wait3A_85, %dma_wait3A_86] : memref<2x40xi32, #tpu.memory_space<vmem>> -> memref<1x40xi32, #tpu.memory_space<vmem>>
    %dma_wait3A_88 = tpu.memref_squeeze %dma_wait3A_87 : memref<1x40xi32, #tpu.memory_space<vmem>> -> memref<40xi32, #tpu.memory_space<vmem>>
    %dma_wait3A_89 = arith.constant 0 : i32
    %dma_wait3A_90 = arith.constant 0 : i32
    %dma_wait3A_91 = tpu.memref_slice %arg2[%dma_wait3A_89, %dma_wait3A_90] : memref<10000x128xf32, #tpu.memory_space<hbm>> -> memref<10000x128xf32, #tpu.memory_space<hbm>>
    tpu.wait_indirect_dma semaphore(%arg17 : memref<!tpu.dma_semaphore, #tpu.memory_space<semaphore_mem>>) src(%dma_wait3A_91 : memref<10000x128xf32, #tpu.memory_space<hbm>>) dst(%arg11 : memref<40x128xf32, #tpu.memory_space<vmem>>)
    %mul3A_92 = arith.constant 10000 : i32
    %mul3A_93 = arith.muli %add3A, %mul3A_92 : i32
    %add3A_94 = arith.constant 9920 : i32
    %add3A_95 = arith.addi %mul3A_93, %add3A_94 : i32
    %dma_wait3A_96 = arith.constant 0 : i32
    %dma_wait3A_97 = tpu.memref_slice %arg3[%add3A_95, %dma_wait3A_96] : memref<320000x128xf32, #tpu.memory_space<hbm>> -> memref<40x128xf32, #tpu.memory_space<hbm>>
    %dma_wait3A_98 = arith.constant 0 : i32
    %dma_wait3A_99 = tpu.memref_slice %arg3[%add3A_95, %dma_wait3A_98] : memref<320000x128xf32, #tpu.memory_space<hbm>> -> memref<40x128xf32, #tpu.memory_space<hbm>>
    tpu.wait_dma2 semaphore(%arg19 : memref<!tpu.dma_semaphore, #tpu.memory_space<semaphore_mem>>) src(%dma_wait3A_99 : memref<40x128xf32, #tpu.memory_space<hbm>>) dst(%arg13 : memref<40x128xf32, #tpu.memory_space<vmem>>)
    %scan3A_100 = arith.constant 0 : i32
    %scan3A_101 = arith.constant 0 : i32
    %scan3A_102 = arith.constant 40 : i32
    %scan3A_103 = arith.addi %scan3A_101, %scan3A_102 : i32
    %scan3A_104 = arith.constant 1 : i32
    scf.for %scan3A_138 = %scan3A_101 to %scan3A_103 step %scan3A_104  : i32 {
      %get3A = arith.index_cast %scan3A_138 : i32 to index
      %get3A_139 = arith.constant 0 : index
      %get3A_140 = tpu.vector_load %arg11[%get3A, %get3A_139] {strides = array<i32>} : memref<40x128xf32, #tpu.memory_space<vmem>>, vector<1x16xf32>,
      %get3A_141 = vector.shape_cast %get3A_140 : vector<1x16xf32> to vector<16xf32>
      %get3A_142 = arith.index_cast %scan3A_138 : i32 to index
      %get3A_143 = arith.constant 0 : index
      %get3A_144 = tpu.vector_load %arg13[%get3A_142, %get3A_143] {strides = array<i32>} : memref<40x128xf32, #tpu.memory_space<vmem>>, vector<1x16xf32>,
      %get3A_145 = vector.shape_cast %get3A_144 : vector<1x16xf32> to vector<16xf32>
      %add3A_146 = arith.addf %get3A_141, %get3A_145 : vector<16xf32>
      %max3A = arith.constant 0.000000e+00 : f32
      %max3A_147 = vector.broadcast %max3A : f32 to vector<16xf32>
      %max3A_148 = arith.maximumf %add3A_146, %max3A_147 : vector<16xf32>
      %swap3A = arith.index_cast %scan3A_138 : i32 to index
      %swap3A_149 = arith.constant 0 : index
      %swap3A_150 = tpu.vector_load %arg13[%swap3A, %swap3A_149] {strides = array<i32>} : memref<40x128xf32, #tpu.memory_space<vmem>>, vector<1x16xf32>,
      %swap3A_151 = vector.shape_cast %swap3A_150 : vector<1x16xf32> to vector<16xf32>
      %swap3A_152 = vector.shape_cast %max3A_148 : vector<16xf32> to vector<1x16xf32>
      tpu.vector_store %arg13[%swap3A, %swap3A_149], %swap3A_152 {strides = array<i32>} : memref<40x128xf32, #tpu.memory_space<vmem>>, vector<1x16xf32>,
      %get3A_153 = arith.index_cast %scan3A_138 : i32 to index
      %get3A_154 = arith.constant 16 : index
      %get3A_155 = tpu.vector_load %arg11[%get3A_153, %get3A_154] {strides = array<i32>} : memref<40x128xf32, #tpu.memory_space<vmem>>, vector<1x16xf32>,
      %get3A_156 = vector.shape_cast %get3A_155 : vector<1x16xf32> to vector<16xf32>
      %get3A_157 = arith.index_cast %scan3A_138 : i32 to index
      %get3A_158 = arith.constant 16 : index
      %get3A_159 = tpu.vector_load %arg13[%get3A_157, %get3A_158] {strides = array<i32>} : memref<40x128xf32, #tpu.memory_space<vmem>>, vector<1x16xf32>,
      %get3A_160 = vector.shape_cast %get3A_159 : vector<1x16xf32> to vector<16xf32>
      %add3A_161 = arith.addf %get3A_156, %get3A_160 : vector<16xf32>
      %max3A_162 = arith.constant 0.000000e+00 : f32
      %max3A_163 = vector.broadcast %max3A_162 : f32 to vector<16xf32>
      %max3A_164 = arith.maximumf %add3A_161, %max3A_163 : vector<16xf32>
      %swap3A_165 = arith.index_cast %scan3A_138 : i32 to index
      %swap3A_166 = arith.constant 16 : index
      %swap3A_167 = tpu.vector_load %arg13[%swap3A_165, %swap3A_166] {strides = array<i32>} : memref<40x128xf32, #tpu.memory_space<vmem>>, vector<1x16xf32>,
      %swap3A_168 = vector.shape_cast %swap3A_167 : vector<1x16xf32> to vector<16xf32>
      %swap3A_169 = vector.shape_cast %max3A_164 : vector<16xf32> to vector<1x16xf32>
      tpu.vector_store %arg13[%swap3A_165, %swap3A_166], %swap3A_169 {strides = array<i32>} : memref<40x128xf32, #tpu.memory_space<vmem>>, vector<1x16xf32>,
      %get3A_170 = arith.index_cast %scan3A_138 : i32 to index
      %get3A_171 = arith.constant 32 : index
      %get3A_172 = tpu.vector_load %arg11[%get3A_170, %get3A_171] {strides = array<i32>} : memref<40x128xf32, #tpu.memory_space<vmem>>, vector<1x16xf32>,
      %get3A_173 = vector.shape_cast %get3A_172 : vector<1x16xf32> to vector<16xf32>
      %get3A_174 = arith.index_cast %scan3A_138 : i32 to index
      %get3A_175 = arith.constant 32 : index
      %get3A_176 = tpu.vector_load %arg13[%get3A_174, %get3A_175] {strides = array<i32>} : memref<40x128xf32, #tpu.memory_space<vmem>>, vector<1x16xf32>,
      %get3A_177 = vector.shape_cast %get3A_176 : vector<1x16xf32> to vector<16xf32>
      %add3A_178 = arith.addf %get3A_173, %get3A_177 : vector<16xf32>
      %max3A_179 = arith.constant 0.000000e+00 : f32
      %max3A_180 = vector.broadcast %max3A_179 : f32 to vector<16xf32>
      %max3A_181 = arith.maximumf %add3A_178, %max3A_180 : vector<16xf32>
      %swap3A_182 = arith.index_cast %scan3A_138 : i32 to index
      %swap3A_183 = arith.constant 32 : index
      %swap3A_184 = tpu.vector_load %arg13[%swap3A_182, %swap3A_183] {strides = array<i32>} : memref<40x128xf32, #tpu.memory_space<vmem>>, vector<1x16xf32>,
      %swap3A_185 = vector.shape_cast %swap3A_184 : vector<1x16xf32> to vector<16xf32>
      %swap3A_186 = vector.shape_cast %max3A_181 : vector<16xf32> to vector<1x16xf32>
      tpu.vector_store %arg13[%swap3A_182, %swap3A_183], %swap3A_186 {strides = array<i32>} : memref<40x128xf32, #tpu.memory_space<vmem>>, vector<1x16xf32>,
      %get3A_187 = arith.index_cast %scan3A_138 : i32 to index
      %get3A_188 = arith.constant 48 : index
      %get3A_189 = tpu.vector_load %arg11[%get3A_187, %get3A_188] {strides = array<i32>} : memref<40x128xf32, #tpu.memory_space<vmem>>, vector<1x16xf32>,
      %get3A_190 = vector.shape_cast %get3A_189 : vector<1x16xf32> to vector<16xf32>
      %get3A_191 = arith.index_cast %scan3A_138 : i32 to index
      %get3A_192 = arith.constant 48 : index
      %get3A_193 = tpu.vector_load %arg13[%get3A_191, %get3A_192] {strides = array<i32>} : memref<40x128xf32, #tpu.memory_space<vmem>>, vector<1x16xf32>,
      %get3A_194 = vector.shape_cast %get3A_193 : vector<1x16xf32> to vector<16xf32>
      %add3A_195 = arith.addf %get3A_190, %get3A_194 : vector<16xf32>
      %max3A_196 = arith.constant 0.000000e+00 : f32
      %max3A_197 = vector.broadcast %max3A_196 : f32 to vector<16xf32>
      %max3A_198 = arith.maximumf %add3A_195, %max3A_197 : vector<16xf32>
      %swap3A_199 = arith.index_cast %scan3A_138 : i32 to index
      %swap3A_200 = arith.constant 48 : index
      %swap3A_201 = tpu.vector_load %arg13[%swap3A_199, %swap3A_200] {strides = array<i32>} : memref<40x128xf32, #tpu.memory_space<vmem>>, vector<1x16xf32>,
      %swap3A_202 = vector.shape_cast %swap3A_201 : vector<1x16xf32> to vector<16xf32>
      %swap3A_203 = vector.shape_cast %max3A_198 : vector<16xf32> to vector<1x16xf32>
      tpu.vector_store %arg13[%swap3A_199, %swap3A_200], %swap3A_203 {strides = array<i32>} : memref<40x128xf32, #tpu.memory_space<vmem>>, vector<1x16xf32>,
      %get3A_204 = arith.index_cast %scan3A_138 : i32 to index
      %get3A_205 = arith.constant 64 : index
      %get3A_206 = tpu.vector_load %arg11[%get3A_204, %get3A_205] {strides = array<i32>} : memref<40x128xf32, #tpu.memory_space<vmem>>, vector<1x16xf32>,
      %get3A_207 = vector.shape_cast %get3A_206 : vector<1x16xf32> to vector<16xf32>
      %get3A_208 = arith.index_cast %scan3A_138 : i32 to index
      %get3A_209 = arith.constant 64 : index
      %get3A_210 = tpu.vector_load %arg13[%get3A_208, %get3A_209] {strides = array<i32>} : memref<40x128xf32, #tpu.memory_space<vmem>>, vector<1x16xf32>,
      %get3A_211 = vector.shape_cast %get3A_210 : vector<1x16xf32> to vector<16xf32>
      %add3A_212 = arith.addf %get3A_207, %get3A_211 : vector<16xf32>
      %max3A_213 = arith.constant 0.000000e+00 : f32
      %max3A_214 = vector.broadcast %max3A_213 : f32 to vector<16xf32>
      %max3A_215 = arith.maximumf %add3A_212, %max3A_214 : vector<16xf32>
      %swap3A_216 = arith.index_cast %scan3A_138 : i32 to index
      %swap3A_217 = arith.constant 64 : index
      %swap3A_218 = tpu.vector_load %arg13[%swap3A_216, %swap3A_217] {strides = array<i32>} : memref<40x128xf32, #tpu.memory_space<vmem>>, vector<1x16xf32>,
      %swap3A_219 = vector.shape_cast %swap3A_218 : vector<1x16xf32> to vector<16xf32>
      %swap3A_220 = vector.shape_cast %max3A_215 : vector<16xf32> to vector<1x16xf32>
      tpu.vector_store %arg13[%swap3A_216, %swap3A_217], %swap3A_220 {strides = array<i32>} : memref<40x128xf32, #tpu.memory_space<vmem>>, vector<1x16xf32>,
      %get3A_221 = arith.index_cast %scan3A_138 : i32 to index
      %get3A_222 = arith.constant 80 : index
      %get3A_223 = tpu.vector_load %arg11[%get3A_221, %get3A_222] {strides = array<i32>} : memref<40x128xf32, #tpu.memory_space<vmem>>, vector<1x16xf32>,
      %get3A_224 = vector.shape_cast %get3A_223 : vector<1x16xf32> to vector<16xf32>
      %get3A_225 = arith.index_cast %scan3A_138 : i32 to index
      %get3A_226 = arith.constant 80 : index
      %get3A_227 = tpu.vector_load %arg13[%get3A_225, %get3A_226] {strides = array<i32>} : memref<40x128xf32, #tpu.memory_space<vmem>>, vector<1x16xf32>,
      %get3A_228 = vector.shape_cast %get3A_227 : vector<1x16xf32> to vector<16xf32>
      %add3A_229 = arith.addf %get3A_224, %get3A_228 : vector<16xf32>
      %max3A_230 = arith.constant 0.000000e+00 : f32
      %max3A_231 = vector.broadcast %max3A_230 : f32 to vector<16xf32>
      %max3A_232 = arith.maximumf %add3A_229, %max3A_231 : vector<16xf32>
      %swap3A_233 = arith.index_cast %scan3A_138 : i32 to index
      %swap3A_234 = arith.constant 80 : index
      %swap3A_235 = tpu.vector_load %arg13[%swap3A_233, %swap3A_234] {strides = array<i32>} : memref<40x128xf32, #tpu.memory_space<vmem>>, vector<1x16xf32>,
      %swap3A_236 = vector.shape_cast %swap3A_235 : vector<1x16xf32> to vector<16xf32>
      %swap3A_237 = vector.shape_cast %max3A_232 : vector<16xf32> to vector<1x16xf32>
      tpu.vector_store %arg13[%swap3A_233, %swap3A_234], %swap3A_237 {strides = array<i32>} : memref<40x128xf32, #tpu.memory_space<vmem>>, vector<1x16xf32>,
      %get3A_238 = arith.index_cast %scan3A_138 : i32 to index
      %get3A_239 = arith.constant 96 : index
      %get3A_240 = tpu.vector_load %arg11[%get3A_238, %get3A_239] {strides = array<i32>} : memref<40x128xf32, #tpu.memory_space<vmem>>, vector<1x16xf32>,
      %get3A_241 = vector.shape_cast %get3A_240 : vector<1x16xf32> to vector<16xf32>
      %get3A_242 = arith.index_cast %scan3A_138 : i32 to index
      %get3A_243 = arith.constant 96 : index
      %get3A_244 = tpu.vector_load %arg13[%get3A_242, %get3A_243] {strides = array<i32>} : memref<40x128xf32, #tpu.memory_space<vmem>>, vector<1x16xf32>,
      %get3A_245 = vector.shape_cast %get3A_244 : vector<1x16xf32> to vector<16xf32>
      %add3A_246 = arith.addf %get3A_241, %get3A_245 : vector<16xf32>
      %max3A_247 = arith.constant 0.000000e+00 : f32
      %max3A_248 = vector.broadcast %max3A_247 : f32 to vector<16xf32>
      %max3A_249 = arith.maximumf %add3A_246, %max3A_248 : vector<16xf32>
      %swap3A_250 = arith.index_cast %scan3A_138 : i32 to index
      %swap3A_251 = arith.constant 96 : index
      %swap3A_252 = tpu.vector_load %arg13[%swap3A_250, %swap3A_251] {strides = array<i32>} : memref<40x128xf32, #tpu.memory_space<vmem>>, vector<1x16xf32>,
      %swap3A_253 = vector.shape_cast %swap3A_252 : vector<1x16xf32> to vector<16xf32>
      %swap3A_254 = vector.shape_cast %max3A_249 : vector<16xf32> to vector<1x16xf32>
      tpu.vector_store %arg13[%swap3A_250, %swap3A_251], %swap3A_254 {strides = array<i32>} : memref<40x128xf32, #tpu.memory_space<vmem>>, vector<1x16xf32>,
      %get3A_255 = arith.index_cast %scan3A_138 : i32 to index
      %get3A_256 = arith.constant 112 : index
      %get3A_257 = tpu.vector_load %arg11[%get3A_255, %get3A_256] {strides = array<i32>} : memref<40x128xf32, #tpu.memory_space<vmem>>, vector<1x16xf32>,
      %get3A_258 = vector.shape_cast %get3A_257 : vector<1x16xf32> to vector<16xf32>
      %get3A_259 = arith.index_cast %scan3A_138 : i32 to index
      %get3A_260 = arith.constant 112 : index
      %get3A_261 = tpu.vector_load %arg13[%get3A_259, %get3A_260] {strides = array<i32>} : memref<40x128xf32, #tpu.memory_space<vmem>>, vector<1x16xf32>,
      %get3A_262 = vector.shape_cast %get3A_261 : vector<1x16xf32> to vector<16xf32>
      %add3A_263 = arith.addf %get3A_258, %get3A_262 : vector<16xf32>
      %max3A_264 = arith.constant 0.000000e+00 : f32
      %max3A_265 = vector.broadcast %max3A_264 : f32 to vector<16xf32>
      %max3A_266 = arith.maximumf %add3A_263, %max3A_265 : vector<16xf32>
      %swap3A_267 = arith.index_cast %scan3A_138 : i32 to index
      %swap3A_268 = arith.constant 112 : index
      %swap3A_269 = tpu.vector_load %arg13[%swap3A_267, %swap3A_268] {strides = array<i32>} : memref<40x128xf32, #tpu.memory_space<vmem>>, vector<1x16xf32>,
      %swap3A_270 = vector.shape_cast %swap3A_269 : vector<1x16xf32> to vector<16xf32>
      %swap3A_271 = vector.shape_cast %max3A_266 : vector<16xf32> to vector<1x16xf32>
      tpu.vector_store %arg13[%swap3A_267, %swap3A_268], %swap3A_271 {strides = array<i32>} : memref<40x128xf32, #tpu.memory_space<vmem>>, vector<1x16xf32>,
    }
    %scan3A_105 = arith.constant 40 : i32
    %run_scoped3A = arith.constant 0 : i32
    "tpu.region"() ({
      %run_scoped3A_138 = tpu.sem_alloc : memref<!tpu.dma_semaphore, #tpu.memory_space<semaphore_mem>>
      %dma_start3A_139 = arith.constant 0 : i32
      %dma_start3A_140 = tpu.memref_slice %arg9[%run_scoped3A, %dma_start3A_139] : memref<2x40xi32, #tpu.memory_space<vmem>> -> memref<1x40xi32, #tpu.memory_space<vmem>>
      %dma_start3A_141 = tpu.memref_squeeze %dma_start3A_140 : memref<1x40xi32, #tpu.memory_space<vmem>> -> memref<40xi32, #tpu.memory_space<vmem>>
      %dma_start3A_142 = arith.constant 0 : i32
      %dma_start3A_143 = arith.constant 0 : i32
      %dma_start3A_144 = tpu.memref_slice %arg16[%dma_start3A_142, %dma_start3A_143] : memref<10240x128xf32, #tpu.memory_space<vmem_shared>> -> memref<10240x128xf32, #tpu.memory_space<vmem_shared>>
      tpu.enqueue_indirect_dma source(%arg13 : memref<40x128xf32, #tpu.memory_space<vmem>>) target(%dma_start3A_144 : memref<10240x128xf32, #tpu.memory_space<vmem_shared>>) offsets(%dma_start3A_141 : memref<40xi32, #tpu.memory_space<vmem>>) semaphore(%run_scoped3A_138 : memref<!tpu.dma_semaphore, #tpu.memory_space<semaphore_mem>>) {add = true}
      %dma_wait3A_145 = arith.constant 0 : i32
      %dma_wait3A_146 = tpu.memref_slice %arg9[%run_scoped3A, %dma_wait3A_145] : memref<2x40xi32, #tpu.memory_space<vmem>> -> memref<1x40xi32, #tpu.memory_space<vmem>>
      %dma_wait3A_147 = tpu.memref_squeeze %dma_wait3A_146 : memref<1x40xi32, #tpu.memory_space<vmem>> -> memref<40xi32, #tpu.memory_space<vmem>>
      %dma_wait3A_148 = arith.constant 0 : i32
      %dma_wait3A_149 = arith.constant 0 : i32
      %dma_wait3A_150 = tpu.memref_slice %arg16[%dma_wait3A_148, %dma_wait3A_149] : memref<10240x128xf32, #tpu.memory_space<vmem_shared>> -> memref<10240x128xf32, #tpu.memory_space<vmem_shared>>
      tpu.wait_indirect_dma semaphore(%run_scoped3A_138 : memref<!tpu.dma_semaphore, #tpu.memory_space<semaphore_mem>>) src(%arg13 : memref<40x128xf32, #tpu.memory_space<vmem>>) dst(%dma_wait3A_150 : memref<10240x128xf32, #tpu.memory_space<vmem_shared>>)
      tpu.yield
    }) : () -> ()
    %dma_wait3A_106 = arith.constant 1 : i32
    %dma_wait3A_107 = arith.constant 0 : i32
    %dma_wait3A_108 = tpu.memref_slice %arg7[%dma_wait3A_106, %dma_wait3A_107] : memref<2x40xi32, #tpu.memory_space<vmem>> -> memref<1x40xi32, #tpu.memory_space<vmem>>
    %dma_wait3A_109 = tpu.memref_squeeze %dma_wait3A_108 : memref<1x40xi32, #tpu.memory_space<vmem>> -> memref<40xi32, #tpu.memory_space<vmem>>
    %dma_wait3A_110 = arith.constant 0 : i32
    %dma_wait3A_111 = arith.constant 0 : i32
    %dma_wait3A_112 = tpu.memref_slice %arg2[%dma_wait3A_110, %dma_wait3A_111] : memref<10000x128xf32, #tpu.memory_space<hbm>> -> memref<10000x128xf32, #tpu.memory_space<hbm>>
    tpu.wait_indirect_dma semaphore(%arg18 : memref<!tpu.dma_semaphore, #tpu.memory_space<semaphore_mem>>) src(%dma_wait3A_112 : memref<10000x128xf32, #tpu.memory_space<hbm>>) dst(%arg12 : memref<40x128xf32, #tpu.memory_space<vmem>>)
    %mul3A_113 = arith.constant 10000 : i32
    %mul3A_114 = arith.muli %add3A, %mul3A_113 : i32
    %add3A_115 = arith.constant 9960 : i32
    %add3A_116 = arith.addi %mul3A_114, %add3A_115 : i32
    %dma_wait3A_117 = arith.constant 0 : i32
    %dma_wait3A_118 = tpu.memref_slice %arg3[%add3A_116, %dma_wait3A_117] : memref<320000x128xf32, #tpu.memory_space<hbm>> -> memref<40x128xf32, #tpu.memory_space<hbm>>
    %dma_wait3A_119 = arith.constant 0 : i32
    %dma_wait3A_120 = tpu.memref_slice %arg3[%add3A_116, %dma_wait3A_119] : memref<320000x128xf32, #tpu.memory_space<hbm>> -> memref<40x128xf32, #tpu.memory_space<hbm>>
    tpu.wait_dma2 semaphore(%arg20 : memref<!tpu.dma_semaphore, #tpu.memory_space<semaphore_mem>>) src(%dma_wait3A_120 : memref<40x128xf32, #tpu.memory_space<hbm>>) dst(%arg14 : memref<40x128xf32, #tpu.memory_space<vmem>>)
    %scan3A_121 = arith.constant 0 : i32
    %scan3A_122 = arith.constant 0 : i32
    %scan3A_123 = arith.constant 40 : i32
    %scan3A_124 = arith.addi %scan3A_122, %scan3A_123 : i32
    %scan3A_125 = arith.constant 1 : i32
    scf.for %scan3A_138 = %scan3A_122 to %scan3A_124 step %scan3A_125  : i32 {
      %get3A = arith.index_cast %scan3A_138 : i32 to index
      %get3A_139 = arith.constant 0 : index
      %get3A_140 = tpu.vector_load %arg12[%get3A, %get3A_139] {strides = array<i32>} : memref<40x128xf32, #tpu.memory_space<vmem>>, vector<1x16xf32>,
      %get3A_141 = vector.shape_cast %get3A_140 : vector<1x16xf32> to vector<16xf32>
      %get3A_142 = arith.index_cast %scan3A_138 : i32 to index
      %get3A_143 = arith.constant 0 : index
      %get3A_144 = tpu.vector_load %arg14[%get3A_142, %get3A_143] {strides = array<i32>} : memref<40x128xf32, #tpu.memory_space<vmem>>, vector<1x16xf32>,
      %get3A_145 = vector.shape_cast %get3A_144 : vector<1x16xf32> to vector<16xf32>
      %add3A_146 = arith.addf %get3A_141, %get3A_145 : vector<16xf32>
      %max3A = arith.constant 0.000000e+00 : f32
      %max3A_147 = vector.broadcast %max3A : f32 to vector<16xf32>
      %max3A_148 = arith.maximumf %add3A_146, %max3A_147 : vector<16xf32>
      %swap3A = arith.index_cast %scan3A_138 : i32 to index
      %swap3A_149 = arith.constant 0 : index
      %swap3A_150 = tpu.vector_load %arg14[%swap3A, %swap3A_149] {strides = array<i32>} : memref<40x128xf32, #tpu.memory_space<vmem>>, vector<1x16xf32>,
      %swap3A_151 = vector.shape_cast %swap3A_150 : vector<1x16xf32> to vector<16xf32>
      %swap3A_152 = vector.shape_cast %max3A_148 : vector<16xf32> to vector<1x16xf32>
      tpu.vector_store %arg14[%swap3A, %swap3A_149], %swap3A_152 {strides = array<i32>} : memref<40x128xf32, #tpu.memory_space<vmem>>, vector<1x16xf32>,
      %get3A_153 = arith.index_cast %scan3A_138 : i32 to index
      %get3A_154 = arith.constant 16 : index
      %get3A_155 = tpu.vector_load %arg12[%get3A_153, %get3A_154] {strides = array<i32>} : memref<40x128xf32, #tpu.memory_space<vmem>>, vector<1x16xf32>,
      %get3A_156 = vector.shape_cast %get3A_155 : vector<1x16xf32> to vector<16xf32>
      %get3A_157 = arith.index_cast %scan3A_138 : i32 to index
      %get3A_158 = arith.constant 16 : index
      %get3A_159 = tpu.vector_load %arg14[%get3A_157, %get3A_158] {strides = array<i32>} : memref<40x128xf32, #tpu.memory_space<vmem>>, vector<1x16xf32>,
      %get3A_160 = vector.shape_cast %get3A_159 : vector<1x16xf32> to vector<16xf32>
      %add3A_161 = arith.addf %get3A_156, %get3A_160 : vector<16xf32>
      %max3A_162 = arith.constant 0.000000e+00 : f32
      %max3A_163 = vector.broadcast %max3A_162 : f32 to vector<16xf32>
      %max3A_164 = arith.maximumf %add3A_161, %max3A_163 : vector<16xf32>
      %swap3A_165 = arith.index_cast %scan3A_138 : i32 to index
      %swap3A_166 = arith.constant 16 : index
      %swap3A_167 = tpu.vector_load %arg14[%swap3A_165, %swap3A_166] {strides = array<i32>} : memref<40x128xf32, #tpu.memory_space<vmem>>, vector<1x16xf32>,
      %swap3A_168 = vector.shape_cast %swap3A_167 : vector<1x16xf32> to vector<16xf32>
      %swap3A_169 = vector.shape_cast %max3A_164 : vector<16xf32> to vector<1x16xf32>
      tpu.vector_store %arg14[%swap3A_165, %swap3A_166], %swap3A_169 {strides = array<i32>} : memref<40x128xf32, #tpu.memory_space<vmem>>, vector<1x16xf32>,
      %get3A_170 = arith.index_cast %scan3A_138 : i32 to index
      %get3A_171 = arith.constant 32 : index
      %get3A_172 = tpu.vector_load %arg12[%get3A_170, %get3A_171] {strides = array<i32>} : memref<40x128xf32, #tpu.memory_space<vmem>>, vector<1x16xf32>,
      %get3A_173 = vector.shape_cast %get3A_172 : vector<1x16xf32> to vector<16xf32>
      %get3A_174 = arith.index_cast %scan3A_138 : i32 to index
      %get3A_175 = arith.constant 32 : index
      %get3A_176 = tpu.vector_load %arg14[%get3A_174, %get3A_175] {strides = array<i32>} : memref<40x128xf32, #tpu.memory_space<vmem>>, vector<1x16xf32>,
      %get3A_177 = vector.shape_cast %get3A_176 : vector<1x16xf32> to vector<16xf32>
      %add3A_178 = arith.addf %get3A_173, %get3A_177 : vector<16xf32>
      %max3A_179 = arith.constant 0.000000e+00 : f32
      %max3A_180 = vector.broadcast %max3A_179 : f32 to vector<16xf32>
      %max3A_181 = arith.maximumf %add3A_178, %max3A_180 : vector<16xf32>
      %swap3A_182 = arith.index_cast %scan3A_138 : i32 to index
      %swap3A_183 = arith.constant 32 : index
      %swap3A_184 = tpu.vector_load %arg14[%swap3A_182, %swap3A_183] {strides = array<i32>} : memref<40x128xf32, #tpu.memory_space<vmem>>, vector<1x16xf32>,
      %swap3A_185 = vector.shape_cast %swap3A_184 : vector<1x16xf32> to vector<16xf32>
      %swap3A_186 = vector.shape_cast %max3A_181 : vector<16xf32> to vector<1x16xf32>
      tpu.vector_store %arg14[%swap3A_182, %swap3A_183], %swap3A_186 {strides = array<i32>} : memref<40x128xf32, #tpu.memory_space<vmem>>, vector<1x16xf32>,
      %get3A_187 = arith.index_cast %scan3A_138 : i32 to index
      %get3A_188 = arith.constant 48 : index
      %get3A_189 = tpu.vector_load %arg12[%get3A_187, %get3A_188] {strides = array<i32>} : memref<40x128xf32, #tpu.memory_space<vmem>>, vector<1x16xf32>,
      %get3A_190 = vector.shape_cast %get3A_189 : vector<1x16xf32> to vector<16xf32>
      %get3A_191 = arith.index_cast %scan3A_138 : i32 to index
      %get3A_192 = arith.constant 48 : index
      %get3A_193 = tpu.vector_load %arg14[%get3A_191, %get3A_192] {strides = array<i32>} : memref<40x128xf32, #tpu.memory_space<vmem>>, vector<1x16xf32>,
      %get3A_194 = vector.shape_cast %get3A_193 : vector<1x16xf32> to vector<16xf32>
      %add3A_195 = arith.addf %get3A_190, %get3A_194 : vector<16xf32>
      %max3A_196 = arith.constant 0.000000e+00 : f32
      %max3A_197 = vector.broadcast %max3A_196 : f32 to vector<16xf32>
      %max3A_198 = arith.maximumf %add3A_195, %max3A_197 : vector<16xf32>
      %swap3A_199 = arith.index_cast %scan3A_138 : i32 to index
      %swap3A_200 = arith.constant 48 : index
      %swap3A_201 = tpu.vector_load %arg14[%swap3A_199, %swap3A_200] {strides = array<i32>} : memref<40x128xf32, #tpu.memory_space<vmem>>, vector<1x16xf32>,
      %swap3A_202 = vector.shape_cast %swap3A_201 : vector<1x16xf32> to vector<16xf32>
      %swap3A_203 = vector.shape_cast %max3A_198 : vector<16xf32> to vector<1x16xf32>
      tpu.vector_store %arg14[%swap3A_199, %swap3A_200], %swap3A_203 {strides = array<i32>} : memref<40x128xf32, #tpu.memory_space<vmem>>, vector<1x16xf32>,
      %get3A_204 = arith.index_cast %scan3A_138 : i32 to index
      %get3A_205 = arith.constant 64 : index
      %get3A_206 = tpu.vector_load %arg12[%get3A_204, %get3A_205] {strides = array<i32>} : memref<40x128xf32, #tpu.memory_space<vmem>>, vector<1x16xf32>,
      %get3A_207 = vector.shape_cast %get3A_206 : vector<1x16xf32> to vector<16xf32>
      %get3A_208 = arith.index_cast %scan3A_138 : i32 to index
      %get3A_209 = arith.constant 64 : index
      %get3A_210 = tpu.vector_load %arg14[%get3A_208, %get3A_209] {strides = array<i32>} : memref<40x128xf32, #tpu.memory_space<vmem>>, vector<1x16xf32>,
      %get3A_211 = vector.shape_cast %get3A_210 : vector<1x16xf32> to vector<16xf32>
      %add3A_212 = arith.addf %get3A_207, %get3A_211 : vector<16xf32>
      %max3A_213 = arith.constant 0.000000e+00 : f32
      %max3A_214 = vector.broadcast %max3A_213 : f32 to vector<16xf32>
      %max3A_215 = arith.maximumf %add3A_212, %max3A_214 : vector<16xf32>
      %swap3A_216 = arith.index_cast %scan3A_138 : i32 to index
      %swap3A_217 = arith.constant 64 : index
      %swap3A_218 = tpu.vector_load %arg14[%swap3A_216, %swap3A_217] {strides = array<i32>} : memref<40x128xf32, #tpu.memory_space<vmem>>, vector<1x16xf32>,
      %swap3A_219 = vector.shape_cast %swap3A_218 : vector<1x16xf32> to vector<16xf32>
      %swap3A_220 = vector.shape_cast %max3A_215 : vector<16xf32> to vector<1x16xf32>
      tpu.vector_store %arg14[%swap3A_216, %swap3A_217], %swap3A_220 {strides = array<i32>} : memref<40x128xf32, #tpu.memory_space<vmem>>, vector<1x16xf32>,
      %get3A_221 = arith.index_cast %scan3A_138 : i32 to index
      %get3A_222 = arith.constant 80 : index
      %get3A_223 = tpu.vector_load %arg12[%get3A_221, %get3A_222] {strides = array<i32>} : memref<40x128xf32, #tpu.memory_space<vmem>>, vector<1x16xf32>,
      %get3A_224 = vector.shape_cast %get3A_223 : vector<1x16xf32> to vector<16xf32>
      %get3A_225 = arith.index_cast %scan3A_138 : i32 to index
      %get3A_226 = arith.constant 80 : index
      %get3A_227 = tpu.vector_load %arg14[%get3A_225, %get3A_226] {strides = array<i32>} : memref<40x128xf32, #tpu.memory_space<vmem>>, vector<1x16xf32>,
      %get3A_228 = vector.shape_cast %get3A_227 : vector<1x16xf32> to vector<16xf32>
      %add3A_229 = arith.addf %get3A_224, %get3A_228 : vector<16xf32>
      %max3A_230 = arith.constant 0.000000e+00 : f32
      %max3A_231 = vector.broadcast %max3A_230 : f32 to vector<16xf32>
      %max3A_232 = arith.maximumf %add3A_229, %max3A_231 : vector<16xf32>
      %swap3A_233 = arith.index_cast %scan3A_138 : i32 to index
      %swap3A_234 = arith.constant 80 : index
      %swap3A_235 = tpu.vector_load %arg14[%swap3A_233, %swap3A_234] {strides = array<i32>} : memref<40x128xf32, #tpu.memory_space<vmem>>, vector<1x16xf32>,
      %swap3A_236 = vector.shape_cast %swap3A_235 : vector<1x16xf32> to vector<16xf32>
      %swap3A_237 = vector.shape_cast %max3A_232 : vector<16xf32> to vector<1x16xf32>
      tpu.vector_store %arg14[%swap3A_233, %swap3A_234], %swap3A_237 {strides = array<i32>} : memref<40x128xf32, #tpu.memory_space<vmem>>, vector<1x16xf32>,
      %get3A_238 = arith.index_cast %scan3A_138 : i32 to index
      %get3A_239 = arith.constant 96 : index
      %get3A_240 = tpu.vector_load %arg12[%get3A_238, %get3A_239] {strides = array<i32>} : memref<40x128xf32, #tpu.memory_space<vmem>>, vector<1x16xf32>,
      %get3A_241 = vector.shape_cast %get3A_240 : vector<1x16xf32> to vector<16xf32>
      %get3A_242 = arith.index_cast %scan3A_138 : i32 to index
      %get3A_243 = arith.constant 96 : index
      %get3A_244 = tpu.vector_load %arg14[%get3A_242, %get3A_243] {strides = array<i32>} : memref<40x128xf32, #tpu.memory_space<vmem>>, vector<1x16xf32>,
      %get3A_245 = vector.shape_cast %get3A_244 : vector<1x16xf32> to vector<16xf32>
      %add3A_246 = arith.addf %get3A_241, %get3A_245 : vector<16xf32>
      %max3A_247 = arith.constant 0.000000e+00 : f32
      %max3A_248 = vector.broadcast %max3A_247 : f32 to vector<16xf32>
      %max3A_249 = arith.maximumf %add3A_246, %max3A_248 : vector<16xf32>
      %swap3A_250 = arith.index_cast %scan3A_138 : i32 to index
      %swap3A_251 = arith.constant 96 : index
      %swap3A_252 = tpu.vector_load %arg14[%swap3A_250, %swap3A_251] {strides = array<i32>} : memref<40x128xf32, #tpu.memory_space<vmem>>, vector<1x16xf32>,
      %swap3A_253 = vector.shape_cast %swap3A_252 : vector<1x16xf32> to vector<16xf32>
      %swap3A_254 = vector.shape_cast %max3A_249 : vector<16xf32> to vector<1x16xf32>
      tpu.vector_store %arg14[%swap3A_250, %swap3A_251], %swap3A_254 {strides = array<i32>} : memref<40x128xf32, #tpu.memory_space<vmem>>, vector<1x16xf32>,
      %get3A_255 = arith.index_cast %scan3A_138 : i32 to index
      %get3A_256 = arith.constant 112 : index
      %get3A_257 = tpu.vector_load %arg12[%get3A_255, %get3A_256] {strides = array<i32>} : memref<40x128xf32, #tpu.memory_space<vmem>>, vector<1x16xf32>,
      %get3A_258 = vector.shape_cast %get3A_257 : vector<1x16xf32> to vector<16xf32>
      %get3A_259 = arith.index_cast %scan3A_138 : i32 to index
      %get3A_260 = arith.constant 112 : index
      %get3A_261 = tpu.vector_load %arg14[%get3A_259, %get3A_260] {strides = array<i32>} : memref<40x128xf32, #tpu.memory_space<vmem>>, vector<1x16xf32>,
      %get3A_262 = vector.shape_cast %get3A_261 : vector<1x16xf32> to vector<16xf32>
      %add3A_263 = arith.addf %get3A_258, %get3A_262 : vector<16xf32>
      %max3A_264 = arith.constant 0.000000e+00 : f32
      %max3A_265 = vector.broadcast %max3A_264 : f32 to vector<16xf32>
      %max3A_266 = arith.maximumf %add3A_263, %max3A_265 : vector<16xf32>
      %swap3A_267 = arith.index_cast %scan3A_138 : i32 to index
      %swap3A_268 = arith.constant 112 : index
      %swap3A_269 = tpu.vector_load %arg14[%swap3A_267, %swap3A_268] {strides = array<i32>} : memref<40x128xf32, #tpu.memory_space<vmem>>, vector<1x16xf32>,
      %swap3A_270 = vector.shape_cast %swap3A_269 : vector<1x16xf32> to vector<16xf32>
      %swap3A_271 = vector.shape_cast %max3A_266 : vector<16xf32> to vector<1x16xf32>
      tpu.vector_store %arg14[%swap3A_267, %swap3A_268], %swap3A_271 {strides = array<i32>} : memref<40x128xf32, #tpu.memory_space<vmem>>, vector<1x16xf32>,
    }
    %scan3A_126 = arith.constant 40 : i32
    %run_scoped3A_127 = arith.constant 1 : i32
    "tpu.region"() ({
      %run_scoped3A_138 = tpu.sem_alloc : memref<!tpu.dma_semaphore, #tpu.memory_space<semaphore_mem>>
      %dma_start3A_139 = arith.constant 0 : i32
      %dma_start3A_140 = tpu.memref_slice %arg9[%run_scoped3A_127, %dma_start3A_139] : memref<2x40xi32, #tpu.memory_space<vmem>> -> memref<1x40xi32, #tpu.memory_space<vmem>>
      %dma_start3A_141 = tpu.memref_squeeze %dma_start3A_140 : memref<1x40xi32, #tpu.memory_space<vmem>> -> memref<40xi32, #tpu.memory_space<vmem>>
      %dma_start3A_142 = arith.constant 0 : i32
      %dma_start3A_143 = arith.constant 0 : i32
      %dma_start3A_144 = tpu.memref_slice %arg16[%dma_start3A_142, %dma_start3A_143] : memref<10240x128xf32, #tpu.memory_space<vmem_shared>> -> memref<10240x128xf32, #tpu.memory_space<vmem_shared>>
      tpu.enqueue_indirect_dma source(%arg14 : memref<40x128xf32, #tpu.memory_space<vmem>>) target(%dma_start3A_144 : memref<10240x128xf32, #tpu.memory_space<vmem_shared>>) offsets(%dma_start3A_141 : memref<40xi32, #tpu.memory_space<vmem>>) semaphore(%run_scoped3A_138 : memref<!tpu.dma_semaphore, #tpu.memory_space<semaphore_mem>>) {add = true}
      %dma_wait3A_145 = arith.constant 0 : i32
      %dma_wait3A_146 = tpu.memref_slice %arg9[%run_scoped3A_127, %dma_wait3A_145] : memref<2x40xi32, #tpu.memory_space<vmem>> -> memref<1x40xi32, #tpu.memory_space<vmem>>
      %dma_wait3A_147 = tpu.memref_squeeze %dma_wait3A_146 : memref<1x40xi32, #tpu.memory_space<vmem>> -> memref<40xi32, #tpu.memory_space<vmem>>
      %dma_wait3A_148 = arith.constant 0 : i32
      %dma_wait3A_149 = arith.constant 0 : i32
      %dma_wait3A_150 = tpu.memref_slice %arg16[%dma_wait3A_148, %dma_wait3A_149] : memref<10240x128xf32, #tpu.memory_space<vmem_shared>> -> memref<10240x128xf32, #tpu.memory_space<vmem_shared>>
      tpu.wait_indirect_dma semaphore(%run_scoped3A_138 : memref<!tpu.dma_semaphore, #tpu.memory_space<semaphore_mem>>) src(%arg14 : memref<40x128xf32, #tpu.memory_space<vmem>>) dst(%dma_wait3A_150 : memref<10240x128xf32, #tpu.memory_space<vmem_shared>>)
      tpu.yield
    }) : () -> ()
    %barrier3A_128 = arith.constant 0 : index
    tpu.barrier barrier_id(%barrier3A_128)
    %mul3A_129 = arith.constant 10240 : i32
    %mul3A_130 = arith.muli %arg0, %mul3A_129 : i32
    %add3A_131 = arith.addi %mul3A_130, %mul3A_2 : i32
    %scan3A_132 = arith.constant 0 : i32
    %scan3A_133 = arith.constant 0 : i32
    %scan3A_134 = arith.constant 40 : i32
    %scan3A_135 = arith.addi %scan3A_133, %scan3A_134 : i32
    %scan3A_136 = arith.constant 1 : i32
    scf.for %scan3A_138 = %scan3A_133 to %scan3A_135 step %scan3A_136  : i32 {
      %mul3A_139 = arith.constant 16 : i32
      %mul3A_140 = arith.muli %scan3A_138, %mul3A_139 : i32
      %add3A_141 = arith.addi %mul3A_2, %mul3A_140 : i32
      "tpu.region"() ({
        %run_scoped3A_145 = tpu.sem_alloc : memref<!tpu.dma_semaphore, #tpu.memory_space<semaphore_mem>>
        %dma_start3A_146 = arith.constant 0 : i32
        %dma_start3A_147 = tpu.memref_slice %arg16[%add3A_141, %dma_start3A_146] : memref<10240x128xf32, #tpu.memory_space<vmem_shared>> -> memref<16x128xf32, #tpu.memory_space<vmem_shared>>
        %dma_start3A_148 = arith.constant 0 : i32
        %dma_start3A_149 = tpu.memref_slice %arg16[%add3A_141, %dma_start3A_148] : memref<10240x128xf32, #tpu.memory_space<vmem_shared>> -> memref<16x128xf32, #tpu.memory_space<vmem_shared>>
        tpu.enqueue_dma source(%dma_start3A_149 : memref<16x128xf32, #tpu.memory_space<vmem_shared>>) target(%arg15 : memref<16x128xf32, #tpu.memory_space<vmem>>) target_semaphore(%run_scoped3A_145 : memref<!tpu.dma_semaphore, #tpu.memory_space<semaphore_mem>>)
        %dma_wait3A_150 = arith.constant 0 : i32
        %dma_wait3A_151 = tpu.memref_slice %arg16[%add3A_141, %dma_wait3A_150] : memref<10240x128xf32, #tpu.memory_space<vmem_shared>> -> memref<16x128xf32, #tpu.memory_space<vmem_shared>>
        %dma_wait3A_152 = arith.constant 0 : i32
        %dma_wait3A_153 = tpu.memref_slice %arg16[%add3A_141, %dma_wait3A_152] : memref<10240x128xf32, #tpu.memory_space<vmem_shared>> -> memref<16x128xf32, #tpu.memory_space<vmem_shared>>
        tpu.wait_dma2 semaphore(%run_scoped3A_145 : memref<!tpu.dma_semaphore, #tpu.memory_space<semaphore_mem>>) src(%dma_wait3A_153 : memref<16x128xf32, #tpu.memory_space<vmem_shared>>) dst(%arg15 : memref<16x128xf32, #tpu.memory_space<vmem>>)
        tpu.yield
      }) : () -> ()
      %mul3A_142 = arith.constant 16 : i32
      %mul3A_143 = arith.muli %scan3A_138, %mul3A_142 : i32
      %add3A_144 = arith.addi %add3A_131, %mul3A_143 : i32
      "tpu.region"() ({
        %run_scoped3A_145 = tpu.sem_alloc : memref<!tpu.dma_semaphore, #tpu.memory_space<semaphore_mem>>
        %dma_start3A_146 = arith.constant 0 : i32
        %dma_start3A_147 = tpu.memref_slice %arg6[%add3A_144, %dma_start3A_146] : memref<20480x128xf32, #tpu.memory_space<hbm>> -> memref<16x128xf32, #tpu.memory_space<hbm>>
        %dma_start3A_148 = arith.constant 0 : i32
        %dma_start3A_149 = tpu.memref_slice %arg6[%add3A_144, %dma_start3A_148] : memref<20480x128xf32, #tpu.memory_space<hbm>> -> memref<16x128xf32, #tpu.memory_space<hbm>>
        tpu.enqueue_dma source(%arg15 : memref<16x128xf32, #tpu.memory_space<vmem>>) target(%dma_start3A_149 : memref<16x128xf32, #tpu.memory_space<hbm>>) target_semaphore(%run_scoped3A_145 : memref<!tpu.dma_semaphore, #tpu.memory_space<semaphore_mem>>)
        %dma_wait3A_150 = arith.constant 0 : i32
        %dma_wait3A_151 = tpu.memref_slice %arg6[%add3A_144, %dma_wait3A_150] : memref<20480x128xf32, #tpu.memory_space<hbm>> -> memref<16x128xf32, #tpu.memory_space<hbm>>
        %dma_wait3A_152 = arith.constant 0 : i32
        %dma_wait3A_153 = tpu.memref_slice %arg6[%add3A_144, %dma_wait3A_152] : memref<20480x128xf32, #tpu.memory_space<hbm>> -> memref<16x128xf32, #tpu.memory_space<hbm>>
        tpu.wait_dma2 semaphore(%run_scoped3A_145 : memref<!tpu.dma_semaphore, #tpu.memory_space<semaphore_mem>>) src(%arg15 : memref<16x128xf32, #tpu.memory_space<vmem>>) dst(%dma_wait3A_153 : memref<16x128xf32, #tpu.memory_space<hbm>>)
        tpu.yield
      }) : () -> ()
    }
    %scan3A_137 = arith.constant 40 : i32
    return
  }
}

module attributes {stable_mosaic.version = 14 : i64} {
  func.func @_mm_bias_body(%arg0: i32, %arg1: memref<8000x16xf32, #tpu.memory_space<vmem>>, %arg2: memref<16x128xf32, #tpu.memory_space<vmem>>, %arg3: memref<1x128xf32, #tpu.memory_space<vmem>>, %arg4: memref<8000x128xf32, #tpu.memory_space<vmem>>) attributes {dimension_semantics = [#tpu.dimension_semantics<arbitrary>], iteration_bounds = array<i64: 40>, scalar_prefetch = 0 : i64, scratch_operands = 0 : i64, tpu.core_type = #tpu.core_type<tc>, window_params = [{transform_indices = @transform_0, window_bounds = array<i64: 8000, 16>}, {pipeline_mode = #tpu.pipeline_mode<synchronous>, transform_indices = @transform_1, window_bounds = array<i64: 16, 128>}, {pipeline_mode = #tpu.pipeline_mode<synchronous>, transform_indices = @transform_2, window_bounds = array<i64: 1, 128>}, {transform_indices = @transform_3, window_bounds = array<i64: 8000, 128>}]} {
    %get3A = arith.constant 0 : index
    %get3A_0 = arith.constant 0 : index
    %get3A_1 = vector.load %arg1[%get3A, %get3A_0] : memref<8000x16xf32, #tpu.memory_space<vmem>>, vector<8000x16xf32>
    %get3A_2 = arith.constant 0 : index
    %get3A_3 = arith.constant 0 : index
    %get3A_4 = vector.load %arg2[%get3A_2, %get3A_3] : memref<16x128xf32, #tpu.memory_space<vmem>>, vector<16x128xf32>
    %dot_general3A = arith.constant dense<0.000000e+00> : vector<8000x128xf32>
    %dot_general3A_5 = tpu.matmul %get3A_1, %get3A_4, %dot_general3A {dimension_numbers = #tpu.dot_dimension_numbers<[1], [0], [0], [1], [0, 0, 1, 1], [], []>, transpose_lhs_hint = false} : vector<8000x16xf32>, vector<16x128xf32>, vector<8000x128xf32> -> vector<8000x128xf32>
    %get3A_6 = arith.constant 0 : index
    %get3A_7 = arith.constant 0 : index
    %get3A_8 = vector.load %arg3[%get3A_6, %get3A_7] : memref<1x128xf32, #tpu.memory_space<vmem>>, vector<1x128xf32>
    %add3A = vector.broadcast %get3A_8 : vector<1x128xf32> to vector<8000x128xf32>
    %add3A_9 = arith.addf %dot_general3A_5, %add3A : vector<8000x128xf32>
    %swap3A = arith.constant 0 : index
    %swap3A_10 = arith.constant 0 : index
    %swap3A_11 = vector.load %arg4[%swap3A, %swap3A_10] : memref<8000x128xf32, #tpu.memory_space<vmem>>, vector<8000x128xf32>
    tpu.vector_store %arg4[%swap3A, %swap3A_10], %add3A_9 {strides = array<i32>} : memref<8000x128xf32, #tpu.memory_space<vmem>>, vector<8000x128xf32>,
    return
  }
  func.func @transform_0(%arg0: i32) -> (i32, i32) {
    %c0_i32 = arith.constant 0 : i32
    %c0_i32_0 = arith.constant 0 : i32
    return %arg0, %c0_i32 : i32, i32
  }
  func.func @transform_1(%arg0: i32) -> (i32, i32) {
    %c0_i32 = arith.constant 0 : i32
    %c0_i32_0 = arith.constant 0 : i32
    %c0_i32_1 = arith.constant 0 : i32
    return %c0_i32, %c0_i32_0 : i32, i32
  }
  func.func @transform_2(%arg0: i32) -> (i32, i32) {
    %c0_i32 = arith.constant 0 : i32
    %c0_i32_0 = arith.constant 0 : i32
    %c0_i32_1 = arith.constant 0 : i32
    return %c0_i32, %c0_i32_0 : i32, i32
  }
  func.func @transform_3(%arg0: i32) -> (i32, i32) {
    %c0_i32 = arith.constant 0 : i32
    %c0_i32_0 = arith.constant 0 : i32
    return %arg0, %c0_i32 : i32, i32
  }
}

module attributes {stable_mosaic.version = 14 : i64} {
  func.func @_d1_body(%arg0: i32, %arg1: memref<2000x128xf32, #tpu.memory_space<vmem>>, %arg2: memref<2000x128xf32, #tpu.memory_space<vmem>>, %arg3: memref<2000x128xf32, #tpu.memory_space<vmem>>, %arg4: memref<1x128xf32, #tpu.memory_space<vmem>>, %arg5: memref<128x128xf32, #tpu.memory_space<vmem>>, %arg6: memref<1x128xf32, #tpu.memory_space<vmem>>, %arg7: memref<2000x128xf32, #tpu.memory_space<vmem>>, %arg8: memref<1x128xf32, #tpu.memory_space<vmem>>, %arg9: memref<1x128xf32, #tpu.memory_space<vmem>>, %arg10: memref<1x128xf32, #tpu.memory_space<vmem>>, %arg11: memref<1x128xf32, #tpu.memory_space<vmem>>) attributes {dimension_semantics = [#tpu.dimension_semantics<arbitrary>], iteration_bounds = array<i64: 5>, scalar_prefetch = 0 : i64, scratch_operands = 2 : i64, tpu.core_type = #tpu.core_type<tc>, window_params = [{transform_indices = @transform_0, window_bounds = array<i64: 2000, 128>}, {transform_indices = @transform_1, window_bounds = array<i64: 2000, 128>}, {transform_indices = @transform_2, window_bounds = array<i64: 2000, 128>}, {pipeline_mode = #tpu.pipeline_mode<synchronous>, transform_indices = @transform_3, window_bounds = array<i64: 1, 128>}, {pipeline_mode = #tpu.pipeline_mode<synchronous>, transform_indices = @transform_4, window_bounds = array<i64: 128, 128>}, {pipeline_mode = #tpu.pipeline_mode<synchronous>, transform_indices = @transform_5, window_bounds = array<i64: 1, 128>}, {transform_indices = @transform_6, window_bounds = array<i64: 2000, 128>}, {pipeline_mode = #tpu.pipeline_mode<synchronous>, transform_indices = @transform_7, window_bounds = array<i64: 1, 128>}, {pipeline_mode = #tpu.pipeline_mode<synchronous>, transform_indices = @transform_8, window_bounds = array<i64: 1, 128>}]} {
    %get3A = arith.constant 0 : index
    %get3A_0 = arith.constant 0 : index
    %get3A_1 = vector.load %arg1[%get3A, %get3A_0] : memref<2000x128xf32, #tpu.memory_space<vmem>>, vector<2000x128xf32>
    %get3A_2 = arith.constant 0 : index
    %get3A_3 = arith.constant 0 : index
    %get3A_4 = vector.load %arg4[%get3A_2, %get3A_3] : memref<1x128xf32, #tpu.memory_space<vmem>>, vector<1x128xf32>
    %mul3A = vector.broadcast %get3A_4 : vector<1x128xf32> to vector<2000x128xf32>
    %mul3A_5 = arith.mulf %get3A_1, %mul3A : vector<2000x128xf32>
    %get3A_6 = arith.constant 0 : index
    %get3A_7 = arith.constant 0 : index
    %get3A_8 = vector.load %arg2[%get3A_6, %get3A_7] : memref<2000x128xf32, #tpu.memory_space<vmem>>, vector<2000x128xf32>
    %add3A = arith.addf %mul3A_5, %get3A_8 : vector<2000x128xf32>
    %get3A_9 = arith.constant 0 : index
    %get3A_10 = arith.constant 0 : index
    %get3A_11 = vector.load %arg3[%get3A_9, %get3A_10] : memref<2000x128xf32, #tpu.memory_space<vmem>>, vector<2000x128xf32>
    %add3A_12 = arith.addf %add3A, %get3A_11 : vector<2000x128xf32>
    %get3A_13 = arith.constant 0 : index
    %get3A_14 = arith.constant 0 : index
    %get3A_15 = vector.load %arg5[%get3A_13, %get3A_14] : memref<128x128xf32, #tpu.memory_space<vmem>>, vector<128x128xf32>
    %dot_general3A = arith.constant dense<0.000000e+00> : vector<2000x128xf32>
    %dot_general3A_16 = tpu.matmul %add3A_12, %get3A_15, %dot_general3A {dimension_numbers = #tpu.dot_dimension_numbers<[1], [0], [0], [1], [0, 0, 1, 1], [], []>, transpose_lhs_hint = false} : vector<2000x128xf32>, vector<128x128xf32>, vector<2000x128xf32> -> vector<2000x128xf32>
    %get3A_17 = arith.constant 0 : index
    %get3A_18 = arith.constant 0 : index
    %get3A_19 = vector.load %arg6[%get3A_17, %get3A_18] : memref<1x128xf32, #tpu.memory_space<vmem>>, vector<1x128xf32>
    %add3A_20 = vector.broadcast %get3A_19 : vector<1x128xf32> to vector<2000x128xf32>
    %add3A_21 = arith.addf %dot_general3A_16, %add3A_20 : vector<2000x128xf32>
    %swap3A = arith.constant 0 : index
    %swap3A_22 = arith.constant 0 : index
    %swap3A_23 = vector.load %arg7[%swap3A, %swap3A_22] : memref<2000x128xf32, #tpu.memory_space<vmem>>, vector<2000x128xf32>
    tpu.vector_store %arg7[%swap3A, %swap3A_22], %add3A_21 {strides = array<i32>} : memref<2000x128xf32, #tpu.memory_space<vmem>>, vector<2000x128xf32>,
    %eq3A = arith.constant 0 : i32
    %eq3A_24 = arith.cmpi eq, %arg0, %eq3A : i32
    %convert_element_type3A = arith.extui %eq3A_24 : i1 to i32
    %cond3A = arith.constant 0 : i32
    %cond3A_25 = arith.cmpi ne, %convert_element_type3A, %cond3A : i32
    scf.if %cond3A_25 {
      %broadcast_in_dim3A_57 = arith.constant 0.000000e+00 : f32
      %broadcast_in_dim3A_58 = vector.broadcast %broadcast_in_dim3A_57 : f32 to vector<1x128xf32>
      %swap3A_59 = arith.constant 0 : index
      %swap3A_60 = arith.constant 0 : index
      %swap3A_61 = vector.load %arg10[%swap3A_59, %swap3A_60] : memref<1x128xf32, #tpu.memory_space<vmem>>, vector<1x128xf32>
      tpu.vector_store %arg10[%swap3A_59, %swap3A_60], %broadcast_in_dim3A_58 {strides = array<i32>} : memref<1x128xf32, #tpu.memory_space<vmem>>, vector<1x128xf32>,
      %broadcast_in_dim3A_62 = arith.constant 0.000000e+00 : f32
      %broadcast_in_dim3A_63 = vector.broadcast %broadcast_in_dim3A_62 : f32 to vector<1x128xf32>
      %swap3A_64 = arith.constant 0 : index
      %swap3A_65 = arith.constant 0 : index
      %swap3A_66 = vector.load %arg11[%swap3A_64, %swap3A_65] : memref<1x128xf32, #tpu.memory_space<vmem>>, vector<1x128xf32>
      tpu.vector_store %arg11[%swap3A_64, %swap3A_65], %broadcast_in_dim3A_63 {strides = array<i32>} : memref<1x128xf32, #tpu.memory_space<vmem>>, vector<1x128xf32>,
    } else {
    }
    %get3A_26 = arith.constant 0 : index
    %get3A_27 = arith.constant 0 : index
    %get3A_28 = vector.load %arg10[%get3A_26, %get3A_27] : memref<1x128xf32, #tpu.memory_space<vmem>>, vector<1x128xf32>
    %reduce_sum3A = arith.constant dense<0.000000e+00> : vector<128xf32>
    %reduce_sum3A_29 = vector.multi_reduction <add>, %add3A_21, %reduce_sum3A [0] : vector<2000x128xf32> to vector<128xf32>
    %broadcast_in_dim3A = vector.shape_cast %reduce_sum3A_29 : vector<128xf32> to vector<1x128xf32>
    %add3A_30 = arith.addf %get3A_28, %broadcast_in_dim3A : vector<1x128xf32>
    %swap3A_31 = arith.constant 0 : index
    %swap3A_32 = arith.constant 0 : index
    %swap3A_33 = vector.load %arg10[%swap3A_31, %swap3A_32] : memref<1x128xf32, #tpu.memory_space<vmem>>, vector<1x128xf32>
    tpu.vector_store %arg10[%swap3A_31, %swap3A_32], %add3A_30 {strides = array<i32>} : memref<1x128xf32, #tpu.memory_space<vmem>>, vector<1x128xf32>,
    %get3A_34 = arith.constant 0 : index
    %get3A_35 = arith.constant 0 : index
    %get3A_36 = vector.load %arg11[%get3A_34, %get3A_35] : memref<1x128xf32, #tpu.memory_space<vmem>>, vector<1x128xf32>
    %mul3A_37 = arith.mulf %add3A_21, %add3A_21 : vector<2000x128xf32>
    %reduce_sum3A_38 = arith.constant dense<0.000000e+00> : vector<128xf32>
    %reduce_sum3A_39 = vector.multi_reduction <add>, %mul3A_37, %reduce_sum3A_38 [0] : vector<2000x128xf32> to vector<128xf32>
    %broadcast_in_dim3A_40 = vector.shape_cast %reduce_sum3A_39 : vector<128xf32> to vector<1x128xf32>
    %add3A_41 = arith.addf %get3A_36, %broadcast_in_dim3A_40 : vector<1x128xf32>
    %swap3A_42 = arith.constant 0 : index
    %swap3A_43 = arith.constant 0 : index
    %swap3A_44 = vector.load %arg11[%swap3A_42, %swap3A_43] : memref<1x128xf32, #tpu.memory_space<vmem>>, vector<1x128xf32>
    tpu.vector_store %arg11[%swap3A_42, %swap3A_43], %add3A_41 {strides = array<i32>} : memref<1x128xf32, #tpu.memory_space<vmem>>, vector<1x128xf32>,
    %get3A_45 = arith.constant 0 : index
    %get3A_46 = arith.constant 0 : index
    %get3A_47 = vector.load %arg10[%get3A_45, %get3A_46] : memref<1x128xf32, #tpu.memory_space<vmem>>, vector<1x128xf32>
    %swap3A_48 = arith.constant 0 : index
    %swap3A_49 = arith.constant 0 : index
    %swap3A_50 = vector.load %arg8[%swap3A_48, %swap3A_49] : memref<1x128xf32, #tpu.memory_space<vmem>>, vector<1x128xf32>
    tpu.vector_store %arg8[%swap3A_48, %swap3A_49], %get3A_47 {strides = array<i32>} : memref<1x128xf32, #tpu.memory_space<vmem>>, vector<1x128xf32>,
    %get3A_51 = arith.constant 0 : index
    %get3A_52 = arith.constant 0 : index
    %get3A_53 = vector.load %arg11[%get3A_51, %get3A_52] : memref<1x128xf32, #tpu.memory_space<vmem>>, vector<1x128xf32>
    %swap3A_54 = arith.constant 0 : index
    %swap3A_55 = arith.constant 0 : index
    %swap3A_56 = vector.load %arg9[%swap3A_54, %swap3A_55] : memref<1x128xf32, #tpu.memory_space<vmem>>, vector<1x128xf32>
    tpu.vector_store %arg9[%swap3A_54, %swap3A_55], %get3A_53 {strides = array<i32>} : memref<1x128xf32, #tpu.memory_space<vmem>>, vector<1x128xf32>,
    return
  }
  func.func @transform_0(%arg0: i32) -> (i32, i32) {
    %c0_i32 = arith.constant 0 : i32
    %c0_i32_0 = arith.constant 0 : i32
    return %arg0, %c0_i32 : i32, i32
  }
  func.func @transform_1(%arg0: i32) -> (i32, i32) {
    %c0_i32 = arith.constant 0 : i32
    %c0_i32_0 = arith.constant 0 : i32
    return %arg0, %c0_i32 : i32, i32
  }
  func.func @transform_2(%arg0: i32) -> (i32, i32) {
    %c0_i32 = arith.constant 0 : i32
    %c0_i32_0 = arith.constant 0 : i32
    return %arg0, %c0_i32 : i32, i32
  }
  func.func @transform_3(%arg0: i32) -> (i32, i32) {
    %c0_i32 = arith.constant 0 : i32
    %c0_i32_0 = arith.constant 0 : i32
    %c0_i32_1 = arith.constant 0 : i32
    return %c0_i32, %c0_i32_0 : i32, i32
  }
  func.func @transform_4(%arg0: i32) -> (i32, i32) {
    %c0_i32 = arith.constant 0 : i32
    %c0_i32_0 = arith.constant 0 : i32
    %c0_i32_1 = arith.constant 0 : i32
    return %c0_i32, %c0_i32_0 : i32, i32
  }
  func.func @transform_5(%arg0: i32) -> (i32, i32) {
    %c0_i32 = arith.constant 0 : i32
    %c0_i32_0 = arith.constant 0 : i32
    %c0_i32_1 = arith.constant 0 : i32
    return %c0_i32, %c0_i32_0 : i32, i32
  }
  func.func @transform_6(%arg0: i32) -> (i32, i32) {
    %c0_i32 = arith.constant 0 : i32
    %c0_i32_0 = arith.constant 0 : i32
    return %arg0, %c0_i32 : i32, i32
  }
  func.func @transform_7(%arg0: i32) -> (i32, i32) {
    %c0_i32 = arith.constant 0 : i32
    %c0_i32_0 = arith.constant 0 : i32
    %c0_i32_1 = arith.constant 0 : i32
    return %c0_i32, %c0_i32_0 : i32, i32
  }
  func.func @transform_8(%arg0: i32) -> (i32, i32) {
    %c0_i32 = arith.constant 0 : i32
    %c0_i32_0 = arith.constant 0 : i32
    %c0_i32_1 = arith.constant 0 : i32
    return %c0_i32, %c0_i32_0 : i32, i32
  }
}

module attributes {stable_mosaic.version = 14 : i64} {
  func.func @_d2_body(%arg0: i32, %arg1: memref<2000x128xf32, #tpu.memory_space<vmem>>, %arg2: memref<1x128xf32, #tpu.memory_space<vmem>>, %arg3: memref<1x128xf32, #tpu.memory_space<vmem>>, %arg4: memref<128x128xf32, #tpu.memory_space<vmem>>, %arg5: memref<1x128xf32, #tpu.memory_space<vmem>>, %arg6: memref<2000x128xf32, #tpu.memory_space<vmem>>, %arg7: memref<1x128xf32, #tpu.memory_space<vmem>>, %arg8: memref<1x128xf32, #tpu.memory_space<vmem>>, %arg9: memref<1x128xf32, #tpu.memory_space<vmem>>, %arg10: memref<1x128xf32, #tpu.memory_space<vmem>>) attributes {dimension_semantics = [#tpu.dimension_semantics<arbitrary>], iteration_bounds = array<i64: 5>, scalar_prefetch = 0 : i64, scratch_operands = 2 : i64, tpu.core_type = #tpu.core_type<tc>, window_params = [{transform_indices = @transform_0, window_bounds = array<i64: 2000, 128>}, {pipeline_mode = #tpu.pipeline_mode<synchronous>, transform_indices = @transform_1, window_bounds = array<i64: 1, 128>}, {pipeline_mode = #tpu.pipeline_mode<synchronous>, transform_indices = @transform_2, window_bounds = array<i64: 1, 128>}, {pipeline_mode = #tpu.pipeline_mode<synchronous>, transform_indices = @transform_3, window_bounds = array<i64: 128, 128>}, {pipeline_mode = #tpu.pipeline_mode<synchronous>, transform_indices = @transform_4, window_bounds = array<i64: 1, 128>}, {transform_indices = @transform_5, window_bounds = array<i64: 2000, 128>}, {pipeline_mode = #tpu.pipeline_mode<synchronous>, transform_indices = @transform_6, window_bounds = array<i64: 1, 128>}, {pipeline_mode = #tpu.pipeline_mode<synchronous>, transform_indices = @transform_7, window_bounds = array<i64: 1, 128>}]} {
    %get3A = arith.constant 0 : index
    %get3A_0 = arith.constant 0 : index
    %get3A_1 = vector.load %arg1[%get3A, %get3A_0] : memref<2000x128xf32, #tpu.memory_space<vmem>>, vector<2000x128xf32>
    %get3A_2 = arith.constant 0 : index
    %get3A_3 = arith.constant 0 : index
    %get3A_4 = vector.load %arg2[%get3A_2, %get3A_3] : memref<1x128xf32, #tpu.memory_space<vmem>>, vector<1x128xf32>
    %mul3A = vector.broadcast %get3A_4 : vector<1x128xf32> to vector<2000x128xf32>
    %mul3A_5 = arith.mulf %get3A_1, %mul3A : vector<2000x128xf32>
    %get3A_6 = arith.constant 0 : index
    %get3A_7 = arith.constant 0 : index
    %get3A_8 = vector.load %arg3[%get3A_6, %get3A_7] : memref<1x128xf32, #tpu.memory_space<vmem>>, vector<1x128xf32>
    %add3A = vector.broadcast %get3A_8 : vector<1x128xf32> to vector<2000x128xf32>
    %add3A_9 = arith.addf %mul3A_5, %add3A : vector<2000x128xf32>
    %ge3A = arith.constant 0.000000e+00 : f32
    %ge3A_10 = vector.broadcast %ge3A : f32 to vector<2000x128xf32>
    %ge3A_11 = arith.cmpf oge, %add3A_9, %ge3A_10 : vector<2000x128xf32>
    %mul3A_12 = arith.constant 0.00999999977 : f32
    %mul3A_13 = vector.broadcast %mul3A_12 : f32 to vector<2000x128xf32>
    %mul3A_14 = arith.mulf %mul3A_13, %add3A_9 : vector<2000x128xf32>
    %select_n3A = arith.select %ge3A_11, %add3A_9, %mul3A_14 : vector<2000x128xi1>, vector<2000x128xf32>
    %get3A_15 = arith.constant 0 : index
    %get3A_16 = arith.constant 0 : index
    %get3A_17 = vector.load %arg4[%get3A_15, %get3A_16] : memref<128x128xf32, #tpu.memory_space<vmem>>, vector<128x128xf32>
    %dot_general3A = arith.constant dense<0.000000e+00> : vector<2000x128xf32>
    %dot_general3A_18 = tpu.matmul %select_n3A, %get3A_17, %dot_general3A {dimension_numbers = #tpu.dot_dimension_numbers<[1], [0], [0], [1], [0, 0, 1, 1], [], []>, transpose_lhs_hint = false} : vector<2000x128xf32>, vector<128x128xf32>, vector<2000x128xf32> -> vector<2000x128xf32>
    %get3A_19 = arith.constant 0 : index
    %get3A_20 = arith.constant 0 : index
    %get3A_21 = vector.load %arg5[%get3A_19, %get3A_20] : memref<1x128xf32, #tpu.memory_space<vmem>>, vector<1x128xf32>
    %add3A_22 = vector.broadcast %get3A_21 : vector<1x128xf32> to vector<2000x128xf32>
    %add3A_23 = arith.addf %dot_general3A_18, %add3A_22 : vector<2000x128xf32>
    %swap3A = arith.constant 0 : index
    %swap3A_24 = arith.constant 0 : index
    %swap3A_25 = vector.load %arg6[%swap3A, %swap3A_24] : memref<2000x128xf32, #tpu.memory_space<vmem>>, vector<2000x128xf32>
    tpu.vector_store %arg6[%swap3A, %swap3A_24], %add3A_23 {strides = array<i32>} : memref<2000x128xf32, #tpu.memory_space<vmem>>, vector<2000x128xf32>,
    %eq3A = arith.constant 0 : i32
    %eq3A_26 = arith.cmpi eq, %arg0, %eq3A : i32
    %convert_element_type3A = arith.extui %eq3A_26 : i1 to i32
    %cond3A = arith.constant 0 : i32
    %cond3A_27 = arith.cmpi ne, %convert_element_type3A, %cond3A : i32
    scf.if %cond3A_27 {
      %broadcast_in_dim3A_59 = arith.constant 0.000000e+00 : f32
      %broadcast_in_dim3A_60 = vector.broadcast %broadcast_in_dim3A_59 : f32 to vector<1x128xf32>
      %swap3A_61 = arith.constant 0 : index
      %swap3A_62 = arith.constant 0 : index
      %swap3A_63 = vector.load %arg9[%swap3A_61, %swap3A_62] : memref<1x128xf32, #tpu.memory_space<vmem>>, vector<1x128xf32>
      tpu.vector_store %arg9[%swap3A_61, %swap3A_62], %broadcast_in_dim3A_60 {strides = array<i32>} : memref<1x128xf32, #tpu.memory_space<vmem>>, vector<1x128xf32>,
      %broadcast_in_dim3A_64 = arith.constant 0.000000e+00 : f32
      %broadcast_in_dim3A_65 = vector.broadcast %broadcast_in_dim3A_64 : f32 to vector<1x128xf32>
      %swap3A_66 = arith.constant 0 : index
      %swap3A_67 = arith.constant 0 : index
      %swap3A_68 = vector.load %arg10[%swap3A_66, %swap3A_67] : memref<1x128xf32, #tpu.memory_space<vmem>>, vector<1x128xf32>
      tpu.vector_store %arg10[%swap3A_66, %swap3A_67], %broadcast_in_dim3A_65 {strides = array<i32>} : memref<1x128xf32, #tpu.memory_space<vmem>>, vector<1x128xf32>,
    } else {
    }
    %get3A_28 = arith.constant 0 : index
    %get3A_29 = arith.constant 0 : index
    %get3A_30 = vector.load %arg9[%get3A_28, %get3A_29] : memref<1x128xf32, #tpu.memory_space<vmem>>, vector<1x128xf32>
    %reduce_sum3A = arith.constant dense<0.000000e+00> : vector<128xf32>
    %reduce_sum3A_31 = vector.multi_reduction <add>, %add3A_23, %reduce_sum3A [0] : vector<2000x128xf32> to vector<128xf32>
    %broadcast_in_dim3A = vector.shape_cast %reduce_sum3A_31 : vector<128xf32> to vector<1x128xf32>
    %add3A_32 = arith.addf %get3A_30, %broadcast_in_dim3A : vector<1x128xf32>
    %swap3A_33 = arith.constant 0 : index
    %swap3A_34 = arith.constant 0 : index
    %swap3A_35 = vector.load %arg9[%swap3A_33, %swap3A_34] : memref<1x128xf32, #tpu.memory_space<vmem>>, vector<1x128xf32>
    tpu.vector_store %arg9[%swap3A_33, %swap3A_34], %add3A_32 {strides = array<i32>} : memref<1x128xf32, #tpu.memory_space<vmem>>, vector<1x128xf32>,
    %get3A_36 = arith.constant 0 : index
    %get3A_37 = arith.constant 0 : index
    %get3A_38 = vector.load %arg10[%get3A_36, %get3A_37] : memref<1x128xf32, #tpu.memory_space<vmem>>, vector<1x128xf32>
    %mul3A_39 = arith.mulf %add3A_23, %add3A_23 : vector<2000x128xf32>
    %reduce_sum3A_40 = arith.constant dense<0.000000e+00> : vector<128xf32>
    %reduce_sum3A_41 = vector.multi_reduction <add>, %mul3A_39, %reduce_sum3A_40 [0] : vector<2000x128xf32> to vector<128xf32>
    %broadcast_in_dim3A_42 = vector.shape_cast %reduce_sum3A_41 : vector<128xf32> to vector<1x128xf32>
    %add3A_43 = arith.addf %get3A_38, %broadcast_in_dim3A_42 : vector<1x128xf32>
    %swap3A_44 = arith.constant 0 : index
    %swap3A_45 = arith.constant 0 : index
    %swap3A_46 = vector.load %arg10[%swap3A_44, %swap3A_45] : memref<1x128xf32, #tpu.memory_space<vmem>>, vector<1x128xf32>
    tpu.vector_store %arg10[%swap3A_44, %swap3A_45], %add3A_43 {strides = array<i32>} : memref<1x128xf32, #tpu.memory_space<vmem>>, vector<1x128xf32>,
    %get3A_47 = arith.constant 0 : index
    %get3A_48 = arith.constant 0 : index
    %get3A_49 = vector.load %arg9[%get3A_47, %get3A_48] : memref<1x128xf32, #tpu.memory_space<vmem>>, vector<1x128xf32>
    %swap3A_50 = arith.constant 0 : index
    %swap3A_51 = arith.constant 0 : index
    %swap3A_52 = vector.load %arg7[%swap3A_50, %swap3A_51] : memref<1x128xf32, #tpu.memory_space<vmem>>, vector<1x128xf32>
    tpu.vector_store %arg7[%swap3A_50, %swap3A_51], %get3A_49 {strides = array<i32>} : memref<1x128xf32, #tpu.memory_space<vmem>>, vector<1x128xf32>,
    %get3A_53 = arith.constant 0 : index
    %get3A_54 = arith.constant 0 : index
    %get3A_55 = vector.load %arg10[%get3A_53, %get3A_54] : memref<1x128xf32, #tpu.memory_space<vmem>>, vector<1x128xf32>
    %swap3A_56 = arith.constant 0 : index
    %swap3A_57 = arith.constant 0 : index
    %swap3A_58 = vector.load %arg8[%swap3A_56, %swap3A_57] : memref<1x128xf32, #tpu.memory_space<vmem>>, vector<1x128xf32>
    tpu.vector_store %arg8[%swap3A_56, %swap3A_57], %get3A_55 {strides = array<i32>} : memref<1x128xf32, #tpu.memory_space<vmem>>, vector<1x128xf32>,
    return
  }
  func.func @transform_0(%arg0: i32) -> (i32, i32) {
    %c0_i32 = arith.constant 0 : i32
    %c0_i32_0 = arith.constant 0 : i32
    return %arg0, %c0_i32 : i32, i32
  }
  func.func @transform_1(%arg0: i32) -> (i32, i32) {
    %c0_i32 = arith.constant 0 : i32
    %c0_i32_0 = arith.constant 0 : i32
    %c0_i32_1 = arith.constant 0 : i32
    return %c0_i32, %c0_i32_0 : i32, i32
  }
  func.func @transform_2(%arg0: i32) -> (i32, i32) {
    %c0_i32 = arith.constant 0 : i32
    %c0_i32_0 = arith.constant 0 : i32
    %c0_i32_1 = arith.constant 0 : i32
    return %c0_i32, %c0_i32_0 : i32, i32
  }
  func.func @transform_3(%arg0: i32) -> (i32, i32) {
    %c0_i32 = arith.constant 0 : i32
    %c0_i32_0 = arith.constant 0 : i32
    %c0_i32_1 = arith.constant 0 : i32
    return %c0_i32, %c0_i32_0 : i32, i32
  }
  func.func @transform_4(%arg0: i32) -> (i32, i32) {
    %c0_i32 = arith.constant 0 : i32
    %c0_i32_0 = arith.constant 0 : i32
    %c0_i32_1 = arith.constant 0 : i32
    return %c0_i32, %c0_i32_0 : i32, i32
  }
  func.func @transform_5(%arg0: i32) -> (i32, i32) {
    %c0_i32 = arith.constant 0 : i32
    %c0_i32_0 = arith.constant 0 : i32
    return %arg0, %c0_i32 : i32, i32
  }
  func.func @transform_6(%arg0: i32) -> (i32, i32) {
    %c0_i32 = arith.constant 0 : i32
    %c0_i32_0 = arith.constant 0 : i32
    %c0_i32_1 = arith.constant 0 : i32
    return %c0_i32, %c0_i32_0 : i32, i32
  }
  func.func @transform_7(%arg0: i32) -> (i32, i32) {
    %c0_i32 = arith.constant 0 : i32
    %c0_i32_0 = arith.constant 0 : i32
    %c0_i32_1 = arith.constant 0 : i32
    return %c0_i32, %c0_i32_0 : i32, i32
  }
}

module attributes {stable_mosaic.version = 14 : i64} {
  func.func @_d3_body(%arg0: i32, %arg1: memref<2000x128xf32, #tpu.memory_space<vmem>>, %arg2: memref<1x128xf32, #tpu.memory_space<vmem>>, %arg3: memref<1x128xf32, #tpu.memory_space<vmem>>, %arg4: memref<2000x128xf32, #tpu.memory_space<vmem>>) attributes {dimension_semantics = [#tpu.dimension_semantics<arbitrary>], iteration_bounds = array<i64: 5>, scalar_prefetch = 0 : i64, scratch_operands = 0 : i64, tpu.core_type = #tpu.core_type<tc>, window_params = [{transform_indices = @transform_0, window_bounds = array<i64: 2000, 128>}, {pipeline_mode = #tpu.pipeline_mode<synchronous>, transform_indices = @transform_1, window_bounds = array<i64: 1, 128>}, {pipeline_mode = #tpu.pipeline_mode<synchronous>, transform_indices = @transform_2, window_bounds = array<i64: 1, 128>}, {transform_indices = @transform_3, window_bounds = array<i64: 2000, 128>}]} {
    %get3A = arith.constant 0 : index
    %get3A_0 = arith.constant 0 : index
    %get3A_1 = vector.load %arg1[%get3A, %get3A_0] : memref<2000x128xf32, #tpu.memory_space<vmem>>, vector<2000x128xf32>
    %get3A_2 = arith.constant 0 : index
    %get3A_3 = arith.constant 0 : index
    %get3A_4 = vector.load %arg2[%get3A_2, %get3A_3] : memref<1x128xf32, #tpu.memory_space<vmem>>, vector<1x128xf32>
    %mul3A = vector.broadcast %get3A_4 : vector<1x128xf32> to vector<2000x128xf32>
    %mul3A_5 = arith.mulf %get3A_1, %mul3A : vector<2000x128xf32>
    %get3A_6 = arith.constant 0 : index
    %get3A_7 = arith.constant 0 : index
    %get3A_8 = vector.load %arg3[%get3A_6, %get3A_7] : memref<1x128xf32, #tpu.memory_space<vmem>>, vector<1x128xf32>
    %add3A = vector.broadcast %get3A_8 : vector<1x128xf32> to vector<2000x128xf32>
    %add3A_9 = arith.addf %mul3A_5, %add3A : vector<2000x128xf32>
    %ge3A = arith.constant 0.000000e+00 : f32
    %ge3A_10 = vector.broadcast %ge3A : f32 to vector<2000x128xf32>
    %ge3A_11 = arith.cmpf oge, %add3A_9, %ge3A_10 : vector<2000x128xf32>
    %mul3A_12 = arith.constant 0.00999999977 : f32
    %mul3A_13 = vector.broadcast %mul3A_12 : f32 to vector<2000x128xf32>
    %mul3A_14 = arith.mulf %mul3A_13, %add3A_9 : vector<2000x128xf32>
    %select_n3A = arith.select %ge3A_11, %add3A_9, %mul3A_14 : vector<2000x128xi1>, vector<2000x128xf32>
    %swap3A = arith.constant 0 : index
    %swap3A_15 = arith.constant 0 : index
    %swap3A_16 = vector.load %arg4[%swap3A, %swap3A_15] : memref<2000x128xf32, #tpu.memory_space<vmem>>, vector<2000x128xf32>
    tpu.vector_store %arg4[%swap3A, %swap3A_15], %select_n3A {strides = array<i32>} : memref<2000x128xf32, #tpu.memory_space<vmem>>, vector<2000x128xf32>,
    return
  }
  func.func @transform_0(%arg0: i32) -> (i32, i32) {
    %c0_i32 = arith.constant 0 : i32
    %c0_i32_0 = arith.constant 0 : i32
    return %arg0, %c0_i32 : i32, i32
  }
  func.func @transform_1(%arg0: i32) -> (i32, i32) {
    %c0_i32 = arith.constant 0 : i32
    %c0_i32_0 = arith.constant 0 : i32
    %c0_i32_1 = arith.constant 0 : i32
    return %c0_i32, %c0_i32_0 : i32, i32
  }
  func.func @transform_2(%arg0: i32) -> (i32, i32) {
    %c0_i32 = arith.constant 0 : i32
    %c0_i32_0 = arith.constant 0 : i32
    %c0_i32_1 = arith.constant 0 : i32
    return %c0_i32, %c0_i32_0 : i32, i32
  }
  func.func @transform_3(%arg0: i32) -> (i32, i32) {
    %c0_i32 = arith.constant 0 : i32
    %c0_i32_0 = arith.constant 0 : i32
    return %arg0, %c0_i32 : i32, i32
  }
}

module attributes {stable_mosaic.version = 14 : i64} {
  func.func @_pool_body(%arg0: i32, %arg1: memref<64x10000xi32, #tpu.memory_space<vmem>>, %arg2: memref<10000x128xf32, #tpu.memory_space<vmem>>, %arg3: memref<64x128xf32, #tpu.memory_space<vmem>>) attributes {dimension_semantics = [#tpu.dimension_semantics<arbitrary>], iteration_bounds = array<i64: 1>, scalar_prefetch = 0 : i64, scratch_operands = 0 : i64, tpu.core_type = #tpu.core_type<tc>, window_params = [{pipeline_mode = #tpu.pipeline_mode<synchronous>, transform_indices = @transform_0, window_bounds = array<i64: 64, 10000>}, {pipeline_mode = #tpu.pipeline_mode<synchronous>, transform_indices = @transform_1, window_bounds = array<i64: 10000, 128>}, {pipeline_mode = #tpu.pipeline_mode<synchronous>, transform_indices = @transform_2, window_bounds = array<i64: 64, 128>}]} {
    %iota3A = tpu.iota {dimensions = array<i32: 0>} : vector<64x10000xi32>
    %get3A = arith.constant 0 : index
    %get3A_0 = arith.constant 0 : index
    %get3A_1 = vector.load %arg1[%get3A, %get3A_0] : memref<64x10000xi32, #tpu.memory_space<vmem>>, vector<64x10000xi32>
    %eq3A = arith.cmpi eq, %get3A_1, %iota3A : vector<64x10000xi32>
    %jit3A = arith.constant 1.000000e+00 : f32
    %jit3A_2 = arith.constant 0.000000e+00 : f32
    %broadcast_in_dim3A = vector.broadcast %jit3A : f32 to vector<64x10000xf32>
    %broadcast_in_dim3A_3 = vector.broadcast %jit3A_2 : f32 to vector<64x10000xf32>
    %select_n3A = arith.select %eq3A, %broadcast_in_dim3A, %broadcast_in_dim3A_3 : vector<64x10000xi1>, vector<64x10000xf32>
    %get3A_4 = arith.constant 0 : index
    %get3A_5 = arith.constant 0 : index
    %get3A_6 = vector.load %arg2[%get3A_4, %get3A_5] : memref<10000x128xf32, #tpu.memory_space<vmem>>, vector<10000x128xf32>
    %dot_general3A = arith.constant dense<0.000000e+00> : vector<64x128xf32>
    %dot_general3A_7 = tpu.matmul %select_n3A, %get3A_6, %dot_general3A {dimension_numbers = #tpu.dot_dimension_numbers<[1], [0], [0], [1], [0, 0, 1, 1], [], []>, transpose_lhs_hint = false} : vector<64x10000xf32>, vector<10000x128xf32>, vector<64x128xf32> -> vector<64x128xf32>
    %swap3A = arith.constant 0 : index
    %swap3A_8 = arith.constant 0 : index
    %swap3A_9 = vector.load %arg3[%swap3A, %swap3A_8] : memref<64x128xf32, #tpu.memory_space<vmem>>, vector<64x128xf32>
    tpu.vector_store %arg3[%swap3A, %swap3A_8], %dot_general3A_7 {strides = array<i32>} : memref<64x128xf32, #tpu.memory_space<vmem>>, vector<64x128xf32>,
    return
  }
  func.func @transform_0(%arg0: i32) -> (i32, i32) {
    %c0_i32 = arith.constant 0 : i32
    %c0_i32_0 = arith.constant 0 : i32
    %c0_i32_1 = arith.constant 0 : i32
    return %c0_i32, %c0_i32_0 : i32, i32
  }
  func.func @transform_1(%arg0: i32) -> (i32, i32) {
    %c0_i32 = arith.constant 0 : i32
    %c0_i32_0 = arith.constant 0 : i32
    %c0_i32_1 = arith.constant 0 : i32
    return %c0_i32, %c0_i32_0 : i32, i32
  }
  func.func @transform_2(%arg0: i32) -> (i32, i32) {
    %c0_i32 = arith.constant 0 : i32
    %c0_i32_0 = arith.constant 0 : i32
    %c0_i32_1 = arith.constant 0 : i32
    return %c0_i32, %c0_i32_0 : i32, i32
  }
}

module attributes {stable_mosaic.version = 14 : i64} {
  func.func @_mm_bias_body(%arg0: i32, %arg1: memref<64x128xf32, #tpu.memory_space<vmem>>, %arg2: memref<128x128xf32, #tpu.memory_space<vmem>>, %arg3: memref<1x128xf32, #tpu.memory_space<vmem>>, %arg4: memref<64x128xf32, #tpu.memory_space<vmem>>) attributes {dimension_semantics = [#tpu.dimension_semantics<arbitrary>], iteration_bounds = array<i64: 1>, scalar_prefetch = 0 : i64, scratch_operands = 0 : i64, tpu.core_type = #tpu.core_type<tc>, window_params = [{pipeline_mode = #tpu.pipeline_mode<synchronous>, transform_indices = @transform_0, window_bounds = array<i64: 64, 128>}, {pipeline_mode = #tpu.pipeline_mode<synchronous>, transform_indices = @transform_1, window_bounds = array<i64: 128, 128>}, {pipeline_mode = #tpu.pipeline_mode<synchronous>, transform_indices = @transform_2, window_bounds = array<i64: 1, 128>}, {pipeline_mode = #tpu.pipeline_mode<synchronous>, transform_indices = @transform_3, window_bounds = array<i64: 64, 128>}]} {
    %get3A = arith.constant 0 : index
    %get3A_0 = arith.constant 0 : index
    %get3A_1 = vector.load %arg1[%get3A, %get3A_0] : memref<64x128xf32, #tpu.memory_space<vmem>>, vector<64x128xf32>
    %get3A_2 = arith.constant 0 : index
    %get3A_3 = arith.constant 0 : index
    %get3A_4 = vector.load %arg2[%get3A_2, %get3A_3] : memref<128x128xf32, #tpu.memory_space<vmem>>, vector<128x128xf32>
    %dot_general3A = arith.constant dense<0.000000e+00> : vector<64x128xf32>
    %dot_general3A_5 = tpu.matmul %get3A_1, %get3A_4, %dot_general3A {dimension_numbers = #tpu.dot_dimension_numbers<[1], [0], [0], [1], [0, 0, 1, 1], [], []>, transpose_lhs_hint = false} : vector<64x128xf32>, vector<128x128xf32>, vector<64x128xf32> -> vector<64x128xf32>
    %get3A_6 = arith.constant 0 : index
    %get3A_7 = arith.constant 0 : index
    %get3A_8 = vector.load %arg3[%get3A_6, %get3A_7] : memref<1x128xf32, #tpu.memory_space<vmem>>, vector<1x128xf32>
    %add3A = vector.broadcast %get3A_8 : vector<1x128xf32> to vector<64x128xf32>
    %add3A_9 = arith.addf %dot_general3A_5, %add3A : vector<64x128xf32>
    %swap3A = arith.constant 0 : index
    %swap3A_10 = arith.constant 0 : index
    %swap3A_11 = vector.load %arg4[%swap3A, %swap3A_10] : memref<64x128xf32, #tpu.memory_space<vmem>>, vector<64x128xf32>
    tpu.vector_store %arg4[%swap3A, %swap3A_10], %add3A_9 {strides = array<i32>} : memref<64x128xf32, #tpu.memory_space<vmem>>, vector<64x128xf32>,
    return
  }
  func.func @transform_0(%arg0: i32) -> (i32, i32) {
    %c0_i32 = arith.constant 0 : i32
    %c0_i32_0 = arith.constant 0 : i32
    %c0_i32_1 = arith.constant 0 : i32
    return %c0_i32, %c0_i32_0 : i32, i32
  }
  func.func @transform_1(%arg0: i32) -> (i32, i32) {
    %c0_i32 = arith.constant 0 : i32
    %c0_i32_0 = arith.constant 0 : i32
    %c0_i32_1 = arith.constant 0 : i32
    return %c0_i32, %c0_i32_0 : i32, i32
  }
  func.func @transform_2(%arg0: i32) -> (i32, i32) {
    %c0_i32 = arith.constant 0 : i32
    %c0_i32_0 = arith.constant 0 : i32
    %c0_i32_1 = arith.constant 0 : i32
    return %c0_i32, %c0_i32_0 : i32, i32
  }
  func.func @transform_3(%arg0: i32) -> (i32, i32) {
    %c0_i32 = arith.constant 0 : i32
    %c0_i32_0 = arith.constant 0 : i32
    %c0_i32_1 = arith.constant 0 : i32
    return %c0_i32, %c0_i32_0 : i32, i32
  }
}

module attributes {stable_mosaic.version = 14 : i64} {
  func.func @_head_body(%arg0: i32, %arg1: memref<2000x128xf32, #tpu.memory_space<vmem>>, %arg2: memref<2000x64xi32, #tpu.memory_space<vmem>>, %arg3: memref<64x128xf32, #tpu.memory_space<vmem>>, %arg4: memref<128x128xf32, #tpu.memory_space<vmem>>, %arg5: memref<128x128xf32, #tpu.memory_space<vmem>>, %arg6: memref<128x128xf32, #tpu.memory_space<vmem>>, %arg7: memref<1x128xf32, #tpu.memory_space<vmem>>, %arg8: memref<1x128xf32, #tpu.memory_space<vmem>>, %arg9: memref<2000x128xf32, #tpu.memory_space<vmem>>) attributes {dimension_semantics = [#tpu.dimension_semantics<arbitrary>], iteration_bounds = array<i64: 5>, scalar_prefetch = 0 : i64, scratch_operands = 0 : i64, tpu.core_type = #tpu.core_type<tc>, window_params = [{transform_indices = @transform_0, window_bounds = array<i64: 2000, 128>}, {transform_indices = @transform_1, window_bounds = array<i64: 2000, 64>}, {pipeline_mode = #tpu.pipeline_mode<synchronous>, transform_indices = @transform_2, window_bounds = array<i64: 64, 128>}, {pipeline_mode = #tpu.pipeline_mode<synchronous>, transform_indices = @transform_3, window_bounds = array<i64: 128, 128>}, {pipeline_mode = #tpu.pipeline_mode<synchronous>, transform_indices = @transform_4, window_bounds = array<i64: 128, 128>}, {pipeline_mode = #tpu.pipeline_mode<synchronous>, transform_indices = @transform_5, window_bounds = array<i64: 128, 128>}, {pipeline_mode = #tpu.pipeline_mode<synchronous>, transform_indices = @transform_6, window_bounds = array<i64: 1, 128>}, {pipeline_mode = #tpu.pipeline_mode<synchronous>, transform_indices = @transform_7, window_bounds = array<i64: 1, 128>}, {transform_indices = @transform_8, window_bounds = array<i64: 2000, 128>}]} {
    %iota3A = tpu.iota {dimensions = array<i32: 1>} : vector<2000x64xi32>
    %get3A = arith.constant 0 : index
    %get3A_0 = arith.constant 0 : index
    %get3A_1 = vector.load %arg2[%get3A, %get3A_0] : memref<2000x64xi32, #tpu.memory_space<vmem>>, vector<2000x64xi32>
    %eq3A = arith.cmpi eq, %get3A_1, %iota3A : vector<2000x64xi32>
    %jit3A = arith.constant 1.000000e+00 : f32
    %jit3A_2 = arith.constant 0.000000e+00 : f32
    %broadcast_in_dim3A = vector.broadcast %jit3A : f32 to vector<2000x64xf32>
    %broadcast_in_dim3A_3 = vector.broadcast %jit3A_2 : f32 to vector<2000x64xf32>
    %select_n3A = arith.select %eq3A, %broadcast_in_dim3A, %broadcast_in_dim3A_3 : vector<2000x64xi1>, vector<2000x64xf32>
    %get3A_4 = arith.constant 0 : index
    %get3A_5 = arith.constant 0 : index
    %get3A_6 = vector.load %arg1[%get3A_4, %get3A_5] : memref<2000x128xf32, #tpu.memory_space<vmem>>, vector<2000x128xf32>
    %get3A_7 = arith.constant 0 : index
    %get3A_8 = arith.constant 0 : index
    %get3A_9 = vector.load %arg4[%get3A_7, %get3A_8] : memref<128x128xf32, #tpu.memory_space<vmem>>, vector<128x128xf32>
    %dot_general3A = arith.constant dense<0.000000e+00> : vector<2000x128xf32>
    %dot_general3A_10 = tpu.matmul %get3A_6, %get3A_9, %dot_general3A {dimension_numbers = #tpu.dot_dimension_numbers<[1], [0], [0], [1], [0, 0, 1, 1], [], []>, transpose_lhs_hint = false} : vector<2000x128xf32>, vector<128x128xf32>, vector<2000x128xf32> -> vector<2000x128xf32>
    %get3A_11 = arith.constant 0 : index
    %get3A_12 = arith.constant 0 : index
    %get3A_13 = vector.load %arg3[%get3A_11, %get3A_12] : memref<64x128xf32, #tpu.memory_space<vmem>>, vector<64x128xf32>
    %dot_general3A_14 = arith.constant dense<0.000000e+00> : vector<2000x128xf32>
    %dot_general3A_15 = tpu.matmul %select_n3A, %get3A_13, %dot_general3A_14 {dimension_numbers = #tpu.dot_dimension_numbers<[1], [0], [0], [1], [0, 0, 1, 1], [], []>, transpose_lhs_hint = false} : vector<2000x64xf32>, vector<64x128xf32>, vector<2000x128xf32> -> vector<2000x128xf32>
    %add3A = arith.addf %dot_general3A_10, %dot_general3A_15 : vector<2000x128xf32>
    %ge3A = arith.constant 0.000000e+00 : f32
    %ge3A_16 = vector.broadcast %ge3A : f32 to vector<2000x128xf32>
    %ge3A_17 = arith.cmpf oge, %add3A, %ge3A_16 : vector<2000x128xf32>
    %mul3A = arith.constant 0.00999999977 : f32
    %mul3A_18 = vector.broadcast %mul3A : f32 to vector<2000x128xf32>
    %mul3A_19 = arith.mulf %mul3A_18, %add3A : vector<2000x128xf32>
    %select_n3A_20 = arith.select %ge3A_17, %add3A, %mul3A_19 : vector<2000x128xi1>, vector<2000x128xf32>
    %get3A_21 = arith.constant 0 : index
    %get3A_22 = arith.constant 0 : index
    %get3A_23 = vector.load %arg5[%get3A_21, %get3A_22] : memref<128x128xf32, #tpu.memory_space<vmem>>, vector<128x128xf32>
    %dot_general3A_24 = arith.constant dense<0.000000e+00> : vector<2000x128xf32>
    %dot_general3A_25 = tpu.matmul %select_n3A_20, %get3A_23, %dot_general3A_24 {dimension_numbers = #tpu.dot_dimension_numbers<[1], [0], [0], [1], [0, 0, 1, 1], [], []>, transpose_lhs_hint = false} : vector<2000x128xf32>, vector<128x128xf32>, vector<2000x128xf32> -> vector<2000x128xf32>
    %get3A_26 = arith.constant 0 : index
    %get3A_27 = arith.constant 0 : index
    %get3A_28 = vector.load %arg7[%get3A_26, %get3A_27] : memref<1x128xf32, #tpu.memory_space<vmem>>, vector<1x128xf32>
    %add3A_29 = vector.broadcast %get3A_28 : vector<1x128xf32> to vector<2000x128xf32>
    %add3A_30 = arith.addf %dot_general3A_25, %add3A_29 : vector<2000x128xf32>
    %ge3A_31 = arith.constant 0.000000e+00 : f32
    %ge3A_32 = vector.broadcast %ge3A_31 : f32 to vector<2000x128xf32>
    %ge3A_33 = arith.cmpf oge, %add3A_30, %ge3A_32 : vector<2000x128xf32>
    %mul3A_34 = arith.constant 0.00999999977 : f32
    %mul3A_35 = vector.broadcast %mul3A_34 : f32 to vector<2000x128xf32>
    %mul3A_36 = arith.mulf %mul3A_35, %add3A_30 : vector<2000x128xf32>
    %select_n3A_37 = arith.select %ge3A_33, %add3A_30, %mul3A_36 : vector<2000x128xi1>, vector<2000x128xf32>
    %get3A_38 = arith.constant 0 : index
    %get3A_39 = arith.constant 0 : index
    %get3A_40 = vector.load %arg6[%get3A_38, %get3A_39] : memref<128x128xf32, #tpu.memory_space<vmem>>, vector<128x128xf32>
    %dot_general3A_41 = arith.constant dense<0.000000e+00> : vector<2000x128xf32>
    %dot_general3A_42 = tpu.matmul %select_n3A_37, %get3A_40, %dot_general3A_41 {dimension_numbers = #tpu.dot_dimension_numbers<[1], [0], [0], [1], [0, 0, 1, 1], [], []>, transpose_lhs_hint = false} : vector<2000x128xf32>, vector<128x128xf32>, vector<2000x128xf32> -> vector<2000x128xf32>
    %get3A_43 = arith.constant 0 : index
    %get3A_44 = arith.constant 0 : index
    %get3A_45 = vector.load %arg8[%get3A_43, %get3A_44] : memref<1x128xf32, #tpu.memory_space<vmem>>, vector<1x128xf32>
    %add3A_46 = vector.broadcast %get3A_45 : vector<1x128xf32> to vector<2000x128xf32>
    %add3A_47 = arith.addf %dot_general3A_42, %add3A_46 : vector<2000x128xf32>
    %swap3A = arith.constant 0 : index
    %swap3A_48 = arith.constant 0 : index
    %swap3A_49 = vector.load %arg9[%swap3A, %swap3A_48] : memref<2000x128xf32, #tpu.memory_space<vmem>>, vector<2000x128xf32>
    tpu.vector_store %arg9[%swap3A, %swap3A_48], %add3A_47 {strides = array<i32>} : memref<2000x128xf32, #tpu.memory_space<vmem>>, vector<2000x128xf32>,
    return
  }
  func.func @transform_0(%arg0: i32) -> (i32, i32) {
    %c0_i32 = arith.constant 0 : i32
    %c0_i32_0 = arith.constant 0 : i32
    return %arg0, %c0_i32 : i32, i32
  }
  func.func @transform_1(%arg0: i32) -> (i32, i32) {
    %c0_i32 = arith.constant 0 : i32
    %c0_i32_0 = arith.constant 0 : i32
    return %arg0, %c0_i32 : i32, i32
  }
  func.func @transform_2(%arg0: i32) -> (i32, i32) {
    %c0_i32 = arith.constant 0 : i32
    %c0_i32_0 = arith.constant 0 : i32
    %c0_i32_1 = arith.constant 0 : i32
    return %c0_i32, %c0_i32_0 : i32, i32
  }
  func.func @transform_3(%arg0: i32) -> (i32, i32) {
    %c0_i32 = arith.constant 0 : i32
    %c0_i32_0 = arith.constant 0 : i32
    %c0_i32_1 = arith.constant 0 : i32
    return %c0_i32, %c0_i32_0 : i32, i32
  }
  func.func @transform_4(%arg0: i32) -> (i32, i32) {
    %c0_i32 = arith.constant 0 : i32
    %c0_i32_0 = arith.constant 0 : i32
    %c0_i32_1 = arith.constant 0 : i32
    return %c0_i32, %c0_i32_0 : i32, i32
  }
  func.func @transform_5(%arg0: i32) -> (i32, i32) {
    %c0_i32 = arith.constant 0 : i32
    %c0_i32_0 = arith.constant 0 : i32
    %c0_i32_1 = arith.constant 0 : i32
    return %c0_i32, %c0_i32_0 : i32, i32
  }
  func.func @transform_6(%arg0: i32) -> (i32, i32) {
    %c0_i32 = arith.constant 0 : i32
    %c0_i32_0 = arith.constant 0 : i32
    %c0_i32_1 = arith.constant 0 : i32
    return %c0_i32, %c0_i32_0 : i32, i32
  }
  func.func @transform_7(%arg0: i32) -> (i32, i32) {
    %c0_i32 = arith.constant 0 : i32
    %c0_i32_0 = arith.constant 0 : i32
    %c0_i32_1 = arith.constant 0 : i32
    return %c0_i32, %c0_i32_0 : i32, i32
  }
  func.func @transform_8(%arg0: i32) -> (i32, i32) {
    %c0_i32 = arith.constant 0 : i32
    %c0_i32_0 = arith.constant 0 : i32
    return %arg0, %c0_i32 : i32, i32
  }
}

</mosaic_0001>

<sc_bundles>
// kernel: kernel.15.cloned.1.call-start
scs
__scs_entry_jumppad:
0x0: {  	(pc) =	sbr.rel $0x88, $3  }
0x1: {  	(tag) =	ssettag $0x0;
	lr =	simm.s32 $0x1  }
0x2: {  	[smem:$0x3F81] =	sst lr;
	_ =	strace $0xD0000000  }
0x3: {  	_ = 	snop  }
0x4: {  	_ = 	snop  }
0x5: {  	_ = 	snop  }
0x6: {  	_ = 	snop  }
0x7: {  	_ = 	snop  }
__scs_overlays_trampoline_lowered:
0x8: {  	[smem:$0x3F90] =	sst s0  }
0x9: {  	[smem:$0x3F91] =	sst s1  }
0xa: {  	[smem:$0x3F92] =	sst s2  }
0xb: {  	[smem:$0x3F93] =	sst s3  }
0xc: {  	[smem:$0x3F94] =	sst s4  }
0xd: {  	[smem:$0x3F95] =	sst s5  }
0xe: {  	[smem:$0x3F96] =	sst s6  }
0xf: {  	[smem:$0x3F97] =	sst s7  }
0x10: {  	[smem:$0x3F98] =	sst s8  }
0x11: {  	[smem:$0x3F99] =	sst s9;
	s0 =	simm.s32 @!p0 $0x0  }
0x12: {  	s1 =	sld [smem:$0x3F7F];
	s0 =	simm.s32 @p0 $0x1  }
0x13: {  	[smem:$0x3F9A] =	sst s0;
	s0 =	simm.s32 @!p1 $0x0  }
0x14: {  	s2 =	sld [smem:$0x3F7E];
	s0 =	simm.s32 @p1 $0x1  }
0x15: {  	[smem:$0x3F9B] =	sst s0;
	s0 =	simm.s32 @!p2 $0x0  }
0x16: {  	s3 =	sld [smem:$0x3FDB];
	s0 =	simm.s32 @p2 $0x1  }
0x17: {  	s4 =	simm.s32 $0x1BF5;
	[smem:$0x3F9D] =	sst s0  }
0x18: {  	s0 =	sld [smem:$0x3F80];
	_ =	swait.ge [sflag:s4], $0x0  }
0x19: {  	s7 =	sld [smem:$0x3F81]  }
0x1a: {  	s8 =	sadd.s32 $0xFFFFE003, lr  }
0x1b: {  	s9 =	sadd.s32 $0xFFFFFEF7, lr;
	s5 =	simm.s32 $0xFFFFFFFF;
	p2 =	slt.u32 s8, $0xFFFFF086  }
0x1c: {  	p1 =	slt.u32 s9, $0xF7A;
	s5 =	simm.s32 @!p2 $0x0  }
0x1d: {  	s5 =	simm.s32 @p1 $0x1;
	p0 =	seq.s32 s7, s2  }
0x1e: {  	s7 =	smul.u32 @!p0 $0xF7A, s2;
	p2 =	seq.s32 @!p0 s5, $0x0  }
0x1f: {  	s9 =	smul.u32 $0xF7A, s1;
	s8 =	simm.s32 @!p0 $0x1BF5;
	p2 =	por !p2, p0  }
0x20: {  	[sflag:s8] =	ssyncset.s32 @!p0 $0xFFFFF086;
	s6 =	sadd.s32 @!p0 s3, s7;
	s7 =	simm.s32 @!p0 $0x108  }
0x21: {  	s3 =	sadd.s32 s3, s9;
	s6 =	sadd.s32 @!p0 $0x88, s6;
	s7 =	simm.s32 @p2 $0x1082  }
0x22: {  	[simem:s7], [sflag:s8] =	dma.local @!p0 [hbm:s6], $0xF7A  }
0x23: {  	s9 =	sor.u32 $0xD0000000, s2;
	s6 =	simm.s32 $0x108;
	_ =	swait.ge @!p0 [sflag:s8], $0x0  }
0x24: {  	s3 =	sadd.s32 $0x88, s3;
	s6 =	simm.s32 @!p1 $0x1082;
	[sflag:s4] =	ssyncset.s32 $0xFFFFF086  }
0x25: {  	[simem:s6], [sflag:s4] =	dma.local [hbm:s3], $0xF7A  }
0x26: {  	[smem:$0x3F81] =	sst s1;
	(tag) =	ssettag s2;
	_ =	strace s9  }
0x27: {  	s1 =	sld [smem:$0x3F91]  }
0x28: {  	s2 =	sld [smem:$0x3F92]  }
0x29: {  	s4 =	sld [smem:$0x3F94]  }
0x2a: {  	p0 =	seq.s32 s5, $0x0;
	s5 =	sld [smem:$0x3F95]  }
0x2b: {  	s6 =	sld [smem:$0x3F96]  }
0x2c: {  	s7 =	sld [smem:$0x3F97]  }
0x2d: {  	s3 =	simm.s32 $0x108;
	s8 =	sld [smem:$0x3F98]  }
0x2e: {  	s3 =	simm.s32 @!p0 $0x1082;
	s9 =	sld [smem:$0x3F99]  }
0x2f: {  	lr =	sadd.s32 s0, s3;
	s0 =	sld [smem:$0x3F90]  }
0x30: {  	s3 =	sld [smem:$0x3F93]  }
0x31: {  	[smem:$0x3F9C] =	sst s10  }
0x32: {  	s10 =	sld [smem:$0x3F9A];
	_ =	sdelay $0x3  }
0x33: {  	p0 =	seq.s32 s10, $0x1;
	s10 =	sld [smem:$0x3F9C];
	_ =	sdelay $0x3  }
0x34: {  	[smem:$0x3F9C] =	sst s10  }
0x35: {  	s10 =	sld [smem:$0x3F9B];
	_ =	sdelay $0x3  }
0x36: {  	p1 =	seq.s32 s10, $0x1;
	s10 =	sld [smem:$0x3F9C];
	_ =	sdelay $0x3  }
0x37: {  	[smem:$0x3F9C] =	sst s10  }
0x38: {  	s10 =	sld [smem:$0x3F9D]  }
0x39: {  	_ = 	snop;
	(pc) =	sbr.ind lr, $3  }
0x3a: {  	_ = 	snop  }
0x3b: {  	_ = 	snop  }
0x3c: {  	p2 =	seq.s32 s10, $0x1;
	s10 =	sld [smem:$0x3F9C]  }
0x3d: {  	_ =	shalt  }
0x3e: {  	_ =	shalt  }
0x3f: {  	_ =	shalt  }
0x40: {  	_ =	shalt  }
0x41: {  	_ =	shalt  }
0x42: {  	_ =	shalt  }
0x43: {  	_ =	shalt  }
0x44: {  	_ =	shalt  }
0x45: {  	_ =	shalt  }
0x46: {  	_ =	shalt  }
0x47: {  	_ =	shalt  }
0x48: {  	_ =	shalt  }
0x49: {  	_ =	shalt  }
0x4a: {  	_ =	shalt  }
0x4b: {  	_ =	shalt  }
0x4c: {  	_ =	shalt  }
0x4d: {  	_ =	shalt  }
0x4e: {  	_ =	shalt  }
0x4f: {  	_ =	shalt  }
0x50: {  	_ =	shalt  }
0x51: {  	_ =	shalt  }
0x52: {  	_ =	shalt  }
0x53: {  	_ =	shalt  }
0x54: {  	_ =	shalt  }
0x55: {  	_ =	shalt  }
0x56: {  	_ =	shalt  }
0x57: {  	_ =	shalt  }
0x58: {  	_ =	shalt  }
0x59: {  	_ =	shalt  }
0x5a: {  	_ =	shalt  }
0x5b: {  	_ =	shalt  }
0x5c: {  	_ =	shalt  }
0x5d: {  	_ =	shalt  }
0x5e: {  	_ =	shalt  }
0x5f: {  	_ =	shalt  }
0x60: {  	_ =	shalt  }
0x61: {  	_ =	shalt  }
0x62: {  	_ =	shalt  }
0x63: {  	_ =	shalt  }
0x64: {  	_ =	shalt  }
0x65: {  	_ =	shalt  }
0x66: {  	_ =	shalt  }
0x67: {  	_ =	shalt  }
0x68: {  	_ =	shalt  }
0x69: {  	_ =	shalt  }
0x6a: {  	_ =	shalt  }
0x6b: {  	_ =	shalt  }
0x6c: {  	_ =	shalt  }
0x6d: {  	_ =	shalt  }
0x6e: {  	_ =	shalt  }
0x6f: {  	_ =	shalt  }
0x70: {  	_ =	shalt  }
0x71: {  	_ =	shalt  }
0x72: {  	_ =	shalt  }
0x73: {  	_ =	shalt  }
0x74: {  	_ =	shalt  }
0x75: {  	_ =	shalt  }
0x76: {  	_ =	shalt  }
0x77: {  	_ =	shalt  }
0x78: {  	_ =	shalt  }
0x79: {  	_ =	shalt  }
0x7a: {  	_ =	shalt  }
0x7b: {  	_ =	shalt  }
0x7c: {  	_ =	shalt  }
0x7d: {  	_ =	shalt  }
0x7e: {  	_ =	shalt  }
0x7f: {  	_ =	shalt  }
0x80: {  	_ =	shalt  }
0x81: {  	_ =	shalt  }
0x82: {  	_ =	shalt  }
0x83: {  	_ =	shalt  }
0x84: {  	_ =	shalt  }
0x85: {  	_ =	shalt  }
0x86: {  	_ =	shalt  }
0x87: {  	_ =	shalt  }
.Lfunc_end0:
.L_simem_size_0:
called_computation_lowered:
.L_overlay_start_0:
0x88: {  	s2 =	sld [smem:$0x3FD9]  }
0x89: {  	s3 =	sld [smem:$0x3FFE];
	_ =	sdelay $0x1  }
0x8a: {  	s1 =	srdreg.scid  }
0x8b: {  	s0 =	sand.u32 $0x1, s1  }
0x8c: {  	s17 =	sshll.u32 s0, $0xA;
	s2 =	sadd.s32 s3, s2  }
0x8d: {  	s2 =	sadd.s32 s2, s17  }
0x8e: {  	[smem:$0x3FA8] =	sst s2  }
0x8f: {  	_ = 	snop  }
0x90: {  	s2 =	sld [smem:$0x3FC9];
	(tm) =	ssettm $0x1  }
0x91: {  	s18 =	sld [smem:$0x3FFB];
	_ =	sdelay $0x3  }
0x92: {  	_ =	strace s18  }
0x93: {  	s3 =	sld [smem:$0x3FFC];
	_ =	sdelay $0x3  }
0x94: {  	_ =	strace s3  }
0x95: {  	s3 =	sld [smem:$0x3FFD];
	_ =	sdelay $0x3  }
0x96: {  	_ =	strace s3  }
0x97: {  	_ =	strace $0x8FFFFFFF  }
0x98: {  	s19 =	sld [smem:$0x3FDB];
	_ =	sdelay $0x1  }
0x99: {  	s4 =	simm.s32 $_scs_section_size  }
0x9a: {  	s5 =	simm.s32 $_size__tile_overlayer_lowered;
	s6 =	simm.s32 $_tile_overlayer_lowered  }
0x9b: {  	s22 =	simm.s32 $0x1BFF;
	s21 =	sshll.u32 s6, $0x1;
	s3 =	sadd.s32 s4, s19  }
0x9c: {  	s7 =	simm.s32 $0x0;
	s20 =	sshll.u32 s5, $0x1;
	s5 =	sadd.s32 s21, s3  }
0x9d: {  	[timem:s7], [sflag:s22] =	dma.local [hbm:s5], s20  }
0x9e: {  	_ =	swait.ge [sflag:s22], s20  }
0x9f: {  	s4 =	ssub.s32 $0x0, s20;
	[sflag:s22] =	ssyncset.done $0x0  }
0xa0: {  	[sflag:s22] =	ssyncadd.s32 s4;
	_ =	sdelay $0x1  }
0xa1: {  	s23 =	simm.s32 $0x1B8B  }
0xa2: {  	_ =	swait.ge [sflag:s23], $0x1  }
0xa3: {  	[sflag:s23] =	ssyncset.done $0x0  }
0xa4: {  	s25 =	simm.s32 $0x1B8E;
	s24 =	sld [smem:$0x3FFE];
	[sflag:s23] =	ssyncadd.s32 $0xFFFFFFFF  }
0xa5: {  	s26 =	simm.s32 $execute0_lowered;
	[smem:$0x3FD2] =	sst s25  }
0xa6: {  	s5 =	sshll.u32 s26, $0x1;
	_ =	strace $0x80000046;
	[dreg:$0x1] =	wrdreg $0xFFFFFFFF  }
0xa7: {  	s28 =	simm.s32 $_size_execute0_lowered;
	s3 =	sadd.s32 s3, s5;
	[dreg:$0x0] =	wrdreg $0x0  }
0xa8: {  	s5 =	sshll.u32 s28, $0x1;
	[dreg:$0x2] =	wrdreg s3  }
0xa9: {  	[dreg:$0x3] =	wrdreg s5  }
0xaa: {  	[dreg:$0x4] =	wrdreg $0xC0  }
0xab: {  	_ =	task [dreg:s7], $0x5FFFF  }
0xac: {  	[dreg:$0x1] =	wrdreg $0xFFFFFFFF  }
0xad: {  	[dreg:$0x0] =	wrdreg $0x60  }
0xae: {  	[dreg:$0x2] =	wrdreg s2  }
0xaf: {  	[dreg:$0x3] =	wrdreg s24  }
0xb0: {  	[dreg:$0x4] =	wrdreg $0x5C000  }
0xb1: {  	[dreg:$0x5] =	wrdreg $0x9  }
0xb2: {  	_ =	task.clear_ibuf [dreg:s7], $0x6FFFF;
	_ =	strace $0x90000046  }
0xb3: {  	s29 =	simm.s32 $0x9;
	_ =	strace $0x80000048  }
0xb4: {  	_ =	swait.ge [sflag:s29], $0x1  }
0xb5: {  	[sflag:s29] =	ssyncadd.s32 $0xFFFFFFFF  }
0xb6: {  	_ =	strace $0x90000048  }
0xb7: {  	_ =	sfence  }
0xb8: {  	s30 =	sld [smem:$0x0];
	_ =	sdelay $0x2  }
0xb9: {  	s31 =	sshll.u32 s1, $0xD;
	s1 =	sshrl.u32 s1, $0x2  }
0xba: {  	s3 =	sand.u32 $0x4000, s31;
	s1 =	sadd.s32 s1, s30  }
0xbb: {  	s0 =	sor.u32 s3, s0;
	s1 =	sshll.u32 s1, $0x11  }
0xbc: {  	s0 =	sor.u32 s1, s0  }
0xbd: {  	s0 =	sadd.s32 $0x8F2B, s0  }
0xbe: {  	[sflag:s0] =	ssyncadd.remote.s32 $0x1  }
0xbf: {  	_ =	sfence.sel $0xFFFF  }
0xc0: {  	[dreg:$0x0] =	wrdreg $0xFFFFFFFF;
	(pc) =	sbr.abs _section_cstart, $3  }
0xc1: {  	[dreg:$0x1] =	wrdreg $0xFFFFFFFF  }
0xc2: {  	_ =	task.clear_ibuf [dreg:s7], $0x2FFFF;
	_ =	strace $0x9FFFFFFF  }
0xc3: {  	(tm) =	ssettm $0x7FFFFFFF  }
tec
execute0_lowered:
.L_overlay_start_1:
0x0: {  	(tag) =	ssettag $0x1  }
0x1: {  	s1 =	rddreg [dreg:$0x0]  }
0x2: {  	s0 =	rddreg [dreg:$0x1]  }
0x3: {  	s2 =	rddreg [dreg:$0x2]  }
0x4: {  	s3 =	simm.s32 $0x0;
	s4 =	srdreg.scid;
	s13 =	stileid.u32  }
0x5: {  	s28 =	simm.s32 $0x2C00;
	s29 =	simm.s32 $0x100;
	s30 =	simm.s32 $0x300  }
0x6: {  	s31 =	simm.s32 $0x0;
	[smem:$0x7FF] =	sst s3;
	s5 =	sadd.s32 $0x525A00, s0  }
0x7: {  	s6 =	sadd.s32 $0x5200, s0;
	s4 =	sand.u32 $0x1, s4;
	s10 =	smul.u32 $0x50000, s13  }
0x8: {  	s25 =	smul.u32 $0x2800, s13;
	_ =	strace $0x80000047;
	s7 =	sshll.u32 s4, $0x4  }
0x9: {  	s8 =	smul.u32 $0x28000, s4;
	s4 =	ssub.s32 $0x2, s4;
	s9 =	sor.u32 s13, s7  }
0xa: {  	s7 =	sadd.s32 $0x24600, s0;
	s11 =	sshrl.u32 s4, $0x1;
	s12 =	smul.u32 $0x7D00, s9  }
0xb: {  	s18 =	sshrl.u32 s10, $0x2;
	s13 =	simm.s32 $0x0;
	s20 =	smul.u32 $0x27100, s9  }
0xc: {  	s0 =	sadd.s32 s8, s0;
	s4 =	ssub.s32 s4, s11;
	s21 =	smul.u32 $0x2710, s9  }
0xd: {  	s8 =	sadd.s32 s18, s2;
	s9 =	smul.u32 $0x138800, s9;
	s18 =	simm.s32 $0x2  }
0xe: {  	s0 =	sadd.s32 s25, s0;
	s4 =	smax.u32 s4, $0x1;
	s25 =	simm.s32 $0x28  }
0xf: {  	s19 =	sshrl.u32 s12, $0x3;
	s11 =	sadd.s32 s5, s20;
	[dreg:$0xe] =	wrdreg s4  }
0x10: {  	s22 =	sadd.s32 $0x100, s12;
	s23 =	sadd.s32 $0x28, s21;
	[dreg:$0x6] =	wrdreg s11  }
0x11: {  	s24 =	sadd.s32 $0x50, s21;
	s12 =	sadd.s32 $0x200, s12;
	[dreg:$0x7] =	wrdreg s22  }
0x12: {  	s26 =	sadd.s32 $0x78, s21;
	s9 =	sshrl.u32 s9, $0x3;
	[dreg:$0x8] =	wrdreg s23  }
0x13: {  	s20 =	sadd.s32 $0xA07A00, s0;
	s0 =	simm.s32 $0x1800;
	[dreg:$0x9] =	wrdreg s24  }
0x14: {  	s4 =	simm.s32 $0x4000;
	s14 =	sadd.s32 s6, s19;
	[dreg:$0xa] =	wrdreg s12  }
0x15: {  	s10 =	sadd.s32 s7, s19;
	[dreg:$0xb] =	wrdreg s26;
	s9 =	sadd.s32 s5, s9  }
0x16: {  	s22 =	simm.s32 $0x7;
	s23 =	simm.s32 $0x200;
	s24 =	simm.s32 $0x5  }
0x17: {  	s26 =	simm.s32 $0x400;
	s11 =	simm.s32 $0x6;
	[dreg:$0x4] =	wrdreg s14  }
0x18: {  	s19 =	simm.s32 $0x4;
	[dreg:$0x5] =	wrdreg s10;
	s10 =	sadd.s32 $0xA0, s21  }
0x19: {  	s9 =	sadd.s32 $0x26E80, s9;
	s21 =	simm.s32 $0x5400;
	[dreg:$0xc] =	wrdreg s10  }
0x1a: {  	v0 =	vimm.f32 $0.0e+00;
	[dreg:$0xd] =	wrdreg s9;
	s9 =	simm.s32 $0x1;
	s10 =	simm.s32 $0x3  }
.LBB2_1:
0x1b: {  	[dreg:$0xf] =	wrdreg s13;
	s12 =	simm.s32 $0x0;
	s13 =	simm.s32 $0x200  }
.LBB2_2:
0x1c: {  	p0 =	sne.s32 s13, $0x1E00;
	[tilespmem:s12+$0x5470] =	vst v0  }
0x1d: {  	[tilespmem:s12+$0x5400] =	vst v0  }
0x1e: {  	[tilespmem:s12+$0x5410] =	vst v0  }
.Ltmp0:
0x1f: {  	[tilespmem:s12+$0x5420] =	vst v0;
	(pc) =	sbr.rel @p0 .LBB2_2-.Ltmp0, $4  }
0x20: {  	[tilespmem:s12+$0x5430] =	vst v0  }
0x21: {  	[tilespmem:s12+$0x5440] =	vst v0  }
0x22: {  	[tilespmem:s12+$0x5450] =	vst v0  }
0x23: {  	[tilespmem:s12+$0x5460] =	vst v0;
	s12 =	sshra.s32 s13, $0x2;
	s13 =	sadd.s32 $0x200, s13  }
0x24: {  	[tilespmem:s12+$0x5470] =	vst v0  }
0x25: {  	[tilespmem:s12+$0x5400] =	vst v0  }
0x26: {  	[tilespmem:s12+$0x5410] =	vst v0  }
0x27: {  	[tilespmem:s12+$0x5420] =	vst v0  }
0x28: {  	[tilespmem:s12+$0x5430] =	vst v0  }
0x29: {  	[tilespmem:s12+$0x5440] =	vst v0  }
0x2a: {  	[tilespmem:s12+$0x5450] =	vst v0  }
0x2b: {  	[tilespmem:s12+$0x5460] =	vst v0;
	s17 =	sadd.s32 $0x0, s8  }
0x2c: {  	[spmem:s17] =	stream.linear.scatter [tilespmem:s21], [sflag:$0x7], $0x800, $0x38;
	[tilespmem:$0x19C00] =	vst v63  }
0x2d: {  	s12 =	simm.s32 $0x2000;
	_ =	swait.ge [sflag:s22], $0x800  }
.LBB2_4:
0x2e: {  	s13 =	sshra.s32 s12, $0x2;
	[sflag:s22] =	ssyncset.done $0x0;
	p0 =	sne.s32 s12, $0x4E000  }
.Ltmp1:
0x2f: {  	s13 =	sadd.s32 s13, s8;
	[sflag:s22] =	ssyncadd.s32 $0xFFFFF800;
	(pc) =	sbr.rel @p0 .LBB2_4-.Ltmp1, $3  }
0x30: {  	[spmem:s13] =	stream.linear.scatter [tilespmem:s21], [sflag:$0x7], $0x800, $0x38;
	[tilespmem:$0x19C00] =	vst v63  }
0x31: {  	s12 =	sadd.s32 $0x2000, s12;
	_ =	sdelay $0x1  }
0x32: {  	_ =	swait.ge [sflag:s22], $0x800  }
0x33: {  	[sflag:s22] =	ssyncset.done $0x0  }
0x34: {  	[sflag:s22] =	ssyncadd.s32 $0xFFFFF800  }
0x35: {  	[bflag:$0x0] =	sbarrier.arrive $0xFFFF  }
0x36: {  	s12 =	rddreg [dreg:$0x4]  }
0x37: {  	[tilespmem:s31], [sflag:$0x5] =	stream.linear.gather [hbm4b:s12+s31], $0x100, $0x38;
	[tilespmem:$0x19C00] =	vst v63  }
0x38: {  	s16 =	rddreg [dreg:$0x5]  }
0x39: {  	[tilespmem:s23], [sflag:$0x5] =	stream.linear.gather [hbm4b:s16+s31], $0x100, $0x38;
	[tilespmem:$0x19C00] =	vst v63  }
0x3a: {  	_ =	swait.ge [sflag:s24], $0x100  }
0x3b: {  	[sflag:s24] =	ssyncset.done $0x0  }
0x3c: {  	[sflag:s24] =	ssyncadd.s32 $0xFFFFFF00  }
0x3d: {  	_ =	swait.ge [sflag:s24], $0x100  }
0x3e: {  	[sflag:s24] =	ssyncset.done $0x0  }
0x3f: {  	[sflag:s24] =	ssyncadd.s32 $0xFFFFFF00  }
0x40: {  	[tilespmem:s26], [sflag:$0x1] =	stream.indirect.gather [hbm4b:s1+s25], $0x80, s31, s25, $0xb8;
	[tilespmem:$0x19C00] =	vst v63  }
0x41: {  	s12 =	simm.s32 $0x0;
	s17 =	rddreg [dreg:$0x6]  }
0x42: {  	[tilespmem:s28], [sflag:$0x3] =	stream.linear.gather [hbm4b:s17+s31], $0x1400, $0x38;
	[tilespmem:$0x19C00] =	vst v63  }
.LBB2_6:
0x43: {  	s14 =	sshll.u32 s12, $0x9;
	s13 =	rddreg [dreg:$0x7]  }
0x44: {  	s13 =	sadd.s32 s14, s13  }
0x45: {  	s13 =	sshrl.u32 s13, $0x3  }
0x46: {  	s15 =	sadd.s32 s6, s13  }
0x47: {  	[tilespmem:s29], [sflag:$0x6] =	stream.linear.gather [hbm4b:s15+s31], $0x100, $0x38;
	[tilespmem:$0x19C00] =	vst v63  }
0x48: {  	s13 =	sadd.s32 s7, s13  }
0x49: {  	[tilespmem:s30], [sflag:$0x6] =	stream.linear.gather [hbm4b:s13+s31], $0x100, $0x38;
	[tilespmem:$0x19C00] =	vst v63  }
0x4a: {  	s16 =	simm.s32 $0x80;
	s17 =	rddreg [dreg:$0x8];
	s13 =	smul.u32 $0xA0, s12  }
0x4b: {  	[tilespmem:s0], [sflag:$0x2] =	stream.indirect.gather [hbm4b:s1+s25], $0x80, s16, s25, $0xb8;
	[tilespmem:$0x19C00] =	vst v63  }
0x4c: {  	s15 =	sadd.s32 s13, s17  }
0x4d: {  	s15 =	sshll.u32 s15, $0x4  }
0x4e: {  	s15 =	sadd.s32 s5, s15  }
0x4f: {  	[tilespmem:s4], [sflag:$0x4] =	stream.linear.gather [hbm4b:s15+s31], $0x1400, $0x38;
	[tilespmem:$0x19C00] =	vst v63  }
0x50: {  	_ =	swait.ge [sflag:s9], $0x1400  }
0x51: {  	[sflag:s9] =	ssyncset.done $0x0  }
0x52: {  	[sflag:s9] =	ssyncadd.s32 $0xFFFFEC00  }
0x53: {  	_ =	swait.ge [sflag:s10], $0x1400  }
0x54: {  	[sflag:s10] =	ssyncset.done $0x0  }
0x55: {  	s15 =	simm.s32 $0x0;
	[sflag:s10] =	ssyncadd.s32 $0xFFFFEC00  }
0x56: {  	v7 =	vld [tilespmem:s15+$0x400]  }
0x57: {  	v12 =	vld [tilespmem:s15+$0x410]  }
0x58: {  	v6 =	vld [tilespmem:s15+$0x420]  }
0x59: {  	v5 =	vld [tilespmem:s15+$0x430]  }
0x5a: {  	v4 =	vld [tilespmem:s15+$0x440]  }
0x5b: {  	v3 =	vld [tilespmem:s15+$0x450]  }
0x5c: {  	v2 =	vld [tilespmem:s15+$0x460]  }
0x5d: {  	v1 =	vld [tilespmem:s15+$0x470]  }
0x5e: {  	v13 =	vld [tilespmem:s15+$0x2C00]  }
0x5f: {  	v14 =	vld [tilespmem:s15+$0x2C10]  }
0x60: {  	v11 =	vld [tilespmem:s15+$0x2C20]  }
0x61: {  	v10 =	vld [tilespmem:s15+$0x2C30]  }
0x62: {  	v9 =	vld [tilespmem:s15+$0x2C40]  }
0x63: {  	v8 =	vld [tilespmem:s15+$0x2C50];
	v13 =	vadd.f32 v13, v7  }
0x64: {  	s16 =	simm.s32 $0x200;
	v12 =	vadd.f32 v14, v12;
	v7 =	vld [tilespmem:s15+$0x2C60]  }
.LBB2_7:
0x65: {  	s17 =	sshra.s32 s16, $0x2;
	p0 =	sne.s32 s16, $0x4E00;
	v13 =	vmax.f32 v13, $0.0e+00;
	v6 =	vadd.f32 v11, v6;
	v11 =	vld [tilespmem:s15+$0x2C70]  }
0x66: {  	v14 =	vld [tilespmem:s17+$0x400];
	[tilespmem:s15+$0x2C00] =	vst v13;
	v12 =	vmax.f32 v12, $0.0e+00;
	v5 =	vadd.f32 v10, v5  }
0x67: {  	v15 =	vld [tilespmem:s17+$0x410];
	[tilespmem:s15+$0x2C10] =	vst v12;
	v10 =	vmax.f32 v6, $0.0e+00;
	v4 =	vadd.f32 v9, v4  }
0x68: {  	v6 =	vld [tilespmem:s17+$0x420];
	[tilespmem:s15+$0x2C20] =	vst v10;
	v9 =	vmax.f32 v5, $0.0e+00;
	v3 =	vadd.f32 v8, v3  }
0x69: {  	v5 =	vld [tilespmem:s17+$0x430];
	[tilespmem:s15+$0x2C30] =	vst v9;
	v8 =	vmax.f32 v4, $0.0e+00;
	v2 =	vadd.f32 v7, v2  }
0x6a: {  	v4 =	vld [tilespmem:s17+$0x440];
	[tilespmem:s15+$0x2C40] =	vst v8;
	v7 =	vmax.f32 v3, $0.0e+00;
	v1 =	vadd.f32 v11, v1  }
0x6b: {  	v3 =	vld [tilespmem:s17+$0x450];
	[tilespmem:s15+$0x2C50] =	vst v7;
	v7 =	vmax.f32 v2, $0.0e+00  }
0x6c: {  	v2 =	vld [tilespmem:s17+$0x460];
	[tilespmem:s15+$0x2C60] =	vst v7;
	v7 =	vmax.f32 v1, $0.0e+00  }
0x6d: {  	v1 =	vld [tilespmem:s17+$0x470];
	[tilespmem:s15+$0x2C70] =	vst v7;
	s15 =	smov.u32 s17  }
0x6e: {  	v7 =	vld [tilespmem:s15+$0x2C00]  }
0x6f: {  	v12 =	vld [tilespmem:s15+$0x2C10]  }
.Ltmp2:
0x70: {  	v11 =	vld [tilespmem:s15+$0x2C20];
	(pc) =	sbr.rel @p0 .LBB2_7-.Ltmp2, $4  }
0x71: {  	v10 =	vld [tilespmem:s15+$0x2C30]  }
0x72: {  	v9 =	vld [tilespmem:s15+$0x2C40]  }
0x73: {  	v13 =	vadd.f32 v7, v14;
	v8 =	vld [tilespmem:s15+$0x2C50]  }
0x74: {  	s16 =	sadd.s32 $0x200, s16;
	v12 =	vadd.f32 v12, v15;
	v7 =	vld [tilespmem:s15+$0x2C60]  }
0x75: {  	v13 =	vmax.f32 v13, $0.0e+00;
	v6 =	vadd.f32 v11, v6;
	v11 =	vld [tilespmem:s15+$0x2C70]  }
0x76: {  	[tilespmem:s15+$0x2C00] =	vst v13;
	v12 =	vmax.f32 v12, $0.0e+00;
	v5 =	vadd.f32 v10, v5  }
0x77: {  	[tilespmem:s15+$0x2C10] =	vst v12;
	v6 =	vmax.f32 v6, $0.0e+00;
	v4 =	vadd.f32 v9, v4  }
0x78: {  	[tilespmem:s15+$0x2C20] =	vst v6;
	v5 =	vmax.f32 v5, $0.0e+00;
	v3 =	vadd.f32 v8, v3  }
0x79: {  	[tilespmem:s15+$0x2C30] =	vst v5;
	v4 =	vmax.f32 v4, $0.0e+00;
	v2 =	vadd.f32 v7, v2  }
0x7a: {  	[tilespmem:s15+$0x2C40] =	vst v4;
	v3 =	vmax.f32 v3, $0.0e+00;
	v1 =	vadd.f32 v11, v1  }
0x7b: {  	[tilespmem:s15+$0x2C50] =	vst v3;
	v2 =	vmax.f32 v2, $0.0e+00  }
0x7c: {  	[tilespmem:s15+$0x2C60] =	vst v2;
	v1 =	vmax.f32 v1, $0.0e+00  }
0x7d: {  	[tilespmem:s15+$0x2C70] =	vst v1  }
0x7e: {  	[spmem:s2] =	stream.indirect.scatter.add.f32 [tilespmem:s28], [sflag:$0x7], $0x80, s23, s25, $0xb8;
	[tilespmem:$0x19C00] =	vst v63  }
0x7f: {  	_ =	swait.ge [sflag:s22], $0x1400  }
0x80: {  	[sflag:s22] =	ssyncset.done $0x0  }
0x81: {  	[sflag:s22] =	ssyncadd.s32 $0xFFFFEC00  }
0x82: {  	_ =	swait.ge [sflag:s11], $0x100  }
0x83: {  	[sflag:s11] =	ssyncset.done $0x0  }
0x84: {  	[sflag:s11] =	ssyncadd.s32 $0xFFFFFF00  }
0x85: {  	_ =	swait.ge [sflag:s11], $0x100  }
0x86: {  	[sflag:s11] =	ssyncset.done $0x0;
	s17 =	rddreg [dreg:$0x9]  }
0x87: {  	[sflag:s11] =	ssyncadd.s32 $0xFFFFFF00;
	s15 =	sadd.s32 s13, s17  }
0x88: {  	[tilespmem:s26], [sflag:$0x1] =	stream.indirect.gather [hbm4b:s1+s25], $0x80, s29, s25, $0xb8;
	[tilespmem:$0x19C00] =	vst v63  }
0x89: {  	s15 =	sshll.u32 s15, $0x4  }
0x8a: {  	s16 =	simm.s32 $0x0;
	s15 =	sadd.s32 s5, s15  }
0x8b: {  	[tilespmem:s28], [sflag:$0x3] =	stream.linear.gather [hbm4b:s15+s16], $0x1400, $0x38;
	[tilespmem:$0x19C00] =	vst v63  }
0x8c: {  	_ =	swait.ge [sflag:s18], $0x1400  }
0x8d: {  	[sflag:s18] =	ssyncset.done $0x0  }
0x8e: {  	[sflag:s18] =	ssyncadd.s32 $0xFFFFEC00  }
0x8f: {  	_ =	swait.ge [sflag:s19], $0x1400  }
0x90: {  	[sflag:s19] =	ssyncset.done $0x0  }
0x91: {  	s15 =	simm.s32 $0x0;
	[sflag:s19] =	ssyncadd.s32 $0xFFFFEC00  }
0x92: {  	v7 =	vld [tilespmem:s15+$0x1800]  }
0x93: {  	v12 =	vld [tilespmem:s15+$0x1810]  }
0x94: {  	v6 =	vld [tilespmem:s15+$0x1820]  }
0x95: {  	v5 =	vld [tilespmem:s15+$0x1830]  }
0x96: {  	v4 =	vld [tilespmem:s15+$0x1840]  }
0x97: {  	v3 =	vld [tilespmem:s15+$0x1850]  }
0x98: {  	v2 =	vld [tilespmem:s15+$0x1860]  }
0x99: {  	v1 =	vld [tilespmem:s15+$0x1870]  }
0x9a: {  	v13 =	vld [tilespmem:s15+$0x4000]  }
0x9b: {  	v14 =	vld [tilespmem:s15+$0x4010]  }
0x9c: {  	v11 =	vld [tilespmem:s15+$0x4020]  }
0x9d: {  	v10 =	vld [tilespmem:s15+$0x4030]  }
0x9e: {  	v9 =	vld [tilespmem:s15+$0x4040]  }
0x9f: {  	v8 =	vld [tilespmem:s15+$0x4050];
	v13 =	vadd.f32 v13, v7  }
0xa0: {  	s16 =	simm.s32 $0x200;
	v12 =	vadd.f32 v14, v12;
	v7 =	vld [tilespmem:s15+$0x4060]  }
.LBB2_9:
0xa1: {  	s17 =	sshra.s32 s16, $0x2;
	p0 =	sne.s32 s16, $0x4E00;
	v13 =	vmax.f32 v13, $0.0e+00;
	v6 =	vadd.f32 v11, v6;
	v11 =	vld [tilespmem:s15+$0x4070]  }
0xa2: {  	v14 =	vld [tilespmem:s17+$0x1800];
	[tilespmem:s15+$0x4000] =	vst v13;
	v12 =	vmax.f32 v12, $0.0e+00;
	v5 =	vadd.f32 v10, v5  }
0xa3: {  	v15 =	vld [tilespmem:s17+$0x1810];
	[tilespmem:s15+$0x4010] =	vst v12;
	v10 =	vmax.f32 v6, $0.0e+00;
	v4 =	vadd.f32 v9, v4  }
0xa4: {  	v6 =	vld [tilespmem:s17+$0x1820];
	[tilespmem:s15+$0x4020] =	vst v10;
	v9 =	vmax.f32 v5, $0.0e+00;
	v3 =	vadd.f32 v8, v3  }
0xa5: {  	v5 =	vld [tilespmem:s17+$0x1830];
	[tilespmem:s15+$0x4030] =	vst v9;
	v8 =	vmax.f32 v4, $0.0e+00;
	v2 =	vadd.f32 v7, v2  }
0xa6: {  	v4 =	vld [tilespmem:s17+$0x1840];
	[tilespmem:s15+$0x4040] =	vst v8;
	v7 =	vmax.f32 v3, $0.0e+00;
	v1 =	vadd.f32 v11, v1  }
0xa7: {  	v3 =	vld [tilespmem:s17+$0x1850];
	[tilespmem:s15+$0x4050] =	vst v7;
	v7 =	vmax.f32 v2, $0.0e+00  }
0xa8: {  	v2 =	vld [tilespmem:s17+$0x1860];
	[tilespmem:s15+$0x4060] =	vst v7;
	v7 =	vmax.f32 v1, $0.0e+00  }
0xa9: {  	v1 =	vld [tilespmem:s17+$0x1870];
	[tilespmem:s15+$0x4070] =	vst v7;
	s15 =	smov.u32 s17  }
0xaa: {  	v7 =	vld [tilespmem:s15+$0x4000]  }
0xab: {  	v12 =	vld [tilespmem:s15+$0x4010]  }
.Ltmp3:
0xac: {  	v11 =	vld [tilespmem:s15+$0x4020];
	(pc) =	sbr.rel @p0 .LBB2_9-.Ltmp3, $4  }
0xad: {  	v10 =	vld [tilespmem:s15+$0x4030]  }
0xae: {  	v9 =	vld [tilespmem:s15+$0x4040]  }
0xaf: {  	v13 =	vadd.f32 v7, v14;
	v8 =	vld [tilespmem:s15+$0x4050]  }
0xb0: {  	s16 =	sadd.s32 $0x200, s16;
	v12 =	vadd.f32 v12, v15;
	v7 =	vld [tilespmem:s15+$0x4060]  }
0xb1: {  	v13 =	vmax.f32 v13, $0.0e+00;
	v6 =	vadd.f32 v11, v6;
	v11 =	vld [tilespmem:s15+$0x4070]  }
0xb2: {  	[tilespmem:s15+$0x4000] =	vst v13;
	v12 =	vmax.f32 v12, $0.0e+00;
	v5 =	vadd.f32 v10, v5  }
0xb3: {  	[tilespmem:s15+$0x4010] =	vst v12;
	v6 =	vmax.f32 v6, $0.0e+00;
	v4 =	vadd.f32 v9, v4  }
0xb4: {  	[tilespmem:s15+$0x4020] =	vst v6;
	v5 =	vmax.f32 v5, $0.0e+00;
	v3 =	vadd.f32 v8, v3  }
0xb5: {  	[tilespmem:s15+$0x4030] =	vst v5;
	v4 =	vmax.f32 v4, $0.0e+00;
	v2 =	vadd.f32 v7, v2  }
0xb6: {  	[tilespmem:s15+$0x4040] =	vst v4;
	v3 =	vmax.f32 v3, $0.0e+00;
	v1 =	vadd.f32 v11, v1  }
0xb7: {  	[tilespmem:s15+$0x4050] =	vst v3;
	v2 =	vmax.f32 v2, $0.0e+00  }
0xb8: {  	[tilespmem:s15+$0x4060] =	vst v2;
	v1 =	vmax.f32 v1, $0.0e+00  }
0xb9: {  	s17 =	simm.s32 $0x280;
	[tilespmem:s15+$0x4070] =	vst v1  }
0xba: {  	[spmem:s2] =	stream.indirect.scatter.add.f32 [tilespmem:s4], [sflag:$0x7], $0x80, s17, s25, $0xb8;
	[tilespmem:$0x19C00] =	vst v63  }
0xbb: {  	_ =	swait.ge [sflag:s22], $0x1400  }
0xbc: {  	s16 =	rddreg [dreg:$0xa]  }
0xbd: {  	s14 =	sadd.s32 s14, s16  }
0xbe: {  	[sflag:s22] =	ssyncset.done $0x0;
	s14 =	sshrl.u32 s14, $0x3  }
0xbf: {  	[sflag:s22] =	ssyncadd.s32 $0xFFFFEC00;
	s16 =	simm.s32 $0x0;
	s17 =	sadd.s32 s6, s14  }
0xc0: {  	[tilespmem:s16], [sflag:$0x5] =	stream.linear.gather [hbm4b:s17+s16], $0x100, $0x38;
	[tilespmem:$0x19C00] =	vst v63  }
0xc1: {  	s14 =	sadd.s32 s7, s14;
	s17 =	rddreg [dreg:$0xb]  }
0xc2: {  	[tilespmem:s23], [sflag:$0x5] =	stream.linear.gather [hbm4b:s14+s16], $0x100, $0x38;
	[tilespmem:$0x19C00] =	vst v63  }
0xc3: {  	s14 =	sadd.s32 s13, s17  }
0xc4: {  	s15 =	simm.s32 $0x180;
	s14 =	sshll.u32 s14, $0x4  }
0xc5: {  	[tilespmem:s0], [sflag:$0x2] =	stream.indirect.gather [hbm4b:s1+s25], $0x80, s15, s25, $0xb8;
	[tilespmem:$0x19C00] =	vst v63  }
0xc6: {  	s14 =	sadd.s32 s5, s14  }
0xc7: {  	[tilespmem:s4], [sflag:$0x4] =	stream.linear.gather [hbm4b:s14+s16], $0x1400, $0x38;
	[tilespmem:$0x19C00] =	vst v63  }
0xc8: {  	_ =	swait.ge [sflag:s9], $0x1400  }
0xc9: {  	[sflag:s9] =	ssyncset.done $0x0  }
0xca: {  	[sflag:s9] =	ssyncadd.s32 $0xFFFFEC00  }
0xcb: {  	_ =	swait.ge [sflag:s10], $0x1400  }
0xcc: {  	[sflag:s10] =	ssyncset.done $0x0  }
0xcd: {  	s14 =	simm.s32 $0x0;
	[sflag:s10] =	ssyncadd.s32 $0xFFFFEC00  }
0xce: {  	v7 =	vld [tilespmem:s14+$0x400]  }
0xcf: {  	v12 =	vld [tilespmem:s14+$0x410]  }
0xd0: {  	v6 =	vld [tilespmem:s14+$0x420]  }
0xd1: {  	v5 =	vld [tilespmem:s14+$0x430]  }
0xd2: {  	v4 =	vld [tilespmem:s14+$0x440]  }
0xd3: {  	v3 =	vld [tilespmem:s14+$0x450]  }
0xd4: {  	v2 =	vld [tilespmem:s14+$0x460]  }
0xd5: {  	v1 =	vld [tilespmem:s14+$0x470]  }
0xd6: {  	v13 =	vld [tilespmem:s14+$0x2C00]  }
0xd7: {  	v14 =	vld [tilespmem:s14+$0x2C10]  }
0xd8: {  	v11 =	vld [tilespmem:s14+$0x2C20]  }
0xd9: {  	v10 =	vld [tilespmem:s14+$0x2C30]  }
0xda: {  	v9 =	vld [tilespmem:s14+$0x2C40]  }
0xdb: {  	v8 =	vld [tilespmem:s14+$0x2C50];
	v13 =	vadd.f32 v13, v7  }
0xdc: {  	s15 =	simm.s32 $0x200;
	v12 =	vadd.f32 v14, v12;
	v7 =	vld [tilespmem:s14+$0x2C60]  }
.LBB2_11:
0xdd: {  	s16 =	sshra.s32 s15, $0x2;
	p0 =	sne.s32 s15, $0x4E00;
	v13 =	vmax.f32 v13, $0.0e+00;
	v6 =	vadd.f32 v11, v6;
	v11 =	vld [tilespmem:s14+$0x2C70]  }
0xde: {  	v14 =	vld [tilespmem:s16+$0x400];
	[tilespmem:s14+$0x2C00] =	vst v13;
	v12 =	vmax.f32 v12, $0.0e+00;
	v5 =	vadd.f32 v10, v5  }
0xdf: {  	v15 =	vld [tilespmem:s16+$0x410];
	[tilespmem:s14+$0x2C10] =	vst v12;
	v10 =	vmax.f32 v6, $0.0e+00;
	v4 =	vadd.f32 v9, v4  }
0xe0: {  	v6 =	vld [tilespmem:s16+$0x420];
	[tilespmem:s14+$0x2C20] =	vst v10;
	v9 =	vmax.f32 v5, $0.0e+00;
	v3 =	vadd.f32 v8, v3  }
0xe1: {  	v5 =	vld [tilespmem:s16+$0x430];
	[tilespmem:s14+$0x2C30] =	vst v9;
	v8 =	vmax.f32 v4, $0.0e+00;
	v2 =	vadd.f32 v7, v2  }
0xe2: {  	v4 =	vld [tilespmem:s16+$0x440];
	[tilespmem:s14+$0x2C40] =	vst v8;
	v7 =	vmax.f32 v3, $0.0e+00;
	v1 =	vadd.f32 v11, v1  }
0xe3: {  	v3 =	vld [tilespmem:s16+$0x450];
	[tilespmem:s14+$0x2C50] =	vst v7;
	v7 =	vmax.f32 v2, $0.0e+00  }
0xe4: {  	v2 =	vld [tilespmem:s16+$0x460];
	[tilespmem:s14+$0x2C60] =	vst v7;
	v7 =	vmax.f32 v1, $0.0e+00  }
0xe5: {  	v1 =	vld [tilespmem:s16+$0x470];
	[tilespmem:s14+$0x2C70] =	vst v7;
	s14 =	smov.u32 s16  }
0xe6: {  	v7 =	vld [tilespmem:s14+$0x2C00]  }
0xe7: {  	v12 =	vld [tilespmem:s14+$0x2C10]  }
.Ltmp4:
0xe8: {  	v11 =	vld [tilespmem:s14+$0x2C20];
	(pc) =	sbr.rel @p0 .LBB2_11-.Ltmp4, $4  }
0xe9: {  	v10 =	vld [tilespmem:s14+$0x2C30]  }
0xea: {  	v9 =	vld [tilespmem:s14+$0x2C40]  }
0xeb: {  	v13 =	vadd.f32 v7, v14;
	v8 =	vld [tilespmem:s14+$0x2C50]  }
0xec: {  	s15 =	sadd.s32 $0x200, s15;
	v12 =	vadd.f32 v12, v15;
	v7 =	vld [tilespmem:s14+$0x2C60]  }
0xed: {  	v13 =	vmax.f32 v13, $0.0e+00;
	v6 =	vadd.f32 v11, v6;
	v11 =	vld [tilespmem:s14+$0x2C70]  }
0xee: {  	[tilespmem:s14+$0x2C00] =	vst v13;
	v12 =	vmax.f32 v12, $0.0e+00;
	v5 =	vadd.f32 v10, v5  }
0xef: {  	[tilespmem:s14+$0x2C10] =	vst v12;
	v6 =	vmax.f32 v6, $0.0e+00;
	v4 =	vadd.f32 v9, v4  }
0xf0: {  	[tilespmem:s14+$0x2C20] =	vst v6;
	v5 =	vmax.f32 v5, $0.0e+00;
	v3 =	vadd.f32 v8, v3  }
0xf1: {  	[tilespmem:s14+$0x2C30] =	vst v5;
	v4 =	vmax.f32 v4, $0.0e+00;
	v2 =	vadd.f32 v7, v2  }
0xf2: {  	[tilespmem:s14+$0x2C40] =	vst v4;
	v3 =	vmax.f32 v3, $0.0e+00;
	v1 =	vadd.f32 v11, v1  }
0xf3: {  	[tilespmem:s14+$0x2C50] =	vst v3;
	v2 =	vmax.f32 v2, $0.0e+00  }
0xf4: {  	[tilespmem:s14+$0x2C60] =	vst v2;
	v1 =	vmax.f32 v1, $0.0e+00  }
0xf5: {  	[tilespmem:s14+$0x2C70] =	vst v1  }
0xf6: {  	[spmem:s2] =	stream.indirect.scatter.add.f32 [tilespmem:s28], [sflag:$0x7], $0x80, s30, s25, $0xb8;
	[tilespmem:$0x19C00] =	vst v63  }
0xf7: {  	_ =	swait.ge [sflag:s22], $0x1400  }
0xf8: {  	[sflag:s22] =	ssyncset.done $0x0  }
0xf9: {  	[sflag:s22] =	ssyncadd.s32 $0xFFFFEC00  }
0xfa: {  	_ =	swait.ge [sflag:s24], $0x100  }
0xfb: {  	[sflag:s24] =	ssyncset.done $0x0  }
0xfc: {  	[sflag:s24] =	ssyncadd.s32 $0xFFFFFF00  }
0xfd: {  	_ =	swait.ge [sflag:s24], $0x100  }
0xfe: {  	[sflag:s24] =	ssyncset.done $0x0;
	s15 =	rddreg [dreg:$0xc]  }
0xff: {  	s17 =	simm.s32 $0x0;
	[sflag:s24] =	ssyncadd.s32 $0xFFFFFF00;
	s13 =	sadd.s32 s13, s15  }
0x100: {  	[tilespmem:s26], [sflag:$0x1] =	stream.indirect.gather [hbm4b:s1+s25], $0x80, s17, s25, $0xb8;
	[tilespmem:$0x19C00] =	vst v63  }
0x101: {  	s13 =	sshll.u32 s13, $0x4  }
0x102: {  	s13 =	sadd.s32 s5, s13  }
0x103: {  	[tilespmem:s28], [sflag:$0x3] =	stream.linear.gather [hbm4b:s13+s17], $0x1400, $0x38;
	[tilespmem:$0x19C00] =	vst v63  }
0x104: {  	_ =	swait.ge [sflag:s18], $0x1400  }
0x105: {  	[sflag:s18] =	ssyncset.done $0x0  }
0x106: {  	[sflag:s18] =	ssyncadd.s32 $0xFFFFEC00  }
0x107: {  	_ =	swait.ge [sflag:s19], $0x1400  }
0x108: {  	[sflag:s19] =	ssyncset.done $0x0  }
0x109: {  	s13 =	simm.s32 $0x0;
	[sflag:s19] =	ssyncadd.s32 $0xFFFFEC00  }
0x10a: {  	v7 =	vld [tilespmem:s13+$0x1800]  }
0x10b: {  	v12 =	vld [tilespmem:s13+$0x1810]  }
0x10c: {  	v6 =	vld [tilespmem:s13+$0x1820]  }
0x10d: {  	v5 =	vld [tilespmem:s13+$0x1830]  }
0x10e: {  	v4 =	vld [tilespmem:s13+$0x1840]  }
0x10f: {  	v3 =	vld [tilespmem:s13+$0x1850]  }
0x110: {  	v2 =	vld [tilespmem:s13+$0x1860]  }
0x111: {  	v1 =	vld [tilespmem:s13+$0x1870]  }
0x112: {  	v13 =	vld [tilespmem:s13+$0x4000]  }
0x113: {  	v14 =	vld [tilespmem:s13+$0x4010]  }
0x114: {  	v11 =	vld [tilespmem:s13+$0x4020]  }
0x115: {  	v10 =	vld [tilespmem:s13+$0x4030]  }
0x116: {  	v9 =	vld [tilespmem:s13+$0x4040]  }
0x117: {  	v8 =	vld [tilespmem:s13+$0x4050];
	v13 =	vadd.f32 v13, v7  }
0x118: {  	s14 =	simm.s32 $0x200;
	v12 =	vadd.f32 v14, v12;
	v7 =	vld [tilespmem:s13+$0x4060]  }
.LBB2_13:
0x119: {  	s15 =	sshra.s32 s14, $0x2;
	p0 =	sne.s32 s14, $0x4E00;
	v13 =	vmax.f32 v13, $0.0e+00;
	v6 =	vadd.f32 v11, v6;
	v11 =	vld [tilespmem:s13+$0x4070]  }
0x11a: {  	v14 =	vld [tilespmem:s15+$0x1800];
	[tilespmem:s13+$0x4000] =	vst v13;
	v12 =	vmax.f32 v12, $0.0e+00;
	v5 =	vadd.f32 v10, v5  }
0x11b: {  	v15 =	vld [tilespmem:s15+$0x1810];
	[tilespmem:s13+$0x4010] =	vst v12;
	v10 =	vmax.f32 v6, $0.0e+00;
	v4 =	vadd.f32 v9, v4  }
0x11c: {  	v6 =	vld [tilespmem:s15+$0x1820];
	[tilespmem:s13+$0x4020] =	vst v10;
	v9 =	vmax.f32 v5, $0.0e+00;
	v3 =	vadd.f32 v8, v3  }
0x11d: {  	v5 =	vld [tilespmem:s15+$0x1830];
	[tilespmem:s13+$0x4030] =	vst v9;
	v8 =	vmax.f32 v4, $0.0e+00;
	v2 =	vadd.f32 v7, v2  }
0x11e: {  	v4 =	vld [tilespmem:s15+$0x1840];
	[tilespmem:s13+$0x4040] =	vst v8;
	v7 =	vmax.f32 v3, $0.0e+00;
	v1 =	vadd.f32 v11, v1  }
0x11f: {  	v3 =	vld [tilespmem:s15+$0x1850];
	[tilespmem:s13+$0x4050] =	vst v7;
	v7 =	vmax.f32 v2, $0.0e+00  }
0x120: {  	v2 =	vld [tilespmem:s15+$0x1860];
	[tilespmem:s13+$0x4060] =	vst v7;
	v7 =	vmax.f32 v1, $0.0e+00  }
0x121: {  	v1 =	vld [tilespmem:s15+$0x1870];
	[tilespmem:s13+$0x4070] =	vst v7;
	s13 =	smov.u32 s15  }
0x122: {  	v7 =	vld [tilespmem:s13+$0x4000]  }
0x123: {  	v12 =	vld [tilespmem:s13+$0x4010]  }
.Ltmp5:
0x124: {  	v11 =	vld [tilespmem:s13+$0x4020];
	(pc) =	sbr.rel @p0 .LBB2_13-.Ltmp5, $4  }
0x125: {  	v10 =	vld [tilespmem:s13+$0x4030]  }
0x126: {  	v9 =	vld [tilespmem:s13+$0x4040]  }
0x127: {  	v13 =	vadd.f32 v7, v14;
	v8 =	vld [tilespmem:s13+$0x4050]  }
0x128: {  	s14 =	sadd.s32 $0x200, s14;
	v12 =	vadd.f32 v12, v15;
	v7 =	vld [tilespmem:s13+$0x4060]  }
0x129: {  	v13 =	vmax.f32 v13, $0.0e+00;
	v6 =	vadd.f32 v11, v6;
	v63 =	vld [tilespmem:s13+$0x4070]  }
0x12a: {  	[tilespmem:s13+$0x4000] =	vst v13;
	v12 =	vmax.f32 v12, $0.0e+00;
	v5 =	vadd.f32 v10, v5  }
0x12b: {  	[tilespmem:s13+$0x4010] =	vst v12;
	v6 =	vmax.f32 v6, $0.0e+00;
	v4 =	vadd.f32 v9, v4  }
0x12c: {  	[tilespmem:s13+$0x4020] =	vst v6;
	v5 =	vmax.f32 v5, $0.0e+00;
	v3 =	vadd.f32 v8, v3  }
0x12d: {  	[tilespmem:s13+$0x4030] =	vst v5;
	v4 =	vmax.f32 v4, $0.0e+00;
	v2 =	vadd.f32 v7, v2  }
0x12e: {  	[tilespmem:s13+$0x4040] =	vst v4;
	v3 =	vmax.f32 v3, $0.0e+00;
	v1 =	vadd.f32 v63, v1  }
0x12f: {  	s12 =	sadd.s32 $0x1, s12;
	[tilespmem:s13+$0x4050] =	vst v3;
	v2 =	vmax.f32 v2, $0.0e+00  }
0x130: {  	p0 =	sne.s32 s12, $0x3E;
	[tilespmem:s13+$0x4060] =	vst v2;
	v1 =	vmax.f32 v1, $0.0e+00  }
.Ltmp6:
0x131: {  	s17 =	simm.s32 $0x380;
	[tilespmem:s13+$0x4070] =	vst v1;
	(pc) =	sbr.rel @p0 .LBB2_6-.Ltmp6, $4  }
0x132: {  	[spmem:s2] =	stream.indirect.scatter.add.f32 [tilespmem:s4], [sflag:$0x7], $0x80, s17, s25, $0xb8;
	[tilespmem:$0x19C00] =	vst v63  }
0x133: {  	_ =	swait.ge [sflag:s22], $0x1400  }
0x134: {  	[sflag:s22] =	ssyncset.done $0x0  }
0x135: {  	[sflag:s22] =	ssyncadd.s32 $0xFFFFEC00  }
0x136: {  	s12 =	simm.s32 $0x80  }
0x137: {  	[tilespmem:s0], [sflag:$0x2] =	stream.indirect.gather [hbm4b:s1+s25], $0x80, s12, s25, $0xb8;
	[tilespmem:$0x19C00] =	vst v63  }
0x138: {  	s17 =	simm.s32 $0x0;
	s13 =	rddreg [dreg:$0xd]  }
0x139: {  	[tilespmem:s4], [sflag:$0x4] =	stream.linear.gather [hbm4b:s13+s17], $0x1400, $0x38;
	[tilespmem:$0x19C00] =	vst v63  }
0x13a: {  	_ =	swait.ge [sflag:s9], $0x1400  }
0x13b: {  	[sflag:s9] =	ssyncset.done $0x0  }
0x13c: {  	[sflag:s9] =	ssyncadd.s32 $0xFFFFEC00  }
0x13d: {  	_ =	swait.ge [sflag:s10], $0x1400  }
0x13e: {  	[sflag:s10] =	ssyncset.done $0x0  }
0x13f: {  	s12 =	simm.s32 $0x0;
	[sflag:s10] =	ssyncadd.s32 $0xFFFFEC00  }
0x140: {  	v7 =	vld [tilespmem:s12+$0x400]  }
0x141: {  	v12 =	vld [tilespmem:s12+$0x410]  }
0x142: {  	v6 =	vld [tilespmem:s12+$0x420]  }
0x143: {  	v5 =	vld [tilespmem:s12+$0x430]  }
0x144: {  	v4 =	vld [tilespmem:s12+$0x440]  }
0x145: {  	v3 =	vld [tilespmem:s12+$0x450]  }
0x146: {  	v2 =	vld [tilespmem:s12+$0x460]  }
0x147: {  	v1 =	vld [tilespmem:s12+$0x470]  }
0x148: {  	v13 =	vld [tilespmem:s12+$0x2C00]  }
0x149: {  	v14 =	vld [tilespmem:s12+$0x2C10]  }
0x14a: {  	v11 =	vld [tilespmem:s12+$0x2C20]  }
0x14b: {  	v10 =	vld [tilespmem:s12+$0x2C30]  }
0x14c: {  	v9 =	vld [tilespmem:s12+$0x2C40]  }
0x14d: {  	v8 =	vld [tilespmem:s12+$0x2C50];
	v13 =	vadd.f32 v13, v7  }
0x14e: {  	s13 =	simm.s32 $0x200;
	v12 =	vadd.f32 v14, v12;
	v7 =	vld [tilespmem:s12+$0x2C60]  }
.LBB2_16:
0x14f: {  	s14 =	sshra.s32 s13, $0x2;
	p0 =	sne.s32 s13, $0x4E00;
	v13 =	vmax.f32 v13, $0.0e+00;
	v6 =	vadd.f32 v11, v6;
	v11 =	vld [tilespmem:s12+$0x2C70]  }
0x150: {  	v14 =	vld [tilespmem:s14+$0x400];
	[tilespmem:s12+$0x2C00] =	vst v13;
	v12 =	vmax.f32 v12, $0.0e+00;
	v5 =	vadd.f32 v10, v5  }
0x151: {  	v15 =	vld [tilespmem:s14+$0x410];
	[tilespmem:s12+$0x2C10] =	vst v12;
	v10 =	vmax.f32 v6, $0.0e+00;
	v4 =	vadd.f32 v9, v4  }
0x152: {  	v6 =	vld [tilespmem:s14+$0x420];
	[tilespmem:s12+$0x2C20] =	vst v10;
	v9 =	vmax.f32 v5, $0.0e+00;
	v3 =	vadd.f32 v8, v3  }
0x153: {  	v5 =	vld [tilespmem:s14+$0x430];
	[tilespmem:s12+$0x2C30] =	vst v9;
	v8 =	vmax.f32 v4, $0.0e+00;
	v2 =	vadd.f32 v7, v2  }
0x154: {  	v4 =	vld [tilespmem:s14+$0x440];
	[tilespmem:s12+$0x2C40] =	vst v8;
	v7 =	vmax.f32 v3, $0.0e+00;
	v1 =	vadd.f32 v11, v1  }
0x155: {  	v3 =	vld [tilespmem:s14+$0x450];
	[tilespmem:s12+$0x2C50] =	vst v7;
	v7 =	vmax.f32 v2, $0.0e+00  }
0x156: {  	v2 =	vld [tilespmem:s14+$0x460];
	[tilespmem:s12+$0x2C60] =	vst v7;
	v7 =	vmax.f32 v1, $0.0e+00  }
0x157: {  	v1 =	vld [tilespmem:s14+$0x470];
	[tilespmem:s12+$0x2C70] =	vst v7;
	s12 =	smov.u32 s14  }
0x158: {  	v7 =	vld [tilespmem:s12+$0x2C00]  }
0x159: {  	v12 =	vld [tilespmem:s12+$0x2C10]  }
.Ltmp7:
0x15a: {  	v11 =	vld [tilespmem:s12+$0x2C20];
	(pc) =	sbr.rel @p0 .LBB2_16-.Ltmp7, $4  }
0x15b: {  	v10 =	vld [tilespmem:s12+$0x2C30]  }
0x15c: {  	v9 =	vld [tilespmem:s12+$0x2C40]  }
0x15d: {  	v13 =	vadd.f32 v7, v14;
	v8 =	vld [tilespmem:s12+$0x2C50]  }
0x15e: {  	s13 =	sadd.s32 $0x200, s13;
	v12 =	vadd.f32 v12, v15;
	v7 =	vld [tilespmem:s12+$0x2C60]  }
0x15f: {  	v13 =	vmax.f32 v13, $0.0e+00;
	v6 =	vadd.f32 v11, v6;
	v11 =	vld [tilespmem:s12+$0x2C70]  }
0x160: {  	[tilespmem:s12+$0x2C00] =	vst v13;
	v12 =	vmax.f32 v12, $0.0e+00;
	v5 =	vadd.f32 v10, v5  }
0x161: {  	[tilespmem:s12+$0x2C10] =	vst v12;
	v6 =	vmax.f32 v6, $0.0e+00;
	v4 =	vadd.f32 v9, v4  }
0x162: {  	[tilespmem:s12+$0x2C20] =	vst v6;
	v5 =	vmax.f32 v5, $0.0e+00;
	v3 =	vadd.f32 v8, v3  }
0x163: {  	[tilespmem:s12+$0x2C30] =	vst v5;
	v4 =	vmax.f32 v4, $0.0e+00;
	v2 =	vadd.f32 v7, v2  }
0x164: {  	[tilespmem:s12+$0x2C40] =	vst v4;
	v3 =	vmax.f32 v3, $0.0e+00;
	v1 =	vadd.f32 v11, v1  }
0x165: {  	[tilespmem:s12+$0x2C50] =	vst v3;
	v2 =	vmax.f32 v2, $0.0e+00  }
0x166: {  	[tilespmem:s12+$0x2C60] =	vst v2;
	v1 =	vmax.f32 v1, $0.0e+00  }
0x167: {  	[tilespmem:s12+$0x2C70] =	vst v1  }
0x168: {  	[spmem:s2] =	stream.indirect.scatter.add.f32 [tilespmem:s28], [sflag:$0x7], $0x80, s23, s25, $0xb8;
	[tilespmem:$0x19C00] =	vst v63  }
0x169: {  	_ =	swait.ge [sflag:s22], $0x1400  }
0x16a: {  	[sflag:s22] =	ssyncset.done $0x0  }
0x16b: {  	[sflag:s22] =	ssyncadd.s32 $0xFFFFEC00  }
0x16c: {  	_ =	swait.ge [sflag:s18], $0x1400  }
0x16d: {  	[sflag:s18] =	ssyncset.done $0x0  }
0x16e: {  	[sflag:s18] =	ssyncadd.s32 $0xFFFFEC00  }
0x16f: {  	_ =	swait.ge [sflag:s19], $0x1400  }
0x170: {  	[sflag:s19] =	ssyncset.done $0x0  }
0x171: {  	s12 =	simm.s32 $0x0;
	[sflag:s19] =	ssyncadd.s32 $0xFFFFEC00  }
0x172: {  	v7 =	vld [tilespmem:s12+$0x1800]  }
0x173: {  	v12 =	vld [tilespmem:s12+$0x1810]  }
0x174: {  	v6 =	vld [tilespmem:s12+$0x1820]  }
0x175: {  	v5 =	vld [tilespmem:s12+$0x1830]  }
0x176: {  	v4 =	vld [tilespmem:s12+$0x1840]  }
0x177: {  	v3 =	vld [tilespmem:s12+$0x1850]  }
0x178: {  	v2 =	vld [tilespmem:s12+$0x1860]  }
0x179: {  	v1 =	vld [tilespmem:s12+$0x1870]  }
0x17a: {  	v13 =	vld [tilespmem:s12+$0x4000]  }
0x17b: {  	v14 =	vld [tilespmem:s12+$0x4010]  }
0x17c: {  	v11 =	vld [tilespmem:s12+$0x4020]  }
0x17d: {  	v10 =	vld [tilespmem:s12+$0x4030]  }
0x17e: {  	v9 =	vld [tilespmem:s12+$0x4040]  }
0x17f: {  	v8 =	vld [tilespmem:s12+$0x4050];
	v13 =	vadd.f32 v13, v7  }
0x180: {  	s13 =	simm.s32 $0x200;
	v12 =	vadd.f32 v14, v12;
	v7 =	vld [tilespmem:s12+$0x4060]  }
.LBB2_18:
0x181: {  	s14 =	sshra.s32 s13, $0x2;
	p0 =	sne.s32 s13, $0x4E00;
	v13 =	vmax.f32 v13, $0.0e+00;
	v6 =	vadd.f32 v11, v6;
	v11 =	vld [tilespmem:s12+$0x4070]  }
0x182: {  	v14 =	vld [tilespmem:s14+$0x1800];
	[tilespmem:s12+$0x4000] =	vst v13;
	v12 =	vmax.f32 v12, $0.0e+00;
	v5 =	vadd.f32 v10, v5  }
0x183: {  	v15 =	vld [tilespmem:s14+$0x1810];
	[tilespmem:s12+$0x4010] =	vst v12;
	v10 =	vmax.f32 v6, $0.0e+00;
	v4 =	vadd.f32 v9, v4  }
0x184: {  	v6 =	vld [tilespmem:s14+$0x1820];
	[tilespmem:s12+$0x4020] =	vst v10;
	v9 =	vmax.f32 v5, $0.0e+00;
	v3 =	vadd.f32 v8, v3  }
0x185: {  	v5 =	vld [tilespmem:s14+$0x1830];
	[tilespmem:s12+$0x4030] =	vst v9;
	v8 =	vmax.f32 v4, $0.0e+00;
	v2 =	vadd.f32 v7, v2  }
0x186: {  	v4 =	vld [tilespmem:s14+$0x1840];
	[tilespmem:s12+$0x4040] =	vst v8;
	v7 =	vmax.f32 v3, $0.0e+00;
	v1 =	vadd.f32 v11, v1  }
0x187: {  	v3 =	vld [tilespmem:s14+$0x1850];
	[tilespmem:s12+$0x4050] =	vst v7;
	v7 =	vmax.f32 v2, $0.0e+00  }
0x188: {  	v2 =	vld [tilespmem:s14+$0x1860];
	[tilespmem:s12+$0x4060] =	vst v7;
	v7 =	vmax.f32 v1, $0.0e+00  }
0x189: {  	v1 =	vld [tilespmem:s14+$0x1870];
	[tilespmem:s12+$0x4070] =	vst v7;
	s12 =	smov.u32 s14  }
0x18a: {  	v7 =	vld [tilespmem:s12+$0x4000]  }
0x18b: {  	v12 =	vld [tilespmem:s12+$0x4010]  }
.Ltmp8:
0x18c: {  	v11 =	vld [tilespmem:s12+$0x4020];
	(pc) =	sbr.rel @p0 .LBB2_18-.Ltmp8, $4  }
0x18d: {  	v10 =	vld [tilespmem:s12+$0x4030]  }
0x18e: {  	v9 =	vld [tilespmem:s12+$0x4040]  }
0x18f: {  	v13 =	vadd.f32 v7, v14;
	v8 =	vld [tilespmem:s12+$0x4050]  }
0x190: {  	s13 =	sadd.s32 $0x200, s13;
	v12 =	vadd.f32 v12, v15;
	v7 =	vld [tilespmem:s12+$0x4060]  }
0x191: {  	v13 =	vmax.f32 v13, $0.0e+00;
	v6 =	vadd.f32 v11, v6;
	v63 =	vld [tilespmem:s12+$0x4070]  }
0x192: {  	[tilespmem:s12+$0x4000] =	vst v13;
	v12 =	vmax.f32 v12, $0.0e+00;
	v5 =	vadd.f32 v10, v5  }
0x193: {  	[tilespmem:s12+$0x4010] =	vst v12;
	v6 =	vmax.f32 v6, $0.0e+00;
	v4 =	vadd.f32 v9, v4  }
0x194: {  	[tilespmem:s12+$0x4020] =	vst v6;
	v5 =	vmax.f32 v5, $0.0e+00;
	v3 =	vadd.f32 v8, v3  }
0x195: {  	[tilespmem:s12+$0x4030] =	vst v5;
	v4 =	vmax.f32 v4, $0.0e+00;
	v2 =	vadd.f32 v7, v2  }
0x196: {  	[tilespmem:s12+$0x4040] =	vst v4;
	v3 =	vmax.f32 v3, $0.0e+00;
	v1 =	vadd.f32 v63, v1  }
0x197: {  	[tilespmem:s12+$0x4050] =	vst v3;
	v2 =	vmax.f32 v2, $0.0e+00  }
0x198: {  	[tilespmem:s12+$0x4060] =	vst v2;
	v1 =	vmax.f32 v1, $0.0e+00  }
0x199: {  	s16 =	simm.s32 $0x280;
	[tilespmem:s12+$0x4070] =	vst v1  }
0x19a: {  	[spmem:s2] =	stream.indirect.scatter.add.f32 [tilespmem:s4], [sflag:$0x7], $0x80, s16, s25, $0xb8;
	[tilespmem:$0x19C00] =	vst v63  }
0x19b: {  	_ =	swait.ge [sflag:s22], $0x1400  }
0x19c: {  	[sflag:s22] =	ssyncset.done $0x0  }
0x19d: {  	[sflag:s22] =	ssyncadd.s32 $0xFFFFEC00  }
0x19e: {  	[bflag:$0x0] =	sbarrier.arrive $0xFFFF  }
0x19f: {  	[tilespmem:s21], [sflag:$0x7] =	stream.linear.gather [spmem:s8], $0x800, $0x38;
	[tilespmem:$0x19C00] =	vst v63  }
0x1a0: {  	_ =	swait.ge [sflag:s22], $0x800  }
0x1a1: {  	[sflag:s22] =	ssyncset.done $0x0  }
0x1a2: {  	s17 =	sadd.s32 $0x0, s20;
	[sflag:s22] =	ssyncadd.s32 $0xFFFFF800  }
0x1a3: {  	[hbm4b:s17+s3] =	stream.linear.scatter [tilespmem:s21], [sflag:$0x7], $0x800, $0x38;
	[tilespmem:$0x19C00] =	vst v63  }
0x1a4: {  	_ =	swait.ge [sflag:s22], $0x800  }
0x1a5: {  	s13 =	smov.u32 s8;
	s12 =	simm.s32 $0x100;
	[sflag:s22] =	ssyncset.done $0x0  }
.LBB2_20:
0x1a6: {  	p0 =	sne.s32 s12, $0x2700;
	[sflag:s22] =	ssyncadd.s32 $0xFFFFF800;
	s13 =	sadd.s32 $0x800, s13  }
0x1a7: {  	[tilespmem:s21], [sflag:$0x7] =	stream.linear.gather [spmem:s13], $0x800, $0x38;
	[tilespmem:$0x19C00] =	vst v63  }
0x1a8: {  	s14 =	smov.u32 s12;
	s12 =	sadd.s32 $0x100, s12;
	_ =	swait.ge [sflag:s22], $0x800  }
.Ltmp9:
0x1a9: {  	[sflag:s22] =	ssyncset.done $0x0;
	(pc) =	sbr.rel @p0 .LBB2_20-.Ltmp9, $4  }
0x1aa: {  	s14 =	sadd.s32 s14, s20;
	[sflag:s22] =	ssyncadd.s32 $0xFFFFF800  }
0x1ab: {  	[hbm4b:s14+s3] =	stream.linear.scatter [tilespmem:s21], [sflag:$0x7], $0x800, $0x38;
	[tilespmem:$0x19C00] =	vst v63  }
0x1ac: {  	_ =	swait.ge [sflag:s22], $0x800  }
0x1ad: {  	[sflag:s22] =	ssyncset.done $0x0  }
0x1ae: {  	s13 =	rddreg [dreg:$0xf]  }
0x1af: {  	s12 =	rddreg [dreg:$0xe];
	s13 =	sadd.s32 $0x1, s13  }
0x1b0: {  	p0 =	sne.s32 s13, s12  }
.Ltmp10:
0x1b1: {  	_ = 	snop;
	(pc) =	sbr.rel @p0 .LBB2_1-.Ltmp10, $2  }
0x1b2: {  	_ =	sdelay $0x2  }
0x1b3: {  	[sflag:s22] =	ssyncadd.s32 $0xFFFFF800  }
0x1b4: {  	_ =	sfence.sel $0x180000  }
0x1b5: {  	[bflag:$0x0] =	sbarrier.arrive $0xFFFF  }
0x1b6: {  	_ =	strace $0x90000047  }
0x1b7: {  	s0 =	stileid.u32;
	[bflag:$0x2] =	sbarrier.arrive $0xFFFF  }
0x1b8: {  	p0 =	sne.s32 s0, $0x0;
	s0 =	rddreg [dreg:$0x3]  }
0x1b9: {  	s0 =	sadd.s32 @!p0 $0x100000, s0  }
0x1ba: {  	[sflag:s0] =	ssyncadd.tile.s32 @!p0 $0x1;
	_ =	shalt  }
.Lfunc_end2:
_tile_overlayer_lowered:
.L_overlay_start_2:
0x1bb: {  	(tag) =	ssettag $0x2  }
0x1bc: {  	s0 =	rddreg [dreg:$0x0];
	s2 =	stileid.u32  }
0x1bd: {  	s1 =	rddreg [dreg:$0x1];
	p0 =	sne.s32 s2, $0x0  }
0x1be: {  	s3 =	rddreg [dreg:$0x2];
	[bflag:$0x3] =	sbarrier.arrive $0xFFFF;
	s2 =	simm.s32 @!p0 $0x1C07  }
0x1bf: {  	[timem:s3], [sflag:s2] =	dma.local @!p0 [hbm:s0], s1  }
0x1c0: {  	s0 =	simm.s32 @!p0 $0x7  }
0x1c1: {  	_ =	swait.ge @!p0 [sflag:s0], s1  }
0x1c2: {  	s1 =	ssub.s32 @!p0 $0x0, s1;
	[sflag:s0] =	ssyncset.done @!p0 $0x0  }
0x1c3: {  	[sflag:s0] =	ssyncadd.s32 @!p0 s1  }
0x1c4: {  	[bflag:$0x3] =	sbarrier.arrive $0xFFFF  }
0x1c5: {  	_ =	shalt  }

// kernel: kernel.18.cloned.1.call-start
scs
__scs_entry_jumppad:
0x0: {  	(pc) =	sbr.rel $0x88, $3  }
0x1: {  	(tag) =	ssettag $0x0;
	lr =	simm.s32 $0x1  }
0x2: {  	[smem:$0x3F81] =	sst lr;
	_ =	strace $0xD0000000  }
0x3: {  	_ = 	snop  }
0x4: {  	_ = 	snop  }
0x5: {  	_ = 	snop  }
0x6: {  	_ = 	snop  }
0x7: {  	_ = 	snop  }
__scs_overlays_trampoline_lowered:
0x8: {  	[smem:$0x3F90] =	sst s0  }
0x9: {  	[smem:$0x3F91] =	sst s1  }
0xa: {  	[smem:$0x3F92] =	sst s2  }
0xb: {  	[smem:$0x3F93] =	sst s3  }
0xc: {  	[smem:$0x3F94] =	sst s4  }
0xd: {  	[smem:$0x3F95] =	sst s5  }
0xe: {  	[smem:$0x3F96] =	sst s6  }
0xf: {  	[smem:$0x3F97] =	sst s7  }
0x10: {  	[smem:$0x3F98] =	sst s8  }
0x11: {  	[smem:$0x3F99] =	sst s9;
	s0 =	simm.s32 @!p0 $0x0  }
0x12: {  	s1 =	sld [smem:$0x3F7F];
	s0 =	simm.s32 @p0 $0x1  }
0x13: {  	[smem:$0x3F9A] =	sst s0;
	s0 =	simm.s32 @!p1 $0x0  }
0x14: {  	s2 =	sld [smem:$0x3F7E];
	s0 =	simm.s32 @p1 $0x1  }
0x15: {  	[smem:$0x3F9B] =	sst s0;
	s0 =	simm.s32 @!p2 $0x0  }
0x16: {  	s3 =	sld [smem:$0x3FDB];
	s0 =	simm.s32 @p2 $0x1  }
0x17: {  	s4 =	simm.s32 $0x1BF5;
	[smem:$0x3F9D] =	sst s0  }
0x18: {  	s0 =	sld [smem:$0x3F80];
	_ =	swait.ge [sflag:s4], $0x0  }
0x19: {  	s7 =	sld [smem:$0x3F81]  }
0x1a: {  	s8 =	sadd.s32 $0xFFFFE003, lr  }
0x1b: {  	s9 =	sadd.s32 $0xFFFFFEF7, lr;
	s5 =	simm.s32 $0xFFFFFFFF;
	p2 =	slt.u32 s8, $0xFFFFF086  }
0x1c: {  	p1 =	slt.u32 s9, $0xF7A;
	s5 =	simm.s32 @!p2 $0x0  }
0x1d: {  	s5 =	simm.s32 @p1 $0x1;
	p0 =	seq.s32 s7, s2  }
0x1e: {  	s7 =	smul.u32 @!p0 $0xF7A, s2;
	p2 =	seq.s32 @!p0 s5, $0x0  }
0x1f: {  	s9 =	smul.u32 $0xF7A, s1;
	s8 =	simm.s32 @!p0 $0x1BF5;
	p2 =	por !p2, p0  }
0x20: {  	[sflag:s8] =	ssyncset.s32 @!p0 $0xFFFFF086;
	s6 =	sadd.s32 @!p0 s3, s7;
	s7 =	simm.s32 @!p0 $0x108  }
0x21: {  	s3 =	sadd.s32 s3, s9;
	s6 =	sadd.s32 @!p0 $0x88, s6;
	s7 =	simm.s32 @p2 $0x1082  }
0x22: {  	[simem:s7], [sflag:s8] =	dma.local @!p0 [hbm:s6], $0xF7A  }
0x23: {  	s9 =	sor.u32 $0xD0000000, s2;
	s6 =	simm.s32 $0x108;
	_ =	swait.ge @!p0 [sflag:s8], $0x0  }
0x24: {  	s3 =	sadd.s32 $0x88, s3;
	s6 =	simm.s32 @!p1 $0x1082;
	[sflag:s4] =	ssyncset.s32 $0xFFFFF086  }
0x25: {  	[simem:s6], [sflag:s4] =	dma.local [hbm:s3], $0xF7A  }
0x26: {  	[smem:$0x3F81] =	sst s1;
	(tag) =	ssettag s2;
	_ =	strace s9  }
0x27: {  	s1 =	sld [smem:$0x3F91]  }
0x28: {  	s2 =	sld [smem:$0x3F92]  }
0x29: {  	s4 =	sld [smem:$0x3F94]  }
0x2a: {  	p0 =	seq.s32 s5, $0x0;
	s5 =	sld [smem:$0x3F95]  }
0x2b: {  	s6 =	sld [smem:$0x3F96]  }
0x2c: {  	s7 =	sld [smem:$0x3F97]  }
0x2d: {  	s3 =	simm.s32 $0x108;
	s8 =	sld [smem:$0x3F98]  }
0x2e: {  	s3 =	simm.s32 @!p0 $0x1082;
	s9 =	sld [smem:$0x3F99]  }
0x2f: {  	lr =	sadd.s32 s0, s3;
	s0 =	sld [smem:$0x3F90]  }
0x30: {  	s3 =	sld [smem:$0x3F93]  }
0x31: {  	[smem:$0x3F9C] =	sst s10  }
0x32: {  	s10 =	sld [smem:$0x3F9A];
	_ =	sdelay $0x3  }
0x33: {  	p0 =	seq.s32 s10, $0x1;
	s10 =	sld [smem:$0x3F9C];
	_ =	sdelay $0x3  }
0x34: {  	[smem:$0x3F9C] =	sst s10  }
0x35: {  	s10 =	sld [smem:$0x3F9B];
	_ =	sdelay $0x3  }
0x36: {  	p1 =	seq.s32 s10, $0x1;
	s10 =	sld [smem:$0x3F9C];
	_ =	sdelay $0x3  }
0x37: {  	[smem:$0x3F9C] =	sst s10  }
0x38: {  	s10 =	sld [smem:$0x3F9D]  }
0x39: {  	_ = 	snop;
	(pc) =	sbr.ind lr, $3  }
0x3a: {  	_ = 	snop  }
0x3b: {  	_ = 	snop  }
0x3c: {  	p2 =	seq.s32 s10, $0x1;
	s10 =	sld [smem:$0x3F9C]  }
0x3d: {  	_ =	shalt  }
0x3e: {  	_ =	shalt  }
0x3f: {  	_ =	shalt  }
0x40: {  	_ =	shalt  }
0x41: {  	_ =	shalt  }
0x42: {  	_ =	shalt  }
0x43: {  	_ =	shalt  }
0x44: {  	_ =	shalt  }
0x45: {  	_ =	shalt  }
0x46: {  	_ =	shalt  }
0x47: {  	_ =	shalt  }
0x48: {  	_ =	shalt  }
0x49: {  	_ =	shalt  }
0x4a: {  	_ =	shalt  }
0x4b: {  	_ =	shalt  }
0x4c: {  	_ =	shalt  }
0x4d: {  	_ =	shalt  }
0x4e: {  	_ =	shalt  }
0x4f: {  	_ =	shalt  }
0x50: {  	_ =	shalt  }
0x51: {  	_ =	shalt  }
0x52: {  	_ =	shalt  }
0x53: {  	_ =	shalt  }
0x54: {  	_ =	shalt  }
0x55: {  	_ =	shalt  }
0x56: {  	_ =	shalt  }
0x57: {  	_ =	shalt  }
0x58: {  	_ =	shalt  }
0x59: {  	_ =	shalt  }
0x5a: {  	_ =	shalt  }
0x5b: {  	_ =	shalt  }
0x5c: {  	_ =	shalt  }
0x5d: {  	_ =	shalt  }
0x5e: {  	_ =	shalt  }
0x5f: {  	_ =	shalt  }
0x60: {  	_ =	shalt  }
0x61: {  	_ =	shalt  }
0x62: {  	_ =	shalt  }
0x63: {  	_ =	shalt  }
0x64: {  	_ =	shalt  }
0x65: {  	_ =	shalt  }
0x66: {  	_ =	shalt  }
0x67: {  	_ =	shalt  }
0x68: {  	_ =	shalt  }
0x69: {  	_ =	shalt  }
0x6a: {  	_ =	shalt  }
0x6b: {  	_ =	shalt  }
0x6c: {  	_ =	shalt  }
0x6d: {  	_ =	shalt  }
0x6e: {  	_ =	shalt  }
0x6f: {  	_ =	shalt  }
0x70: {  	_ =	shalt  }
0x71: {  	_ =	shalt  }
0x72: {  	_ =	shalt  }
0x73: {  	_ =	shalt  }
0x74: {  	_ =	shalt  }
0x75: {  	_ =	shalt  }
0x76: {  	_ =	shalt  }
0x77: {  	_ =	shalt  }
0x78: {  	_ =	shalt  }
0x79: {  	_ =	shalt  }
0x7a: {  	_ =	shalt  }
0x7b: {  	_ =	shalt  }
0x7c: {  	_ =	shalt  }
0x7d: {  	_ =	shalt  }
0x7e: {  	_ =	shalt  }
0x7f: {  	_ =	shalt  }
0x80: {  	_ =	shalt  }
0x81: {  	_ =	shalt  }
0x82: {  	_ =	shalt  }
0x83: {  	_ =	shalt  }
0x84: {  	_ =	shalt  }
0x85: {  	_ =	shalt  }
0x86: {  	_ =	shalt  }
0x87: {  	_ =	shalt  }
.Lfunc_end0:
.L_simem_size_0:
called_computation.1_lowered:
.L_overlay_start_0:
0x88: {  	s2 =	sld [smem:$0x3FD9]  }
0x89: {  	s3 =	sld [smem:$0x3FFE];
	_ =	sdelay $0x1  }
0x8a: {  	s1 =	srdreg.scid  }
0x8b: {  	s0 =	sand.u32 $0x1, s1  }
0x8c: {  	s16 =	sshll.u32 s0, $0xA;
	s2 =	sadd.s32 s3, s2  }
0x8d: {  	s2 =	sadd.s32 s2, s16  }
0x8e: {  	[smem:$0x3FA8] =	sst s2  }
0x8f: {  	_ = 	snop  }
0x90: {  	(tm) =	ssettm $0x1  }
0x91: {  	s17 =	sld [smem:$0x3FFB];
	_ =	sdelay $0x3  }
0x92: {  	_ =	strace s17  }
0x93: {  	s2 =	sld [smem:$0x3FFC];
	_ =	sdelay $0x3  }
0x94: {  	_ =	strace s2  }
0x95: {  	s2 =	sld [smem:$0x3FFD];
	_ =	sdelay $0x3  }
0x96: {  	_ =	strace s2  }
0x97: {  	_ =	strace $0x8FFFFFFF  }
0x98: {  	s18 =	sld [smem:$0x3FDB];
	_ =	sdelay $0x1  }
0x99: {  	s19 =	simm.s32 $_scs_section_size  }
0x9a: {  	s4 =	simm.s32 $_size__tile_overlayer_lowered;
	s5 =	simm.s32 $_tile_overlayer_lowered  }
0x9b: {  	s22 =	simm.s32 $0x1BFF;
	s21 =	sshll.u32 s5, $0x1;
	s2 =	sadd.s32 s19, s18  }
0x9c: {  	s6 =	simm.s32 $0x0;
	s20 =	sshll.u32 s4, $0x1;
	s4 =	sadd.s32 s21, s2  }
0x9d: {  	[timem:s6], [sflag:s22] =	dma.local [hbm:s4], s20  }
0x9e: {  	_ =	swait.ge [sflag:s22], s20  }
0x9f: {  	s3 =	ssub.s32 $0x0, s20;
	[sflag:s22] =	ssyncset.done $0x0  }
0xa0: {  	[sflag:s22] =	ssyncadd.s32 s3;
	_ =	sdelay $0x1  }
0xa1: {  	s23 =	simm.s32 $0x1B8B  }
0xa2: {  	_ =	swait.ge [sflag:s23], $0x1  }
0xa3: {  	[sflag:s23] =	ssyncset.done $0x0  }
0xa4: {  	s25 =	simm.s32 $0x1B8E;
	s24 =	sld [smem:$0x3FFE];
	[sflag:s23] =	ssyncadd.s32 $0xFFFFFFFF  }
0xa5: {  	s26 =	simm.s32 $execute0_lowered;
	[smem:$0x3FD2] =	sst s25  }
0xa6: {  	s4 =	sshll.u32 s26, $0x1;
	_ =	strace $0x80000049;
	[dreg:$0x1] =	wrdreg $0xFFFFFFFF  }
0xa7: {  	s28 =	simm.s32 $_size_execute0_lowered;
	s2 =	sadd.s32 s2, s4;
	[dreg:$0x0] =	wrdreg $0x0  }
0xa8: {  	s4 =	sshll.u32 s28, $0x1;
	[dreg:$0x2] =	wrdreg s2  }
0xa9: {  	[dreg:$0x3] =	wrdreg s4  }
0xaa: {  	[dreg:$0x4] =	wrdreg $0xC0  }
0xab: {  	_ =	task [dreg:s6], $0x5FFFF  }
0xac: {  	[dreg:$0x1] =	wrdreg $0xFFFFFFFF  }
0xad: {  	[dreg:$0x0] =	wrdreg $0x60  }
0xae: {  	[dreg:$0x2] =	wrdreg s24  }
0xaf: {  	[dreg:$0x3] =	wrdreg $0x5C000  }
0xb0: {  	[dreg:$0x4] =	wrdreg $0x9  }
0xb1: {  	_ =	task.clear_ibuf [dreg:s6], $0x5FFFF;
	_ =	strace $0x90000049  }
0xb2: {  	s29 =	simm.s32 $0x9;
	_ =	strace $0x8000004B  }
0xb3: {  	_ =	swait.ge [sflag:s29], $0x1  }
0xb4: {  	[sflag:s29] =	ssyncadd.s32 $0xFFFFFFFF  }
0xb5: {  	_ =	strace $0x9000004B  }
0xb6: {  	_ =	sfence  }
0xb7: {  	s30 =	sld [smem:$0x0];
	_ =	sdelay $0x2  }
0xb8: {  	s31 =	sshll.u32 s1, $0xD;
	s1 =	sshrl.u32 s1, $0x2  }
0xb9: {  	s3 =	sand.u32 $0x4000, s31;
	s1 =	sadd.s32 s1, s30  }
0xba: {  	s0 =	sor.u32 s3, s0;
	s1 =	sshll.u32 s1, $0x11  }
0xbb: {  	s0 =	sor.u32 s1, s0  }
0xbc: {  	s0 =	sadd.s32 $0x8F2B, s0  }
0xbd: {  	[sflag:s0] =	ssyncadd.remote.s32 $0x1  }
0xbe: {  	_ =	sfence.sel $0xFFFF  }
0xbf: {  	[dreg:$0x0] =	wrdreg $0xFFFFFFFF;
	(pc) =	sbr.abs _section_cstart, $3  }
0xc0: {  	[dreg:$0x1] =	wrdreg $0xFFFFFFFF  }
0xc1: {  	_ =	task.clear_ibuf [dreg:s6], $0x2FFFF;
	_ =	strace $0x9FFFFFFF  }
0xc2: {  	(tm) =	ssettm $0x7FFFFFFF  }
0xc3: {  	_ =	shalt  }
tec
execute0_lowered:
.L_overlay_start_1:
0x0: {  	(tag) =	ssettag $0x1  }
0x1: {  	s0 =	rddreg [dreg:$0x0]  }
0x2: {  	s1 =	rddreg [dreg:$0x1];
	s2 =	simm.s32 $0x0  }
0x3: {  	s4 =	srdreg.scid;
	s13 =	stileid.u32;
	s28 =	simm.s32 $0x2C00  }
0x4: {  	s29 =	simm.s32 $0x100;
	s30 =	simm.s32 $0x300;
	s31 =	simm.s32 $0x0  }
0x5: {  	[smem:$0x7FF] =	sst s2;
	s3 =	sadd.s32 $0x43A00, s0;
	s5 =	sadd.s32 $0xA57A00, s0  }
0x6: {  	s6 =	sadd.s32 $0x5200, s0;
	s4 =	sand.u32 $0x1, s4;
	s10 =	smul.u32 $0x50000, s13  }
0x7: {  	s25 =	smul.u32 $0x2800, s13;
	_ =	strace $0x8000004A;
	s7 =	sshll.u32 s4, $0x4  }
0x8: {  	s8 =	smul.u32 $0x28000, s4;
	s4 =	ssub.s32 $0x2, s4;
	s9 =	sor.u32 s13, s7  }
0x9: {  	s7 =	sadd.s32 $0x24600, s0;
	s11 =	sshrl.u32 s4, $0x1;
	s12 =	smul.u32 $0x7D00, s9  }
0xa: {  	s18 =	sshrl.u32 s10, $0x2;
	s13 =	simm.s32 $0x0;
	s20 =	smul.u32 $0x27100, s9  }
0xb: {  	s0 =	sadd.s32 s8, s0;
	s4 =	ssub.s32 s4, s11;
	s21 =	smul.u32 $0x2710, s9  }
0xc: {  	s8 =	sadd.s32 s18, s1;
	s9 =	smul.u32 $0x138800, s9;
	s18 =	simm.s32 $0x2  }
0xd: {  	s0 =	sadd.s32 s25, s0;
	s4 =	smax.u32 s4, $0x1;
	s25 =	simm.s32 $0x28  }
0xe: {  	s19 =	sshrl.u32 s12, $0x3;
	s11 =	sadd.s32 s5, s20;
	[dreg:$0xd] =	wrdreg s4  }
0xf: {  	s22 =	sadd.s32 $0x100, s12;
	s23 =	sadd.s32 $0x28, s21;
	[dreg:$0x5] =	wrdreg s11  }
0x10: {  	s24 =	sadd.s32 $0x50, s21;
	s12 =	sadd.s32 $0x200, s12;
	[dreg:$0x6] =	wrdreg s22  }
0x11: {  	s26 =	sadd.s32 $0x78, s21;
	s9 =	sshrl.u32 s9, $0x3;
	[dreg:$0x7] =	wrdreg s23  }
0x12: {  	s20 =	sadd.s32 $0x6AC00, s0;
	s0 =	simm.s32 $0x1800;
	[dreg:$0x8] =	wrdreg s24  }
0x13: {  	s4 =	simm.s32 $0x4000;
	s14 =	sadd.s32 s6, s19;
	[dreg:$0x9] =	wrdreg s12  }
0x14: {  	s10 =	sadd.s32 s7, s19;
	[dreg:$0xa] =	wrdreg s26;
	s9 =	sadd.s32 s5, s9  }
0x15: {  	s22 =	simm.s32 $0x7;
	s23 =	simm.s32 $0x200;
	s24 =	simm.s32 $0x5  }
0x16: {  	s26 =	simm.s32 $0x400;
	s11 =	simm.s32 $0x6;
	[dreg:$0x3] =	wrdreg s14  }
0x17: {  	s19 =	simm.s32 $0x4;
	[dreg:$0x4] =	wrdreg s10;
	s10 =	sadd.s32 $0xA0, s21  }
0x18: {  	s9 =	sadd.s32 $0x26E80, s9;
	s21 =	simm.s32 $0x5400;
	[dreg:$0xb] =	wrdreg s10  }
0x19: {  	v0 =	vimm.f32 $0.0e+00;
	[dreg:$0xc] =	wrdreg s9;
	s9 =	simm.s32 $0x1;
	s10 =	simm.s32 $0x3  }
.LBB2_1:
0x1a: {  	[dreg:$0xe] =	wrdreg s13;
	s12 =	simm.s32 $0x0;
	s13 =	simm.s32 $0x200  }
.LBB2_2:
0x1b: {  	p0 =	sne.s32 s13, $0x1E00;
	[tilespmem:s12+$0x5470] =	vst v0  }
0x1c: {  	[tilespmem:s12+$0x5400] =	vst v0  }
0x1d: {  	[tilespmem:s12+$0x5410] =	vst v0  }
.Ltmp0:
0x1e: {  	[tilespmem:s12+$0x5420] =	vst v0;
	(pc) =	sbr.rel @p0 .LBB2_2-.Ltmp0, $4  }
0x1f: {  	[tilespmem:s12+$0x5430] =	vst v0  }
0x20: {  	[tilespmem:s12+$0x5440] =	vst v0  }
0x21: {  	[tilespmem:s12+$0x5450] =	vst v0  }
0x22: {  	[tilespmem:s12+$0x5460] =	vst v0;
	s12 =	sshra.s32 s13, $0x2;
	s13 =	sadd.s32 $0x200, s13  }
0x23: {  	[tilespmem:s12+$0x5470] =	vst v0  }
0x24: {  	[tilespmem:s12+$0x5400] =	vst v0  }
0x25: {  	[tilespmem:s12+$0x5410] =	vst v0  }
0x26: {  	[tilespmem:s12+$0x5420] =	vst v0  }
0x27: {  	[tilespmem:s12+$0x5430] =	vst v0  }
0x28: {  	[tilespmem:s12+$0x5440] =	vst v0  }
0x29: {  	[tilespmem:s12+$0x5450] =	vst v0  }
0x2a: {  	[tilespmem:s12+$0x5460] =	vst v0;
	s17 =	sadd.s32 $0x0, s8  }
0x2b: {  	[spmem:s17] =	stream.linear.scatter [tilespmem:s21], [sflag:$0x7], $0x800, $0x38;
	[tilespmem:$0x19C00] =	vst v63  }
0x2c: {  	s12 =	simm.s32 $0x2000;
	_ =	swait.ge [sflag:s22], $0x800  }
.LBB2_4:
0x2d: {  	s13 =	sshra.s32 s12, $0x2;
	[sflag:s22] =	ssyncset.done $0x0;
	p0 =	sne.s32 s12, $0x4E000  }
.Ltmp1:
0x2e: {  	s13 =	sadd.s32 s13, s8;
	[sflag:s22] =	ssyncadd.s32 $0xFFFFF800;
	(pc) =	sbr.rel @p0 .LBB2_4-.Ltmp1, $3  }
0x2f: {  	[spmem:s13] =	stream.linear.scatter [tilespmem:s21], [sflag:$0x7], $0x800, $0x38;
	[tilespmem:$0x19C00] =	vst v63  }
0x30: {  	s12 =	sadd.s32 $0x2000, s12;
	_ =	sdelay $0x1  }
0x31: {  	_ =	swait.ge [sflag:s22], $0x800  }
0x32: {  	[sflag:s22] =	ssyncset.done $0x0  }
0x33: {  	[sflag:s22] =	ssyncadd.s32 $0xFFFFF800  }
0x34: {  	[bflag:$0x0] =	sbarrier.arrive $0xFFFF  }
0x35: {  	s12 =	rddreg [dreg:$0x3]  }
0x36: {  	[tilespmem:s31], [sflag:$0x5] =	stream.linear.gather [hbm4b:s12+s31], $0x100, $0x38;
	[tilespmem:$0x19C00] =	vst v63  }
0x37: {  	s16 =	rddreg [dreg:$0x4]  }
0x38: {  	[tilespmem:s23], [sflag:$0x5] =	stream.linear.gather [hbm4b:s16+s31], $0x100, $0x38;
	[tilespmem:$0x19C00] =	vst v63  }
0x39: {  	_ =	swait.ge [sflag:s24], $0x100  }
0x3a: {  	[sflag:s24] =	ssyncset.done $0x0  }
0x3b: {  	[sflag:s24] =	ssyncadd.s32 $0xFFFFFF00  }
0x3c: {  	_ =	swait.ge [sflag:s24], $0x100  }
0x3d: {  	[sflag:s24] =	ssyncset.done $0x0  }
0x3e: {  	[sflag:s24] =	ssyncadd.s32 $0xFFFFFF00  }
0x3f: {  	[tilespmem:s26], [sflag:$0x1] =	stream.indirect.gather [hbm4b:s3+s25], $0x80, s31, s25, $0xb8;
	[tilespmem:$0x19C00] =	vst v63  }
0x40: {  	s12 =	simm.s32 $0x0;
	s17 =	rddreg [dreg:$0x5]  }
0x41: {  	[tilespmem:s28], [sflag:$0x3] =	stream.linear.gather [hbm4b:s17+s31], $0x1400, $0x38;
	[tilespmem:$0x19C00] =	vst v63  }
.LBB2_6:
0x42: {  	s14 =	sshll.u32 s12, $0x9;
	s13 =	rddreg [dreg:$0x6]  }
0x43: {  	s13 =	sadd.s32 s14, s13  }
0x44: {  	s13 =	sshrl.u32 s13, $0x3  }
0x45: {  	s15 =	sadd.s32 s6, s13  }
0x46: {  	[tilespmem:s29], [sflag:$0x6] =	stream.linear.gather [hbm4b:s15+s31], $0x100, $0x38;
	[tilespmem:$0x19C00] =	vst v63  }
0x47: {  	s13 =	sadd.s32 s7, s13  }
0x48: {  	[tilespmem:s30], [sflag:$0x6] =	stream.linear.gather [hbm4b:s13+s31], $0x100, $0x38;
	[tilespmem:$0x19C00] =	vst v63  }
0x49: {  	s16 =	simm.s32 $0x80;
	s17 =	rddreg [dreg:$0x7];
	s13 =	smul.u32 $0xA0, s12  }
0x4a: {  	[tilespmem:s0], [sflag:$0x2] =	stream.indirect.gather [hbm4b:s3+s25], $0x80, s16, s25, $0xb8;
	[tilespmem:$0x19C00] =	vst v63  }
0x4b: {  	s15 =	sadd.s32 s13, s17  }
0x4c: {  	s15 =	sshll.u32 s15, $0x4  }
0x4d: {  	s15 =	sadd.s32 s5, s15  }
0x4e: {  	[tilespmem:s4], [sflag:$0x4] =	stream.linear.gather [hbm4b:s15+s31], $0x1400, $0x38;
	[tilespmem:$0x19C00] =	vst v63  }
0x4f: {  	_ =	swait.ge [sflag:s9], $0x1400  }
0x50: {  	[sflag:s9] =	ssyncset.done $0x0  }
0x51: {  	[sflag:s9] =	ssyncadd.s32 $0xFFFFEC00  }
0x52: {  	_ =	swait.ge [sflag:s10], $0x1400  }
0x53: {  	[sflag:s10] =	ssyncset.done $0x0  }
0x54: {  	s15 =	simm.s32 $0x0;
	[sflag:s10] =	ssyncadd.s32 $0xFFFFEC00  }
0x55: {  	v7 =	vld [tilespmem:s15+$0x400]  }
0x56: {  	v12 =	vld [tilespmem:s15+$0x410]  }
0x57: {  	v6 =	vld [tilespmem:s15+$0x420]  }
0x58: {  	v5 =	vld [tilespmem:s15+$0x430]  }
0x59: {  	v4 =	vld [tilespmem:s15+$0x440]  }
0x5a: {  	v3 =	vld [tilespmem:s15+$0x450]  }
0x5b: {  	v2 =	vld [tilespmem:s15+$0x460]  }
0x5c: {  	v1 =	vld [tilespmem:s15+$0x470]  }
0x5d: {  	v13 =	vld [tilespmem:s15+$0x2C00]  }
0x5e: {  	v14 =	vld [tilespmem:s15+$0x2C10]  }
0x5f: {  	v11 =	vld [tilespmem:s15+$0x2C20]  }
0x60: {  	v10 =	vld [tilespmem:s15+$0x2C30]  }
0x61: {  	v9 =	vld [tilespmem:s15+$0x2C40]  }
0x62: {  	v8 =	vld [tilespmem:s15+$0x2C50];
	v13 =	vadd.f32 v13, v7  }
0x63: {  	s16 =	simm.s32 $0x200;
	v12 =	vadd.f32 v14, v12;
	v7 =	vld [tilespmem:s15+$0x2C60]  }
.LBB2_7:
0x64: {  	s17 =	sshra.s32 s16, $0x2;
	p0 =	sne.s32 s16, $0x4E00;
	v13 =	vmax.f32 v13, $0.0e+00;
	v6 =	vadd.f32 v11, v6;
	v11 =	vld [tilespmem:s15+$0x2C70]  }
0x65: {  	v14 =	vld [tilespmem:s17+$0x400];
	[tilespmem:s15+$0x2C00] =	vst v13;
	v12 =	vmax.f32 v12, $0.0e+00;
	v5 =	vadd.f32 v10, v5  }
0x66: {  	v15 =	vld [tilespmem:s17+$0x410];
	[tilespmem:s15+$0x2C10] =	vst v12;
	v10 =	vmax.f32 v6, $0.0e+00;
	v4 =	vadd.f32 v9, v4  }
0x67: {  	v6 =	vld [tilespmem:s17+$0x420];
	[tilespmem:s15+$0x2C20] =	vst v10;
	v9 =	vmax.f32 v5, $0.0e+00;
	v3 =	vadd.f32 v8, v3  }
0x68: {  	v5 =	vld [tilespmem:s17+$0x430];
	[tilespmem:s15+$0x2C30] =	vst v9;
	v8 =	vmax.f32 v4, $0.0e+00;
	v2 =	vadd.f32 v7, v2  }
0x69: {  	v4 =	vld [tilespmem:s17+$0x440];
	[tilespmem:s15+$0x2C40] =	vst v8;
	v7 =	vmax.f32 v3, $0.0e+00;
	v1 =	vadd.f32 v11, v1  }
0x6a: {  	v3 =	vld [tilespmem:s17+$0x450];
	[tilespmem:s15+$0x2C50] =	vst v7;
	v7 =	vmax.f32 v2, $0.0e+00  }
0x6b: {  	v2 =	vld [tilespmem:s17+$0x460];
	[tilespmem:s15+$0x2C60] =	vst v7;
	v7 =	vmax.f32 v1, $0.0e+00  }
0x6c: {  	v1 =	vld [tilespmem:s17+$0x470];
	[tilespmem:s15+$0x2C70] =	vst v7;
	s15 =	smov.u32 s17  }
0x6d: {  	v7 =	vld [tilespmem:s15+$0x2C00]  }
0x6e: {  	v12 =	vld [tilespmem:s15+$0x2C10]  }
.Ltmp2:
0x6f: {  	v11 =	vld [tilespmem:s15+$0x2C20];
	(pc) =	sbr.rel @p0 .LBB2_7-.Ltmp2, $4  }
0x70: {  	v10 =	vld [tilespmem:s15+$0x2C30]  }
0x71: {  	v9 =	vld [tilespmem:s15+$0x2C40]  }
0x72: {  	v13 =	vadd.f32 v7, v14;
	v8 =	vld [tilespmem:s15+$0x2C50]  }
0x73: {  	s16 =	sadd.s32 $0x200, s16;
	v12 =	vadd.f32 v12, v15;
	v7 =	vld [tilespmem:s15+$0x2C60]  }
0x74: {  	v13 =	vmax.f32 v13, $0.0e+00;
	v6 =	vadd.f32 v11, v6;
	v11 =	vld [tilespmem:s15+$0x2C70]  }
0x75: {  	[tilespmem:s15+$0x2C00] =	vst v13;
	v12 =	vmax.f32 v12, $0.0e+00;
	v5 =	vadd.f32 v10, v5  }
0x76: {  	[tilespmem:s15+$0x2C10] =	vst v12;
	v6 =	vmax.f32 v6, $0.0e+00;
	v4 =	vadd.f32 v9, v4  }
0x77: {  	[tilespmem:s15+$0x2C20] =	vst v6;
	v5 =	vmax.f32 v5, $0.0e+00;
	v3 =	vadd.f32 v8, v3  }
0x78: {  	[tilespmem:s15+$0x2C30] =	vst v5;
	v4 =	vmax.f32 v4, $0.0e+00;
	v2 =	vadd.f32 v7, v2  }
0x79: {  	[tilespmem:s15+$0x2C40] =	vst v4;
	v3 =	vmax.f32 v3, $0.0e+00;
	v1 =	vadd.f32 v11, v1  }
0x7a: {  	[tilespmem:s15+$0x2C50] =	vst v3;
	v2 =	vmax.f32 v2, $0.0e+00  }
0x7b: {  	[tilespmem:s15+$0x2C60] =	vst v2;
	v1 =	vmax.f32 v1, $0.0e+00  }
0x7c: {  	[tilespmem:s15+$0x2C70] =	vst v1  }
0x7d: {  	[spmem:s1] =	stream.indirect.scatter.add.f32 [tilespmem:s28], [sflag:$0x7], $0x80, s23, s25, $0xb8;
	[tilespmem:$0x19C00] =	vst v63  }
0x7e: {  	_ =	swait.ge [sflag:s22], $0x1400  }
0x7f: {  	[sflag:s22] =	ssyncset.done $0x0  }
0x80: {  	[sflag:s22] =	ssyncadd.s32 $0xFFFFEC00  }
0x81: {  	_ =	swait.ge [sflag:s11], $0x100  }
0x82: {  	[sflag:s11] =	ssyncset.done $0x0  }
0x83: {  	[sflag:s11] =	ssyncadd.s32 $0xFFFFFF00  }
0x84: {  	_ =	swait.ge [sflag:s11], $0x100  }
0x85: {  	[sflag:s11] =	ssyncset.done $0x0;
	s17 =	rddreg [dreg:$0x8]  }
0x86: {  	[sflag:s11] =	ssyncadd.s32 $0xFFFFFF00;
	s15 =	sadd.s32 s13, s17  }
0x87: {  	[tilespmem:s26], [sflag:$0x1] =	stream.indirect.gather [hbm4b:s3+s25], $0x80, s29, s25, $0xb8;
	[tilespmem:$0x19C00] =	vst v63  }
0x88: {  	s15 =	sshll.u32 s15, $0x4  }
0x89: {  	s16 =	simm.s32 $0x0;
	s15 =	sadd.s32 s5, s15  }
0x8a: {  	[tilespmem:s28], [sflag:$0x3] =	stream.linear.gather [hbm4b:s15+s16], $0x1400, $0x38;
	[tilespmem:$0x19C00] =	vst v63  }
0x8b: {  	_ =	swait.ge [sflag:s18], $0x1400  }
0x8c: {  	[sflag:s18] =	ssyncset.done $0x0  }
0x8d: {  	[sflag:s18] =	ssyncadd.s32 $0xFFFFEC00  }
0x8e: {  	_ =	swait.ge [sflag:s19], $0x1400  }
0x8f: {  	[sflag:s19] =	ssyncset.done $0x0  }
0x90: {  	s15 =	simm.s32 $0x0;
	[sflag:s19] =	ssyncadd.s32 $0xFFFFEC00  }
0x91: {  	v7 =	vld [tilespmem:s15+$0x1800]  }
0x92: {  	v12 =	vld [tilespmem:s15+$0x1810]  }
0x93: {  	v6 =	vld [tilespmem:s15+$0x1820]  }
0x94: {  	v5 =	vld [tilespmem:s15+$0x1830]  }
0x95: {  	v4 =	vld [tilespmem:s15+$0x1840]  }
0x96: {  	v3 =	vld [tilespmem:s15+$0x1850]  }
0x97: {  	v2 =	vld [tilespmem:s15+$0x1860]  }
0x98: {  	v1 =	vld [tilespmem:s15+$0x1870]  }
0x99: {  	v13 =	vld [tilespmem:s15+$0x4000]  }
0x9a: {  	v14 =	vld [tilespmem:s15+$0x4010]  }
0x9b: {  	v11 =	vld [tilespmem:s15+$0x4020]  }
0x9c: {  	v10 =	vld [tilespmem:s15+$0x4030]  }
0x9d: {  	v9 =	vld [tilespmem:s15+$0x4040]  }
0x9e: {  	v8 =	vld [tilespmem:s15+$0x4050];
	v13 =	vadd.f32 v13, v7  }
0x9f: {  	s16 =	simm.s32 $0x200;
	v12 =	vadd.f32 v14, v12;
	v7 =	vld [tilespmem:s15+$0x4060]  }
.LBB2_9:
0xa0: {  	s17 =	sshra.s32 s16, $0x2;
	p0 =	sne.s32 s16, $0x4E00;
	v13 =	vmax.f32 v13, $0.0e+00;
	v6 =	vadd.f32 v11, v6;
	v11 =	vld [tilespmem:s15+$0x4070]  }
0xa1: {  	v14 =	vld [tilespmem:s17+$0x1800];
	[tilespmem:s15+$0x4000] =	vst v13;
	v12 =	vmax.f32 v12, $0.0e+00;
	v5 =	vadd.f32 v10, v5  }
0xa2: {  	v15 =	vld [tilespmem:s17+$0x1810];
	[tilespmem:s15+$0x4010] =	vst v12;
	v10 =	vmax.f32 v6, $0.0e+00;
	v4 =	vadd.f32 v9, v4  }
0xa3: {  	v6 =	vld [tilespmem:s17+$0x1820];
	[tilespmem:s15+$0x4020] =	vst v10;
	v9 =	vmax.f32 v5, $0.0e+00;
	v3 =	vadd.f32 v8, v3  }
0xa4: {  	v5 =	vld [tilespmem:s17+$0x1830];
	[tilespmem:s15+$0x4030] =	vst v9;
	v8 =	vmax.f32 v4, $0.0e+00;
	v2 =	vadd.f32 v7, v2  }
0xa5: {  	v4 =	vld [tilespmem:s17+$0x1840];
	[tilespmem:s15+$0x4040] =	vst v8;
	v7 =	vmax.f32 v3, $0.0e+00;
	v1 =	vadd.f32 v11, v1  }
0xa6: {  	v3 =	vld [tilespmem:s17+$0x1850];
	[tilespmem:s15+$0x4050] =	vst v7;
	v7 =	vmax.f32 v2, $0.0e+00  }
0xa7: {  	v2 =	vld [tilespmem:s17+$0x1860];
	[tilespmem:s15+$0x4060] =	vst v7;
	v7 =	vmax.f32 v1, $0.0e+00  }
0xa8: {  	v1 =	vld [tilespmem:s17+$0x1870];
	[tilespmem:s15+$0x4070] =	vst v7;
	s15 =	smov.u32 s17  }
0xa9: {  	v7 =	vld [tilespmem:s15+$0x4000]  }
0xaa: {  	v12 =	vld [tilespmem:s15+$0x4010]  }
.Ltmp3:
0xab: {  	v11 =	vld [tilespmem:s15+$0x4020];
	(pc) =	sbr.rel @p0 .LBB2_9-.Ltmp3, $4  }
0xac: {  	v10 =	vld [tilespmem:s15+$0x4030]  }
0xad: {  	v9 =	vld [tilespmem:s15+$0x4040]  }
0xae: {  	v13 =	vadd.f32 v7, v14;
	v8 =	vld [tilespmem:s15+$0x4050]  }
0xaf: {  	s16 =	sadd.s32 $0x200, s16;
	v12 =	vadd.f32 v12, v15;
	v7 =	vld [tilespmem:s15+$0x4060]  }
0xb0: {  	v13 =	vmax.f32 v13, $0.0e+00;
	v6 =	vadd.f32 v11, v6;
	v11 =	vld [tilespmem:s15+$0x4070]  }
0xb1: {  	[tilespmem:s15+$0x4000] =	vst v13;
	v12 =	vmax.f32 v12, $0.0e+00;
	v5 =	vadd.f32 v10, v5  }
0xb2: {  	[tilespmem:s15+$0x4010] =	vst v12;
	v6 =	vmax.f32 v6, $0.0e+00;
	v4 =	vadd.f32 v9, v4  }
0xb3: {  	[tilespmem:s15+$0x4020] =	vst v6;
	v5 =	vmax.f32 v5, $0.0e+00;
	v3 =	vadd.f32 v8, v3  }
0xb4: {  	[tilespmem:s15+$0x4030] =	vst v5;
	v4 =	vmax.f32 v4, $0.0e+00;
	v2 =	vadd.f32 v7, v2  }
0xb5: {  	[tilespmem:s15+$0x4040] =	vst v4;
	v3 =	vmax.f32 v3, $0.0e+00;
	v1 =	vadd.f32 v11, v1  }
0xb6: {  	[tilespmem:s15+$0x4050] =	vst v3;
	v2 =	vmax.f32 v2, $0.0e+00  }
0xb7: {  	[tilespmem:s15+$0x4060] =	vst v2;
	v1 =	vmax.f32 v1, $0.0e+00  }
0xb8: {  	s17 =	simm.s32 $0x280;
	[tilespmem:s15+$0x4070] =	vst v1  }
0xb9: {  	[spmem:s1] =	stream.indirect.scatter.add.f32 [tilespmem:s4], [sflag:$0x7], $0x80, s17, s25, $0xb8;
	[tilespmem:$0x19C00] =	vst v63  }
0xba: {  	_ =	swait.ge [sflag:s22], $0x1400  }
0xbb: {  	s16 =	rddreg [dreg:$0x9]  }
0xbc: {  	s14 =	sadd.s32 s14, s16  }
0xbd: {  	[sflag:s22] =	ssyncset.done $0x0;
	s14 =	sshrl.u32 s14, $0x3  }
0xbe: {  	[sflag:s22] =	ssyncadd.s32 $0xFFFFEC00;
	s16 =	simm.s32 $0x0;
	s17 =	sadd.s32 s6, s14  }
0xbf: {  	[tilespmem:s16], [sflag:$0x5] =	stream.linear.gather [hbm4b:s17+s16], $0x100, $0x38;
	[tilespmem:$0x19C00] =	vst v63  }
0xc0: {  	s14 =	sadd.s32 s7, s14;
	s17 =	rddreg [dreg:$0xa]  }
0xc1: {  	[tilespmem:s23], [sflag:$0x5] =	stream.linear.gather [hbm4b:s14+s16], $0x100, $0x38;
	[tilespmem:$0x19C00] =	vst v63  }
0xc2: {  	s14 =	sadd.s32 s13, s17  }
0xc3: {  	s15 =	simm.s32 $0x180;
	s14 =	sshll.u32 s14, $0x4  }
0xc4: {  	[tilespmem:s0], [sflag:$0x2] =	stream.indirect.gather [hbm4b:s3+s25], $0x80, s15, s25, $0xb8;
	[tilespmem:$0x19C00] =	vst v63  }
0xc5: {  	s14 =	sadd.s32 s5, s14  }
0xc6: {  	[tilespmem:s4], [sflag:$0x4] =	stream.linear.gather [hbm4b:s14+s16], $0x1400, $0x38;
	[tilespmem:$0x19C00] =	vst v63  }
0xc7: {  	_ =	swait.ge [sflag:s9], $0x1400  }
0xc8: {  	[sflag:s9] =	ssyncset.done $0x0  }
0xc9: {  	[sflag:s9] =	ssyncadd.s32 $0xFFFFEC00  }
0xca: {  	_ =	swait.ge [sflag:s10], $0x1400  }
0xcb: {  	[sflag:s10] =	ssyncset.done $0x0  }
0xcc: {  	s14 =	simm.s32 $0x0;
	[sflag:s10] =	ssyncadd.s32 $0xFFFFEC00  }
0xcd: {  	v7 =	vld [tilespmem:s14+$0x400]  }
0xce: {  	v12 =	vld [tilespmem:s14+$0x410]  }
0xcf: {  	v6 =	vld [tilespmem:s14+$0x420]  }
0xd0: {  	v5 =	vld [tilespmem:s14+$0x430]  }
0xd1: {  	v4 =	vld [tilespmem:s14+$0x440]  }
0xd2: {  	v3 =	vld [tilespmem:s14+$0x450]  }
0xd3: {  	v2 =	vld [tilespmem:s14+$0x460]  }
0xd4: {  	v1 =	vld [tilespmem:s14+$0x470]  }
0xd5: {  	v13 =	vld [tilespmem:s14+$0x2C00]  }
0xd6: {  	v14 =	vld [tilespmem:s14+$0x2C10]  }
0xd7: {  	v11 =	vld [tilespmem:s14+$0x2C20]  }
0xd8: {  	v10 =	vld [tilespmem:s14+$0x2C30]  }
0xd9: {  	v9 =	vld [tilespmem:s14+$0x2C40]  }
0xda: {  	v8 =	vld [tilespmem:s14+$0x2C50];
	v13 =	vadd.f32 v13, v7  }
0xdb: {  	s15 =	simm.s32 $0x200;
	v12 =	vadd.f32 v14, v12;
	v7 =	vld [tilespmem:s14+$0x2C60]  }
.LBB2_11:
0xdc: {  	s16 =	sshra.s32 s15, $0x2;
	p0 =	sne.s32 s15, $0x4E00;
	v13 =	vmax.f32 v13, $0.0e+00;
	v6 =	vadd.f32 v11, v6;
	v11 =	vld [tilespmem:s14+$0x2C70]  }
0xdd: {  	v14 =	vld [tilespmem:s16+$0x400];
	[tilespmem:s14+$0x2C00] =	vst v13;
	v12 =	vmax.f32 v12, $0.0e+00;
	v5 =	vadd.f32 v10, v5  }
0xde: {  	v15 =	vld [tilespmem:s16+$0x410];
	[tilespmem:s14+$0x2C10] =	vst v12;
	v10 =	vmax.f32 v6, $0.0e+00;
	v4 =	vadd.f32 v9, v4  }
0xdf: {  	v6 =	vld [tilespmem:s16+$0x420];
	[tilespmem:s14+$0x2C20] =	vst v10;
	v9 =	vmax.f32 v5, $0.0e+00;
	v3 =	vadd.f32 v8, v3  }
0xe0: {  	v5 =	vld [tilespmem:s16+$0x430];
	[tilespmem:s14+$0x2C30] =	vst v9;
	v8 =	vmax.f32 v4, $0.0e+00;
	v2 =	vadd.f32 v7, v2  }
0xe1: {  	v4 =	vld [tilespmem:s16+$0x440];
	[tilespmem:s14+$0x2C40] =	vst v8;
	v7 =	vmax.f32 v3, $0.0e+00;
	v1 =	vadd.f32 v11, v1  }
0xe2: {  	v3 =	vld [tilespmem:s16+$0x450];
	[tilespmem:s14+$0x2C50] =	vst v7;
	v7 =	vmax.f32 v2, $0.0e+00  }
0xe3: {  	v2 =	vld [tilespmem:s16+$0x460];
	[tilespmem:s14+$0x2C60] =	vst v7;
	v7 =	vmax.f32 v1, $0.0e+00  }
0xe4: {  	v1 =	vld [tilespmem:s16+$0x470];
	[tilespmem:s14+$0x2C70] =	vst v7;
	s14 =	smov.u32 s16  }
0xe5: {  	v7 =	vld [tilespmem:s14+$0x2C00]  }
0xe6: {  	v12 =	vld [tilespmem:s14+$0x2C10]  }
.Ltmp4:
0xe7: {  	v11 =	vld [tilespmem:s14+$0x2C20];
	(pc) =	sbr.rel @p0 .LBB2_11-.Ltmp4, $4  }
0xe8: {  	v10 =	vld [tilespmem:s14+$0x2C30]  }
0xe9: {  	v9 =	vld [tilespmem:s14+$0x2C40]  }
0xea: {  	v13 =	vadd.f32 v7, v14;
	v8 =	vld [tilespmem:s14+$0x2C50]  }
0xeb: {  	s15 =	sadd.s32 $0x200, s15;
	v12 =	vadd.f32 v12, v15;
	v7 =	vld [tilespmem:s14+$0x2C60]  }
0xec: {  	v13 =	vmax.f32 v13, $0.0e+00;
	v6 =	vadd.f32 v11, v6;
	v11 =	vld [tilespmem:s14+$0x2C70]  }
0xed: {  	[tilespmem:s14+$0x2C00] =	vst v13;
	v12 =	vmax.f32 v12, $0.0e+00;
	v5 =	vadd.f32 v10, v5  }
0xee: {  	[tilespmem:s14+$0x2C10] =	vst v12;
	v6 =	vmax.f32 v6, $0.0e+00;
	v4 =	vadd.f32 v9, v4  }
0xef: {  	[tilespmem:s14+$0x2C20] =	vst v6;
	v5 =	vmax.f32 v5, $0.0e+00;
	v3 =	vadd.f32 v8, v3  }
0xf0: {  	[tilespmem:s14+$0x2C30] =	vst v5;
	v4 =	vmax.f32 v4, $0.0e+00;
	v2 =	vadd.f32 v7, v2  }
0xf1: {  	[tilespmem:s14+$0x2C40] =	vst v4;
	v3 =	vmax.f32 v3, $0.0e+00;
	v1 =	vadd.f32 v11, v1  }
0xf2: {  	[tilespmem:s14+$0x2C50] =	vst v3;
	v2 =	vmax.f32 v2, $0.0e+00  }
0xf3: {  	[tilespmem:s14+$0x2C60] =	vst v2;
	v1 =	vmax.f32 v1, $0.0e+00  }
0xf4: {  	[tilespmem:s14+$0x2C70] =	vst v1  }
0xf5: {  	[spmem:s1] =	stream.indirect.scatter.add.f32 [tilespmem:s28], [sflag:$0x7], $0x80, s30, s25, $0xb8;
	[tilespmem:$0x19C00] =	vst v63  }
0xf6: {  	_ =	swait.ge [sflag:s22], $0x1400  }
0xf7: {  	[sflag:s22] =	ssyncset.done $0x0  }
0xf8: {  	[sflag:s22] =	ssyncadd.s32 $0xFFFFEC00  }
0xf9: {  	_ =	swait.ge [sflag:s24], $0x100  }
0xfa: {  	[sflag:s24] =	ssyncset.done $0x0  }
0xfb: {  	[sflag:s24] =	ssyncadd.s32 $0xFFFFFF00  }
0xfc: {  	_ =	swait.ge [sflag:s24], $0x100  }
0xfd: {  	[sflag:s24] =	ssyncset.done $0x0;
	s15 =	rddreg [dreg:$0xb]  }
0xfe: {  	s17 =	simm.s32 $0x0;
	[sflag:s24] =	ssyncadd.s32 $0xFFFFFF00;
	s13 =	sadd.s32 s13, s15  }
0xff: {  	[tilespmem:s26], [sflag:$0x1] =	stream.indirect.gather [hbm4b:s3+s25], $0x80, s17, s25, $0xb8;
	[tilespmem:$0x19C00] =	vst v63  }
0x100: {  	s13 =	sshll.u32 s13, $0x4  }
0x101: {  	s13 =	sadd.s32 s5, s13  }
0x102: {  	[tilespmem:s28], [sflag:$0x3] =	stream.linear.gather [hbm4b:s13+s17], $0x1400, $0x38;
	[tilespmem:$0x19C00] =	vst v63  }
0x103: {  	_ =	swait.ge [sflag:s18], $0x1400  }
0x104: {  	[sflag:s18] =	ssyncset.done $0x0  }
0x105: {  	[sflag:s18] =	ssyncadd.s32 $0xFFFFEC00  }
0x106: {  	_ =	swait.ge [sflag:s19], $0x1400  }
0x107: {  	[sflag:s19] =	ssyncset.done $0x0  }
0x108: {  	s13 =	simm.s32 $0x0;
	[sflag:s19] =	ssyncadd.s32 $0xFFFFEC00  }
0x109: {  	v7 =	vld [tilespmem:s13+$0x1800]  }
0x10a: {  	v12 =	vld [tilespmem:s13+$0x1810]  }
0x10b: {  	v6 =	vld [tilespmem:s13+$0x1820]  }
0x10c: {  	v5 =	vld [tilespmem:s13+$0x1830]  }
0x10d: {  	v4 =	vld [tilespmem:s13+$0x1840]  }
0x10e: {  	v3 =	vld [tilespmem:s13+$0x1850]  }
0x10f: {  	v2 =	vld [tilespmem:s13+$0x1860]  }
0x110: {  	v1 =	vld [tilespmem:s13+$0x1870]  }
0x111: {  	v13 =	vld [tilespmem:s13+$0x4000]  }
0x112: {  	v14 =	vld [tilespmem:s13+$0x4010]  }
0x113: {  	v11 =	vld [tilespmem:s13+$0x4020]  }
0x114: {  	v10 =	vld [tilespmem:s13+$0x4030]  }
0x115: {  	v9 =	vld [tilespmem:s13+$0x4040]  }
0x116: {  	v8 =	vld [tilespmem:s13+$0x4050];
	v13 =	vadd.f32 v13, v7  }
0x117: {  	s14 =	simm.s32 $0x200;
	v12 =	vadd.f32 v14, v12;
	v7 =	vld [tilespmem:s13+$0x4060]  }
.LBB2_13:
0x118: {  	s15 =	sshra.s32 s14, $0x2;
	p0 =	sne.s32 s14, $0x4E00;
	v13 =	vmax.f32 v13, $0.0e+00;
	v6 =	vadd.f32 v11, v6;
	v11 =	vld [tilespmem:s13+$0x4070]  }
0x119: {  	v14 =	vld [tilespmem:s15+$0x1800];
	[tilespmem:s13+$0x4000] =	vst v13;
	v12 =	vmax.f32 v12, $0.0e+00;
	v5 =	vadd.f32 v10, v5  }
0x11a: {  	v15 =	vld [tilespmem:s15+$0x1810];
	[tilespmem:s13+$0x4010] =	vst v12;
	v10 =	vmax.f32 v6, $0.0e+00;
	v4 =	vadd.f32 v9, v4  }
0x11b: {  	v6 =	vld [tilespmem:s15+$0x1820];
	[tilespmem:s13+$0x4020] =	vst v10;
	v9 =	vmax.f32 v5, $0.0e+00;
	v3 =	vadd.f32 v8, v3  }
0x11c: {  	v5 =	vld [tilespmem:s15+$0x1830];
	[tilespmem:s13+$0x4030] =	vst v9;
	v8 =	vmax.f32 v4, $0.0e+00;
	v2 =	vadd.f32 v7, v2  }
0x11d: {  	v4 =	vld [tilespmem:s15+$0x1840];
	[tilespmem:s13+$0x4040] =	vst v8;
	v7 =	vmax.f32 v3, $0.0e+00;
	v1 =	vadd.f32 v11, v1  }
0x11e: {  	v3 =	vld [tilespmem:s15+$0x1850];
	[tilespmem:s13+$0x4050] =	vst v7;
	v7 =	vmax.f32 v2, $0.0e+00  }
0x11f: {  	v2 =	vld [tilespmem:s15+$0x1860];
	[tilespmem:s13+$0x4060] =	vst v7;
	v7 =	vmax.f32 v1, $0.0e+00  }
0x120: {  	v1 =	vld [tilespmem:s15+$0x1870];
	[tilespmem:s13+$0x4070] =	vst v7;
	s13 =	smov.u32 s15  }
0x121: {  	v7 =	vld [tilespmem:s13+$0x4000]  }
0x122: {  	v12 =	vld [tilespmem:s13+$0x4010]  }
.Ltmp5:
0x123: {  	v11 =	vld [tilespmem:s13+$0x4020];
	(pc) =	sbr.rel @p0 .LBB2_13-.Ltmp5, $4  }
0x124: {  	v10 =	vld [tilespmem:s13+$0x4030]  }
0x125: {  	v9 =	vld [tilespmem:s13+$0x4040]  }
0x126: {  	v13 =	vadd.f32 v7, v14;
	v8 =	vld [tilespmem:s13+$0x4050]  }
0x127: {  	s14 =	sadd.s32 $0x200, s14;
	v12 =	vadd.f32 v12, v15;
	v7 =	vld [tilespmem:s13+$0x4060]  }
0x128: {  	v13 =	vmax.f32 v13, $0.0e+00;
	v6 =	vadd.f32 v11, v6;
	v63 =	vld [tilespmem:s13+$0x4070]  }
0x129: {  	[tilespmem:s13+$0x4000] =	vst v13;
	v12 =	vmax.f32 v12, $0.0e+00;
	v5 =	vadd.f32 v10, v5  }
0x12a: {  	[tilespmem:s13+$0x4010] =	vst v12;
	v6 =	vmax.f32 v6, $0.0e+00;
	v4 =	vadd.f32 v9, v4  }
0x12b: {  	[tilespmem:s13+$0x4020] =	vst v6;
	v5 =	vmax.f32 v5, $0.0e+00;
	v3 =	vadd.f32 v8, v3  }
0x12c: {  	[tilespmem:s13+$0x4030] =	vst v5;
	v4 =	vmax.f32 v4, $0.0e+00;
	v2 =	vadd.f32 v7, v2  }
0x12d: {  	[tilespmem:s13+$0x4040] =	vst v4;
	v3 =	vmax.f32 v3, $0.0e+00;
	v1 =	vadd.f32 v63, v1  }
0x12e: {  	s12 =	sadd.s32 $0x1, s12;
	[tilespmem:s13+$0x4050] =	vst v3;
	v2 =	vmax.f32 v2, $0.0e+00  }
0x12f: {  	p0 =	sne.s32 s12, $0x3E;
	[tilespmem:s13+$0x4060] =	vst v2;
	v1 =	vmax.f32 v1, $0.0e+00  }
.Ltmp6:
0x130: {  	s17 =	simm.s32 $0x380;
	[tilespmem:s13+$0x4070] =	vst v1;
	(pc) =	sbr.rel @p0 .LBB2_6-.Ltmp6, $4  }
0x131: {  	[spmem:s1] =	stream.indirect.scatter.add.f32 [tilespmem:s4], [sflag:$0x7], $0x80, s17, s25, $0xb8;
	[tilespmem:$0x19C00] =	vst v63  }
0x132: {  	_ =	swait.ge [sflag:s22], $0x1400  }
0x133: {  	[sflag:s22] =	ssyncset.done $0x0  }
0x134: {  	[sflag:s22] =	ssyncadd.s32 $0xFFFFEC00  }
0x135: {  	s12 =	simm.s32 $0x80  }
0x136: {  	[tilespmem:s0], [sflag:$0x2] =	stream.indirect.gather [hbm4b:s3+s25], $0x80, s12, s25, $0xb8;
	[tilespmem:$0x19C00] =	vst v63  }
0x137: {  	s17 =	simm.s32 $0x0;
	s13 =	rddreg [dreg:$0xc]  }
0x138: {  	[tilespmem:s4], [sflag:$0x4] =	stream.linear.gather [hbm4b:s13+s17], $0x1400, $0x38;
	[tilespmem:$0x19C00] =	vst v63  }
0x139: {  	_ =	swait.ge [sflag:s9], $0x1400  }
0x13a: {  	[sflag:s9] =	ssyncset.done $0x0  }
0x13b: {  	[sflag:s9] =	ssyncadd.s32 $0xFFFFEC00  }
0x13c: {  	_ =	swait.ge [sflag:s10], $0x1400  }
0x13d: {  	[sflag:s10] =	ssyncset.done $0x0  }
0x13e: {  	s12 =	simm.s32 $0x0;
	[sflag:s10] =	ssyncadd.s32 $0xFFFFEC00  }
0x13f: {  	v7 =	vld [tilespmem:s12+$0x400]  }
0x140: {  	v12 =	vld [tilespmem:s12+$0x410]  }
0x141: {  	v6 =	vld [tilespmem:s12+$0x420]  }
0x142: {  	v5 =	vld [tilespmem:s12+$0x430]  }
0x143: {  	v4 =	vld [tilespmem:s12+$0x440]  }
0x144: {  	v3 =	vld [tilespmem:s12+$0x450]  }
0x145: {  	v2 =	vld [tilespmem:s12+$0x460]  }
0x146: {  	v1 =	vld [tilespmem:s12+$0x470]  }
0x147: {  	v13 =	vld [tilespmem:s12+$0x2C00]  }
0x148: {  	v14 =	vld [tilespmem:s12+$0x2C10]  }
0x149: {  	v11 =	vld [tilespmem:s12+$0x2C20]  }
0x14a: {  	v10 =	vld [tilespmem:s12+$0x2C30]  }
0x14b: {  	v9 =	vld [tilespmem:s12+$0x2C40]  }
0x14c: {  	v8 =	vld [tilespmem:s12+$0x2C50];
	v13 =	vadd.f32 v13, v7  }
0x14d: {  	s13 =	simm.s32 $0x200;
	v12 =	vadd.f32 v14, v12;
	v7 =	vld [tilespmem:s12+$0x2C60]  }
.LBB2_16:
0x14e: {  	s14 =	sshra.s32 s13, $0x2;
	p0 =	sne.s32 s13, $0x4E00;
	v13 =	vmax.f32 v13, $0.0e+00;
	v6 =	vadd.f32 v11, v6;
	v11 =	vld [tilespmem:s12+$0x2C70]  }
0x14f: {  	v14 =	vld [tilespmem:s14+$0x400];
	[tilespmem:s12+$0x2C00] =	vst v13;
	v12 =	vmax.f32 v12, $0.0e+00;
	v5 =	vadd.f32 v10, v5  }
0x150: {  	v15 =	vld [tilespmem:s14+$0x410];
	[tilespmem:s12+$0x2C10] =	vst v12;
	v10 =	vmax.f32 v6, $0.0e+00;
	v4 =	vadd.f32 v9, v4  }
0x151: {  	v6 =	vld [tilespmem:s14+$0x420];
	[tilespmem:s12+$0x2C20] =	vst v10;
	v9 =	vmax.f32 v5, $0.0e+00;
	v3 =	vadd.f32 v8, v3  }
0x152: {  	v5 =	vld [tilespmem:s14+$0x430];
	[tilespmem:s12+$0x2C30] =	vst v9;
	v8 =	vmax.f32 v4, $0.0e+00;
	v2 =	vadd.f32 v7, v2  }
0x153: {  	v4 =	vld [tilespmem:s14+$0x440];
	[tilespmem:s12+$0x2C40] =	vst v8;
	v7 =	vmax.f32 v3, $0.0e+00;
	v1 =	vadd.f32 v11, v1  }
0x154: {  	v3 =	vld [tilespmem:s14+$0x450];
	[tilespmem:s12+$0x2C50] =	vst v7;
	v7 =	vmax.f32 v2, $0.0e+00  }
0x155: {  	v2 =	vld [tilespmem:s14+$0x460];
	[tilespmem:s12+$0x2C60] =	vst v7;
	v7 =	vmax.f32 v1, $0.0e+00  }
0x156: {  	v1 =	vld [tilespmem:s14+$0x470];
	[tilespmem:s12+$0x2C70] =	vst v7;
	s12 =	smov.u32 s14  }
0x157: {  	v7 =	vld [tilespmem:s12+$0x2C00]  }
0x158: {  	v12 =	vld [tilespmem:s12+$0x2C10]  }
.Ltmp7:
0x159: {  	v11 =	vld [tilespmem:s12+$0x2C20];
	(pc) =	sbr.rel @p0 .LBB2_16-.Ltmp7, $4  }
0x15a: {  	v10 =	vld [tilespmem:s12+$0x2C30]  }
0x15b: {  	v9 =	vld [tilespmem:s12+$0x2C40]  }
0x15c: {  	v13 =	vadd.f32 v7, v14;
	v8 =	vld [tilespmem:s12+$0x2C50]  }
0x15d: {  	s13 =	sadd.s32 $0x200, s13;
	v12 =	vadd.f32 v12, v15;
	v7 =	vld [tilespmem:s12+$0x2C60]  }
0x15e: {  	v13 =	vmax.f32 v13, $0.0e+00;
	v6 =	vadd.f32 v11, v6;
	v11 =	vld [tilespmem:s12+$0x2C70]  }
0x15f: {  	[tilespmem:s12+$0x2C00] =	vst v13;
	v12 =	vmax.f32 v12, $0.0e+00;
	v5 =	vadd.f32 v10, v5  }
0x160: {  	[tilespmem:s12+$0x2C10] =	vst v12;
	v6 =	vmax.f32 v6, $0.0e+00;
	v4 =	vadd.f32 v9, v4  }
0x161: {  	[tilespmem:s12+$0x2C20] =	vst v6;
	v5 =	vmax.f32 v5, $0.0e+00;
	v3 =	vadd.f32 v8, v3  }
0x162: {  	[tilespmem:s12+$0x2C30] =	vst v5;
	v4 =	vmax.f32 v4, $0.0e+00;
	v2 =	vadd.f32 v7, v2  }
0x163: {  	[tilespmem:s12+$0x2C40] =	vst v4;
	v3 =	vmax.f32 v3, $0.0e+00;
	v1 =	vadd.f32 v11, v1  }
0x164: {  	[tilespmem:s12+$0x2C50] =	vst v3;
	v2 =	vmax.f32 v2, $0.0e+00  }
0x165: {  	[tilespmem:s12+$0x2C60] =	vst v2;
	v1 =	vmax.f32 v1, $0.0e+00  }
0x166: {  	[tilespmem:s12+$0x2C70] =	vst v1  }
0x167: {  	[spmem:s1] =	stream.indirect.scatter.add.f32 [tilespmem:s28], [sflag:$0x7], $0x80, s23, s25, $0xb8;
	[tilespmem:$0x19C00] =	vst v63  }
0x168: {  	_ =	swait.ge [sflag:s22], $0x1400  }
0x169: {  	[sflag:s22] =	ssyncset.done $0x0  }
0x16a: {  	[sflag:s22] =	ssyncadd.s32 $0xFFFFEC00  }
0x16b: {  	_ =	swait.ge [sflag:s18], $0x1400  }
0x16c: {  	[sflag:s18] =	ssyncset.done $0x0  }
0x16d: {  	[sflag:s18] =	ssyncadd.s32 $0xFFFFEC00  }
0x16e: {  	_ =	swait.ge [sflag:s19], $0x1400  }
0x16f: {  	[sflag:s19] =	ssyncset.done $0x0  }
0x170: {  	s12 =	simm.s32 $0x0;
	[sflag:s19] =	ssyncadd.s32 $0xFFFFEC00  }
0x171: {  	v7 =	vld [tilespmem:s12+$0x1800]  }
0x172: {  	v12 =	vld [tilespmem:s12+$0x1810]  }
0x173: {  	v6 =	vld [tilespmem:s12+$0x1820]  }
0x174: {  	v5 =	vld [tilespmem:s12+$0x1830]  }
0x175: {  	v4 =	vld [tilespmem:s12+$0x1840]  }
0x176: {  	v3 =	vld [tilespmem:s12+$0x1850]  }
0x177: {  	v2 =	vld [tilespmem:s12+$0x1860]  }
0x178: {  	v1 =	vld [tilespmem:s12+$0x1870]  }
0x179: {  	v13 =	vld [tilespmem:s12+$0x4000]  }
0x17a: {  	v14 =	vld [tilespmem:s12+$0x4010]  }
0x17b: {  	v11 =	vld [tilespmem:s12+$0x4020]  }
0x17c: {  	v10 =	vld [tilespmem:s12+$0x4030]  }
0x17d: {  	v9 =	vld [tilespmem:s12+$0x4040]  }
0x17e: {  	v8 =	vld [tilespmem:s12+$0x4050];
	v13 =	vadd.f32 v13, v7  }
0x17f: {  	s13 =	simm.s32 $0x200;
	v12 =	vadd.f32 v14, v12;
	v7 =	vld [tilespmem:s12+$0x4060]  }
.LBB2_18:
0x180: {  	s14 =	sshra.s32 s13, $0x2;
	p0 =	sne.s32 s13, $0x4E00;
	v13 =	vmax.f32 v13, $0.0e+00;
	v6 =	vadd.f32 v11, v6;
	v11 =	vld [tilespmem:s12+$0x4070]  }
0x181: {  	v14 =	vld [tilespmem:s14+$0x1800];
	[tilespmem:s12+$0x4000] =	vst v13;
	v12 =	vmax.f32 v12, $0.0e+00;
	v5 =	vadd.f32 v10, v5  }
0x182: {  	v15 =	vld [tilespmem:s14+$0x1810];
	[tilespmem:s12+$0x4010] =	vst v12;
	v10 =	vmax.f32 v6, $0.0e+00;
	v4 =	vadd.f32 v9, v4  }
0x183: {  	v6 =	vld [tilespmem:s14+$0x1820];
	[tilespmem:s12+$0x4020] =	vst v10;
	v9 =	vmax.f32 v5, $0.0e+00;
	v3 =	vadd.f32 v8, v3  }
0x184: {  	v5 =	vld [tilespmem:s14+$0x1830];
	[tilespmem:s12+$0x4030] =	vst v9;
	v8 =	vmax.f32 v4, $0.0e+00;
	v2 =	vadd.f32 v7, v2  }
0x185: {  	v4 =	vld [tilespmem:s14+$0x1840];
	[tilespmem:s12+$0x4040] =	vst v8;
	v7 =	vmax.f32 v3, $0.0e+00;
	v1 =	vadd.f32 v11, v1  }
0x186: {  	v3 =	vld [tilespmem:s14+$0x1850];
	[tilespmem:s12+$0x4050] =	vst v7;
	v7 =	vmax.f32 v2, $0.0e+00  }
0x187: {  	v2 =	vld [tilespmem:s14+$0x1860];
	[tilespmem:s12+$0x4060] =	vst v7;
	v7 =	vmax.f32 v1, $0.0e+00  }
0x188: {  	v1 =	vld [tilespmem:s14+$0x1870];
	[tilespmem:s12+$0x4070] =	vst v7;
	s12 =	smov.u32 s14  }
0x189: {  	v7 =	vld [tilespmem:s12+$0x4000]  }
0x18a: {  	v12 =	vld [tilespmem:s12+$0x4010]  }
.Ltmp8:
0x18b: {  	v11 =	vld [tilespmem:s12+$0x4020];
	(pc) =	sbr.rel @p0 .LBB2_18-.Ltmp8, $4  }
0x18c: {  	v10 =	vld [tilespmem:s12+$0x4030]  }
0x18d: {  	v9 =	vld [tilespmem:s12+$0x4040]  }
0x18e: {  	v13 =	vadd.f32 v7, v14;
	v8 =	vld [tilespmem:s12+$0x4050]  }
0x18f: {  	s13 =	sadd.s32 $0x200, s13;
	v12 =	vadd.f32 v12, v15;
	v7 =	vld [tilespmem:s12+$0x4060]  }
0x190: {  	v13 =	vmax.f32 v13, $0.0e+00;
	v6 =	vadd.f32 v11, v6;
	v63 =	vld [tilespmem:s12+$0x4070]  }
0x191: {  	[tilespmem:s12+$0x4000] =	vst v13;
	v12 =	vmax.f32 v12, $0.0e+00;
	v5 =	vadd.f32 v10, v5  }
0x192: {  	[tilespmem:s12+$0x4010] =	vst v12;
	v6 =	vmax.f32 v6, $0.0e+00;
	v4 =	vadd.f32 v9, v4  }
0x193: {  	[tilespmem:s12+$0x4020] =	vst v6;
	v5 =	vmax.f32 v5, $0.0e+00;
	v3 =	vadd.f32 v8, v3  }
0x194: {  	[tilespmem:s12+$0x4030] =	vst v5;
	v4 =	vmax.f32 v4, $0.0e+00;
	v2 =	vadd.f32 v7, v2  }
0x195: {  	[tilespmem:s12+$0x4040] =	vst v4;
	v3 =	vmax.f32 v3, $0.0e+00;
	v1 =	vadd.f32 v63, v1  }
0x196: {  	[tilespmem:s12+$0x4050] =	vst v3;
	v2 =	vmax.f32 v2, $0.0e+00  }
0x197: {  	[tilespmem:s12+$0x4060] =	vst v2;
	v1 =	vmax.f32 v1, $0.0e+00  }
0x198: {  	s16 =	simm.s32 $0x280;
	[tilespmem:s12+$0x4070] =	vst v1  }
0x199: {  	[spmem:s1] =	stream.indirect.scatter.add.f32 [tilespmem:s4], [sflag:$0x7], $0x80, s16, s25, $0xb8;
	[tilespmem:$0x19C00] =	vst v63  }
0x19a: {  	_ =	swait.ge [sflag:s22], $0x1400  }
0x19b: {  	[sflag:s22] =	ssyncset.done $0x0  }
0x19c: {  	[sflag:s22] =	ssyncadd.s32 $0xFFFFEC00  }
0x19d: {  	[bflag:$0x0] =	sbarrier.arrive $0xFFFF  }
0x19e: {  	[tilespmem:s21], [sflag:$0x7] =	stream.linear.gather [spmem:s8], $0x800, $0x38;
	[tilespmem:$0x19C00] =	vst v63  }
0x19f: {  	_ =	swait.ge [sflag:s22], $0x800  }
0x1a0: {  	[sflag:s22] =	ssyncset.done $0x0  }
0x1a1: {  	s17 =	sadd.s32 $0x0, s20;
	[sflag:s22] =	ssyncadd.s32 $0xFFFFF800  }
0x1a2: {  	[hbm4b:s17+s2] =	stream.linear.scatter [tilespmem:s21], [sflag:$0x7], $0x800, $0x38;
	[tilespmem:$0x19C00] =	vst v63  }
0x1a3: {  	_ =	swait.ge [sflag:s22], $0x800  }
0x1a4: {  	s13 =	smov.u32 s8;
	s12 =	simm.s32 $0x100;
	[sflag:s22] =	ssyncset.done $0x0  }
.LBB2_20:
0x1a5: {  	p0 =	sne.s32 s12, $0x2700;
	[sflag:s22] =	ssyncadd.s32 $0xFFFFF800;
	s13 =	sadd.s32 $0x800, s13  }
0x1a6: {  	[tilespmem:s21], [sflag:$0x7] =	stream.linear.gather [spmem:s13], $0x800, $0x38;
	[tilespmem:$0x19C00] =	vst v63  }
0x1a7: {  	s14 =	smov.u32 s12;
	s12 =	sadd.s32 $0x100, s12;
	_ =	swait.ge [sflag:s22], $0x800  }
.Ltmp9:
0x1a8: {  	[sflag:s22] =	ssyncset.done $0x0;
	(pc) =	sbr.rel @p0 .LBB2_20-.Ltmp9, $4  }
0x1a9: {  	s14 =	sadd.s32 s14, s20;
	[sflag:s22] =	ssyncadd.s32 $0xFFFFF800  }
0x1aa: {  	[hbm4b:s14+s2] =	stream.linear.scatter [tilespmem:s21], [sflag:$0x7], $0x800, $0x38;
	[tilespmem:$0x19C00] =	vst v63  }
0x1ab: {  	_ =	swait.ge [sflag:s22], $0x800  }
0x1ac: {  	[sflag:s22] =	ssyncset.done $0x0  }
0x1ad: {  	s13 =	rddreg [dreg:$0xe]  }
0x1ae: {  	s12 =	rddreg [dreg:$0xd];
	s13 =	sadd.s32 $0x1, s13  }
0x1af: {  	p0 =	sne.s32 s13, s12  }
.Ltmp10:
0x1b0: {  	_ = 	snop;
	(pc) =	sbr.rel @p0 .LBB2_1-.Ltmp10, $2  }
0x1b1: {  	_ =	sdelay $0x2  }
0x1b2: {  	[sflag:s22] =	ssyncadd.s32 $0xFFFFF800  }
0x1b3: {  	_ =	sfence.sel $0x180000  }
0x1b4: {  	[bflag:$0x0] =	sbarrier.arrive $0xFFFF  }
0x1b5: {  	_ =	strace $0x9000004A  }
0x1b6: {  	s0 =	stileid.u32;
	[bflag:$0x2] =	sbarrier.arrive $0xFFFF  }
0x1b7: {  	p0 =	sne.s32 s0, $0x0;
	s0 =	rddreg [dreg:$0x2]  }
0x1b8: {  	s0 =	sadd.s32 @!p0 $0x100000, s0  }
0x1b9: {  	[sflag:s0] =	ssyncadd.tile.s32 @!p0 $0x1;
	_ =	shalt  }
.Lfunc_end2:
_tile_overlayer_lowered:
.L_overlay_start_2:
0x1ba: {  	(tag) =	ssettag $0x2  }
0x1bb: {  	s0 =	rddreg [dreg:$0x0];
	s2 =	stileid.u32  }
0x1bc: {  	s1 =	rddreg [dreg:$0x1];
	p0 =	sne.s32 s2, $0x0  }
0x1bd: {  	s3 =	rddreg [dreg:$0x2];
	[bflag:$0x3] =	sbarrier.arrive $0xFFFF;
	s2 =	simm.s32 @!p0 $0x1C07  }
0x1be: {  	[timem:s3], [sflag:s2] =	dma.local @!p0 [hbm:s0], s1  }
0x1bf: {  	s0 =	simm.s32 @!p0 $0x7  }
0x1c0: {  	_ =	swait.ge @!p0 [sflag:s0], s1  }
0x1c1: {  	s1 =	ssub.s32 @!p0 $0x0, s1;
	[sflag:s0] =	ssyncset.done @!p0 $0x0  }
0x1c2: {  	[sflag:s0] =	ssyncadd.s32 @!p0 s1  }
0x1c3: {  	[bflag:$0x3] =	sbarrier.arrive $0xFFFF  }
0x1c4: {  	_ =	shalt  }

</sc_bundles>
